<compile_context>
chip_gen: v7x
topology: tpu7x:2x2x1
jax: 0.10.2.dev20260603
libtpu: 0.0.44.dev20260713+nightly
codegen_flags: <defaults>
</compile_context>

<pallas_src>
import functools

import jax
import jax.numpy as jnp
from jax import lax
from jax.experimental import pallas as pl
from jax.experimental.pallas import tpu as pltpu
from jax.experimental.pallas import tpu_sc as plsc

_B, _N, _K = 64, 8192, 256
_TEMP = 1.0
_LANES = 16
_NCHUNK = _N // _LANES
_SIGN = -2 ** 31
_HALVES = 1


def _phase_a_body(logits_ref, u_ref, mask_ref, keys_ref, sb_ref):
    rows = logits_ref.shape[0]
    x = logits_ref[...]
    eps = 1e-20
    gumbel = -jnp.log(-jnp.log(u_ref[...] + eps) + eps)
    noisy = x + gumbel
    bits = lax.bitcast_convert_type(noisy, jnp.int32)
    s = jnp.where(bits < 0, bits ^ 0x7FFFFFFF, bits)

    def bisect(i, p):
        cand = p | lax.shift_left(jnp.int32(1), 31 - i)
        cnt = jnp.sum((s >= (cand ^ _SIGN)).astype(jnp.int32), axis=1,
                      keepdims=True)
        return jnp.where(cnt >= _K, cand, p)

    thresh = lax.fori_loop(0, 32, bisect, jnp.zeros((rows, 1), jnp.int32))
    thresh = thresh ^ _SIGN
    greater = s > thresh
    eq = s == thresh
    n_greater = jnp.sum(greater.astype(jnp.int32), axis=1, keepdims=True)
    n_eq_take = _K - n_greater
    c = eq.astype(jnp.int16)
    col = lax.broadcasted_iota(jnp.int16, (rows, _N), 1)
    sh = 1
    while sh < _N:
        c = c + jnp.where(col >= sh, pltpu.roll(c, sh, axis=1), 0)
        sh *= 2
    take_eq = eq & ((c - eq.astype(jnp.int16)).astype(jnp.int32) < n_eq_take)
    hardb = (greater | take_eq).astype(jnp.int32)
    hard = hardb.astype(jnp.float32)

    selbits = jnp.zeros((rows, _NCHUNK), jnp.int32)
    counts = jnp.zeros((rows, _NCHUNK), jnp.int32)
    for l in range(_LANES):
        piece = hardb[:, _NCHUNK * l:_NCHUNK * (l + 1)]
        selbits = selbits | (piece << l)
        counts = counts + piece
    base = counts
    sh = 1
    colc = lax.broadcasted_iota(jnp.int32, (rows, _NCHUNK), 1)
    while sh < _NCHUNK:
        base = base + jnp.where(colc >= sh, pltpu.roll(base, sh, axis=1), 0)
        sh *= 2
    base = base - counts

    xm = jnp.max(x, axis=1, keepdims=True)
    ex = jnp.exp(x - xm)
    soft = ex / jnp.sum(ex, axis=1, keepdims=True)
    mask_ref[...] = (hard - soft) + soft
    keys_ref[...] = s
    sb_ref[...] = jnp.concatenate([selbits, base], axis=1)


def _phase_a(logits, u, half):
    rows = _B // _HALVES
    return pl.pallas_call(
        _phase_a_body,
        grid=(1,),
        in_specs=[pl.BlockSpec((rows, _N), lambda i, h=half: (h, 0)),
                  pl.BlockSpec((rows, _N), lambda i, h=half: (h, 0))],
        out_specs=[pl.BlockSpec((rows, _N), lambda i: (0, 0)),
                   pl.BlockSpec((rows, _N), lambda i: (0, 0)),
                   pl.BlockSpec((rows, 2 * _NCHUNK), lambda i: (0, 0))],
        out_shape=[jax.ShapeDtypeStruct((rows, _N), jnp.float32),
                   jax.ShapeDtypeStruct((rows, _N), jnp.int32),
                   jax.ShapeDtypeStruct((rows, 2 * _NCHUNK), jnp.int32)],
    )(logits, u)


def _phase_b(sb, keysflat):
    rows = sb.shape[0]
    info = plsc.get_sparse_core_info()
    n_workers = info.num_cores * info.num_subcores
    rows_per = rows // n_workers
    mesh = plsc.VectorSubcoreMesh(core_axis_name="c", subcore_axis_name="s")
    nb = rows_per
    scratch = ([pltpu.VMEM((2 * _NCHUNK,), jnp.int32)] * nb +
               [pltpu.VMEM((2 * _K,), jnp.int32)] * nb +
               [pltpu.VMEM((_K,), jnp.int32)] * nb +
               [pltpu.SemaphoreType.DMA] * (2 * nb))

    def sc_compact(sb_hbm, keysflat_hbm, o_hbm, *scr):
        sbws = scr[0:nb]
        outbs = scr[nb:2 * nb]
        cabss = scr[2 * nb:3 * nb]
        sems = scr[3 * nb:4 * nb]
        gsems = scr[4 * nb:5 * nb]
        wid = lax.axis_index("s") * info.num_cores + lax.axis_index("c")
        r0 = wid * rows_per
        cps = [pltpu.async_copy(sb_hbm.at[r0 + ri], sbws[ri], sems[ri])
               for ri in range(rows_per)]
        gcps = []
        for ri in range(rows_per):
            sbw, outb, cabs = sbws[ri], outbs[ri], cabss[ri]
            cps[ri].wait()

            @plsc.parallel_loop(0, _NCHUNK // _LANES, unroll=4)
            def grp(g, sbw=sbw, outb=outb):
                wvec = sbw[pl.ds(g * _LANES, _LANES)]
                basevec = sbw[pl.ds(_NCHUNK + g * _LANES, _LANES)]
                for l in range(_LANES):
                    w = wvec[l]

                    @pl.when(w != 0)
                    def _(w=w, l=l, outb=outb):
                        ci = g * _LANES + l
                        lanebits = jnp.right_shift(
                            w, lax.iota(jnp.int32, _LANES)) & 1
                        sel = lanebits > 0
                        pos = basevec[l] + plsc.cumsum(lanebits) - lanebits
                        idxv = lax.iota(jnp.int32, _LANES) * _NCHUNK + ci
                        plsc.store_scatter(outb, [pos], idxv, mask=sel)

            rbase = (r0 + ri) * _N
            for t in range(_K // _LANES):
                cabs[pl.ds(t * _LANES, _LANES)] = (
                    outb[pl.ds(t * _LANES, _LANES)] + rbase)
            gcps.append([
                pltpu.async_copy(
                    keysflat_hbm.at[cabs.at[pl.ds(h * 128, 128)]],
                    outb.at[pl.ds(_K + h * 128, 128)], gsems[ri])
                for h in range(_K // 128)])
        ocps = []
        for ri in range(rows_per):
            for g in gcps[ri]:
                g.wait()
            ocps.append(pltpu.async_copy(outbs[ri], o_hbm.at[r0 + ri],
                                         sems[ri]))
        for c in ocps:
            c.wait()

    call = pl.kernel(
        sc_compact,
        out_type=jax.ShapeDtypeStruct((rows, 2 * _K), jnp.int32),
        mesh=mesh,
        compiler_params=pltpu.CompilerParams(needs_layout_passes=False),
        scratch_types=scratch,
    )
    return call(sb, keysflat)


def _phase_c_body(o_ref, topk_ref):
    rows = o_ref.shape[0]
    ii = o_ref[:, 0:_K]
    kk = o_ref[:, _K:2 * _K]
    lane = lax.broadcasted_iota(jnp.int32, (rows, _K), 1)
    size = 2
    while size <= _K:
        j = size // 2
        while j >= 1:
            up = (lane & j) == 0
            pk = jnp.where(up, pltpu.roll(kk, _K - j, axis=1),
                           pltpu.roll(kk, j, axis=1))
            pi = jnp.where(up, pltpu.roll(ii, _K - j, axis=1),
                           pltpu.roll(ii, j, axis=1))
            mine_first = (kk > pk) | ((kk == pk) & (ii < pi))
            asc = (lane & size) == 0
            take_mine = mine_first == (up == asc)
            kk = jnp.where(take_mine, kk, pk)
            ii = jnp.where(take_mine, ii, pi)
            j //= 2
        size *= 2
    topk_ref[...] = ii


def _phase_c(o):
    rows = o.shape[0]
    return pl.pallas_call(
        _phase_c_body,
        out_shape=jax.ShapeDtypeStruct((rows, _K), jnp.int32),
    )(o)


def kernel(logits):
    u = jax.random.uniform(jax.random.key(1), logits.shape,
                           dtype=logits.dtype)
    masks, os_ = [], []
    for i in range(_HALVES):
        m, keys, sb = _phase_a(logits, u, i)
        masks.append(m)
        os_.append(_phase_b(sb, keys.reshape(-1)))
    topks = [_phase_c(o) for o in os_]
    return (jnp.concatenate(masks, axis=0),
            jnp.concatenate(topks, axis=0))

# --- scband reference (transcript-rebuilt; emitter-appended) ---
"""Pipeline reference for scband-top-kgumbel-selector-2920577761677 (READ-ONLY COPY).

The authoritative reference and input builder live on the scoring server;
editing this copy changes nothing except your own understanding.
"""

import jax, jax.numpy as jnp
import numpy as np

B, N, K, TEMP = 64, 8192, 256, 1.0

def setup_inputs(seed: int = 0) -> dict:
    key = jax.random.key(seed)
    logits = jax.random.normal(key, (B, N), dtype=jnp.float32)
    return {"logits": logits}

def reference(logits):
    eps = 1e-20
    U = jax.random.uniform(jax.random.key(1), logits.shape, dtype=logits.dtype)
    gumbel = -jnp.log(-jnp.log(U + eps) + eps)
    noisy_logits = (logits + gumbel) / TEMP
    _, topk = jax.lax.top_k(noisy_logits, K)
    rows = jnp.arange(logits.shape[0])[:, None]
    mask_hard = jnp.zeros_like(logits).at[rows, topk].set(1.0)
    mask_soft = jax.nn.softmax(logits / TEMP, axis=1)
    mask = jax.lax.stop_gradient(mask_hard - mask_soft) + mask_soft
    return (mask, topk)

if __name__ == "__main__":
    import jax
    _d = setup_inputs()
    print(jax.jit(kernel)(*tuple(_d.values())))

</pallas_src>

<mosaic_0001>
#map = affine_map<(d0, d1) -> (0, 0)>
#map1 = affine_map<(d0, d1) -> (0)>
module attributes {stable_mosaic.version = 14 : i64} {
  func.func @sc_compact(%arg0: i32, %arg1: i32, %arg2: memref<64x1024xi32, #tpu.memory_space<hbm>>, %arg3: memref<524288xi32, #tpu.memory_space<hbm>>, %arg4: memref<64x512xi32, #tpu.memory_space<hbm>>, %arg5: memref<1024xi32, #tpu.memory_space<vmem>>, %arg6: memref<1024xi32, #tpu.memory_space<vmem>>, %arg7: memref<512xi32, #tpu.memory_space<vmem>>, %arg8: memref<512xi32, #tpu.memory_space<vmem>>, %arg9: memref<256xi32, #tpu.memory_space<vmem>>, %arg10: memref<256xi32, #tpu.memory_space<vmem>>, %arg11: memref<!tpu.dma_semaphore, #tpu.memory_space<semaphore_mem>>, %arg12: memref<!tpu.dma_semaphore, #tpu.memory_space<semaphore_mem>>, %arg13: memref<!tpu.dma_semaphore, #tpu.memory_space<semaphore_mem>>, %arg14: memref<!tpu.dma_semaphore, #tpu.memory_space<semaphore_mem>>) attributes {dimension_semantics = [#tpu.dimension_semantics<core_parallel>, #tpu.dimension_semantics<subcore_parallel>], iteration_bounds = array<i64: 2, 16>, scalar_prefetch = 0 : i64, scratch_operands = 10 : i64, tpu.core_type = #tpu.core_type<sc_vector_subcore>, window_params = [{transform_indices = #map}, {transform_indices = #map1}, {transform_indices = #map}]} {
    %mul3A = arith.constant 2 : i32
    %mul3A_0 = arith.muli %arg1, %mul3A : i32
    %add3A = arith.addi %mul3A_0, %arg0 : i32
    %mul3A_1 = arith.constant 2 : i32
    %mul3A_2 = arith.muli %add3A, %mul3A_1 : i32
    %add3A_3 = arith.constant 0 : i32
    %add3A_4 = arith.addi %mul3A_2, %add3A_3 : i32
    %dma_start3A = arith.constant 0 : i32
    %dma_start3A_5 = tpu.memref_slice %arg2[%add3A_4, %dma_start3A] : memref<64x1024xi32, #tpu.memory_space<hbm>> -> memref<1x1024xi32, #tpu.memory_space<hbm>>
    %dma_start3A_6 = tpu.memref_squeeze %dma_start3A_5 : memref<1x1024xi32, #tpu.memory_space<hbm>> -> memref<1024xi32, #tpu.memory_space<hbm>>
    %dma_start3A_7 = arith.constant 0 : i32
    %dma_start3A_8 = tpu.memref_slice %arg2[%add3A_4, %dma_start3A_7] : memref<64x1024xi32, #tpu.memory_space<hbm>> -> memref<1x1024xi32, #tpu.memory_space<hbm>>
    %dma_start3A_9 = tpu.memref_squeeze %dma_start3A_8 : memref<1x1024xi32, #tpu.memory_space<hbm>> -> memref<1024xi32, #tpu.memory_space<hbm>>
    tpu.enqueue_dma source(%dma_start3A_9 : memref<1024xi32, #tpu.memory_space<hbm>>) target(%arg5 : memref<1024xi32, #tpu.memory_space<vmem>>) target_semaphore(%arg11 : memref<!tpu.dma_semaphore, #tpu.memory_space<semaphore_mem>>)
    %add3A_10 = arith.constant 1 : i32
    %add3A_11 = arith.addi %mul3A_2, %add3A_10 : i32
    %dma_start3A_12 = arith.constant 0 : i32
    %dma_start3A_13 = tpu.memref_slice %arg2[%add3A_11, %dma_start3A_12] : memref<64x1024xi32, #tpu.memory_space<hbm>> -> memref<1x1024xi32, #tpu.memory_space<hbm>>
    %dma_start3A_14 = tpu.memref_squeeze %dma_start3A_13 : memref<1x1024xi32, #tpu.memory_space<hbm>> -> memref<1024xi32, #tpu.memory_space<hbm>>
    %dma_start3A_15 = arith.constant 0 : i32
    %dma_start3A_16 = tpu.memref_slice %arg2[%add3A_11, %dma_start3A_15] : memref<64x1024xi32, #tpu.memory_space<hbm>> -> memref<1x1024xi32, #tpu.memory_space<hbm>>
    %dma_start3A_17 = tpu.memref_squeeze %dma_start3A_16 : memref<1x1024xi32, #tpu.memory_space<hbm>> -> memref<1024xi32, #tpu.memory_space<hbm>>
    tpu.enqueue_dma source(%dma_start3A_17 : memref<1024xi32, #tpu.memory_space<hbm>>) target(%arg6 : memref<1024xi32, #tpu.memory_space<vmem>>) target_semaphore(%arg12 : memref<!tpu.dma_semaphore, #tpu.memory_space<semaphore_mem>>)
    %dma_wait3A = arith.constant 0 : i32
    %dma_wait3A_18 = tpu.memref_slice %arg2[%add3A_4, %dma_wait3A] : memref<64x1024xi32, #tpu.memory_space<hbm>> -> memref<1x1024xi32, #tpu.memory_space<hbm>>
    %dma_wait3A_19 = tpu.memref_squeeze %dma_wait3A_18 : memref<1x1024xi32, #tpu.memory_space<hbm>> -> memref<1024xi32, #tpu.memory_space<hbm>>
    %dma_wait3A_20 = arith.constant 0 : i32
    %dma_wait3A_21 = tpu.memref_slice %arg2[%add3A_4, %dma_wait3A_20] : memref<64x1024xi32, #tpu.memory_space<hbm>> -> memref<1x1024xi32, #tpu.memory_space<hbm>>
    %dma_wait3A_22 = tpu.memref_squeeze %dma_wait3A_21 : memref<1x1024xi32, #tpu.memory_space<hbm>> -> memref<1024xi32, #tpu.memory_space<hbm>>
    tpu.wait_dma2 semaphore(%arg11 : memref<!tpu.dma_semaphore, #tpu.memory_space<semaphore_mem>>) src(%dma_wait3A_22 : memref<1024xi32, #tpu.memory_space<hbm>>) dst(%arg5 : memref<1024xi32, #tpu.memory_space<vmem>>)
    %parallel_loop3A = arith.constant 0 : i32
    %parallel_loop3A_23 = arith.constant 32 : i32
    %parallel_loop3A_24 = arith.constant 1 : i32
    scf.for %parallel_loop3A_308 = %parallel_loop3A to %parallel_loop3A_23 step %parallel_loop3A_24  : i32 {
      %parallel_loop3A_309 = arith.constant 16 : i32
      %parallel_loop3A_310 = arith.muli %parallel_loop3A_308, %parallel_loop3A_309 : i32
      %parallel_loop3A_311 = arith.index_cast %parallel_loop3A_310 : i32 to index
      %parallel_loop3A_312 = tpu.vector_load %arg5[%parallel_loop3A_311] {strides = array<i32>} : memref<1024xi32, #tpu.memory_space<vmem>>, vector<16xi32>,
      %parallel_loop3A_313 = arith.constant 16 : i32
      %parallel_loop3A_314 = arith.muli %parallel_loop3A_308, %parallel_loop3A_313 : i32
      %parallel_loop3A_315 = arith.constant 512 : i32
      %parallel_loop3A_316 = arith.addi %parallel_loop3A_315, %parallel_loop3A_314 : i32
      %parallel_loop3A_317 = arith.index_cast %parallel_loop3A_316 : i32 to index
      %parallel_loop3A_318 = tpu.vector_load %arg5[%parallel_loop3A_317] {strides = array<i32>} : memref<1024xi32, #tpu.memory_space<vmem>>, vector<16xi32>,
      %parallel_loop3A_319 = vector.extract_strided_slice %parallel_loop3A_312 {offsets = [0], sizes = [1], strides = [1]} : vector<16xi32> to vector<1xi32>
      %parallel_loop3A_320 = vector.extract %parallel_loop3A_319[0] : i32 from vector<1xi32>
      %parallel_loop3A_321 = arith.constant 0 : i32
      %parallel_loop3A_322 = arith.cmpi ne, %parallel_loop3A_320, %parallel_loop3A_321 : i32
      %parallel_loop3A_323 = arith.extui %parallel_loop3A_322 : i1 to i32
      %parallel_loop3A_324 = arith.constant 0 : i32
      %parallel_loop3A_325 = arith.cmpi ne, %parallel_loop3A_323, %parallel_loop3A_324 : i32
      scf.if %parallel_loop3A_325 {
        %parallel_loop3A_431 = arith.constant 16 : i32
        %parallel_loop3A_432 = arith.muli %parallel_loop3A_308, %parallel_loop3A_431 : i32
        %parallel_loop3A_433 = arith.constant 0 : i32
        %parallel_loop3A_434 = arith.addi %parallel_loop3A_432, %parallel_loop3A_433 : i32
        %parallel_loop3A_435 = tpu.iota {dimensions = array<i32: 0>} : vector<16xi32>
        %parallel_loop3A_436 = vector.broadcast %parallel_loop3A_320 : i32 to vector<16xi32>
        %parallel_loop3A_437 = arith.shrsi %parallel_loop3A_436, %parallel_loop3A_435 : vector<16xi32>
        %parallel_loop3A_438 = arith.constant 1 : i32
        %parallel_loop3A_439 = vector.broadcast %parallel_loop3A_438 : i32 to vector<16xi32>
        %parallel_loop3A_440 = arith.andi %parallel_loop3A_437, %parallel_loop3A_439 : vector<16xi32>
        %parallel_loop3A_441 = arith.constant 0 : i32
        %parallel_loop3A_442 = vector.broadcast %parallel_loop3A_441 : i32 to vector<16xi32>
        %parallel_loop3A_443 = arith.cmpi sgt, %parallel_loop3A_440, %parallel_loop3A_442 : vector<16xi32>
        %parallel_loop3A_444 = vector.extract_strided_slice %parallel_loop3A_318 {offsets = [0], sizes = [1], strides = [1]} : vector<16xi32> to vector<1xi32>
        %parallel_loop3A_445 = vector.extract %parallel_loop3A_444[0] : i32 from vector<1xi32>
        %parallel_loop3A_446 = arith.constant true
        %parallel_loop3A_447 = vector.broadcast %parallel_loop3A_446 : i1 to vector<16xi1>
        %parallel_loop3A_448 = tpu.scan <sum>, %parallel_loop3A_440 masked %parallel_loop3A_447 : vector<16xi32>, vector<16xi1> -> vector<16xi32>
        %parallel_loop3A_449 = vector.broadcast %parallel_loop3A_445 : i32 to vector<16xi32>
        %parallel_loop3A_450 = arith.addi %parallel_loop3A_449, %parallel_loop3A_448 : vector<16xi32>
        %parallel_loop3A_451 = arith.subi %parallel_loop3A_450, %parallel_loop3A_440 : vector<16xi32>
        %parallel_loop3A_452 = tpu.iota {dimensions = array<i32: 0>} : vector<16xi32>
        %parallel_loop3A_453 = arith.constant 512 : i32
        %parallel_loop3A_454 = vector.broadcast %parallel_loop3A_453 : i32 to vector<16xi32>
        %parallel_loop3A_455 = arith.muli %parallel_loop3A_452, %parallel_loop3A_454 : vector<16xi32>
        %parallel_loop3A_456 = vector.broadcast %parallel_loop3A_434 : i32 to vector<16xi32>
        %parallel_loop3A_457 = arith.addi %parallel_loop3A_455, %parallel_loop3A_456 : vector<16xi32>
        tpu.vector_store_idx %arg7[%parallel_loop3A_451], %parallel_loop3A_457 masked %parallel_loop3A_443 : memref<512xi32, #tpu.memory_space<vmem>>[vector<16xi32>], vector<16xi32>, vector<16xi1>
      } else {
      }
      %parallel_loop3A_326 = vector.extract_strided_slice %parallel_loop3A_312 {offsets = [1], sizes = [1], strides = [1]} : vector<16xi32> to vector<1xi32>
      %parallel_loop3A_327 = vector.extract %parallel_loop3A_326[0] : i32 from vector<1xi32>
      %parallel_loop3A_328 = arith.constant 0 : i32
      %parallel_loop3A_329 = arith.cmpi ne, %parallel_loop3A_327, %parallel_loop3A_328 : i32
      %parallel_loop3A_330 = arith.extui %parallel_loop3A_329 : i1 to i32
      %parallel_loop3A_331 = arith.constant 0 : i32
      %parallel_loop3A_332 = arith.cmpi ne, %parallel_loop3A_330, %parallel_loop3A_331 : i32
      scf.if %parallel_loop3A_332 {
        %parallel_loop3A_431 = arith.constant 16 : i32
        %parallel_loop3A_432 = arith.muli %parallel_loop3A_308, %parallel_loop3A_431 : i32
        %parallel_loop3A_433 = arith.constant 1 : i32
        %parallel_loop3A_434 = arith.addi %parallel_loop3A_432, %parallel_loop3A_433 : i32
        %parallel_loop3A_435 = tpu.iota {dimensions = array<i32: 0>} : vector<16xi32>
        %parallel_loop3A_436 = vector.broadcast %parallel_loop3A_327 : i32 to vector<16xi32>
        %parallel_loop3A_437 = arith.shrsi %parallel_loop3A_436, %parallel_loop3A_435 : vector<16xi32>
        %parallel_loop3A_438 = arith.constant 1 : i32
        %parallel_loop3A_439 = vector.broadcast %parallel_loop3A_438 : i32 to vector<16xi32>
        %parallel_loop3A_440 = arith.andi %parallel_loop3A_437, %parallel_loop3A_439 : vector<16xi32>
        %parallel_loop3A_441 = arith.constant 0 : i32
        %parallel_loop3A_442 = vector.broadcast %parallel_loop3A_441 : i32 to vector<16xi32>
        %parallel_loop3A_443 = arith.cmpi sgt, %parallel_loop3A_440, %parallel_loop3A_442 : vector<16xi32>
        %parallel_loop3A_444 = vector.extract_strided_slice %parallel_loop3A_318 {offsets = [1], sizes = [1], strides = [1]} : vector<16xi32> to vector<1xi32>
        %parallel_loop3A_445 = vector.extract %parallel_loop3A_444[0] : i32 from vector<1xi32>
        %parallel_loop3A_446 = arith.constant true
        %parallel_loop3A_447 = vector.broadcast %parallel_loop3A_446 : i1 to vector<16xi1>
        %parallel_loop3A_448 = tpu.scan <sum>, %parallel_loop3A_440 masked %parallel_loop3A_447 : vector<16xi32>, vector<16xi1> -> vector<16xi32>
        %parallel_loop3A_449 = vector.broadcast %parallel_loop3A_445 : i32 to vector<16xi32>
        %parallel_loop3A_450 = arith.addi %parallel_loop3A_449, %parallel_loop3A_448 : vector<16xi32>
        %parallel_loop3A_451 = arith.subi %parallel_loop3A_450, %parallel_loop3A_440 : vector<16xi32>
        %parallel_loop3A_452 = tpu.iota {dimensions = array<i32: 0>} : vector<16xi32>
        %parallel_loop3A_453 = arith.constant 512 : i32
        %parallel_loop3A_454 = vector.broadcast %parallel_loop3A_453 : i32 to vector<16xi32>
        %parallel_loop3A_455 = arith.muli %parallel_loop3A_452, %parallel_loop3A_454 : vector<16xi32>
        %parallel_loop3A_456 = vector.broadcast %parallel_loop3A_434 : i32 to vector<16xi32>
        %parallel_loop3A_457 = arith.addi %parallel_loop3A_455, %parallel_loop3A_456 : vector<16xi32>
        tpu.vector_store_idx %arg7[%parallel_loop3A_451], %parallel_loop3A_457 masked %parallel_loop3A_443 : memref<512xi32, #tpu.memory_space<vmem>>[vector<16xi32>], vector<16xi32>, vector<16xi1>
      } else {
      }
      %parallel_loop3A_333 = vector.extract_strided_slice %parallel_loop3A_312 {offsets = [2], sizes = [1], strides = [1]} : vector<16xi32> to vector<1xi32>
      %parallel_loop3A_334 = vector.extract %parallel_loop3A_333[0] : i32 from vector<1xi32>
      %parallel_loop3A_335 = arith.constant 0 : i32
      %parallel_loop3A_336 = arith.cmpi ne, %parallel_loop3A_334, %parallel_loop3A_335 : i32
      %parallel_loop3A_337 = arith.extui %parallel_loop3A_336 : i1 to i32
      %parallel_loop3A_338 = arith.constant 0 : i32
      %parallel_loop3A_339 = arith.cmpi ne, %parallel_loop3A_337, %parallel_loop3A_338 : i32
      scf.if %parallel_loop3A_339 {
        %parallel_loop3A_431 = arith.constant 16 : i32
        %parallel_loop3A_432 = arith.muli %parallel_loop3A_308, %parallel_loop3A_431 : i32
        %parallel_loop3A_433 = arith.constant 2 : i32
        %parallel_loop3A_434 = arith.addi %parallel_loop3A_432, %parallel_loop3A_433 : i32
        %parallel_loop3A_435 = tpu.iota {dimensions = array<i32: 0>} : vector<16xi32>
        %parallel_loop3A_436 = vector.broadcast %parallel_loop3A_334 : i32 to vector<16xi32>
        %parallel_loop3A_437 = arith.shrsi %parallel_loop3A_436, %parallel_loop3A_435 : vector<16xi32>
        %parallel_loop3A_438 = arith.constant 1 : i32
        %parallel_loop3A_439 = vector.broadcast %parallel_loop3A_438 : i32 to vector<16xi32>
        %parallel_loop3A_440 = arith.andi %parallel_loop3A_437, %parallel_loop3A_439 : vector<16xi32>
        %parallel_loop3A_441 = arith.constant 0 : i32
        %parallel_loop3A_442 = vector.broadcast %parallel_loop3A_441 : i32 to vector<16xi32>
        %parallel_loop3A_443 = arith.cmpi sgt, %parallel_loop3A_440, %parallel_loop3A_442 : vector<16xi32>
        %parallel_loop3A_444 = vector.extract_strided_slice %parallel_loop3A_318 {offsets = [2], sizes = [1], strides = [1]} : vector<16xi32> to vector<1xi32>
        %parallel_loop3A_445 = vector.extract %parallel_loop3A_444[0] : i32 from vector<1xi32>
        %parallel_loop3A_446 = arith.constant true
        %parallel_loop3A_447 = vector.broadcast %parallel_loop3A_446 : i1 to vector<16xi1>
        %parallel_loop3A_448 = tpu.scan <sum>, %parallel_loop3A_440 masked %parallel_loop3A_447 : vector<16xi32>, vector<16xi1> -> vector<16xi32>
        %parallel_loop3A_449 = vector.broadcast %parallel_loop3A_445 : i32 to vector<16xi32>
        %parallel_loop3A_450 = arith.addi %parallel_loop3A_449, %parallel_loop3A_448 : vector<16xi32>
        %parallel_loop3A_451 = arith.subi %parallel_loop3A_450, %parallel_loop3A_440 : vector<16xi32>
        %parallel_loop3A_452 = tpu.iota {dimensions = array<i32: 0>} : vector<16xi32>
        %parallel_loop3A_453 = arith.constant 512 : i32
        %parallel_loop3A_454 = vector.broadcast %parallel_loop3A_453 : i32 to vector<16xi32>
        %parallel_loop3A_455 = arith.muli %parallel_loop3A_452, %parallel_loop3A_454 : vector<16xi32>
        %parallel_loop3A_456 = vector.broadcast %parallel_loop3A_434 : i32 to vector<16xi32>
        %parallel_loop3A_457 = arith.addi %parallel_loop3A_455, %parallel_loop3A_456 : vector<16xi32>
        tpu.vector_store_idx %arg7[%parallel_loop3A_451], %parallel_loop3A_457 masked %parallel_loop3A_443 : memref<512xi32, #tpu.memory_space<vmem>>[vector<16xi32>], vector<16xi32>, vector<16xi1>
      } else {
      }
      %parallel_loop3A_340 = vector.extract_strided_slice %parallel_loop3A_312 {offsets = [3], sizes = [1], strides = [1]} : vector<16xi32> to vector<1xi32>
      %parallel_loop3A_341 = vector.extract %parallel_loop3A_340[0] : i32 from vector<1xi32>
      %parallel_loop3A_342 = arith.constant 0 : i32
      %parallel_loop3A_343 = arith.cmpi ne, %parallel_loop3A_341, %parallel_loop3A_342 : i32
      %parallel_loop3A_344 = arith.extui %parallel_loop3A_343 : i1 to i32
      %parallel_loop3A_345 = arith.constant 0 : i32
      %parallel_loop3A_346 = arith.cmpi ne, %parallel_loop3A_344, %parallel_loop3A_345 : i32
      scf.if %parallel_loop3A_346 {
        %parallel_loop3A_431 = arith.constant 16 : i32
        %parallel_loop3A_432 = arith.muli %parallel_loop3A_308, %parallel_loop3A_431 : i32
        %parallel_loop3A_433 = arith.constant 3 : i32
        %parallel_loop3A_434 = arith.addi %parallel_loop3A_432, %parallel_loop3A_433 : i32
        %parallel_loop3A_435 = tpu.iota {dimensions = array<i32: 0>} : vector<16xi32>
        %parallel_loop3A_436 = vector.broadcast %parallel_loop3A_341 : i32 to vector<16xi32>
        %parallel_loop3A_437 = arith.shrsi %parallel_loop3A_436, %parallel_loop3A_435 : vector<16xi32>
        %parallel_loop3A_438 = arith.constant 1 : i32
        %parallel_loop3A_439 = vector.broadcast %parallel_loop3A_438 : i32 to vector<16xi32>
        %parallel_loop3A_440 = arith.andi %parallel_loop3A_437, %parallel_loop3A_439 : vector<16xi32>
        %parallel_loop3A_441 = arith.constant 0 : i32
        %parallel_loop3A_442 = vector.broadcast %parallel_loop3A_441 : i32 to vector<16xi32>
        %parallel_loop3A_443 = arith.cmpi sgt, %parallel_loop3A_440, %parallel_loop3A_442 : vector<16xi32>
        %parallel_loop3A_444 = vector.extract_strided_slice %parallel_loop3A_318 {offsets = [3], sizes = [1], strides = [1]} : vector<16xi32> to vector<1xi32>
        %parallel_loop3A_445 = vector.extract %parallel_loop3A_444[0] : i32 from vector<1xi32>
        %parallel_loop3A_446 = arith.constant true
        %parallel_loop3A_447 = vector.broadcast %parallel_loop3A_446 : i1 to vector<16xi1>
        %parallel_loop3A_448 = tpu.scan <sum>, %parallel_loop3A_440 masked %parallel_loop3A_447 : vector<16xi32>, vector<16xi1> -> vector<16xi32>
        %parallel_loop3A_449 = vector.broadcast %parallel_loop3A_445 : i32 to vector<16xi32>
        %parallel_loop3A_450 = arith.addi %parallel_loop3A_449, %parallel_loop3A_448 : vector<16xi32>
        %parallel_loop3A_451 = arith.subi %parallel_loop3A_450, %parallel_loop3A_440 : vector<16xi32>
        %parallel_loop3A_452 = tpu.iota {dimensions = array<i32: 0>} : vector<16xi32>
        %parallel_loop3A_453 = arith.constant 512 : i32
        %parallel_loop3A_454 = vector.broadcast %parallel_loop3A_453 : i32 to vector<16xi32>
        %parallel_loop3A_455 = arith.muli %parallel_loop3A_452, %parallel_loop3A_454 : vector<16xi32>
        %parallel_loop3A_456 = vector.broadcast %parallel_loop3A_434 : i32 to vector<16xi32>
        %parallel_loop3A_457 = arith.addi %parallel_loop3A_455, %parallel_loop3A_456 : vector<16xi32>
        tpu.vector_store_idx %arg7[%parallel_loop3A_451], %parallel_loop3A_457 masked %parallel_loop3A_443 : memref<512xi32, #tpu.memory_space<vmem>>[vector<16xi32>], vector<16xi32>, vector<16xi1>
      } else {
      }
      %parallel_loop3A_347 = vector.extract_strided_slice %parallel_loop3A_312 {offsets = [4], sizes = [1], strides = [1]} : vector<16xi32> to vector<1xi32>
      %parallel_loop3A_348 = vector.extract %parallel_loop3A_347[0] : i32 from vector<1xi32>
      %parallel_loop3A_349 = arith.constant 0 : i32
      %parallel_loop3A_350 = arith.cmpi ne, %parallel_loop3A_348, %parallel_loop3A_349 : i32
      %parallel_loop3A_351 = arith.extui %parallel_loop3A_350 : i1 to i32
      %parallel_loop3A_352 = arith.constant 0 : i32
      %parallel_loop3A_353 = arith.cmpi ne, %parallel_loop3A_351, %parallel_loop3A_352 : i32
      scf.if %parallel_loop3A_353 {
        %parallel_loop3A_431 = arith.constant 16 : i32
        %parallel_loop3A_432 = arith.muli %parallel_loop3A_308, %parallel_loop3A_431 : i32
        %parallel_loop3A_433 = arith.constant 4 : i32
        %parallel_loop3A_434 = arith.addi %parallel_loop3A_432, %parallel_loop3A_433 : i32
        %parallel_loop3A_435 = tpu.iota {dimensions = array<i32: 0>} : vector<16xi32>
        %parallel_loop3A_436 = vector.broadcast %parallel_loop3A_348 : i32 to vector<16xi32>
        %parallel_loop3A_437 = arith.shrsi %parallel_loop3A_436, %parallel_loop3A_435 : vector<16xi32>
        %parallel_loop3A_438 = arith.constant 1 : i32
        %parallel_loop3A_439 = vector.broadcast %parallel_loop3A_438 : i32 to vector<16xi32>
        %parallel_loop3A_440 = arith.andi %parallel_loop3A_437, %parallel_loop3A_439 : vector<16xi32>
        %parallel_loop3A_441 = arith.constant 0 : i32
        %parallel_loop3A_442 = vector.broadcast %parallel_loop3A_441 : i32 to vector<16xi32>
        %parallel_loop3A_443 = arith.cmpi sgt, %parallel_loop3A_440, %parallel_loop3A_442 : vector<16xi32>
        %parallel_loop3A_444 = vector.extract_strided_slice %parallel_loop3A_318 {offsets = [4], sizes = [1], strides = [1]} : vector<16xi32> to vector<1xi32>
        %parallel_loop3A_445 = vector.extract %parallel_loop3A_444[0] : i32 from vector<1xi32>
        %parallel_loop3A_446 = arith.constant true
        %parallel_loop3A_447 = vector.broadcast %parallel_loop3A_446 : i1 to vector<16xi1>
        %parallel_loop3A_448 = tpu.scan <sum>, %parallel_loop3A_440 masked %parallel_loop3A_447 : vector<16xi32>, vector<16xi1> -> vector<16xi32>
        %parallel_loop3A_449 = vector.broadcast %parallel_loop3A_445 : i32 to vector<16xi32>
        %parallel_loop3A_450 = arith.addi %parallel_loop3A_449, %parallel_loop3A_448 : vector<16xi32>
        %parallel_loop3A_451 = arith.subi %parallel_loop3A_450, %parallel_loop3A_440 : vector<16xi32>
        %parallel_loop3A_452 = tpu.iota {dimensions = array<i32: 0>} : vector<16xi32>
        %parallel_loop3A_453 = arith.constant 512 : i32
        %parallel_loop3A_454 = vector.broadcast %parallel_loop3A_453 : i32 to vector<16xi32>
        %parallel_loop3A_455 = arith.muli %parallel_loop3A_452, %parallel_loop3A_454 : vector<16xi32>
        %parallel_loop3A_456 = vector.broadcast %parallel_loop3A_434 : i32 to vector<16xi32>
        %parallel_loop3A_457 = arith.addi %parallel_loop3A_455, %parallel_loop3A_456 : vector<16xi32>
        tpu.vector_store_idx %arg7[%parallel_loop3A_451], %parallel_loop3A_457 masked %parallel_loop3A_443 : memref<512xi32, #tpu.memory_space<vmem>>[vector<16xi32>], vector<16xi32>, vector<16xi1>
      } else {
      }
      %parallel_loop3A_354 = vector.extract_strided_slice %parallel_loop3A_312 {offsets = [5], sizes = [1], strides = [1]} : vector<16xi32> to vector<1xi32>
      %parallel_loop3A_355 = vector.extract %parallel_loop3A_354[0] : i32 from vector<1xi32>
      %parallel_loop3A_356 = arith.constant 0 : i32
      %parallel_loop3A_357 = arith.cmpi ne, %parallel_loop3A_355, %parallel_loop3A_356 : i32
      %parallel_loop3A_358 = arith.extui %parallel_loop3A_357 : i1 to i32
      %parallel_loop3A_359 = arith.constant 0 : i32
      %parallel_loop3A_360 = arith.cmpi ne, %parallel_loop3A_358, %parallel_loop3A_359 : i32
      scf.if %parallel_loop3A_360 {
        %parallel_loop3A_431 = arith.constant 16 : i32
        %parallel_loop3A_432 = arith.muli %parallel_loop3A_308, %parallel_loop3A_431 : i32
        %parallel_loop3A_433 = arith.constant 5 : i32
        %parallel_loop3A_434 = arith.addi %parallel_loop3A_432, %parallel_loop3A_433 : i32
        %parallel_loop3A_435 = tpu.iota {dimensions = array<i32: 0>} : vector<16xi32>
        %parallel_loop3A_436 = vector.broadcast %parallel_loop3A_355 : i32 to vector<16xi32>
        %parallel_loop3A_437 = arith.shrsi %parallel_loop3A_436, %parallel_loop3A_435 : vector<16xi32>
        %parallel_loop3A_438 = arith.constant 1 : i32
        %parallel_loop3A_439 = vector.broadcast %parallel_loop3A_438 : i32 to vector<16xi32>
        %parallel_loop3A_440 = arith.andi %parallel_loop3A_437, %parallel_loop3A_439 : vector<16xi32>
        %parallel_loop3A_441 = arith.constant 0 : i32
        %parallel_loop3A_442 = vector.broadcast %parallel_loop3A_441 : i32 to vector<16xi32>
        %parallel_loop3A_443 = arith.cmpi sgt, %parallel_loop3A_440, %parallel_loop3A_442 : vector<16xi32>
        %parallel_loop3A_444 = vector.extract_strided_slice %parallel_loop3A_318 {offsets = [5], sizes = [1], strides = [1]} : vector<16xi32> to vector<1xi32>
        %parallel_loop3A_445 = vector.extract %parallel_loop3A_444[0] : i32 from vector<1xi32>
        %parallel_loop3A_446 = arith.constant true
        %parallel_loop3A_447 = vector.broadcast %parallel_loop3A_446 : i1 to vector<16xi1>
        %parallel_loop3A_448 = tpu.scan <sum>, %parallel_loop3A_440 masked %parallel_loop3A_447 : vector<16xi32>, vector<16xi1> -> vector<16xi32>
        %parallel_loop3A_449 = vector.broadcast %parallel_loop3A_445 : i32 to vector<16xi32>
        %parallel_loop3A_450 = arith.addi %parallel_loop3A_449, %parallel_loop3A_448 : vector<16xi32>
        %parallel_loop3A_451 = arith.subi %parallel_loop3A_450, %parallel_loop3A_440 : vector<16xi32>
        %parallel_loop3A_452 = tpu.iota {dimensions = array<i32: 0>} : vector<16xi32>
        %parallel_loop3A_453 = arith.constant 512 : i32
        %parallel_loop3A_454 = vector.broadcast %parallel_loop3A_453 : i32 to vector<16xi32>
        %parallel_loop3A_455 = arith.muli %parallel_loop3A_452, %parallel_loop3A_454 : vector<16xi32>
        %parallel_loop3A_456 = vector.broadcast %parallel_loop3A_434 : i32 to vector<16xi32>
        %parallel_loop3A_457 = arith.addi %parallel_loop3A_455, %parallel_loop3A_456 : vector<16xi32>
        tpu.vector_store_idx %arg7[%parallel_loop3A_451], %parallel_loop3A_457 masked %parallel_loop3A_443 : memref<512xi32, #tpu.memory_space<vmem>>[vector<16xi32>], vector<16xi32>, vector<16xi1>
      } else {
      }
      %parallel_loop3A_361 = vector.extract_strided_slice %parallel_loop3A_312 {offsets = [6], sizes = [1], strides = [1]} : vector<16xi32> to vector<1xi32>
      %parallel_loop3A_362 = vector.extract %parallel_loop3A_361[0] : i32 from vector<1xi32>
      %parallel_loop3A_363 = arith.constant 0 : i32
      %parallel_loop3A_364 = arith.cmpi ne, %parallel_loop3A_362, %parallel_loop3A_363 : i32
      %parallel_loop3A_365 = arith.extui %parallel_loop3A_364 : i1 to i32
      %parallel_loop3A_366 = arith.constant 0 : i32
      %parallel_loop3A_367 = arith.cmpi ne, %parallel_loop3A_365, %parallel_loop3A_366 : i32
      scf.if %parallel_loop3A_367 {
        %parallel_loop3A_431 = arith.constant 16 : i32
        %parallel_loop3A_432 = arith.muli %parallel_loop3A_308, %parallel_loop3A_431 : i32
        %parallel_loop3A_433 = arith.constant 6 : i32
        %parallel_loop3A_434 = arith.addi %parallel_loop3A_432, %parallel_loop3A_433 : i32
        %parallel_loop3A_435 = tpu.iota {dimensions = array<i32: 0>} : vector<16xi32>
        %parallel_loop3A_436 = vector.broadcast %parallel_loop3A_362 : i32 to vector<16xi32>
        %parallel_loop3A_437 = arith.shrsi %parallel_loop3A_436, %parallel_loop3A_435 : vector<16xi32>
        %parallel_loop3A_438 = arith.constant 1 : i32
        %parallel_loop3A_439 = vector.broadcast %parallel_loop3A_438 : i32 to vector<16xi32>
        %parallel_loop3A_440 = arith.andi %parallel_loop3A_437, %parallel_loop3A_439 : vector<16xi32>
        %parallel_loop3A_441 = arith.constant 0 : i32
        %parallel_loop3A_442 = vector.broadcast %parallel_loop3A_441 : i32 to vector<16xi32>
        %parallel_loop3A_443 = arith.cmpi sgt, %parallel_loop3A_440, %parallel_loop3A_442 : vector<16xi32>
        %parallel_loop3A_444 = vector.extract_strided_slice %parallel_loop3A_318 {offsets = [6], sizes = [1], strides = [1]} : vector<16xi32> to vector<1xi32>
        %parallel_loop3A_445 = vector.extract %parallel_loop3A_444[0] : i32 from vector<1xi32>
        %parallel_loop3A_446 = arith.constant true
        %parallel_loop3A_447 = vector.broadcast %parallel_loop3A_446 : i1 to vector<16xi1>
        %parallel_loop3A_448 = tpu.scan <sum>, %parallel_loop3A_440 masked %parallel_loop3A_447 : vector<16xi32>, vector<16xi1> -> vector<16xi32>
        %parallel_loop3A_449 = vector.broadcast %parallel_loop3A_445 : i32 to vector<16xi32>
        %parallel_loop3A_450 = arith.addi %parallel_loop3A_449, %parallel_loop3A_448 : vector<16xi32>
        %parallel_loop3A_451 = arith.subi %parallel_loop3A_450, %parallel_loop3A_440 : vector<16xi32>
        %parallel_loop3A_452 = tpu.iota {dimensions = array<i32: 0>} : vector<16xi32>
        %parallel_loop3A_453 = arith.constant 512 : i32
        %parallel_loop3A_454 = vector.broadcast %parallel_loop3A_453 : i32 to vector<16xi32>
        %parallel_loop3A_455 = arith.muli %parallel_loop3A_452, %parallel_loop3A_454 : vector<16xi32>
        %parallel_loop3A_456 = vector.broadcast %parallel_loop3A_434 : i32 to vector<16xi32>
        %parallel_loop3A_457 = arith.addi %parallel_loop3A_455, %parallel_loop3A_456 : vector<16xi32>
        tpu.vector_store_idx %arg7[%parallel_loop3A_451], %parallel_loop3A_457 masked %parallel_loop3A_443 : memref<512xi32, #tpu.memory_space<vmem>>[vector<16xi32>], vector<16xi32>, vector<16xi1>
      } else {
      }
      %parallel_loop3A_368 = vector.extract_strided_slice %parallel_loop3A_312 {offsets = [7], sizes = [1], strides = [1]} : vector<16xi32> to vector<1xi32>
      %parallel_loop3A_369 = vector.extract %parallel_loop3A_368[0] : i32 from vector<1xi32>
      %parallel_loop3A_370 = arith.constant 0 : i32
      %parallel_loop3A_371 = arith.cmpi ne, %parallel_loop3A_369, %parallel_loop3A_370 : i32
      %parallel_loop3A_372 = arith.extui %parallel_loop3A_371 : i1 to i32
      %parallel_loop3A_373 = arith.constant 0 : i32
      %parallel_loop3A_374 = arith.cmpi ne, %parallel_loop3A_372, %parallel_loop3A_373 : i32
      scf.if %parallel_loop3A_374 {
        %parallel_loop3A_431 = arith.constant 16 : i32
        %parallel_loop3A_432 = arith.muli %parallel_loop3A_308, %parallel_loop3A_431 : i32
        %parallel_loop3A_433 = arith.constant 7 : i32
        %parallel_loop3A_434 = arith.addi %parallel_loop3A_432, %parallel_loop3A_433 : i32
        %parallel_loop3A_435 = tpu.iota {dimensions = array<i32: 0>} : vector<16xi32>
        %parallel_loop3A_436 = vector.broadcast %parallel_loop3A_369 : i32 to vector<16xi32>
        %parallel_loop3A_437 = arith.shrsi %parallel_loop3A_436, %parallel_loop3A_435 : vector<16xi32>
        %parallel_loop3A_438 = arith.constant 1 : i32
        %parallel_loop3A_439 = vector.broadcast %parallel_loop3A_438 : i32 to vector<16xi32>
        %parallel_loop3A_440 = arith.andi %parallel_loop3A_437, %parallel_loop3A_439 : vector<16xi32>
        %parallel_loop3A_441 = arith.constant 0 : i32
        %parallel_loop3A_442 = vector.broadcast %parallel_loop3A_441 : i32 to vector<16xi32>
        %parallel_loop3A_443 = arith.cmpi sgt, %parallel_loop3A_440, %parallel_loop3A_442 : vector<16xi32>
        %parallel_loop3A_444 = vector.extract_strided_slice %parallel_loop3A_318 {offsets = [7], sizes = [1], strides = [1]} : vector<16xi32> to vector<1xi32>
        %parallel_loop3A_445 = vector.extract %parallel_loop3A_444[0] : i32 from vector<1xi32>
        %parallel_loop3A_446 = arith.constant true
        %parallel_loop3A_447 = vector.broadcast %parallel_loop3A_446 : i1 to vector<16xi1>
        %parallel_loop3A_448 = tpu.scan <sum>, %parallel_loop3A_440 masked %parallel_loop3A_447 : vector<16xi32>, vector<16xi1> -> vector<16xi32>
        %parallel_loop3A_449 = vector.broadcast %parallel_loop3A_445 : i32 to vector<16xi32>
        %parallel_loop3A_450 = arith.addi %parallel_loop3A_449, %parallel_loop3A_448 : vector<16xi32>
        %parallel_loop3A_451 = arith.subi %parallel_loop3A_450, %parallel_loop3A_440 : vector<16xi32>
        %parallel_loop3A_452 = tpu.iota {dimensions = array<i32: 0>} : vector<16xi32>
        %parallel_loop3A_453 = arith.constant 512 : i32
        %parallel_loop3A_454 = vector.broadcast %parallel_loop3A_453 : i32 to vector<16xi32>
        %parallel_loop3A_455 = arith.muli %parallel_loop3A_452, %parallel_loop3A_454 : vector<16xi32>
        %parallel_loop3A_456 = vector.broadcast %parallel_loop3A_434 : i32 to vector<16xi32>
        %parallel_loop3A_457 = arith.addi %parallel_loop3A_455, %parallel_loop3A_456 : vector<16xi32>
        tpu.vector_store_idx %arg7[%parallel_loop3A_451], %parallel_loop3A_457 masked %parallel_loop3A_443 : memref<512xi32, #tpu.memory_space<vmem>>[vector<16xi32>], vector<16xi32>, vector<16xi1>
      } else {
      }
      %parallel_loop3A_375 = vector.extract_strided_slice %parallel_loop3A_312 {offsets = [8], sizes = [1], strides = [1]} : vector<16xi32> to vector<1xi32>
      %parallel_loop3A_376 = vector.extract %parallel_loop3A_375[0] : i32 from vector<1xi32>
      %parallel_loop3A_377 = arith.constant 0 : i32
      %parallel_loop3A_378 = arith.cmpi ne, %parallel_loop3A_376, %parallel_loop3A_377 : i32
      %parallel_loop3A_379 = arith.extui %parallel_loop3A_378 : i1 to i32
      %parallel_loop3A_380 = arith.constant 0 : i32
      %parallel_loop3A_381 = arith.cmpi ne, %parallel_loop3A_379, %parallel_loop3A_380 : i32
      scf.if %parallel_loop3A_381 {
        %parallel_loop3A_431 = arith.constant 16 : i32
        %parallel_loop3A_432 = arith.muli %parallel_loop3A_308, %parallel_loop3A_431 : i32
        %parallel_loop3A_433 = arith.constant 8 : i32
        %parallel_loop3A_434 = arith.addi %parallel_loop3A_432, %parallel_loop3A_433 : i32
        %parallel_loop3A_435 = tpu.iota {dimensions = array<i32: 0>} : vector<16xi32>
        %parallel_loop3A_436 = vector.broadcast %parallel_loop3A_376 : i32 to vector<16xi32>
        %parallel_loop3A_437 = arith.shrsi %parallel_loop3A_436, %parallel_loop3A_435 : vector<16xi32>
        %parallel_loop3A_438 = arith.constant 1 : i32
        %parallel_loop3A_439 = vector.broadcast %parallel_loop3A_438 : i32 to vector<16xi32>
        %parallel_loop3A_440 = arith.andi %parallel_loop3A_437, %parallel_loop3A_439 : vector<16xi32>
        %parallel_loop3A_441 = arith.constant 0 : i32
        %parallel_loop3A_442 = vector.broadcast %parallel_loop3A_441 : i32 to vector<16xi32>
        %parallel_loop3A_443 = arith.cmpi sgt, %parallel_loop3A_440, %parallel_loop3A_442 : vector<16xi32>
        %parallel_loop3A_444 = vector.extract_strided_slice %parallel_loop3A_318 {offsets = [8], sizes = [1], strides = [1]} : vector<16xi32> to vector<1xi32>
        %parallel_loop3A_445 = vector.extract %parallel_loop3A_444[0] : i32 from vector<1xi32>
        %parallel_loop3A_446 = arith.constant true
        %parallel_loop3A_447 = vector.broadcast %parallel_loop3A_446 : i1 to vector<16xi1>
        %parallel_loop3A_448 = tpu.scan <sum>, %parallel_loop3A_440 masked %parallel_loop3A_447 : vector<16xi32>, vector<16xi1> -> vector<16xi32>
        %parallel_loop3A_449 = vector.broadcast %parallel_loop3A_445 : i32 to vector<16xi32>
        %parallel_loop3A_450 = arith.addi %parallel_loop3A_449, %parallel_loop3A_448 : vector<16xi32>
        %parallel_loop3A_451 = arith.subi %parallel_loop3A_450, %parallel_loop3A_440 : vector<16xi32>
        %parallel_loop3A_452 = tpu.iota {dimensions = array<i32: 0>} : vector<16xi32>
        %parallel_loop3A_453 = arith.constant 512 : i32
        %parallel_loop3A_454 = vector.broadcast %parallel_loop3A_453 : i32 to vector<16xi32>
        %parallel_loop3A_455 = arith.muli %parallel_loop3A_452, %parallel_loop3A_454 : vector<16xi32>
        %parallel_loop3A_456 = vector.broadcast %parallel_loop3A_434 : i32 to vector<16xi32>
        %parallel_loop3A_457 = arith.addi %parallel_loop3A_455, %parallel_loop3A_456 : vector<16xi32>
        tpu.vector_store_idx %arg7[%parallel_loop3A_451], %parallel_loop3A_457 masked %parallel_loop3A_443 : memref<512xi32, #tpu.memory_space<vmem>>[vector<16xi32>], vector<16xi32>, vector<16xi1>
      } else {
      }
      %parallel_loop3A_382 = vector.extract_strided_slice %parallel_loop3A_312 {offsets = [9], sizes = [1], strides = [1]} : vector<16xi32> to vector<1xi32>
      %parallel_loop3A_383 = vector.extract %parallel_loop3A_382[0] : i32 from vector<1xi32>
      %parallel_loop3A_384 = arith.constant 0 : i32
      %parallel_loop3A_385 = arith.cmpi ne, %parallel_loop3A_383, %parallel_loop3A_384 : i32
      %parallel_loop3A_386 = arith.extui %parallel_loop3A_385 : i1 to i32
      %parallel_loop3A_387 = arith.constant 0 : i32
      %parallel_loop3A_388 = arith.cmpi ne, %parallel_loop3A_386, %parallel_loop3A_387 : i32
      scf.if %parallel_loop3A_388 {
        %parallel_loop3A_431 = arith.constant 16 : i32
        %parallel_loop3A_432 = arith.muli %parallel_loop3A_308, %parallel_loop3A_431 : i32
        %parallel_loop3A_433 = arith.constant 9 : i32
        %parallel_loop3A_434 = arith.addi %parallel_loop3A_432, %parallel_loop3A_433 : i32
        %parallel_loop3A_435 = tpu.iota {dimensions = array<i32: 0>} : vector<16xi32>
        %parallel_loop3A_436 = vector.broadcast %parallel_loop3A_383 : i32 to vector<16xi32>
        %parallel_loop3A_437 = arith.shrsi %parallel_loop3A_436, %parallel_loop3A_435 : vector<16xi32>
        %parallel_loop3A_438 = arith.constant 1 : i32
        %parallel_loop3A_439 = vector.broadcast %parallel_loop3A_438 : i32 to vector<16xi32>
        %parallel_loop3A_440 = arith.andi %parallel_loop3A_437, %parallel_loop3A_439 : vector<16xi32>
        %parallel_loop3A_441 = arith.constant 0 : i32
        %parallel_loop3A_442 = vector.broadcast %parallel_loop3A_441 : i32 to vector<16xi32>
        %parallel_loop3A_443 = arith.cmpi sgt, %parallel_loop3A_440, %parallel_loop3A_442 : vector<16xi32>
        %parallel_loop3A_444 = vector.extract_strided_slice %parallel_loop3A_318 {offsets = [9], sizes = [1], strides = [1]} : vector<16xi32> to vector<1xi32>
        %parallel_loop3A_445 = vector.extract %parallel_loop3A_444[0] : i32 from vector<1xi32>
        %parallel_loop3A_446 = arith.constant true
        %parallel_loop3A_447 = vector.broadcast %parallel_loop3A_446 : i1 to vector<16xi1>
        %parallel_loop3A_448 = tpu.scan <sum>, %parallel_loop3A_440 masked %parallel_loop3A_447 : vector<16xi32>, vector<16xi1> -> vector<16xi32>
        %parallel_loop3A_449 = vector.broadcast %parallel_loop3A_445 : i32 to vector<16xi32>
        %parallel_loop3A_450 = arith.addi %parallel_loop3A_449, %parallel_loop3A_448 : vector<16xi32>
        %parallel_loop3A_451 = arith.subi %parallel_loop3A_450, %parallel_loop3A_440 : vector<16xi32>
        %parallel_loop3A_452 = tpu.iota {dimensions = array<i32: 0>} : vector<16xi32>
        %parallel_loop3A_453 = arith.constant 512 : i32
        %parallel_loop3A_454 = vector.broadcast %parallel_loop3A_453 : i32 to vector<16xi32>
        %parallel_loop3A_455 = arith.muli %parallel_loop3A_452, %parallel_loop3A_454 : vector<16xi32>
        %parallel_loop3A_456 = vector.broadcast %parallel_loop3A_434 : i32 to vector<16xi32>
        %parallel_loop3A_457 = arith.addi %parallel_loop3A_455, %parallel_loop3A_456 : vector<16xi32>
        tpu.vector_store_idx %arg7[%parallel_loop3A_451], %parallel_loop3A_457 masked %parallel_loop3A_443 : memref<512xi32, #tpu.memory_space<vmem>>[vector<16xi32>], vector<16xi32>, vector<16xi1>
      } else {
      }
      %parallel_loop3A_389 = vector.extract_strided_slice %parallel_loop3A_312 {offsets = [10], sizes = [1], strides = [1]} : vector<16xi32> to vector<1xi32>
      %parallel_loop3A_390 = vector.extract %parallel_loop3A_389[0] : i32 from vector<1xi32>
      %parallel_loop3A_391 = arith.constant 0 : i32
      %parallel_loop3A_392 = arith.cmpi ne, %parallel_loop3A_390, %parallel_loop3A_391 : i32
      %parallel_loop3A_393 = arith.extui %parallel_loop3A_392 : i1 to i32
      %parallel_loop3A_394 = arith.constant 0 : i32
      %parallel_loop3A_395 = arith.cmpi ne, %parallel_loop3A_393, %parallel_loop3A_394 : i32
      scf.if %parallel_loop3A_395 {
        %parallel_loop3A_431 = arith.constant 16 : i32
        %parallel_loop3A_432 = arith.muli %parallel_loop3A_308, %parallel_loop3A_431 : i32
        %parallel_loop3A_433 = arith.constant 10 : i32
        %parallel_loop3A_434 = arith.addi %parallel_loop3A_432, %parallel_loop3A_433 : i32
        %parallel_loop3A_435 = tpu.iota {dimensions = array<i32: 0>} : vector<16xi32>
        %parallel_loop3A_436 = vector.broadcast %parallel_loop3A_390 : i32 to vector<16xi32>
        %parallel_loop3A_437 = arith.shrsi %parallel_loop3A_436, %parallel_loop3A_435 : vector<16xi32>
        %parallel_loop3A_438 = arith.constant 1 : i32
        %parallel_loop3A_439 = vector.broadcast %parallel_loop3A_438 : i32 to vector<16xi32>
        %parallel_loop3A_440 = arith.andi %parallel_loop3A_437, %parallel_loop3A_439 : vector<16xi32>
        %parallel_loop3A_441 = arith.constant 0 : i32
        %parallel_loop3A_442 = vector.broadcast %parallel_loop3A_441 : i32 to vector<16xi32>
        %parallel_loop3A_443 = arith.cmpi sgt, %parallel_loop3A_440, %parallel_loop3A_442 : vector<16xi32>
        %parallel_loop3A_444 = vector.extract_strided_slice %parallel_loop3A_318 {offsets = [10], sizes = [1], strides = [1]} : vector<16xi32> to vector<1xi32>
        %parallel_loop3A_445 = vector.extract %parallel_loop3A_444[0] : i32 from vector<1xi32>
        %parallel_loop3A_446 = arith.constant true
        %parallel_loop3A_447 = vector.broadcast %parallel_loop3A_446 : i1 to vector<16xi1>
        %parallel_loop3A_448 = tpu.scan <sum>, %parallel_loop3A_440 masked %parallel_loop3A_447 : vector<16xi32>, vector<16xi1> -> vector<16xi32>
        %parallel_loop3A_449 = vector.broadcast %parallel_loop3A_445 : i32 to vector<16xi32>
        %parallel_loop3A_450 = arith.addi %parallel_loop3A_449, %parallel_loop3A_448 : vector<16xi32>
        %parallel_loop3A_451 = arith.subi %parallel_loop3A_450, %parallel_loop3A_440 : vector<16xi32>
        %parallel_loop3A_452 = tpu.iota {dimensions = array<i32: 0>} : vector<16xi32>
        %parallel_loop3A_453 = arith.constant 512 : i32
        %parallel_loop3A_454 = vector.broadcast %parallel_loop3A_453 : i32 to vector<16xi32>
        %parallel_loop3A_455 = arith.muli %parallel_loop3A_452, %parallel_loop3A_454 : vector<16xi32>
        %parallel_loop3A_456 = vector.broadcast %parallel_loop3A_434 : i32 to vector<16xi32>
        %parallel_loop3A_457 = arith.addi %parallel_loop3A_455, %parallel_loop3A_456 : vector<16xi32>
        tpu.vector_store_idx %arg7[%parallel_loop3A_451], %parallel_loop3A_457 masked %parallel_loop3A_443 : memref<512xi32, #tpu.memory_space<vmem>>[vector<16xi32>], vector<16xi32>, vector<16xi1>
      } else {
      }
      %parallel_loop3A_396 = vector.extract_strided_slice %parallel_loop3A_312 {offsets = [11], sizes = [1], strides = [1]} : vector<16xi32> to vector<1xi32>
      %parallel_loop3A_397 = vector.extract %parallel_loop3A_396[0] : i32 from vector<1xi32>
      %parallel_loop3A_398 = arith.constant 0 : i32
      %parallel_loop3A_399 = arith.cmpi ne, %parallel_loop3A_397, %parallel_loop3A_398 : i32
      %parallel_loop3A_400 = arith.extui %parallel_loop3A_399 : i1 to i32
      %parallel_loop3A_401 = arith.constant 0 : i32
      %parallel_loop3A_402 = arith.cmpi ne, %parallel_loop3A_400, %parallel_loop3A_401 : i32
      scf.if %parallel_loop3A_402 {
        %parallel_loop3A_431 = arith.constant 16 : i32
        %parallel_loop3A_432 = arith.muli %parallel_loop3A_308, %parallel_loop3A_431 : i32
        %parallel_loop3A_433 = arith.constant 11 : i32
        %parallel_loop3A_434 = arith.addi %parallel_loop3A_432, %parallel_loop3A_433 : i32
        %parallel_loop3A_435 = tpu.iota {dimensions = array<i32: 0>} : vector<16xi32>
        %parallel_loop3A_436 = vector.broadcast %parallel_loop3A_397 : i32 to vector<16xi32>
        %parallel_loop3A_437 = arith.shrsi %parallel_loop3A_436, %parallel_loop3A_435 : vector<16xi32>
        %parallel_loop3A_438 = arith.constant 1 : i32
        %parallel_loop3A_439 = vector.broadcast %parallel_loop3A_438 : i32 to vector<16xi32>
        %parallel_loop3A_440 = arith.andi %parallel_loop3A_437, %parallel_loop3A_439 : vector<16xi32>
        %parallel_loop3A_441 = arith.constant 0 : i32
        %parallel_loop3A_442 = vector.broadcast %parallel_loop3A_441 : i32 to vector<16xi32>
        %parallel_loop3A_443 = arith.cmpi sgt, %parallel_loop3A_440, %parallel_loop3A_442 : vector<16xi32>
        %parallel_loop3A_444 = vector.extract_strided_slice %parallel_loop3A_318 {offsets = [11], sizes = [1], strides = [1]} : vector<16xi32> to vector<1xi32>
        %parallel_loop3A_445 = vector.extract %parallel_loop3A_444[0] : i32 from vector<1xi32>
        %parallel_loop3A_446 = arith.constant true
        %parallel_loop3A_447 = vector.broadcast %parallel_loop3A_446 : i1 to vector<16xi1>
        %parallel_loop3A_448 = tpu.scan <sum>, %parallel_loop3A_440 masked %parallel_loop3A_447 : vector<16xi32>, vector<16xi1> -> vector<16xi32>
        %parallel_loop3A_449 = vector.broadcast %parallel_loop3A_445 : i32 to vector<16xi32>
        %parallel_loop3A_450 = arith.addi %parallel_loop3A_449, %parallel_loop3A_448 : vector<16xi32>
        %parallel_loop3A_451 = arith.subi %parallel_loop3A_450, %parallel_loop3A_440 : vector<16xi32>
        %parallel_loop3A_452 = tpu.iota {dimensions = array<i32: 0>} : vector<16xi32>
        %parallel_loop3A_453 = arith.constant 512 : i32
        %parallel_loop3A_454 = vector.broadcast %parallel_loop3A_453 : i32 to vector<16xi32>
        %parallel_loop3A_455 = arith.muli %parallel_loop3A_452, %parallel_loop3A_454 : vector<16xi32>
        %parallel_loop3A_456 = vector.broadcast %parallel_loop3A_434 : i32 to vector<16xi32>
        %parallel_loop3A_457 = arith.addi %parallel_loop3A_455, %parallel_loop3A_456 : vector<16xi32>
        tpu.vector_store_idx %arg7[%parallel_loop3A_451], %parallel_loop3A_457 masked %parallel_loop3A_443 : memref<512xi32, #tpu.memory_space<vmem>>[vector<16xi32>], vector<16xi32>, vector<16xi1>
      } else {
      }
      %parallel_loop3A_403 = vector.extract_strided_slice %parallel_loop3A_312 {offsets = [12], sizes = [1], strides = [1]} : vector<16xi32> to vector<1xi32>
      %parallel_loop3A_404 = vector.extract %parallel_loop3A_403[0] : i32 from vector<1xi32>
      %parallel_loop3A_405 = arith.constant 0 : i32
      %parallel_loop3A_406 = arith.cmpi ne, %parallel_loop3A_404, %parallel_loop3A_405 : i32
      %parallel_loop3A_407 = arith.extui %parallel_loop3A_406 : i1 to i32
      %parallel_loop3A_408 = arith.constant 0 : i32
      %parallel_loop3A_409 = arith.cmpi ne, %parallel_loop3A_407, %parallel_loop3A_408 : i32
      scf.if %parallel_loop3A_409 {
        %parallel_loop3A_431 = arith.constant 16 : i32
        %parallel_loop3A_432 = arith.muli %parallel_loop3A_308, %parallel_loop3A_431 : i32
        %parallel_loop3A_433 = arith.constant 12 : i32
        %parallel_loop3A_434 = arith.addi %parallel_loop3A_432, %parallel_loop3A_433 : i32
        %parallel_loop3A_435 = tpu.iota {dimensions = array<i32: 0>} : vector<16xi32>
        %parallel_loop3A_436 = vector.broadcast %parallel_loop3A_404 : i32 to vector<16xi32>
        %parallel_loop3A_437 = arith.shrsi %parallel_loop3A_436, %parallel_loop3A_435 : vector<16xi32>
        %parallel_loop3A_438 = arith.constant 1 : i32
        %parallel_loop3A_439 = vector.broadcast %parallel_loop3A_438 : i32 to vector<16xi32>
        %parallel_loop3A_440 = arith.andi %parallel_loop3A_437, %parallel_loop3A_439 : vector<16xi32>
        %parallel_loop3A_441 = arith.constant 0 : i32
        %parallel_loop3A_442 = vector.broadcast %parallel_loop3A_441 : i32 to vector<16xi32>
        %parallel_loop3A_443 = arith.cmpi sgt, %parallel_loop3A_440, %parallel_loop3A_442 : vector<16xi32>
        %parallel_loop3A_444 = vector.extract_strided_slice %parallel_loop3A_318 {offsets = [12], sizes = [1], strides = [1]} : vector<16xi32> to vector<1xi32>
        %parallel_loop3A_445 = vector.extract %parallel_loop3A_444[0] : i32 from vector<1xi32>
        %parallel_loop3A_446 = arith.constant true
        %parallel_loop3A_447 = vector.broadcast %parallel_loop3A_446 : i1 to vector<16xi1>
        %parallel_loop3A_448 = tpu.scan <sum>, %parallel_loop3A_440 masked %parallel_loop3A_447 : vector<16xi32>, vector<16xi1> -> vector<16xi32>
        %parallel_loop3A_449 = vector.broadcast %parallel_loop3A_445 : i32 to vector<16xi32>
        %parallel_loop3A_450 = arith.addi %parallel_loop3A_449, %parallel_loop3A_448 : vector<16xi32>
        %parallel_loop3A_451 = arith.subi %parallel_loop3A_450, %parallel_loop3A_440 : vector<16xi32>
        %parallel_loop3A_452 = tpu.iota {dimensions = array<i32: 0>} : vector<16xi32>
        %parallel_loop3A_453 = arith.constant 512 : i32
        %parallel_loop3A_454 = vector.broadcast %parallel_loop3A_453 : i32 to vector<16xi32>
        %parallel_loop3A_455 = arith.muli %parallel_loop3A_452, %parallel_loop3A_454 : vector<16xi32>
        %parallel_loop3A_456 = vector.broadcast %parallel_loop3A_434 : i32 to vector<16xi32>
        %parallel_loop3A_457 = arith.addi %parallel_loop3A_455, %parallel_loop3A_456 : vector<16xi32>
        tpu.vector_store_idx %arg7[%parallel_loop3A_451], %parallel_loop3A_457 masked %parallel_loop3A_443 : memref<512xi32, #tpu.memory_space<vmem>>[vector<16xi32>], vector<16xi32>, vector<16xi1>
      } else {
      }
      %parallel_loop3A_410 = vector.extract_strided_slice %parallel_loop3A_312 {offsets = [13], sizes = [1], strides = [1]} : vector<16xi32> to vector<1xi32>
      %parallel_loop3A_411 = vector.extract %parallel_loop3A_410[0] : i32 from vector<1xi32>
      %parallel_loop3A_412 = arith.constant 0 : i32
      %parallel_loop3A_413 = arith.cmpi ne, %parallel_loop3A_411, %parallel_loop3A_412 : i32
      %parallel_loop3A_414 = arith.extui %parallel_loop3A_413 : i1 to i32
      %parallel_loop3A_415 = arith.constant 0 : i32
      %parallel_loop3A_416 = arith.cmpi ne, %parallel_loop3A_414, %parallel_loop3A_415 : i32
      scf.if %parallel_loop3A_416 {
        %parallel_loop3A_431 = arith.constant 16 : i32
        %parallel_loop3A_432 = arith.muli %parallel_loop3A_308, %parallel_loop3A_431 : i32
        %parallel_loop3A_433 = arith.constant 13 : i32
        %parallel_loop3A_434 = arith.addi %parallel_loop3A_432, %parallel_loop3A_433 : i32
        %parallel_loop3A_435 = tpu.iota {dimensions = array<i32: 0>} : vector<16xi32>
        %parallel_loop3A_436 = vector.broadcast %parallel_loop3A_411 : i32 to vector<16xi32>
        %parallel_loop3A_437 = arith.shrsi %parallel_loop3A_436, %parallel_loop3A_435 : vector<16xi32>
        %parallel_loop3A_438 = arith.constant 1 : i32
        %parallel_loop3A_439 = vector.broadcast %parallel_loop3A_438 : i32 to vector<16xi32>
        %parallel_loop3A_440 = arith.andi %parallel_loop3A_437, %parallel_loop3A_439 : vector<16xi32>
        %parallel_loop3A_441 = arith.constant 0 : i32
        %parallel_loop3A_442 = vector.broadcast %parallel_loop3A_441 : i32 to vector<16xi32>
        %parallel_loop3A_443 = arith.cmpi sgt, %parallel_loop3A_440, %parallel_loop3A_442 : vector<16xi32>
        %parallel_loop3A_444 = vector.extract_strided_slice %parallel_loop3A_318 {offsets = [13], sizes = [1], strides = [1]} : vector<16xi32> to vector<1xi32>
        %parallel_loop3A_445 = vector.extract %parallel_loop3A_444[0] : i32 from vector<1xi32>
        %parallel_loop3A_446 = arith.constant true
        %parallel_loop3A_447 = vector.broadcast %parallel_loop3A_446 : i1 to vector<16xi1>
        %parallel_loop3A_448 = tpu.scan <sum>, %parallel_loop3A_440 masked %parallel_loop3A_447 : vector<16xi32>, vector<16xi1> -> vector<16xi32>
        %parallel_loop3A_449 = vector.broadcast %parallel_loop3A_445 : i32 to vector<16xi32>
        %parallel_loop3A_450 = arith.addi %parallel_loop3A_449, %parallel_loop3A_448 : vector<16xi32>
        %parallel_loop3A_451 = arith.subi %parallel_loop3A_450, %parallel_loop3A_440 : vector<16xi32>
        %parallel_loop3A_452 = tpu.iota {dimensions = array<i32: 0>} : vector<16xi32>
        %parallel_loop3A_453 = arith.constant 512 : i32
        %parallel_loop3A_454 = vector.broadcast %parallel_loop3A_453 : i32 to vector<16xi32>
        %parallel_loop3A_455 = arith.muli %parallel_loop3A_452, %parallel_loop3A_454 : vector<16xi32>
        %parallel_loop3A_456 = vector.broadcast %parallel_loop3A_434 : i32 to vector<16xi32>
        %parallel_loop3A_457 = arith.addi %parallel_loop3A_455, %parallel_loop3A_456 : vector<16xi32>
        tpu.vector_store_idx %arg7[%parallel_loop3A_451], %parallel_loop3A_457 masked %parallel_loop3A_443 : memref<512xi32, #tpu.memory_space<vmem>>[vector<16xi32>], vector<16xi32>, vector<16xi1>
      } else {
      }
      %parallel_loop3A_417 = vector.extract_strided_slice %parallel_loop3A_312 {offsets = [14], sizes = [1], strides = [1]} : vector<16xi32> to vector<1xi32>
      %parallel_loop3A_418 = vector.extract %parallel_loop3A_417[0] : i32 from vector<1xi32>
      %parallel_loop3A_419 = arith.constant 0 : i32
      %parallel_loop3A_420 = arith.cmpi ne, %parallel_loop3A_418, %parallel_loop3A_419 : i32
      %parallel_loop3A_421 = arith.extui %parallel_loop3A_420 : i1 to i32
      %parallel_loop3A_422 = arith.constant 0 : i32
      %parallel_loop3A_423 = arith.cmpi ne, %parallel_loop3A_421, %parallel_loop3A_422 : i32
      scf.if %parallel_loop3A_423 {
        %parallel_loop3A_431 = arith.constant 16 : i32
        %parallel_loop3A_432 = arith.muli %parallel_loop3A_308, %parallel_loop3A_431 : i32
        %parallel_loop3A_433 = arith.constant 14 : i32
        %parallel_loop3A_434 = arith.addi %parallel_loop3A_432, %parallel_loop3A_433 : i32
        %parallel_loop3A_435 = tpu.iota {dimensions = array<i32: 0>} : vector<16xi32>
        %parallel_loop3A_436 = vector.broadcast %parallel_loop3A_418 : i32 to vector<16xi32>
        %parallel_loop3A_437 = arith.shrsi %parallel_loop3A_436, %parallel_loop3A_435 : vector<16xi32>
        %parallel_loop3A_438 = arith.constant 1 : i32
        %parallel_loop3A_439 = vector.broadcast %parallel_loop3A_438 : i32 to vector<16xi32>
        %parallel_loop3A_440 = arith.andi %parallel_loop3A_437, %parallel_loop3A_439 : vector<16xi32>
        %parallel_loop3A_441 = arith.constant 0 : i32
        %parallel_loop3A_442 = vector.broadcast %parallel_loop3A_441 : i32 to vector<16xi32>
        %parallel_loop3A_443 = arith.cmpi sgt, %parallel_loop3A_440, %parallel_loop3A_442 : vector<16xi32>
        %parallel_loop3A_444 = vector.extract_strided_slice %parallel_loop3A_318 {offsets = [14], sizes = [1], strides = [1]} : vector<16xi32> to vector<1xi32>
        %parallel_loop3A_445 = vector.extract %parallel_loop3A_444[0] : i32 from vector<1xi32>
        %parallel_loop3A_446 = arith.constant true
        %parallel_loop3A_447 = vector.broadcast %parallel_loop3A_446 : i1 to vector<16xi1>
        %parallel_loop3A_448 = tpu.scan <sum>, %parallel_loop3A_440 masked %parallel_loop3A_447 : vector<16xi32>, vector<16xi1> -> vector<16xi32>
        %parallel_loop3A_449 = vector.broadcast %parallel_loop3A_445 : i32 to vector<16xi32>
        %parallel_loop3A_450 = arith.addi %parallel_loop3A_449, %parallel_loop3A_448 : vector<16xi32>
        %parallel_loop3A_451 = arith.subi %parallel_loop3A_450, %parallel_loop3A_440 : vector<16xi32>
        %parallel_loop3A_452 = tpu.iota {dimensions = array<i32: 0>} : vector<16xi32>
        %parallel_loop3A_453 = arith.constant 512 : i32
        %parallel_loop3A_454 = vector.broadcast %parallel_loop3A_453 : i32 to vector<16xi32>
        %parallel_loop3A_455 = arith.muli %parallel_loop3A_452, %parallel_loop3A_454 : vector<16xi32>
        %parallel_loop3A_456 = vector.broadcast %parallel_loop3A_434 : i32 to vector<16xi32>
        %parallel_loop3A_457 = arith.addi %parallel_loop3A_455, %parallel_loop3A_456 : vector<16xi32>
        tpu.vector_store_idx %arg7[%parallel_loop3A_451], %parallel_loop3A_457 masked %parallel_loop3A_443 : memref<512xi32, #tpu.memory_space<vmem>>[vector<16xi32>], vector<16xi32>, vector<16xi1>
      } else {
      }
      %parallel_loop3A_424 = vector.extract_strided_slice %parallel_loop3A_312 {offsets = [15], sizes = [1], strides = [1]} : vector<16xi32> to vector<1xi32>
      %parallel_loop3A_425 = vector.extract %parallel_loop3A_424[0] : i32 from vector<1xi32>
      %parallel_loop3A_426 = arith.constant 0 : i32
      %parallel_loop3A_427 = arith.cmpi ne, %parallel_loop3A_425, %parallel_loop3A_426 : i32
      %parallel_loop3A_428 = arith.extui %parallel_loop3A_427 : i1 to i32
      %parallel_loop3A_429 = arith.constant 0 : i32
      %parallel_loop3A_430 = arith.cmpi ne, %parallel_loop3A_428, %parallel_loop3A_429 : i32
      scf.if %parallel_loop3A_430 {
        %parallel_loop3A_431 = arith.constant 16 : i32
        %parallel_loop3A_432 = arith.muli %parallel_loop3A_308, %parallel_loop3A_431 : i32
        %parallel_loop3A_433 = arith.constant 15 : i32
        %parallel_loop3A_434 = arith.addi %parallel_loop3A_432, %parallel_loop3A_433 : i32
        %parallel_loop3A_435 = tpu.iota {dimensions = array<i32: 0>} : vector<16xi32>
        %parallel_loop3A_436 = vector.broadcast %parallel_loop3A_425 : i32 to vector<16xi32>
        %parallel_loop3A_437 = arith.shrsi %parallel_loop3A_436, %parallel_loop3A_435 : vector<16xi32>
        %parallel_loop3A_438 = arith.constant 1 : i32
        %parallel_loop3A_439 = vector.broadcast %parallel_loop3A_438 : i32 to vector<16xi32>
        %parallel_loop3A_440 = arith.andi %parallel_loop3A_437, %parallel_loop3A_439 : vector<16xi32>
        %parallel_loop3A_441 = arith.constant 0 : i32
        %parallel_loop3A_442 = vector.broadcast %parallel_loop3A_441 : i32 to vector<16xi32>
        %parallel_loop3A_443 = arith.cmpi sgt, %parallel_loop3A_440, %parallel_loop3A_442 : vector<16xi32>
        %parallel_loop3A_444 = vector.extract_strided_slice %parallel_loop3A_318 {offsets = [15], sizes = [1], strides = [1]} : vector<16xi32> to vector<1xi32>
        %parallel_loop3A_445 = vector.extract %parallel_loop3A_444[0] : i32 from vector<1xi32>
        %parallel_loop3A_446 = arith.constant true
        %parallel_loop3A_447 = vector.broadcast %parallel_loop3A_446 : i1 to vector<16xi1>
        %parallel_loop3A_448 = tpu.scan <sum>, %parallel_loop3A_440 masked %parallel_loop3A_447 : vector<16xi32>, vector<16xi1> -> vector<16xi32>
        %parallel_loop3A_449 = vector.broadcast %parallel_loop3A_445 : i32 to vector<16xi32>
        %parallel_loop3A_450 = arith.addi %parallel_loop3A_449, %parallel_loop3A_448 : vector<16xi32>
        %parallel_loop3A_451 = arith.subi %parallel_loop3A_450, %parallel_loop3A_440 : vector<16xi32>
        %parallel_loop3A_452 = tpu.iota {dimensions = array<i32: 0>} : vector<16xi32>
        %parallel_loop3A_453 = arith.constant 512 : i32
        %parallel_loop3A_454 = vector.broadcast %parallel_loop3A_453 : i32 to vector<16xi32>
        %parallel_loop3A_455 = arith.muli %parallel_loop3A_452, %parallel_loop3A_454 : vector<16xi32>
        %parallel_loop3A_456 = vector.broadcast %parallel_loop3A_434 : i32 to vector<16xi32>
        %parallel_loop3A_457 = arith.addi %parallel_loop3A_455, %parallel_loop3A_456 : vector<16xi32>
        tpu.vector_store_idx %arg7[%parallel_loop3A_451], %parallel_loop3A_457 masked %parallel_loop3A_443 : memref<512xi32, #tpu.memory_space<vmem>>[vector<16xi32>], vector<16xi32>, vector<16xi1>
      } else {
      }
    } {sc.loop_unroll_factor = 4 : i64, sc.parallel_access}
    %add3A_25 = arith.constant 0 : i32
    %add3A_26 = arith.addi %mul3A_2, %add3A_25 : i32
    %mul3A_27 = arith.constant 8192 : i32
    %mul3A_28 = arith.muli %add3A_26, %mul3A_27 : i32
    %get3A = arith.constant 0 : index
    %get3A_29 = tpu.vector_load %arg7[%get3A] {strides = array<i32>} : memref<512xi32, #tpu.memory_space<vmem>>, vector<16xi32>,
    %add3A_30 = vector.broadcast %mul3A_28 : i32 to vector<16xi32>
    %add3A_31 = arith.addi %get3A_29, %add3A_30 : vector<16xi32>
    %swap3A = arith.constant 0 : index
    %swap3A_32 = tpu.vector_load %arg9[%swap3A] {strides = array<i32>} : memref<256xi32, #tpu.memory_space<vmem>>, vector<16xi32>,
    tpu.vector_store %arg9[%swap3A], %add3A_31 {strides = array<i32>} : memref<256xi32, #tpu.memory_space<vmem>>, vector<16xi32>,
    %get3A_33 = arith.constant 16 : index
    %get3A_34 = tpu.vector_load %arg7[%get3A_33] {strides = array<i32>} : memref<512xi32, #tpu.memory_space<vmem>>, vector<16xi32>,
    %add3A_35 = vector.broadcast %mul3A_28 : i32 to vector<16xi32>
    %add3A_36 = arith.addi %get3A_34, %add3A_35 : vector<16xi32>
    %swap3A_37 = arith.constant 16 : index
    %swap3A_38 = tpu.vector_load %arg9[%swap3A_37] {strides = array<i32>} : memref<256xi32, #tpu.memory_space<vmem>>, vector<16xi32>,
    tpu.vector_store %arg9[%swap3A_37], %add3A_36 {strides = array<i32>} : memref<256xi32, #tpu.memory_space<vmem>>, vector<16xi32>,
    %get3A_39 = arith.constant 32 : index
    %get3A_40 = tpu.vector_load %arg7[%get3A_39] {strides = array<i32>} : memref<512xi32, #tpu.memory_space<vmem>>, vector<16xi32>,
    %add3A_41 = vector.broadcast %mul3A_28 : i32 to vector<16xi32>
    %add3A_42 = arith.addi %get3A_40, %add3A_41 : vector<16xi32>
    %swap3A_43 = arith.constant 32 : index
    %swap3A_44 = tpu.vector_load %arg9[%swap3A_43] {strides = array<i32>} : memref<256xi32, #tpu.memory_space<vmem>>, vector<16xi32>,
    tpu.vector_store %arg9[%swap3A_43], %add3A_42 {strides = array<i32>} : memref<256xi32, #tpu.memory_space<vmem>>, vector<16xi32>,
    %get3A_45 = arith.constant 48 : index
    %get3A_46 = tpu.vector_load %arg7[%get3A_45] {strides = array<i32>} : memref<512xi32, #tpu.memory_space<vmem>>, vector<16xi32>,
    %add3A_47 = vector.broadcast %mul3A_28 : i32 to vector<16xi32>
    %add3A_48 = arith.addi %get3A_46, %add3A_47 : vector<16xi32>
    %swap3A_49 = arith.constant 48 : index
    %swap3A_50 = tpu.vector_load %arg9[%swap3A_49] {strides = array<i32>} : memref<256xi32, #tpu.memory_space<vmem>>, vector<16xi32>,
    tpu.vector_store %arg9[%swap3A_49], %add3A_48 {strides = array<i32>} : memref<256xi32, #tpu.memory_space<vmem>>, vector<16xi32>,
    %get3A_51 = arith.constant 64 : index
    %get3A_52 = tpu.vector_load %arg7[%get3A_51] {strides = array<i32>} : memref<512xi32, #tpu.memory_space<vmem>>, vector<16xi32>,
    %add3A_53 = vector.broadcast %mul3A_28 : i32 to vector<16xi32>
    %add3A_54 = arith.addi %get3A_52, %add3A_53 : vector<16xi32>
    %swap3A_55 = arith.constant 64 : index
    %swap3A_56 = tpu.vector_load %arg9[%swap3A_55] {strides = array<i32>} : memref<256xi32, #tpu.memory_space<vmem>>, vector<16xi32>,
    tpu.vector_store %arg9[%swap3A_55], %add3A_54 {strides = array<i32>} : memref<256xi32, #tpu.memory_space<vmem>>, vector<16xi32>,
    %get3A_57 = arith.constant 80 : index
    %get3A_58 = tpu.vector_load %arg7[%get3A_57] {strides = array<i32>} : memref<512xi32, #tpu.memory_space<vmem>>, vector<16xi32>,
    %add3A_59 = vector.broadcast %mul3A_28 : i32 to vector<16xi32>
    %add3A_60 = arith.addi %get3A_58, %add3A_59 : vector<16xi32>
    %swap3A_61 = arith.constant 80 : index
    %swap3A_62 = tpu.vector_load %arg9[%swap3A_61] {strides = array<i32>} : memref<256xi32, #tpu.memory_space<vmem>>, vector<16xi32>,
    tpu.vector_store %arg9[%swap3A_61], %add3A_60 {strides = array<i32>} : memref<256xi32, #tpu.memory_space<vmem>>, vector<16xi32>,
    %get3A_63 = arith.constant 96 : index
    %get3A_64 = tpu.vector_load %arg7[%get3A_63] {strides = array<i32>} : memref<512xi32, #tpu.memory_space<vmem>>, vector<16xi32>,
    %add3A_65 = vector.broadcast %mul3A_28 : i32 to vector<16xi32>
    %add3A_66 = arith.addi %get3A_64, %add3A_65 : vector<16xi32>
    %swap3A_67 = arith.constant 96 : index
    %swap3A_68 = tpu.vector_load %arg9[%swap3A_67] {strides = array<i32>} : memref<256xi32, #tpu.memory_space<vmem>>, vector<16xi32>,
    tpu.vector_store %arg9[%swap3A_67], %add3A_66 {strides = array<i32>} : memref<256xi32, #tpu.memory_space<vmem>>, vector<16xi32>,
    %get3A_69 = arith.constant 112 : index
    %get3A_70 = tpu.vector_load %arg7[%get3A_69] {strides = array<i32>} : memref<512xi32, #tpu.memory_space<vmem>>, vector<16xi32>,
    %add3A_71 = vector.broadcast %mul3A_28 : i32 to vector<16xi32>
    %add3A_72 = arith.addi %get3A_70, %add3A_71 : vector<16xi32>
    %swap3A_73 = arith.constant 112 : index
    %swap3A_74 = tpu.vector_load %arg9[%swap3A_73] {strides = array<i32>} : memref<256xi32, #tpu.memory_space<vmem>>, vector<16xi32>,
    tpu.vector_store %arg9[%swap3A_73], %add3A_72 {strides = array<i32>} : memref<256xi32, #tpu.memory_space<vmem>>, vector<16xi32>,
    %get3A_75 = arith.constant 128 : index
    %get3A_76 = tpu.vector_load %arg7[%get3A_75] {strides = array<i32>} : memref<512xi32, #tpu.memory_space<vmem>>, vector<16xi32>,
    %add3A_77 = vector.broadcast %mul3A_28 : i32 to vector<16xi32>
    %add3A_78 = arith.addi %get3A_76, %add3A_77 : vector<16xi32>
    %swap3A_79 = arith.constant 128 : index
    %swap3A_80 = tpu.vector_load %arg9[%swap3A_79] {strides = array<i32>} : memref<256xi32, #tpu.memory_space<vmem>>, vector<16xi32>,
    tpu.vector_store %arg9[%swap3A_79], %add3A_78 {strides = array<i32>} : memref<256xi32, #tpu.memory_space<vmem>>, vector<16xi32>,
    %get3A_81 = arith.constant 144 : index
    %get3A_82 = tpu.vector_load %arg7[%get3A_81] {strides = array<i32>} : memref<512xi32, #tpu.memory_space<vmem>>, vector<16xi32>,
    %add3A_83 = vector.broadcast %mul3A_28 : i32 to vector<16xi32>
    %add3A_84 = arith.addi %get3A_82, %add3A_83 : vector<16xi32>
    %swap3A_85 = arith.constant 144 : index
    %swap3A_86 = tpu.vector_load %arg9[%swap3A_85] {strides = array<i32>} : memref<256xi32, #tpu.memory_space<vmem>>, vector<16xi32>,
    tpu.vector_store %arg9[%swap3A_85], %add3A_84 {strides = array<i32>} : memref<256xi32, #tpu.memory_space<vmem>>, vector<16xi32>,
    %get3A_87 = arith.constant 160 : index
    %get3A_88 = tpu.vector_load %arg7[%get3A_87] {strides = array<i32>} : memref<512xi32, #tpu.memory_space<vmem>>, vector<16xi32>,
    %add3A_89 = vector.broadcast %mul3A_28 : i32 to vector<16xi32>
    %add3A_90 = arith.addi %get3A_88, %add3A_89 : vector<16xi32>
    %swap3A_91 = arith.constant 160 : index
    %swap3A_92 = tpu.vector_load %arg9[%swap3A_91] {strides = array<i32>} : memref<256xi32, #tpu.memory_space<vmem>>, vector<16xi32>,
    tpu.vector_store %arg9[%swap3A_91], %add3A_90 {strides = array<i32>} : memref<256xi32, #tpu.memory_space<vmem>>, vector<16xi32>,
    %get3A_93 = arith.constant 176 : index
    %get3A_94 = tpu.vector_load %arg7[%get3A_93] {strides = array<i32>} : memref<512xi32, #tpu.memory_space<vmem>>, vector<16xi32>,
    %add3A_95 = vector.broadcast %mul3A_28 : i32 to vector<16xi32>
    %add3A_96 = arith.addi %get3A_94, %add3A_95 : vector<16xi32>
    %swap3A_97 = arith.constant 176 : index
    %swap3A_98 = tpu.vector_load %arg9[%swap3A_97] {strides = array<i32>} : memref<256xi32, #tpu.memory_space<vmem>>, vector<16xi32>,
    tpu.vector_store %arg9[%swap3A_97], %add3A_96 {strides = array<i32>} : memref<256xi32, #tpu.memory_space<vmem>>, vector<16xi32>,
    %get3A_99 = arith.constant 192 : index
    %get3A_100 = tpu.vector_load %arg7[%get3A_99] {strides = array<i32>} : memref<512xi32, #tpu.memory_space<vmem>>, vector<16xi32>,
    %add3A_101 = vector.broadcast %mul3A_28 : i32 to vector<16xi32>
    %add3A_102 = arith.addi %get3A_100, %add3A_101 : vector<16xi32>
    %swap3A_103 = arith.constant 192 : index
    %swap3A_104 = tpu.vector_load %arg9[%swap3A_103] {strides = array<i32>} : memref<256xi32, #tpu.memory_space<vmem>>, vector<16xi32>,
    tpu.vector_store %arg9[%swap3A_103], %add3A_102 {strides = array<i32>} : memref<256xi32, #tpu.memory_space<vmem>>, vector<16xi32>,
    %get3A_105 = arith.constant 208 : index
    %get3A_106 = tpu.vector_load %arg7[%get3A_105] {strides = array<i32>} : memref<512xi32, #tpu.memory_space<vmem>>, vector<16xi32>,
    %add3A_107 = vector.broadcast %mul3A_28 : i32 to vector<16xi32>
    %add3A_108 = arith.addi %get3A_106, %add3A_107 : vector<16xi32>
    %swap3A_109 = arith.constant 208 : index
    %swap3A_110 = tpu.vector_load %arg9[%swap3A_109] {strides = array<i32>} : memref<256xi32, #tpu.memory_space<vmem>>, vector<16xi32>,
    tpu.vector_store %arg9[%swap3A_109], %add3A_108 {strides = array<i32>} : memref<256xi32, #tpu.memory_space<vmem>>, vector<16xi32>,
    %get3A_111 = arith.constant 224 : index
    %get3A_112 = tpu.vector_load %arg7[%get3A_111] {strides = array<i32>} : memref<512xi32, #tpu.memory_space<vmem>>, vector<16xi32>,
    %add3A_113 = vector.broadcast %mul3A_28 : i32 to vector<16xi32>
    %add3A_114 = arith.addi %get3A_112, %add3A_113 : vector<16xi32>
    %swap3A_115 = arith.constant 224 : index
    %swap3A_116 = tpu.vector_load %arg9[%swap3A_115] {strides = array<i32>} : memref<256xi32, #tpu.memory_space<vmem>>, vector<16xi32>,
    tpu.vector_store %arg9[%swap3A_115], %add3A_114 {strides = array<i32>} : memref<256xi32, #tpu.memory_space<vmem>>, vector<16xi32>,
    %get3A_117 = arith.constant 240 : index
    %get3A_118 = tpu.vector_load %arg7[%get3A_117] {strides = array<i32>} : memref<512xi32, #tpu.memory_space<vmem>>, vector<16xi32>,
    %add3A_119 = vector.broadcast %mul3A_28 : i32 to vector<16xi32>
    %add3A_120 = arith.addi %get3A_118, %add3A_119 : vector<16xi32>
    %swap3A_121 = arith.constant 240 : index
    %swap3A_122 = tpu.vector_load %arg9[%swap3A_121] {strides = array<i32>} : memref<256xi32, #tpu.memory_space<vmem>>, vector<16xi32>,
    tpu.vector_store %arg9[%swap3A_121], %add3A_120 {strides = array<i32>} : memref<256xi32, #tpu.memory_space<vmem>>, vector<16xi32>,
    %dma_start3A_123 = arith.constant 256 : i32
    %dma_start3A_124 = tpu.memref_slice %arg7[%dma_start3A_123] : memref<512xi32, #tpu.memory_space<vmem>> -> memref<128xi32, #tpu.memory_space<vmem>>
    %dma_start3A_125 = arith.constant 0 : i32
    %dma_start3A_126 = tpu.memref_slice %arg9[%dma_start3A_125] : memref<256xi32, #tpu.memory_space<vmem>> -> memref<128xi32, #tpu.memory_space<vmem>>
    %dma_start3A_127 = arith.constant 0 : i32
    %dma_start3A_128 = tpu.memref_slice %arg3[%dma_start3A_127] : memref<524288xi32, #tpu.memory_space<hbm>> -> memref<524288xi32, #tpu.memory_space<hbm>>
    tpu.enqueue_indirect_dma source(%dma_start3A_128 : memref<524288xi32, #tpu.memory_space<hbm>>) target(%dma_start3A_124 : memref<128xi32, #tpu.memory_space<vmem>>) offsets(%dma_start3A_126 : memref<128xi32, #tpu.memory_space<vmem>>) semaphore(%arg13 : memref<!tpu.dma_semaphore, #tpu.memory_space<semaphore_mem>>)
    %dma_start3A_129 = arith.constant 384 : i32
    %dma_start3A_130 = tpu.memref_slice %arg7[%dma_start3A_129] : memref<512xi32, #tpu.memory_space<vmem>> -> memref<128xi32, #tpu.memory_space<vmem>>
    %dma_start3A_131 = arith.constant 128 : i32
    %dma_start3A_132 = tpu.memref_slice %arg9[%dma_start3A_131] : memref<256xi32, #tpu.memory_space<vmem>> -> memref<128xi32, #tpu.memory_space<vmem>>
    %dma_start3A_133 = arith.constant 0 : i32
    %dma_start3A_134 = tpu.memref_slice %arg3[%dma_start3A_133] : memref<524288xi32, #tpu.memory_space<hbm>> -> memref<524288xi32, #tpu.memory_space<hbm>>
    tpu.enqueue_indirect_dma source(%dma_start3A_134 : memref<524288xi32, #tpu.memory_space<hbm>>) target(%dma_start3A_130 : memref<128xi32, #tpu.memory_space<vmem>>) offsets(%dma_start3A_132 : memref<128xi32, #tpu.memory_space<vmem>>) semaphore(%arg13 : memref<!tpu.dma_semaphore, #tpu.memory_space<semaphore_mem>>)
    %dma_wait3A_135 = arith.constant 0 : i32
    %dma_wait3A_136 = tpu.memref_slice %arg2[%add3A_11, %dma_wait3A_135] : memref<64x1024xi32, #tpu.memory_space<hbm>> -> memref<1x1024xi32, #tpu.memory_space<hbm>>
    %dma_wait3A_137 = tpu.memref_squeeze %dma_wait3A_136 : memref<1x1024xi32, #tpu.memory_space<hbm>> -> memref<1024xi32, #tpu.memory_space<hbm>>
    %dma_wait3A_138 = arith.constant 0 : i32
    %dma_wait3A_139 = tpu.memref_slice %arg2[%add3A_11, %dma_wait3A_138] : memref<64x1024xi32, #tpu.memory_space<hbm>> -> memref<1x1024xi32, #tpu.memory_space<hbm>>
    %dma_wait3A_140 = tpu.memref_squeeze %dma_wait3A_139 : memref<1x1024xi32, #tpu.memory_space<hbm>> -> memref<1024xi32, #tpu.memory_space<hbm>>
    tpu.wait_dma2 semaphore(%arg12 : memref<!tpu.dma_semaphore, #tpu.memory_space<semaphore_mem>>) src(%dma_wait3A_140 : memref<1024xi32, #tpu.memory_space<hbm>>) dst(%arg6 : memref<1024xi32, #tpu.memory_space<vmem>>)
    %parallel_loop3A_141 = arith.constant 0 : i32
    %parallel_loop3A_142 = arith.constant 32 : i32
    %parallel_loop3A_143 = arith.constant 1 : i32
    scf.for %parallel_loop3A_308 = %parallel_loop3A_141 to %parallel_loop3A_142 step %parallel_loop3A_143  : i32 {
      %parallel_loop3A_309 = arith.constant 16 : i32
      %parallel_loop3A_310 = arith.muli %parallel_loop3A_308, %parallel_loop3A_309 : i32
      %parallel_loop3A_311 = arith.index_cast %parallel_loop3A_310 : i32 to index
      %parallel_loop3A_312 = tpu.vector_load %arg6[%parallel_loop3A_311] {strides = array<i32>} : memref<1024xi32, #tpu.memory_space<vmem>>, vector<16xi32>,
      %parallel_loop3A_313 = arith.constant 16 : i32
      %parallel_loop3A_314 = arith.muli %parallel_loop3A_308, %parallel_loop3A_313 : i32
      %parallel_loop3A_315 = arith.constant 512 : i32
      %parallel_loop3A_316 = arith.addi %parallel_loop3A_315, %parallel_loop3A_314 : i32
      %parallel_loop3A_317 = arith.index_cast %parallel_loop3A_316 : i32 to index
      %parallel_loop3A_318 = tpu.vector_load %arg6[%parallel_loop3A_317] {strides = array<i32>} : memref<1024xi32, #tpu.memory_space<vmem>>, vector<16xi32>,
      %parallel_loop3A_319 = vector.extract_strided_slice %parallel_loop3A_312 {offsets = [0], sizes = [1], strides = [1]} : vector<16xi32> to vector<1xi32>
      %parallel_loop3A_320 = vector.extract %parallel_loop3A_319[0] : i32 from vector<1xi32>
      %parallel_loop3A_321 = arith.constant 0 : i32
      %parallel_loop3A_322 = arith.cmpi ne, %parallel_loop3A_320, %parallel_loop3A_321 : i32
      %parallel_loop3A_323 = arith.extui %parallel_loop3A_322 : i1 to i32
      %parallel_loop3A_324 = arith.constant 0 : i32
      %parallel_loop3A_325 = arith.cmpi ne, %parallel_loop3A_323, %parallel_loop3A_324 : i32
      scf.if %parallel_loop3A_325 {
        %parallel_loop3A_431 = arith.constant 16 : i32
        %parallel_loop3A_432 = arith.muli %parallel_loop3A_308, %parallel_loop3A_431 : i32
        %parallel_loop3A_433 = arith.constant 0 : i32
        %parallel_loop3A_434 = arith.addi %parallel_loop3A_432, %parallel_loop3A_433 : i32
        %parallel_loop3A_435 = tpu.iota {dimensions = array<i32: 0>} : vector<16xi32>
        %parallel_loop3A_436 = vector.broadcast %parallel_loop3A_320 : i32 to vector<16xi32>
        %parallel_loop3A_437 = arith.shrsi %parallel_loop3A_436, %parallel_loop3A_435 : vector<16xi32>
        %parallel_loop3A_438 = arith.constant 1 : i32
        %parallel_loop3A_439 = vector.broadcast %parallel_loop3A_438 : i32 to vector<16xi32>
        %parallel_loop3A_440 = arith.andi %parallel_loop3A_437, %parallel_loop3A_439 : vector<16xi32>
        %parallel_loop3A_441 = arith.constant 0 : i32
        %parallel_loop3A_442 = vector.broadcast %parallel_loop3A_441 : i32 to vector<16xi32>
        %parallel_loop3A_443 = arith.cmpi sgt, %parallel_loop3A_440, %parallel_loop3A_442 : vector<16xi32>
        %parallel_loop3A_444 = vector.extract_strided_slice %parallel_loop3A_318 {offsets = [0], sizes = [1], strides = [1]} : vector<16xi32> to vector<1xi32>
        %parallel_loop3A_445 = vector.extract %parallel_loop3A_444[0] : i32 from vector<1xi32>
        %parallel_loop3A_446 = arith.constant true
        %parallel_loop3A_447 = vector.broadcast %parallel_loop3A_446 : i1 to vector<16xi1>
        %parallel_loop3A_448 = tpu.scan <sum>, %parallel_loop3A_440 masked %parallel_loop3A_447 : vector<16xi32>, vector<16xi1> -> vector<16xi32>
        %parallel_loop3A_449 = vector.broadcast %parallel_loop3A_445 : i32 to vector<16xi32>
        %parallel_loop3A_450 = arith.addi %parallel_loop3A_449, %parallel_loop3A_448 : vector<16xi32>
        %parallel_loop3A_451 = arith.subi %parallel_loop3A_450, %parallel_loop3A_440 : vector<16xi32>
        %parallel_loop3A_452 = tpu.iota {dimensions = array<i32: 0>} : vector<16xi32>
        %parallel_loop3A_453 = arith.constant 512 : i32
        %parallel_loop3A_454 = vector.broadcast %parallel_loop3A_453 : i32 to vector<16xi32>
        %parallel_loop3A_455 = arith.muli %parallel_loop3A_452, %parallel_loop3A_454 : vector<16xi32>
        %parallel_loop3A_456 = vector.broadcast %parallel_loop3A_434 : i32 to vector<16xi32>
        %parallel_loop3A_457 = arith.addi %parallel_loop3A_455, %parallel_loop3A_456 : vector<16xi32>
        tpu.vector_store_idx %arg8[%parallel_loop3A_451], %parallel_loop3A_457 masked %parallel_loop3A_443 : memref<512xi32, #tpu.memory_space<vmem>>[vector<16xi32>], vector<16xi32>, vector<16xi1>
      } else {
      }
      %parallel_loop3A_326 = vector.extract_strided_slice %parallel_loop3A_312 {offsets = [1], sizes = [1], strides = [1]} : vector<16xi32> to vector<1xi32>
      %parallel_loop3A_327 = vector.extract %parallel_loop3A_326[0] : i32 from vector<1xi32>
      %parallel_loop3A_328 = arith.constant 0 : i32
      %parallel_loop3A_329 = arith.cmpi ne, %parallel_loop3A_327, %parallel_loop3A_328 : i32
      %parallel_loop3A_330 = arith.extui %parallel_loop3A_329 : i1 to i32
      %parallel_loop3A_331 = arith.constant 0 : i32
      %parallel_loop3A_332 = arith.cmpi ne, %parallel_loop3A_330, %parallel_loop3A_331 : i32
      scf.if %parallel_loop3A_332 {
        %parallel_loop3A_431 = arith.constant 16 : i32
        %parallel_loop3A_432 = arith.muli %parallel_loop3A_308, %parallel_loop3A_431 : i32
        %parallel_loop3A_433 = arith.constant 1 : i32
        %parallel_loop3A_434 = arith.addi %parallel_loop3A_432, %parallel_loop3A_433 : i32
        %parallel_loop3A_435 = tpu.iota {dimensions = array<i32: 0>} : vector<16xi32>
        %parallel_loop3A_436 = vector.broadcast %parallel_loop3A_327 : i32 to vector<16xi32>
        %parallel_loop3A_437 = arith.shrsi %parallel_loop3A_436, %parallel_loop3A_435 : vector<16xi32>
        %parallel_loop3A_438 = arith.constant 1 : i32
        %parallel_loop3A_439 = vector.broadcast %parallel_loop3A_438 : i32 to vector<16xi32>
        %parallel_loop3A_440 = arith.andi %parallel_loop3A_437, %parallel_loop3A_439 : vector<16xi32>
        %parallel_loop3A_441 = arith.constant 0 : i32
        %parallel_loop3A_442 = vector.broadcast %parallel_loop3A_441 : i32 to vector<16xi32>
        %parallel_loop3A_443 = arith.cmpi sgt, %parallel_loop3A_440, %parallel_loop3A_442 : vector<16xi32>
        %parallel_loop3A_444 = vector.extract_strided_slice %parallel_loop3A_318 {offsets = [1], sizes = [1], strides = [1]} : vector<16xi32> to vector<1xi32>
        %parallel_loop3A_445 = vector.extract %parallel_loop3A_444[0] : i32 from vector<1xi32>
        %parallel_loop3A_446 = arith.constant true
        %parallel_loop3A_447 = vector.broadcast %parallel_loop3A_446 : i1 to vector<16xi1>
        %parallel_loop3A_448 = tpu.scan <sum>, %parallel_loop3A_440 masked %parallel_loop3A_447 : vector<16xi32>, vector<16xi1> -> vector<16xi32>
        %parallel_loop3A_449 = vector.broadcast %parallel_loop3A_445 : i32 to vector<16xi32>
        %parallel_loop3A_450 = arith.addi %parallel_loop3A_449, %parallel_loop3A_448 : vector<16xi32>
        %parallel_loop3A_451 = arith.subi %parallel_loop3A_450, %parallel_loop3A_440 : vector<16xi32>
        %parallel_loop3A_452 = tpu.iota {dimensions = array<i32: 0>} : vector<16xi32>
        %parallel_loop3A_453 = arith.constant 512 : i32
        %parallel_loop3A_454 = vector.broadcast %parallel_loop3A_453 : i32 to vector<16xi32>
        %parallel_loop3A_455 = arith.muli %parallel_loop3A_452, %parallel_loop3A_454 : vector<16xi32>
        %parallel_loop3A_456 = vector.broadcast %parallel_loop3A_434 : i32 to vector<16xi32>
        %parallel_loop3A_457 = arith.addi %parallel_loop3A_455, %parallel_loop3A_456 : vector<16xi32>
        tpu.vector_store_idx %arg8[%parallel_loop3A_451], %parallel_loop3A_457 masked %parallel_loop3A_443 : memref<512xi32, #tpu.memory_space<vmem>>[vector<16xi32>], vector<16xi32>, vector<16xi1>
      } else {
      }
      %parallel_loop3A_333 = vector.extract_strided_slice %parallel_loop3A_312 {offsets = [2], sizes = [1], strides = [1]} : vector<16xi32> to vector<1xi32>
      %parallel_loop3A_334 = vector.extract %parallel_loop3A_333[0] : i32 from vector<1xi32>
      %parallel_loop3A_335 = arith.constant 0 : i32
      %parallel_loop3A_336 = arith.cmpi ne, %parallel_loop3A_334, %parallel_loop3A_335 : i32
      %parallel_loop3A_337 = arith.extui %parallel_loop3A_336 : i1 to i32
      %parallel_loop3A_338 = arith.constant 0 : i32
      %parallel_loop3A_339 = arith.cmpi ne, %parallel_loop3A_337, %parallel_loop3A_338 : i32
      scf.if %parallel_loop3A_339 {
        %parallel_loop3A_431 = arith.constant 16 : i32
        %parallel_loop3A_432 = arith.muli %parallel_loop3A_308, %parallel_loop3A_431 : i32
        %parallel_loop3A_433 = arith.constant 2 : i32
        %parallel_loop3A_434 = arith.addi %parallel_loop3A_432, %parallel_loop3A_433 : i32
        %parallel_loop3A_435 = tpu.iota {dimensions = array<i32: 0>} : vector<16xi32>
        %parallel_loop3A_436 = vector.broadcast %parallel_loop3A_334 : i32 to vector<16xi32>
        %parallel_loop3A_437 = arith.shrsi %parallel_loop3A_436, %parallel_loop3A_435 : vector<16xi32>
        %parallel_loop3A_438 = arith.constant 1 : i32
        %parallel_loop3A_439 = vector.broadcast %parallel_loop3A_438 : i32 to vector<16xi32>
        %parallel_loop3A_440 = arith.andi %parallel_loop3A_437, %parallel_loop3A_439 : vector<16xi32>
        %parallel_loop3A_441 = arith.constant 0 : i32
        %parallel_loop3A_442 = vector.broadcast %parallel_loop3A_441 : i32 to vector<16xi32>
        %parallel_loop3A_443 = arith.cmpi sgt, %parallel_loop3A_440, %parallel_loop3A_442 : vector<16xi32>
        %parallel_loop3A_444 = vector.extract_strided_slice %parallel_loop3A_318 {offsets = [2], sizes = [1], strides = [1]} : vector<16xi32> to vector<1xi32>
        %parallel_loop3A_445 = vector.extract %parallel_loop3A_444[0] : i32 from vector<1xi32>
        %parallel_loop3A_446 = arith.constant true
        %parallel_loop3A_447 = vector.broadcast %parallel_loop3A_446 : i1 to vector<16xi1>
        %parallel_loop3A_448 = tpu.scan <sum>, %parallel_loop3A_440 masked %parallel_loop3A_447 : vector<16xi32>, vector<16xi1> -> vector<16xi32>
        %parallel_loop3A_449 = vector.broadcast %parallel_loop3A_445 : i32 to vector<16xi32>
        %parallel_loop3A_450 = arith.addi %parallel_loop3A_449, %parallel_loop3A_448 : vector<16xi32>
        %parallel_loop3A_451 = arith.subi %parallel_loop3A_450, %parallel_loop3A_440 : vector<16xi32>
        %parallel_loop3A_452 = tpu.iota {dimensions = array<i32: 0>} : vector<16xi32>
        %parallel_loop3A_453 = arith.constant 512 : i32
        %parallel_loop3A_454 = vector.broadcast %parallel_loop3A_453 : i32 to vector<16xi32>
        %parallel_loop3A_455 = arith.muli %parallel_loop3A_452, %parallel_loop3A_454 : vector<16xi32>
        %parallel_loop3A_456 = vector.broadcast %parallel_loop3A_434 : i32 to vector<16xi32>
        %parallel_loop3A_457 = arith.addi %parallel_loop3A_455, %parallel_loop3A_456 : vector<16xi32>
        tpu.vector_store_idx %arg8[%parallel_loop3A_451], %parallel_loop3A_457 masked %parallel_loop3A_443 : memref<512xi32, #tpu.memory_space<vmem>>[vector<16xi32>], vector<16xi32>, vector<16xi1>
      } else {
      }
      %parallel_loop3A_340 = vector.extract_strided_slice %parallel_loop3A_312 {offsets = [3], sizes = [1], strides = [1]} : vector<16xi32> to vector<1xi32>
      %parallel_loop3A_341 = vector.extract %parallel_loop3A_340[0] : i32 from vector<1xi32>
      %parallel_loop3A_342 = arith.constant 0 : i32
      %parallel_loop3A_343 = arith.cmpi ne, %parallel_loop3A_341, %parallel_loop3A_342 : i32
      %parallel_loop3A_344 = arith.extui %parallel_loop3A_343 : i1 to i32
      %parallel_loop3A_345 = arith.constant 0 : i32
      %parallel_loop3A_346 = arith.cmpi ne, %parallel_loop3A_344, %parallel_loop3A_345 : i32
      scf.if %parallel_loop3A_346 {
        %parallel_loop3A_431 = arith.constant 16 : i32
        %parallel_loop3A_432 = arith.muli %parallel_loop3A_308, %parallel_loop3A_431 : i32
        %parallel_loop3A_433 = arith.constant 3 : i32
        %parallel_loop3A_434 = arith.addi %parallel_loop3A_432, %parallel_loop3A_433 : i32
        %parallel_loop3A_435 = tpu.iota {dimensions = array<i32: 0>} : vector<16xi32>
        %parallel_loop3A_436 = vector.broadcast %parallel_loop3A_341 : i32 to vector<16xi32>
        %parallel_loop3A_437 = arith.shrsi %parallel_loop3A_436, %parallel_loop3A_435 : vector<16xi32>
        %parallel_loop3A_438 = arith.constant 1 : i32
        %parallel_loop3A_439 = vector.broadcast %parallel_loop3A_438 : i32 to vector<16xi32>
        %parallel_loop3A_440 = arith.andi %parallel_loop3A_437, %parallel_loop3A_439 : vector<16xi32>
        %parallel_loop3A_441 = arith.constant 0 : i32
        %parallel_loop3A_442 = vector.broadcast %parallel_loop3A_441 : i32 to vector<16xi32>
        %parallel_loop3A_443 = arith.cmpi sgt, %parallel_loop3A_440, %parallel_loop3A_442 : vector<16xi32>
        %parallel_loop3A_444 = vector.extract_strided_slice %parallel_loop3A_318 {offsets = [3], sizes = [1], strides = [1]} : vector<16xi32> to vector<1xi32>
        %parallel_loop3A_445 = vector.extract %parallel_loop3A_444[0] : i32 from vector<1xi32>
        %parallel_loop3A_446 = arith.constant true
        %parallel_loop3A_447 = vector.broadcast %parallel_loop3A_446 : i1 to vector<16xi1>
        %parallel_loop3A_448 = tpu.scan <sum>, %parallel_loop3A_440 masked %parallel_loop3A_447 : vector<16xi32>, vector<16xi1> -> vector<16xi32>
        %parallel_loop3A_449 = vector.broadcast %parallel_loop3A_445 : i32 to vector<16xi32>
        %parallel_loop3A_450 = arith.addi %parallel_loop3A_449, %parallel_loop3A_448 : vector<16xi32>
        %parallel_loop3A_451 = arith.subi %parallel_loop3A_450, %parallel_loop3A_440 : vector<16xi32>
        %parallel_loop3A_452 = tpu.iota {dimensions = array<i32: 0>} : vector<16xi32>
        %parallel_loop3A_453 = arith.constant 512 : i32
        %parallel_loop3A_454 = vector.broadcast %parallel_loop3A_453 : i32 to vector<16xi32>
        %parallel_loop3A_455 = arith.muli %parallel_loop3A_452, %parallel_loop3A_454 : vector<16xi32>
        %parallel_loop3A_456 = vector.broadcast %parallel_loop3A_434 : i32 to vector<16xi32>
        %parallel_loop3A_457 = arith.addi %parallel_loop3A_455, %parallel_loop3A_456 : vector<16xi32>
        tpu.vector_store_idx %arg8[%parallel_loop3A_451], %parallel_loop3A_457 masked %parallel_loop3A_443 : memref<512xi32, #tpu.memory_space<vmem>>[vector<16xi32>], vector<16xi32>, vector<16xi1>
      } else {
      }
      %parallel_loop3A_347 = vector.extract_strided_slice %parallel_loop3A_312 {offsets = [4], sizes = [1], strides = [1]} : vector<16xi32> to vector<1xi32>
      %parallel_loop3A_348 = vector.extract %parallel_loop3A_347[0] : i32 from vector<1xi32>
      %parallel_loop3A_349 = arith.constant 0 : i32
      %parallel_loop3A_350 = arith.cmpi ne, %parallel_loop3A_348, %parallel_loop3A_349 : i32
      %parallel_loop3A_351 = arith.extui %parallel_loop3A_350 : i1 to i32
      %parallel_loop3A_352 = arith.constant 0 : i32
      %parallel_loop3A_353 = arith.cmpi ne, %parallel_loop3A_351, %parallel_loop3A_352 : i32
      scf.if %parallel_loop3A_353 {
        %parallel_loop3A_431 = arith.constant 16 : i32
        %parallel_loop3A_432 = arith.muli %parallel_loop3A_308, %parallel_loop3A_431 : i32
        %parallel_loop3A_433 = arith.constant 4 : i32
        %parallel_loop3A_434 = arith.addi %parallel_loop3A_432, %parallel_loop3A_433 : i32
        %parallel_loop3A_435 = tpu.iota {dimensions = array<i32: 0>} : vector<16xi32>
        %parallel_loop3A_436 = vector.broadcast %parallel_loop3A_348 : i32 to vector<16xi32>
        %parallel_loop3A_437 = arith.shrsi %parallel_loop3A_436, %parallel_loop3A_435 : vector<16xi32>
        %parallel_loop3A_438 = arith.constant 1 : i32
        %parallel_loop3A_439 = vector.broadcast %parallel_loop3A_438 : i32 to vector<16xi32>
        %parallel_loop3A_440 = arith.andi %parallel_loop3A_437, %parallel_loop3A_439 : vector<16xi32>
        %parallel_loop3A_441 = arith.constant 0 : i32
        %parallel_loop3A_442 = vector.broadcast %parallel_loop3A_441 : i32 to vector<16xi32>
        %parallel_loop3A_443 = arith.cmpi sgt, %parallel_loop3A_440, %parallel_loop3A_442 : vector<16xi32>
        %parallel_loop3A_444 = vector.extract_strided_slice %parallel_loop3A_318 {offsets = [4], sizes = [1], strides = [1]} : vector<16xi32> to vector<1xi32>
        %parallel_loop3A_445 = vector.extract %parallel_loop3A_444[0] : i32 from vector<1xi32>
        %parallel_loop3A_446 = arith.constant true
        %parallel_loop3A_447 = vector.broadcast %parallel_loop3A_446 : i1 to vector<16xi1>
        %parallel_loop3A_448 = tpu.scan <sum>, %parallel_loop3A_440 masked %parallel_loop3A_447 : vector<16xi32>, vector<16xi1> -> vector<16xi32>
        %parallel_loop3A_449 = vector.broadcast %parallel_loop3A_445 : i32 to vector<16xi32>
        %parallel_loop3A_450 = arith.addi %parallel_loop3A_449, %parallel_loop3A_448 : vector<16xi32>
        %parallel_loop3A_451 = arith.subi %parallel_loop3A_450, %parallel_loop3A_440 : vector<16xi32>
        %parallel_loop3A_452 = tpu.iota {dimensions = array<i32: 0>} : vector<16xi32>
        %parallel_loop3A_453 = arith.constant 512 : i32
        %parallel_loop3A_454 = vector.broadcast %parallel_loop3A_453 : i32 to vector<16xi32>
        %parallel_loop3A_455 = arith.muli %parallel_loop3A_452, %parallel_loop3A_454 : vector<16xi32>
        %parallel_loop3A_456 = vector.broadcast %parallel_loop3A_434 : i32 to vector<16xi32>
        %parallel_loop3A_457 = arith.addi %parallel_loop3A_455, %parallel_loop3A_456 : vector<16xi32>
        tpu.vector_store_idx %arg8[%parallel_loop3A_451], %parallel_loop3A_457 masked %parallel_loop3A_443 : memref<512xi32, #tpu.memory_space<vmem>>[vector<16xi32>], vector<16xi32>, vector<16xi1>
      } else {
      }
      %parallel_loop3A_354 = vector.extract_strided_slice %parallel_loop3A_312 {offsets = [5], sizes = [1], strides = [1]} : vector<16xi32> to vector<1xi32>
      %parallel_loop3A_355 = vector.extract %parallel_loop3A_354[0] : i32 from vector<1xi32>
      %parallel_loop3A_356 = arith.constant 0 : i32
      %parallel_loop3A_357 = arith.cmpi ne, %parallel_loop3A_355, %parallel_loop3A_356 : i32
      %parallel_loop3A_358 = arith.extui %parallel_loop3A_357 : i1 to i32
      %parallel_loop3A_359 = arith.constant 0 : i32
      %parallel_loop3A_360 = arith.cmpi ne, %parallel_loop3A_358, %parallel_loop3A_359 : i32
      scf.if %parallel_loop3A_360 {
        %parallel_loop3A_431 = arith.constant 16 : i32
        %parallel_loop3A_432 = arith.muli %parallel_loop3A_308, %parallel_loop3A_431 : i32
        %parallel_loop3A_433 = arith.constant 5 : i32
        %parallel_loop3A_434 = arith.addi %parallel_loop3A_432, %parallel_loop3A_433 : i32
        %parallel_loop3A_435 = tpu.iota {dimensions = array<i32: 0>} : vector<16xi32>
        %parallel_loop3A_436 = vector.broadcast %parallel_loop3A_355 : i32 to vector<16xi32>
        %parallel_loop3A_437 = arith.shrsi %parallel_loop3A_436, %parallel_loop3A_435 : vector<16xi32>
        %parallel_loop3A_438 = arith.constant 1 : i32
        %parallel_loop3A_439 = vector.broadcast %parallel_loop3A_438 : i32 to vector<16xi32>
        %parallel_loop3A_440 = arith.andi %parallel_loop3A_437, %parallel_loop3A_439 : vector<16xi32>
        %parallel_loop3A_441 = arith.constant 0 : i32
        %parallel_loop3A_442 = vector.broadcast %parallel_loop3A_441 : i32 to vector<16xi32>
        %parallel_loop3A_443 = arith.cmpi sgt, %parallel_loop3A_440, %parallel_loop3A_442 : vector<16xi32>
        %parallel_loop3A_444 = vector.extract_strided_slice %parallel_loop3A_318 {offsets = [5], sizes = [1], strides = [1]} : vector<16xi32> to vector<1xi32>
        %parallel_loop3A_445 = vector.extract %parallel_loop3A_444[0] : i32 from vector<1xi32>
        %parallel_loop3A_446 = arith.constant true
        %parallel_loop3A_447 = vector.broadcast %parallel_loop3A_446 : i1 to vector<16xi1>
        %parallel_loop3A_448 = tpu.scan <sum>, %parallel_loop3A_440 masked %parallel_loop3A_447 : vector<16xi32>, vector<16xi1> -> vector<16xi32>
        %parallel_loop3A_449 = vector.broadcast %parallel_loop3A_445 : i32 to vector<16xi32>
        %parallel_loop3A_450 = arith.addi %parallel_loop3A_449, %parallel_loop3A_448 : vector<16xi32>
        %parallel_loop3A_451 = arith.subi %parallel_loop3A_450, %parallel_loop3A_440 : vector<16xi32>
        %parallel_loop3A_452 = tpu.iota {dimensions = array<i32: 0>} : vector<16xi32>
        %parallel_loop3A_453 = arith.constant 512 : i32
        %parallel_loop3A_454 = vector.broadcast %parallel_loop3A_453 : i32 to vector<16xi32>
        %parallel_loop3A_455 = arith.muli %parallel_loop3A_452, %parallel_loop3A_454 : vector<16xi32>
        %parallel_loop3A_456 = vector.broadcast %parallel_loop3A_434 : i32 to vector<16xi32>
        %parallel_loop3A_457 = arith.addi %parallel_loop3A_455, %parallel_loop3A_456 : vector<16xi32>
        tpu.vector_store_idx %arg8[%parallel_loop3A_451], %parallel_loop3A_457 masked %parallel_loop3A_443 : memref<512xi32, #tpu.memory_space<vmem>>[vector<16xi32>], vector<16xi32>, vector<16xi1>
      } else {
      }
      %parallel_loop3A_361 = vector.extract_strided_slice %parallel_loop3A_312 {offsets = [6], sizes = [1], strides = [1]} : vector<16xi32> to vector<1xi32>
      %parallel_loop3A_362 = vector.extract %parallel_loop3A_361[0] : i32 from vector<1xi32>
      %parallel_loop3A_363 = arith.constant 0 : i32
      %parallel_loop3A_364 = arith.cmpi ne, %parallel_loop3A_362, %parallel_loop3A_363 : i32
      %parallel_loop3A_365 = arith.extui %parallel_loop3A_364 : i1 to i32
      %parallel_loop3A_366 = arith.constant 0 : i32
      %parallel_loop3A_367 = arith.cmpi ne, %parallel_loop3A_365, %parallel_loop3A_366 : i32
      scf.if %parallel_loop3A_367 {
        %parallel_loop3A_431 = arith.constant 16 : i32
        %parallel_loop3A_432 = arith.muli %parallel_loop3A_308, %parallel_loop3A_431 : i32
        %parallel_loop3A_433 = arith.constant 6 : i32
        %parallel_loop3A_434 = arith.addi %parallel_loop3A_432, %parallel_loop3A_433 : i32
        %parallel_loop3A_435 = tpu.iota {dimensions = array<i32: 0>} : vector<16xi32>
        %parallel_loop3A_436 = vector.broadcast %parallel_loop3A_362 : i32 to vector<16xi32>
        %parallel_loop3A_437 = arith.shrsi %parallel_loop3A_436, %parallel_loop3A_435 : vector<16xi32>
        %parallel_loop3A_438 = arith.constant 1 : i32
        %parallel_loop3A_439 = vector.broadcast %parallel_loop3A_438 : i32 to vector<16xi32>
        %parallel_loop3A_440 = arith.andi %parallel_loop3A_437, %parallel_loop3A_439 : vector<16xi32>
        %parallel_loop3A_441 = arith.constant 0 : i32
        %parallel_loop3A_442 = vector.broadcast %parallel_loop3A_441 : i32 to vector<16xi32>
        %parallel_loop3A_443 = arith.cmpi sgt, %parallel_loop3A_440, %parallel_loop3A_442 : vector<16xi32>
        %parallel_loop3A_444 = vector.extract_strided_slice %parallel_loop3A_318 {offsets = [6], sizes = [1], strides = [1]} : vector<16xi32> to vector<1xi32>
        %parallel_loop3A_445 = vector.extract %parallel_loop3A_444[0] : i32 from vector<1xi32>
        %parallel_loop3A_446 = arith.constant true
        %parallel_loop3A_447 = vector.broadcast %parallel_loop3A_446 : i1 to vector<16xi1>
        %parallel_loop3A_448 = tpu.scan <sum>, %parallel_loop3A_440 masked %parallel_loop3A_447 : vector<16xi32>, vector<16xi1> -> vector<16xi32>
        %parallel_loop3A_449 = vector.broadcast %parallel_loop3A_445 : i32 to vector<16xi32>
        %parallel_loop3A_450 = arith.addi %parallel_loop3A_449, %parallel_loop3A_448 : vector<16xi32>
        %parallel_loop3A_451 = arith.subi %parallel_loop3A_450, %parallel_loop3A_440 : vector<16xi32>
        %parallel_loop3A_452 = tpu.iota {dimensions = array<i32: 0>} : vector<16xi32>
        %parallel_loop3A_453 = arith.constant 512 : i32
        %parallel_loop3A_454 = vector.broadcast %parallel_loop3A_453 : i32 to vector<16xi32>
        %parallel_loop3A_455 = arith.muli %parallel_loop3A_452, %parallel_loop3A_454 : vector<16xi32>
        %parallel_loop3A_456 = vector.broadcast %parallel_loop3A_434 : i32 to vector<16xi32>
        %parallel_loop3A_457 = arith.addi %parallel_loop3A_455, %parallel_loop3A_456 : vector<16xi32>
        tpu.vector_store_idx %arg8[%parallel_loop3A_451], %parallel_loop3A_457 masked %parallel_loop3A_443 : memref<512xi32, #tpu.memory_space<vmem>>[vector<16xi32>], vector<16xi32>, vector<16xi1>
      } else {
      }
      %parallel_loop3A_368 = vector.extract_strided_slice %parallel_loop3A_312 {offsets = [7], sizes = [1], strides = [1]} : vector<16xi32> to vector<1xi32>
      %parallel_loop3A_369 = vector.extract %parallel_loop3A_368[0] : i32 from vector<1xi32>
      %parallel_loop3A_370 = arith.constant 0 : i32
      %parallel_loop3A_371 = arith.cmpi ne, %parallel_loop3A_369, %parallel_loop3A_370 : i32
      %parallel_loop3A_372 = arith.extui %parallel_loop3A_371 : i1 to i32
      %parallel_loop3A_373 = arith.constant 0 : i32
      %parallel_loop3A_374 = arith.cmpi ne, %parallel_loop3A_372, %parallel_loop3A_373 : i32
      scf.if %parallel_loop3A_374 {
        %parallel_loop3A_431 = arith.constant 16 : i32
        %parallel_loop3A_432 = arith.muli %parallel_loop3A_308, %parallel_loop3A_431 : i32
        %parallel_loop3A_433 = arith.constant 7 : i32
        %parallel_loop3A_434 = arith.addi %parallel_loop3A_432, %parallel_loop3A_433 : i32
        %parallel_loop3A_435 = tpu.iota {dimensions = array<i32: 0>} : vector<16xi32>
        %parallel_loop3A_436 = vector.broadcast %parallel_loop3A_369 : i32 to vector<16xi32>
        %parallel_loop3A_437 = arith.shrsi %parallel_loop3A_436, %parallel_loop3A_435 : vector<16xi32>
        %parallel_loop3A_438 = arith.constant 1 : i32
        %parallel_loop3A_439 = vector.broadcast %parallel_loop3A_438 : i32 to vector<16xi32>
        %parallel_loop3A_440 = arith.andi %parallel_loop3A_437, %parallel_loop3A_439 : vector<16xi32>
        %parallel_loop3A_441 = arith.constant 0 : i32
        %parallel_loop3A_442 = vector.broadcast %parallel_loop3A_441 : i32 to vector<16xi32>
        %parallel_loop3A_443 = arith.cmpi sgt, %parallel_loop3A_440, %parallel_loop3A_442 : vector<16xi32>
        %parallel_loop3A_444 = vector.extract_strided_slice %parallel_loop3A_318 {offsets = [7], sizes = [1], strides = [1]} : vector<16xi32> to vector<1xi32>
        %parallel_loop3A_445 = vector.extract %parallel_loop3A_444[0] : i32 from vector<1xi32>
        %parallel_loop3A_446 = arith.constant true
        %parallel_loop3A_447 = vector.broadcast %parallel_loop3A_446 : i1 to vector<16xi1>
        %parallel_loop3A_448 = tpu.scan <sum>, %parallel_loop3A_440 masked %parallel_loop3A_447 : vector<16xi32>, vector<16xi1> -> vector<16xi32>
        %parallel_loop3A_449 = vector.broadcast %parallel_loop3A_445 : i32 to vector<16xi32>
        %parallel_loop3A_450 = arith.addi %parallel_loop3A_449, %parallel_loop3A_448 : vector<16xi32>
        %parallel_loop3A_451 = arith.subi %parallel_loop3A_450, %parallel_loop3A_440 : vector<16xi32>
        %parallel_loop3A_452 = tpu.iota {dimensions = array<i32: 0>} : vector<16xi32>
        %parallel_loop3A_453 = arith.constant 512 : i32
        %parallel_loop3A_454 = vector.broadcast %parallel_loop3A_453 : i32 to vector<16xi32>
        %parallel_loop3A_455 = arith.muli %parallel_loop3A_452, %parallel_loop3A_454 : vector<16xi32>
        %parallel_loop3A_456 = vector.broadcast %parallel_loop3A_434 : i32 to vector<16xi32>
        %parallel_loop3A_457 = arith.addi %parallel_loop3A_455, %parallel_loop3A_456 : vector<16xi32>
        tpu.vector_store_idx %arg8[%parallel_loop3A_451], %parallel_loop3A_457 masked %parallel_loop3A_443 : memref<512xi32, #tpu.memory_space<vmem>>[vector<16xi32>], vector<16xi32>, vector<16xi1>
      } else {
      }
      %parallel_loop3A_375 = vector.extract_strided_slice %parallel_loop3A_312 {offsets = [8], sizes = [1], strides = [1]} : vector<16xi32> to vector<1xi32>
      %parallel_loop3A_376 = vector.extract %parallel_loop3A_375[0] : i32 from vector<1xi32>
      %parallel_loop3A_377 = arith.constant 0 : i32
      %parallel_loop3A_378 = arith.cmpi ne, %parallel_loop3A_376, %parallel_loop3A_377 : i32
      %parallel_loop3A_379 = arith.extui %parallel_loop3A_378 : i1 to i32
      %parallel_loop3A_380 = arith.constant 0 : i32
      %parallel_loop3A_381 = arith.cmpi ne, %parallel_loop3A_379, %parallel_loop3A_380 : i32
      scf.if %parallel_loop3A_381 {
        %parallel_loop3A_431 = arith.constant 16 : i32
        %parallel_loop3A_432 = arith.muli %parallel_loop3A_308, %parallel_loop3A_431 : i32
        %parallel_loop3A_433 = arith.constant 8 : i32
        %parallel_loop3A_434 = arith.addi %parallel_loop3A_432, %parallel_loop3A_433 : i32
        %parallel_loop3A_435 = tpu.iota {dimensions = array<i32: 0>} : vector<16xi32>
        %parallel_loop3A_436 = vector.broadcast %parallel_loop3A_376 : i32 to vector<16xi32>
        %parallel_loop3A_437 = arith.shrsi %parallel_loop3A_436, %parallel_loop3A_435 : vector<16xi32>
        %parallel_loop3A_438 = arith.constant 1 : i32
        %parallel_loop3A_439 = vector.broadcast %parallel_loop3A_438 : i32 to vector<16xi32>
        %parallel_loop3A_440 = arith.andi %parallel_loop3A_437, %parallel_loop3A_439 : vector<16xi32>
        %parallel_loop3A_441 = arith.constant 0 : i32
        %parallel_loop3A_442 = vector.broadcast %parallel_loop3A_441 : i32 to vector<16xi32>
        %parallel_loop3A_443 = arith.cmpi sgt, %parallel_loop3A_440, %parallel_loop3A_442 : vector<16xi32>
        %parallel_loop3A_444 = vector.extract_strided_slice %parallel_loop3A_318 {offsets = [8], sizes = [1], strides = [1]} : vector<16xi32> to vector<1xi32>
        %parallel_loop3A_445 = vector.extract %parallel_loop3A_444[0] : i32 from vector<1xi32>
        %parallel_loop3A_446 = arith.constant true
        %parallel_loop3A_447 = vector.broadcast %parallel_loop3A_446 : i1 to vector<16xi1>
        %parallel_loop3A_448 = tpu.scan <sum>, %parallel_loop3A_440 masked %parallel_loop3A_447 : vector<16xi32>, vector<16xi1> -> vector<16xi32>
        %parallel_loop3A_449 = vector.broadcast %parallel_loop3A_445 : i32 to vector<16xi32>
        %parallel_loop3A_450 = arith.addi %parallel_loop3A_449, %parallel_loop3A_448 : vector<16xi32>
        %parallel_loop3A_451 = arith.subi %parallel_loop3A_450, %parallel_loop3A_440 : vector<16xi32>
        %parallel_loop3A_452 = tpu.iota {dimensions = array<i32: 0>} : vector<16xi32>
        %parallel_loop3A_453 = arith.constant 512 : i32
        %parallel_loop3A_454 = vector.broadcast %parallel_loop3A_453 : i32 to vector<16xi32>
        %parallel_loop3A_455 = arith.muli %parallel_loop3A_452, %parallel_loop3A_454 : vector<16xi32>
        %parallel_loop3A_456 = vector.broadcast %parallel_loop3A_434 : i32 to vector<16xi32>
        %parallel_loop3A_457 = arith.addi %parallel_loop3A_455, %parallel_loop3A_456 : vector<16xi32>
        tpu.vector_store_idx %arg8[%parallel_loop3A_451], %parallel_loop3A_457 masked %parallel_loop3A_443 : memref<512xi32, #tpu.memory_space<vmem>>[vector<16xi32>], vector<16xi32>, vector<16xi1>
      } else {
      }
      %parallel_loop3A_382 = vector.extract_strided_slice %parallel_loop3A_312 {offsets = [9], sizes = [1], strides = [1]} : vector<16xi32> to vector<1xi32>
      %parallel_loop3A_383 = vector.extract %parallel_loop3A_382[0] : i32 from vector<1xi32>
      %parallel_loop3A_384 = arith.constant 0 : i32
      %parallel_loop3A_385 = arith.cmpi ne, %parallel_loop3A_383, %parallel_loop3A_384 : i32
      %parallel_loop3A_386 = arith.extui %parallel_loop3A_385 : i1 to i32
      %parallel_loop3A_387 = arith.constant 0 : i32
      %parallel_loop3A_388 = arith.cmpi ne, %parallel_loop3A_386, %parallel_loop3A_387 : i32
      scf.if %parallel_loop3A_388 {
        %parallel_loop3A_431 = arith.constant 16 : i32
        %parallel_loop3A_432 = arith.muli %parallel_loop3A_308, %parallel_loop3A_431 : i32
        %parallel_loop3A_433 = arith.constant 9 : i32
        %parallel_loop3A_434 = arith.addi %parallel_loop3A_432, %parallel_loop3A_433 : i32
        %parallel_loop3A_435 = tpu.iota {dimensions = array<i32: 0>} : vector<16xi32>
        %parallel_loop3A_436 = vector.broadcast %parallel_loop3A_383 : i32 to vector<16xi32>
        %parallel_loop3A_437 = arith.shrsi %parallel_loop3A_436, %parallel_loop3A_435 : vector<16xi32>
        %parallel_loop3A_438 = arith.constant 1 : i32
        %parallel_loop3A_439 = vector.broadcast %parallel_loop3A_438 : i32 to vector<16xi32>
        %parallel_loop3A_440 = arith.andi %parallel_loop3A_437, %parallel_loop3A_439 : vector<16xi32>
        %parallel_loop3A_441 = arith.constant 0 : i32
        %parallel_loop3A_442 = vector.broadcast %parallel_loop3A_441 : i32 to vector<16xi32>
        %parallel_loop3A_443 = arith.cmpi sgt, %parallel_loop3A_440, %parallel_loop3A_442 : vector<16xi32>
        %parallel_loop3A_444 = vector.extract_strided_slice %parallel_loop3A_318 {offsets = [9], sizes = [1], strides = [1]} : vector<16xi32> to vector<1xi32>
        %parallel_loop3A_445 = vector.extract %parallel_loop3A_444[0] : i32 from vector<1xi32>
        %parallel_loop3A_446 = arith.constant true
        %parallel_loop3A_447 = vector.broadcast %parallel_loop3A_446 : i1 to vector<16xi1>
        %parallel_loop3A_448 = tpu.scan <sum>, %parallel_loop3A_440 masked %parallel_loop3A_447 : vector<16xi32>, vector<16xi1> -> vector<16xi32>
        %parallel_loop3A_449 = vector.broadcast %parallel_loop3A_445 : i32 to vector<16xi32>
        %parallel_loop3A_450 = arith.addi %parallel_loop3A_449, %parallel_loop3A_448 : vector<16xi32>
        %parallel_loop3A_451 = arith.subi %parallel_loop3A_450, %parallel_loop3A_440 : vector<16xi32>
        %parallel_loop3A_452 = tpu.iota {dimensions = array<i32: 0>} : vector<16xi32>
        %parallel_loop3A_453 = arith.constant 512 : i32
        %parallel_loop3A_454 = vector.broadcast %parallel_loop3A_453 : i32 to vector<16xi32>
        %parallel_loop3A_455 = arith.muli %parallel_loop3A_452, %parallel_loop3A_454 : vector<16xi32>
        %parallel_loop3A_456 = vector.broadcast %parallel_loop3A_434 : i32 to vector<16xi32>
        %parallel_loop3A_457 = arith.addi %parallel_loop3A_455, %parallel_loop3A_456 : vector<16xi32>
        tpu.vector_store_idx %arg8[%parallel_loop3A_451], %parallel_loop3A_457 masked %parallel_loop3A_443 : memref<512xi32, #tpu.memory_space<vmem>>[vector<16xi32>], vector<16xi32>, vector<16xi1>
      } else {
      }
      %parallel_loop3A_389 = vector.extract_strided_slice %parallel_loop3A_312 {offsets = [10], sizes = [1], strides = [1]} : vector<16xi32> to vector<1xi32>
      %parallel_loop3A_390 = vector.extract %parallel_loop3A_389[0] : i32 from vector<1xi32>
      %parallel_loop3A_391 = arith.constant 0 : i32
      %parallel_loop3A_392 = arith.cmpi ne, %parallel_loop3A_390, %parallel_loop3A_391 : i32
      %parallel_loop3A_393 = arith.extui %parallel_loop3A_392 : i1 to i32
      %parallel_loop3A_394 = arith.constant 0 : i32
      %parallel_loop3A_395 = arith.cmpi ne, %parallel_loop3A_393, %parallel_loop3A_394 : i32
      scf.if %parallel_loop3A_395 {
        %parallel_loop3A_431 = arith.constant 16 : i32
        %parallel_loop3A_432 = arith.muli %parallel_loop3A_308, %parallel_loop3A_431 : i32
        %parallel_loop3A_433 = arith.constant 10 : i32
        %parallel_loop3A_434 = arith.addi %parallel_loop3A_432, %parallel_loop3A_433 : i32
        %parallel_loop3A_435 = tpu.iota {dimensions = array<i32: 0>} : vector<16xi32>
        %parallel_loop3A_436 = vector.broadcast %parallel_loop3A_390 : i32 to vector<16xi32>
        %parallel_loop3A_437 = arith.shrsi %parallel_loop3A_436, %parallel_loop3A_435 : vector<16xi32>
        %parallel_loop3A_438 = arith.constant 1 : i32
        %parallel_loop3A_439 = vector.broadcast %parallel_loop3A_438 : i32 to vector<16xi32>
        %parallel_loop3A_440 = arith.andi %parallel_loop3A_437, %parallel_loop3A_439 : vector<16xi32>
        %parallel_loop3A_441 = arith.constant 0 : i32
        %parallel_loop3A_442 = vector.broadcast %parallel_loop3A_441 : i32 to vector<16xi32>
        %parallel_loop3A_443 = arith.cmpi sgt, %parallel_loop3A_440, %parallel_loop3A_442 : vector<16xi32>
        %parallel_loop3A_444 = vector.extract_strided_slice %parallel_loop3A_318 {offsets = [10], sizes = [1], strides = [1]} : vector<16xi32> to vector<1xi32>
        %parallel_loop3A_445 = vector.extract %parallel_loop3A_444[0] : i32 from vector<1xi32>
        %parallel_loop3A_446 = arith.constant true
        %parallel_loop3A_447 = vector.broadcast %parallel_loop3A_446 : i1 to vector<16xi1>
        %parallel_loop3A_448 = tpu.scan <sum>, %parallel_loop3A_440 masked %parallel_loop3A_447 : vector<16xi32>, vector<16xi1> -> vector<16xi32>
        %parallel_loop3A_449 = vector.broadcast %parallel_loop3A_445 : i32 to vector<16xi32>
        %parallel_loop3A_450 = arith.addi %parallel_loop3A_449, %parallel_loop3A_448 : vector<16xi32>
        %parallel_loop3A_451 = arith.subi %parallel_loop3A_450, %parallel_loop3A_440 : vector<16xi32>
        %parallel_loop3A_452 = tpu.iota {dimensions = array<i32: 0>} : vector<16xi32>
        %parallel_loop3A_453 = arith.constant 512 : i32
        %parallel_loop3A_454 = vector.broadcast %parallel_loop3A_453 : i32 to vector<16xi32>
        %parallel_loop3A_455 = arith.muli %parallel_loop3A_452, %parallel_loop3A_454 : vector<16xi32>
        %parallel_loop3A_456 = vector.broadcast %parallel_loop3A_434 : i32 to vector<16xi32>
        %parallel_loop3A_457 = arith.addi %parallel_loop3A_455, %parallel_loop3A_456 : vector<16xi32>
        tpu.vector_store_idx %arg8[%parallel_loop3A_451], %parallel_loop3A_457 masked %parallel_loop3A_443 : memref<512xi32, #tpu.memory_space<vmem>>[vector<16xi32>], vector<16xi32>, vector<16xi1>
      } else {
      }
      %parallel_loop3A_396 = vector.extract_strided_slice %parallel_loop3A_312 {offsets = [11], sizes = [1], strides = [1]} : vector<16xi32> to vector<1xi32>
      %parallel_loop3A_397 = vector.extract %parallel_loop3A_396[0] : i32 from vector<1xi32>
      %parallel_loop3A_398 = arith.constant 0 : i32
      %parallel_loop3A_399 = arith.cmpi ne, %parallel_loop3A_397, %parallel_loop3A_398 : i32
      %parallel_loop3A_400 = arith.extui %parallel_loop3A_399 : i1 to i32
      %parallel_loop3A_401 = arith.constant 0 : i32
      %parallel_loop3A_402 = arith.cmpi ne, %parallel_loop3A_400, %parallel_loop3A_401 : i32
      scf.if %parallel_loop3A_402 {
        %parallel_loop3A_431 = arith.constant 16 : i32
        %parallel_loop3A_432 = arith.muli %parallel_loop3A_308, %parallel_loop3A_431 : i32
        %parallel_loop3A_433 = arith.constant 11 : i32
        %parallel_loop3A_434 = arith.addi %parallel_loop3A_432, %parallel_loop3A_433 : i32
        %parallel_loop3A_435 = tpu.iota {dimensions = array<i32: 0>} : vector<16xi32>
        %parallel_loop3A_436 = vector.broadcast %parallel_loop3A_397 : i32 to vector<16xi32>
        %parallel_loop3A_437 = arith.shrsi %parallel_loop3A_436, %parallel_loop3A_435 : vector<16xi32>
        %parallel_loop3A_438 = arith.constant 1 : i32
        %parallel_loop3A_439 = vector.broadcast %parallel_loop3A_438 : i32 to vector<16xi32>
        %parallel_loop3A_440 = arith.andi %parallel_loop3A_437, %parallel_loop3A_439 : vector<16xi32>
        %parallel_loop3A_441 = arith.constant 0 : i32
        %parallel_loop3A_442 = vector.broadcast %parallel_loop3A_441 : i32 to vector<16xi32>
        %parallel_loop3A_443 = arith.cmpi sgt, %parallel_loop3A_440, %parallel_loop3A_442 : vector<16xi32>
        %parallel_loop3A_444 = vector.extract_strided_slice %parallel_loop3A_318 {offsets = [11], sizes = [1], strides = [1]} : vector<16xi32> to vector<1xi32>
        %parallel_loop3A_445 = vector.extract %parallel_loop3A_444[0] : i32 from vector<1xi32>
        %parallel_loop3A_446 = arith.constant true
        %parallel_loop3A_447 = vector.broadcast %parallel_loop3A_446 : i1 to vector<16xi1>
        %parallel_loop3A_448 = tpu.scan <sum>, %parallel_loop3A_440 masked %parallel_loop3A_447 : vector<16xi32>, vector<16xi1> -> vector<16xi32>
        %parallel_loop3A_449 = vector.broadcast %parallel_loop3A_445 : i32 to vector<16xi32>
        %parallel_loop3A_450 = arith.addi %parallel_loop3A_449, %parallel_loop3A_448 : vector<16xi32>
        %parallel_loop3A_451 = arith.subi %parallel_loop3A_450, %parallel_loop3A_440 : vector<16xi32>
        %parallel_loop3A_452 = tpu.iota {dimensions = array<i32: 0>} : vector<16xi32>
        %parallel_loop3A_453 = arith.constant 512 : i32
        %parallel_loop3A_454 = vector.broadcast %parallel_loop3A_453 : i32 to vector<16xi32>
        %parallel_loop3A_455 = arith.muli %parallel_loop3A_452, %parallel_loop3A_454 : vector<16xi32>
        %parallel_loop3A_456 = vector.broadcast %parallel_loop3A_434 : i32 to vector<16xi32>
        %parallel_loop3A_457 = arith.addi %parallel_loop3A_455, %parallel_loop3A_456 : vector<16xi32>
        tpu.vector_store_idx %arg8[%parallel_loop3A_451], %parallel_loop3A_457 masked %parallel_loop3A_443 : memref<512xi32, #tpu.memory_space<vmem>>[vector<16xi32>], vector<16xi32>, vector<16xi1>
      } else {
      }
      %parallel_loop3A_403 = vector.extract_strided_slice %parallel_loop3A_312 {offsets = [12], sizes = [1], strides = [1]} : vector<16xi32> to vector<1xi32>
      %parallel_loop3A_404 = vector.extract %parallel_loop3A_403[0] : i32 from vector<1xi32>
      %parallel_loop3A_405 = arith.constant 0 : i32
      %parallel_loop3A_406 = arith.cmpi ne, %parallel_loop3A_404, %parallel_loop3A_405 : i32
      %parallel_loop3A_407 = arith.extui %parallel_loop3A_406 : i1 to i32
      %parallel_loop3A_408 = arith.constant 0 : i32
      %parallel_loop3A_409 = arith.cmpi ne, %parallel_loop3A_407, %parallel_loop3A_408 : i32
      scf.if %parallel_loop3A_409 {
        %parallel_loop3A_431 = arith.constant 16 : i32
        %parallel_loop3A_432 = arith.muli %parallel_loop3A_308, %parallel_loop3A_431 : i32
        %parallel_loop3A_433 = arith.constant 12 : i32
        %parallel_loop3A_434 = arith.addi %parallel_loop3A_432, %parallel_loop3A_433 : i32
        %parallel_loop3A_435 = tpu.iota {dimensions = array<i32: 0>} : vector<16xi32>
        %parallel_loop3A_436 = vector.broadcast %parallel_loop3A_404 : i32 to vector<16xi32>
        %parallel_loop3A_437 = arith.shrsi %parallel_loop3A_436, %parallel_loop3A_435 : vector<16xi32>
        %parallel_loop3A_438 = arith.constant 1 : i32
        %parallel_loop3A_439 = vector.broadcast %parallel_loop3A_438 : i32 to vector<16xi32>
        %parallel_loop3A_440 = arith.andi %parallel_loop3A_437, %parallel_loop3A_439 : vector<16xi32>
        %parallel_loop3A_441 = arith.constant 0 : i32
        %parallel_loop3A_442 = vector.broadcast %parallel_loop3A_441 : i32 to vector<16xi32>
        %parallel_loop3A_443 = arith.cmpi sgt, %parallel_loop3A_440, %parallel_loop3A_442 : vector<16xi32>
        %parallel_loop3A_444 = vector.extract_strided_slice %parallel_loop3A_318 {offsets = [12], sizes = [1], strides = [1]} : vector<16xi32> to vector<1xi32>
        %parallel_loop3A_445 = vector.extract %parallel_loop3A_444[0] : i32 from vector<1xi32>
        %parallel_loop3A_446 = arith.constant true
        %parallel_loop3A_447 = vector.broadcast %parallel_loop3A_446 : i1 to vector<16xi1>
        %parallel_loop3A_448 = tpu.scan <sum>, %parallel_loop3A_440 masked %parallel_loop3A_447 : vector<16xi32>, vector<16xi1> -> vector<16xi32>
        %parallel_loop3A_449 = vector.broadcast %parallel_loop3A_445 : i32 to vector<16xi32>
        %parallel_loop3A_450 = arith.addi %parallel_loop3A_449, %parallel_loop3A_448 : vector<16xi32>
        %parallel_loop3A_451 = arith.subi %parallel_loop3A_450, %parallel_loop3A_440 : vector<16xi32>
        %parallel_loop3A_452 = tpu.iota {dimensions = array<i32: 0>} : vector<16xi32>
        %parallel_loop3A_453 = arith.constant 512 : i32
        %parallel_loop3A_454 = vector.broadcast %parallel_loop3A_453 : i32 to vector<16xi32>
        %parallel_loop3A_455 = arith.muli %parallel_loop3A_452, %parallel_loop3A_454 : vector<16xi32>
        %parallel_loop3A_456 = vector.broadcast %parallel_loop3A_434 : i32 to vector<16xi32>
        %parallel_loop3A_457 = arith.addi %parallel_loop3A_455, %parallel_loop3A_456 : vector<16xi32>
        tpu.vector_store_idx %arg8[%parallel_loop3A_451], %parallel_loop3A_457 masked %parallel_loop3A_443 : memref<512xi32, #tpu.memory_space<vmem>>[vector<16xi32>], vector<16xi32>, vector<16xi1>
      } else {
      }
      %parallel_loop3A_410 = vector.extract_strided_slice %parallel_loop3A_312 {offsets = [13], sizes = [1], strides = [1]} : vector<16xi32> to vector<1xi32>
      %parallel_loop3A_411 = vector.extract %parallel_loop3A_410[0] : i32 from vector<1xi32>
      %parallel_loop3A_412 = arith.constant 0 : i32
      %parallel_loop3A_413 = arith.cmpi ne, %parallel_loop3A_411, %parallel_loop3A_412 : i32
      %parallel_loop3A_414 = arith.extui %parallel_loop3A_413 : i1 to i32
      %parallel_loop3A_415 = arith.constant 0 : i32
      %parallel_loop3A_416 = arith.cmpi ne, %parallel_loop3A_414, %parallel_loop3A_415 : i32
      scf.if %parallel_loop3A_416 {
        %parallel_loop3A_431 = arith.constant 16 : i32
        %parallel_loop3A_432 = arith.muli %parallel_loop3A_308, %parallel_loop3A_431 : i32
        %parallel_loop3A_433 = arith.constant 13 : i32
        %parallel_loop3A_434 = arith.addi %parallel_loop3A_432, %parallel_loop3A_433 : i32
        %parallel_loop3A_435 = tpu.iota {dimensions = array<i32: 0>} : vector<16xi32>
        %parallel_loop3A_436 = vector.broadcast %parallel_loop3A_411 : i32 to vector<16xi32>
        %parallel_loop3A_437 = arith.shrsi %parallel_loop3A_436, %parallel_loop3A_435 : vector<16xi32>
        %parallel_loop3A_438 = arith.constant 1 : i32
        %parallel_loop3A_439 = vector.broadcast %parallel_loop3A_438 : i32 to vector<16xi32>
        %parallel_loop3A_440 = arith.andi %parallel_loop3A_437, %parallel_loop3A_439 : vector<16xi32>
        %parallel_loop3A_441 = arith.constant 0 : i32
        %parallel_loop3A_442 = vector.broadcast %parallel_loop3A_441 : i32 to vector<16xi32>
        %parallel_loop3A_443 = arith.cmpi sgt, %parallel_loop3A_440, %parallel_loop3A_442 : vector<16xi32>
        %parallel_loop3A_444 = vector.extract_strided_slice %parallel_loop3A_318 {offsets = [13], sizes = [1], strides = [1]} : vector<16xi32> to vector<1xi32>
        %parallel_loop3A_445 = vector.extract %parallel_loop3A_444[0] : i32 from vector<1xi32>
        %parallel_loop3A_446 = arith.constant true
        %parallel_loop3A_447 = vector.broadcast %parallel_loop3A_446 : i1 to vector<16xi1>
        %parallel_loop3A_448 = tpu.scan <sum>, %parallel_loop3A_440 masked %parallel_loop3A_447 : vector<16xi32>, vector<16xi1> -> vector<16xi32>
        %parallel_loop3A_449 = vector.broadcast %parallel_loop3A_445 : i32 to vector<16xi32>
        %parallel_loop3A_450 = arith.addi %parallel_loop3A_449, %parallel_loop3A_448 : vector<16xi32>
        %parallel_loop3A_451 = arith.subi %parallel_loop3A_450, %parallel_loop3A_440 : vector<16xi32>
        %parallel_loop3A_452 = tpu.iota {dimensions = array<i32: 0>} : vector<16xi32>
        %parallel_loop3A_453 = arith.constant 512 : i32
        %parallel_loop3A_454 = vector.broadcast %parallel_loop3A_453 : i32 to vector<16xi32>
        %parallel_loop3A_455 = arith.muli %parallel_loop3A_452, %parallel_loop3A_454 : vector<16xi32>
        %parallel_loop3A_456 = vector.broadcast %parallel_loop3A_434 : i32 to vector<16xi32>
        %parallel_loop3A_457 = arith.addi %parallel_loop3A_455, %parallel_loop3A_456 : vector<16xi32>
        tpu.vector_store_idx %arg8[%parallel_loop3A_451], %parallel_loop3A_457 masked %parallel_loop3A_443 : memref<512xi32, #tpu.memory_space<vmem>>[vector<16xi32>], vector<16xi32>, vector<16xi1>
      } else {
      }
      %parallel_loop3A_417 = vector.extract_strided_slice %parallel_loop3A_312 {offsets = [14], sizes = [1], strides = [1]} : vector<16xi32> to vector<1xi32>
      %parallel_loop3A_418 = vector.extract %parallel_loop3A_417[0] : i32 from vector<1xi32>
      %parallel_loop3A_419 = arith.constant 0 : i32
      %parallel_loop3A_420 = arith.cmpi ne, %parallel_loop3A_418, %parallel_loop3A_419 : i32
      %parallel_loop3A_421 = arith.extui %parallel_loop3A_420 : i1 to i32
      %parallel_loop3A_422 = arith.constant 0 : i32
      %parallel_loop3A_423 = arith.cmpi ne, %parallel_loop3A_421, %parallel_loop3A_422 : i32
      scf.if %parallel_loop3A_423 {
        %parallel_loop3A_431 = arith.constant 16 : i32
        %parallel_loop3A_432 = arith.muli %parallel_loop3A_308, %parallel_loop3A_431 : i32
        %parallel_loop3A_433 = arith.constant 14 : i32
        %parallel_loop3A_434 = arith.addi %parallel_loop3A_432, %parallel_loop3A_433 : i32
        %parallel_loop3A_435 = tpu.iota {dimensions = array<i32: 0>} : vector<16xi32>
        %parallel_loop3A_436 = vector.broadcast %parallel_loop3A_418 : i32 to vector<16xi32>
        %parallel_loop3A_437 = arith.shrsi %parallel_loop3A_436, %parallel_loop3A_435 : vector<16xi32>
        %parallel_loop3A_438 = arith.constant 1 : i32
        %parallel_loop3A_439 = vector.broadcast %parallel_loop3A_438 : i32 to vector<16xi32>
        %parallel_loop3A_440 = arith.andi %parallel_loop3A_437, %parallel_loop3A_439 : vector<16xi32>
        %parallel_loop3A_441 = arith.constant 0 : i32
        %parallel_loop3A_442 = vector.broadcast %parallel_loop3A_441 : i32 to vector<16xi32>
        %parallel_loop3A_443 = arith.cmpi sgt, %parallel_loop3A_440, %parallel_loop3A_442 : vector<16xi32>
        %parallel_loop3A_444 = vector.extract_strided_slice %parallel_loop3A_318 {offsets = [14], sizes = [1], strides = [1]} : vector<16xi32> to vector<1xi32>
        %parallel_loop3A_445 = vector.extract %parallel_loop3A_444[0] : i32 from vector<1xi32>
        %parallel_loop3A_446 = arith.constant true
        %parallel_loop3A_447 = vector.broadcast %parallel_loop3A_446 : i1 to vector<16xi1>
        %parallel_loop3A_448 = tpu.scan <sum>, %parallel_loop3A_440 masked %parallel_loop3A_447 : vector<16xi32>, vector<16xi1> -> vector<16xi32>
        %parallel_loop3A_449 = vector.broadcast %parallel_loop3A_445 : i32 to vector<16xi32>
        %parallel_loop3A_450 = arith.addi %parallel_loop3A_449, %parallel_loop3A_448 : vector<16xi32>
        %parallel_loop3A_451 = arith.subi %parallel_loop3A_450, %parallel_loop3A_440 : vector<16xi32>
        %parallel_loop3A_452 = tpu.iota {dimensions = array<i32: 0>} : vector<16xi32>
        %parallel_loop3A_453 = arith.constant 512 : i32
        %parallel_loop3A_454 = vector.broadcast %parallel_loop3A_453 : i32 to vector<16xi32>
        %parallel_loop3A_455 = arith.muli %parallel_loop3A_452, %parallel_loop3A_454 : vector<16xi32>
        %parallel_loop3A_456 = vector.broadcast %parallel_loop3A_434 : i32 to vector<16xi32>
        %parallel_loop3A_457 = arith.addi %parallel_loop3A_455, %parallel_loop3A_456 : vector<16xi32>
        tpu.vector_store_idx %arg8[%parallel_loop3A_451], %parallel_loop3A_457 masked %parallel_loop3A_443 : memref<512xi32, #tpu.memory_space<vmem>>[vector<16xi32>], vector<16xi32>, vector<16xi1>
      } else {
      }
      %parallel_loop3A_424 = vector.extract_strided_slice %parallel_loop3A_312 {offsets = [15], sizes = [1], strides = [1]} : vector<16xi32> to vector<1xi32>
      %parallel_loop3A_425 = vector.extract %parallel_loop3A_424[0] : i32 from vector<1xi32>
      %parallel_loop3A_426 = arith.constant 0 : i32
      %parallel_loop3A_427 = arith.cmpi ne, %parallel_loop3A_425, %parallel_loop3A_426 : i32
      %parallel_loop3A_428 = arith.extui %parallel_loop3A_427 : i1 to i32
      %parallel_loop3A_429 = arith.constant 0 : i32
      %parallel_loop3A_430 = arith.cmpi ne, %parallel_loop3A_428, %parallel_loop3A_429 : i32
      scf.if %parallel_loop3A_430 {
        %parallel_loop3A_431 = arith.constant 16 : i32
        %parallel_loop3A_432 = arith.muli %parallel_loop3A_308, %parallel_loop3A_431 : i32
        %parallel_loop3A_433 = arith.constant 15 : i32
        %parallel_loop3A_434 = arith.addi %parallel_loop3A_432, %parallel_loop3A_433 : i32
        %parallel_loop3A_435 = tpu.iota {dimensions = array<i32: 0>} : vector<16xi32>
        %parallel_loop3A_436 = vector.broadcast %parallel_loop3A_425 : i32 to vector<16xi32>
        %parallel_loop3A_437 = arith.shrsi %parallel_loop3A_436, %parallel_loop3A_435 : vector<16xi32>
        %parallel_loop3A_438 = arith.constant 1 : i32
        %parallel_loop3A_439 = vector.broadcast %parallel_loop3A_438 : i32 to vector<16xi32>
        %parallel_loop3A_440 = arith.andi %parallel_loop3A_437, %parallel_loop3A_439 : vector<16xi32>
        %parallel_loop3A_441 = arith.constant 0 : i32
        %parallel_loop3A_442 = vector.broadcast %parallel_loop3A_441 : i32 to vector<16xi32>
        %parallel_loop3A_443 = arith.cmpi sgt, %parallel_loop3A_440, %parallel_loop3A_442 : vector<16xi32>
        %parallel_loop3A_444 = vector.extract_strided_slice %parallel_loop3A_318 {offsets = [15], sizes = [1], strides = [1]} : vector<16xi32> to vector<1xi32>
        %parallel_loop3A_445 = vector.extract %parallel_loop3A_444[0] : i32 from vector<1xi32>
        %parallel_loop3A_446 = arith.constant true
        %parallel_loop3A_447 = vector.broadcast %parallel_loop3A_446 : i1 to vector<16xi1>
        %parallel_loop3A_448 = tpu.scan <sum>, %parallel_loop3A_440 masked %parallel_loop3A_447 : vector<16xi32>, vector<16xi1> -> vector<16xi32>
        %parallel_loop3A_449 = vector.broadcast %parallel_loop3A_445 : i32 to vector<16xi32>
        %parallel_loop3A_450 = arith.addi %parallel_loop3A_449, %parallel_loop3A_448 : vector<16xi32>
        %parallel_loop3A_451 = arith.subi %parallel_loop3A_450, %parallel_loop3A_440 : vector<16xi32>
        %parallel_loop3A_452 = tpu.iota {dimensions = array<i32: 0>} : vector<16xi32>
        %parallel_loop3A_453 = arith.constant 512 : i32
        %parallel_loop3A_454 = vector.broadcast %parallel_loop3A_453 : i32 to vector<16xi32>
        %parallel_loop3A_455 = arith.muli %parallel_loop3A_452, %parallel_loop3A_454 : vector<16xi32>
        %parallel_loop3A_456 = vector.broadcast %parallel_loop3A_434 : i32 to vector<16xi32>
        %parallel_loop3A_457 = arith.addi %parallel_loop3A_455, %parallel_loop3A_456 : vector<16xi32>
        tpu.vector_store_idx %arg8[%parallel_loop3A_451], %parallel_loop3A_457 masked %parallel_loop3A_443 : memref<512xi32, #tpu.memory_space<vmem>>[vector<16xi32>], vector<16xi32>, vector<16xi1>
      } else {
      }
    } {sc.loop_unroll_factor = 4 : i64, sc.parallel_access}
    %add3A_144 = arith.constant 1 : i32
    %add3A_145 = arith.addi %mul3A_2, %add3A_144 : i32
    %mul3A_146 = arith.constant 8192 : i32
    %mul3A_147 = arith.muli %add3A_145, %mul3A_146 : i32
    %get3A_148 = arith.constant 0 : index
    %get3A_149 = tpu.vector_load %arg8[%get3A_148] {strides = array<i32>} : memref<512xi32, #tpu.memory_space<vmem>>, vector<16xi32>,
    %add3A_150 = vector.broadcast %mul3A_147 : i32 to vector<16xi32>
    %add3A_151 = arith.addi %get3A_149, %add3A_150 : vector<16xi32>
    %swap3A_152 = arith.constant 0 : index
    %swap3A_153 = tpu.vector_load %arg10[%swap3A_152] {strides = array<i32>} : memref<256xi32, #tpu.memory_space<vmem>>, vector<16xi32>,
    tpu.vector_store %arg10[%swap3A_152], %add3A_151 {strides = array<i32>} : memref<256xi32, #tpu.memory_space<vmem>>, vector<16xi32>,
    %get3A_154 = arith.constant 16 : index
    %get3A_155 = tpu.vector_load %arg8[%get3A_154] {strides = array<i32>} : memref<512xi32, #tpu.memory_space<vmem>>, vector<16xi32>,
    %add3A_156 = vector.broadcast %mul3A_147 : i32 to vector<16xi32>
    %add3A_157 = arith.addi %get3A_155, %add3A_156 : vector<16xi32>
    %swap3A_158 = arith.constant 16 : index
    %swap3A_159 = tpu.vector_load %arg10[%swap3A_158] {strides = array<i32>} : memref<256xi32, #tpu.memory_space<vmem>>, vector<16xi32>,
    tpu.vector_store %arg10[%swap3A_158], %add3A_157 {strides = array<i32>} : memref<256xi32, #tpu.memory_space<vmem>>, vector<16xi32>,
    %get3A_160 = arith.constant 32 : index
    %get3A_161 = tpu.vector_load %arg8[%get3A_160] {strides = array<i32>} : memref<512xi32, #tpu.memory_space<vmem>>, vector<16xi32>,
    %add3A_162 = vector.broadcast %mul3A_147 : i32 to vector<16xi32>
    %add3A_163 = arith.addi %get3A_161, %add3A_162 : vector<16xi32>
    %swap3A_164 = arith.constant 32 : index
    %swap3A_165 = tpu.vector_load %arg10[%swap3A_164] {strides = array<i32>} : memref<256xi32, #tpu.memory_space<vmem>>, vector<16xi32>,
    tpu.vector_store %arg10[%swap3A_164], %add3A_163 {strides = array<i32>} : memref<256xi32, #tpu.memory_space<vmem>>, vector<16xi32>,
    %get3A_166 = arith.constant 48 : index
    %get3A_167 = tpu.vector_load %arg8[%get3A_166] {strides = array<i32>} : memref<512xi32, #tpu.memory_space<vmem>>, vector<16xi32>,
    %add3A_168 = vector.broadcast %mul3A_147 : i32 to vector<16xi32>
    %add3A_169 = arith.addi %get3A_167, %add3A_168 : vector<16xi32>
    %swap3A_170 = arith.constant 48 : index
    %swap3A_171 = tpu.vector_load %arg10[%swap3A_170] {strides = array<i32>} : memref<256xi32, #tpu.memory_space<vmem>>, vector<16xi32>,
    tpu.vector_store %arg10[%swap3A_170], %add3A_169 {strides = array<i32>} : memref<256xi32, #tpu.memory_space<vmem>>, vector<16xi32>,
    %get3A_172 = arith.constant 64 : index
    %get3A_173 = tpu.vector_load %arg8[%get3A_172] {strides = array<i32>} : memref<512xi32, #tpu.memory_space<vmem>>, vector<16xi32>,
    %add3A_174 = vector.broadcast %mul3A_147 : i32 to vector<16xi32>
    %add3A_175 = arith.addi %get3A_173, %add3A_174 : vector<16xi32>
    %swap3A_176 = arith.constant 64 : index
    %swap3A_177 = tpu.vector_load %arg10[%swap3A_176] {strides = array<i32>} : memref<256xi32, #tpu.memory_space<vmem>>, vector<16xi32>,
    tpu.vector_store %arg10[%swap3A_176], %add3A_175 {strides = array<i32>} : memref<256xi32, #tpu.memory_space<vmem>>, vector<16xi32>,
    %get3A_178 = arith.constant 80 : index
    %get3A_179 = tpu.vector_load %arg8[%get3A_178] {strides = array<i32>} : memref<512xi32, #tpu.memory_space<vmem>>, vector<16xi32>,
    %add3A_180 = vector.broadcast %mul3A_147 : i32 to vector<16xi32>
    %add3A_181 = arith.addi %get3A_179, %add3A_180 : vector<16xi32>
    %swap3A_182 = arith.constant 80 : index
    %swap3A_183 = tpu.vector_load %arg10[%swap3A_182] {strides = array<i32>} : memref<256xi32, #tpu.memory_space<vmem>>, vector<16xi32>,
    tpu.vector_store %arg10[%swap3A_182], %add3A_181 {strides = array<i32>} : memref<256xi32, #tpu.memory_space<vmem>>, vector<16xi32>,
    %get3A_184 = arith.constant 96 : index
    %get3A_185 = tpu.vector_load %arg8[%get3A_184] {strides = array<i32>} : memref<512xi32, #tpu.memory_space<vmem>>, vector<16xi32>,
    %add3A_186 = vector.broadcast %mul3A_147 : i32 to vector<16xi32>
    %add3A_187 = arith.addi %get3A_185, %add3A_186 : vector<16xi32>
    %swap3A_188 = arith.constant 96 : index
    %swap3A_189 = tpu.vector_load %arg10[%swap3A_188] {strides = array<i32>} : memref<256xi32, #tpu.memory_space<vmem>>, vector<16xi32>,
    tpu.vector_store %arg10[%swap3A_188], %add3A_187 {strides = array<i32>} : memref<256xi32, #tpu.memory_space<vmem>>, vector<16xi32>,
    %get3A_190 = arith.constant 112 : index
    %get3A_191 = tpu.vector_load %arg8[%get3A_190] {strides = array<i32>} : memref<512xi32, #tpu.memory_space<vmem>>, vector<16xi32>,
    %add3A_192 = vector.broadcast %mul3A_147 : i32 to vector<16xi32>
    %add3A_193 = arith.addi %get3A_191, %add3A_192 : vector<16xi32>
    %swap3A_194 = arith.constant 112 : index
    %swap3A_195 = tpu.vector_load %arg10[%swap3A_194] {strides = array<i32>} : memref<256xi32, #tpu.memory_space<vmem>>, vector<16xi32>,
    tpu.vector_store %arg10[%swap3A_194], %add3A_193 {strides = array<i32>} : memref<256xi32, #tpu.memory_space<vmem>>, vector<16xi32>,
    %get3A_196 = arith.constant 128 : index
    %get3A_197 = tpu.vector_load %arg8[%get3A_196] {strides = array<i32>} : memref<512xi32, #tpu.memory_space<vmem>>, vector<16xi32>,
    %add3A_198 = vector.broadcast %mul3A_147 : i32 to vector<16xi32>
    %add3A_199 = arith.addi %get3A_197, %add3A_198 : vector<16xi32>
    %swap3A_200 = arith.constant 128 : index
    %swap3A_201 = tpu.vector_load %arg10[%swap3A_200] {strides = array<i32>} : memref<256xi32, #tpu.memory_space<vmem>>, vector<16xi32>,
    tpu.vector_store %arg10[%swap3A_200], %add3A_199 {strides = array<i32>} : memref<256xi32, #tpu.memory_space<vmem>>, vector<16xi32>,
    %get3A_202 = arith.constant 144 : index
    %get3A_203 = tpu.vector_load %arg8[%get3A_202] {strides = array<i32>} : memref<512xi32, #tpu.memory_space<vmem>>, vector<16xi32>,
    %add3A_204 = vector.broadcast %mul3A_147 : i32 to vector<16xi32>
    %add3A_205 = arith.addi %get3A_203, %add3A_204 : vector<16xi32>
    %swap3A_206 = arith.constant 144 : index
    %swap3A_207 = tpu.vector_load %arg10[%swap3A_206] {strides = array<i32>} : memref<256xi32, #tpu.memory_space<vmem>>, vector<16xi32>,
    tpu.vector_store %arg10[%swap3A_206], %add3A_205 {strides = array<i32>} : memref<256xi32, #tpu.memory_space<vmem>>, vector<16xi32>,
    %get3A_208 = arith.constant 160 : index
    %get3A_209 = tpu.vector_load %arg8[%get3A_208] {strides = array<i32>} : memref<512xi32, #tpu.memory_space<vmem>>, vector<16xi32>,
    %add3A_210 = vector.broadcast %mul3A_147 : i32 to vector<16xi32>
    %add3A_211 = arith.addi %get3A_209, %add3A_210 : vector<16xi32>
    %swap3A_212 = arith.constant 160 : index
    %swap3A_213 = tpu.vector_load %arg10[%swap3A_212] {strides = array<i32>} : memref<256xi32, #tpu.memory_space<vmem>>, vector<16xi32>,
    tpu.vector_store %arg10[%swap3A_212], %add3A_211 {strides = array<i32>} : memref<256xi32, #tpu.memory_space<vmem>>, vector<16xi32>,
    %get3A_214 = arith.constant 176 : index
    %get3A_215 = tpu.vector_load %arg8[%get3A_214] {strides = array<i32>} : memref<512xi32, #tpu.memory_space<vmem>>, vector<16xi32>,
    %add3A_216 = vector.broadcast %mul3A_147 : i32 to vector<16xi32>
    %add3A_217 = arith.addi %get3A_215, %add3A_216 : vector<16xi32>
    %swap3A_218 = arith.constant 176 : index
    %swap3A_219 = tpu.vector_load %arg10[%swap3A_218] {strides = array<i32>} : memref<256xi32, #tpu.memory_space<vmem>>, vector<16xi32>,
    tpu.vector_store %arg10[%swap3A_218], %add3A_217 {strides = array<i32>} : memref<256xi32, #tpu.memory_space<vmem>>, vector<16xi32>,
    %get3A_220 = arith.constant 192 : index
    %get3A_221 = tpu.vector_load %arg8[%get3A_220] {strides = array<i32>} : memref<512xi32, #tpu.memory_space<vmem>>, vector<16xi32>,
    %add3A_222 = vector.broadcast %mul3A_147 : i32 to vector<16xi32>
    %add3A_223 = arith.addi %get3A_221, %add3A_222 : vector<16xi32>
    %swap3A_224 = arith.constant 192 : index
    %swap3A_225 = tpu.vector_load %arg10[%swap3A_224] {strides = array<i32>} : memref<256xi32, #tpu.memory_space<vmem>>, vector<16xi32>,
    tpu.vector_store %arg10[%swap3A_224], %add3A_223 {strides = array<i32>} : memref<256xi32, #tpu.memory_space<vmem>>, vector<16xi32>,
    %get3A_226 = arith.constant 208 : index
    %get3A_227 = tpu.vector_load %arg8[%get3A_226] {strides = array<i32>} : memref<512xi32, #tpu.memory_space<vmem>>, vector<16xi32>,
    %add3A_228 = vector.broadcast %mul3A_147 : i32 to vector<16xi32>
    %add3A_229 = arith.addi %get3A_227, %add3A_228 : vector<16xi32>
    %swap3A_230 = arith.constant 208 : index
    %swap3A_231 = tpu.vector_load %arg10[%swap3A_230] {strides = array<i32>} : memref<256xi32, #tpu.memory_space<vmem>>, vector<16xi32>,
    tpu.vector_store %arg10[%swap3A_230], %add3A_229 {strides = array<i32>} : memref<256xi32, #tpu.memory_space<vmem>>, vector<16xi32>,
    %get3A_232 = arith.constant 224 : index
    %get3A_233 = tpu.vector_load %arg8[%get3A_232] {strides = array<i32>} : memref<512xi32, #tpu.memory_space<vmem>>, vector<16xi32>,
    %add3A_234 = vector.broadcast %mul3A_147 : i32 to vector<16xi32>
    %add3A_235 = arith.addi %get3A_233, %add3A_234 : vector<16xi32>
    %swap3A_236 = arith.constant 224 : index
    %swap3A_237 = tpu.vector_load %arg10[%swap3A_236] {strides = array<i32>} : memref<256xi32, #tpu.memory_space<vmem>>, vector<16xi32>,
    tpu.vector_store %arg10[%swap3A_236], %add3A_235 {strides = array<i32>} : memref<256xi32, #tpu.memory_space<vmem>>, vector<16xi32>,
    %get3A_238 = arith.constant 240 : index
    %get3A_239 = tpu.vector_load %arg8[%get3A_238] {strides = array<i32>} : memref<512xi32, #tpu.memory_space<vmem>>, vector<16xi32>,
    %add3A_240 = vector.broadcast %mul3A_147 : i32 to vector<16xi32>
    %add3A_241 = arith.addi %get3A_239, %add3A_240 : vector<16xi32>
    %swap3A_242 = arith.constant 240 : index
    %swap3A_243 = tpu.vector_load %arg10[%swap3A_242] {strides = array<i32>} : memref<256xi32, #tpu.memory_space<vmem>>, vector<16xi32>,
    tpu.vector_store %arg10[%swap3A_242], %add3A_241 {strides = array<i32>} : memref<256xi32, #tpu.memory_space<vmem>>, vector<16xi32>,
    %dma_start3A_244 = arith.constant 256 : i32
    %dma_start3A_245 = tpu.memref_slice %arg8[%dma_start3A_244] : memref<512xi32, #tpu.memory_space<vmem>> -> memref<128xi32, #tpu.memory_space<vmem>>
    %dma_start3A_246 = arith.constant 0 : i32
    %dma_start3A_247 = tpu.memref_slice %arg10[%dma_start3A_246] : memref<256xi32, #tpu.memory_space<vmem>> -> memref<128xi32, #tpu.memory_space<vmem>>
    %dma_start3A_248 = arith.constant 0 : i32
    %dma_start3A_249 = tpu.memref_slice %arg3[%dma_start3A_248] : memref<524288xi32, #tpu.memory_space<hbm>> -> memref<524288xi32, #tpu.memory_space<hbm>>
    tpu.enqueue_indirect_dma source(%dma_start3A_249 : memref<524288xi32, #tpu.memory_space<hbm>>) target(%dma_start3A_245 : memref<128xi32, #tpu.memory_space<vmem>>) offsets(%dma_start3A_247 : memref<128xi32, #tpu.memory_space<vmem>>) semaphore(%arg14 : memref<!tpu.dma_semaphore, #tpu.memory_space<semaphore_mem>>)
    %dma_start3A_250 = arith.constant 384 : i32
    %dma_start3A_251 = tpu.memref_slice %arg8[%dma_start3A_250] : memref<512xi32, #tpu.memory_space<vmem>> -> memref<128xi32, #tpu.memory_space<vmem>>
    %dma_start3A_252 = arith.constant 128 : i32
    %dma_start3A_253 = tpu.memref_slice %arg10[%dma_start3A_252] : memref<256xi32, #tpu.memory_space<vmem>> -> memref<128xi32, #tpu.memory_space<vmem>>
    %dma_start3A_254 = arith.constant 0 : i32
    %dma_start3A_255 = tpu.memref_slice %arg3[%dma_start3A_254] : memref<524288xi32, #tpu.memory_space<hbm>> -> memref<524288xi32, #tpu.memory_space<hbm>>
    tpu.enqueue_indirect_dma source(%dma_start3A_255 : memref<524288xi32, #tpu.memory_space<hbm>>) target(%dma_start3A_251 : memref<128xi32, #tpu.memory_space<vmem>>) offsets(%dma_start3A_253 : memref<128xi32, #tpu.memory_space<vmem>>) semaphore(%arg14 : memref<!tpu.dma_semaphore, #tpu.memory_space<semaphore_mem>>)
    %dma_wait3A_256 = arith.constant 256 : i32
    %dma_wait3A_257 = tpu.memref_slice %arg7[%dma_wait3A_256] : memref<512xi32, #tpu.memory_space<vmem>> -> memref<128xi32, #tpu.memory_space<vmem>>
    %dma_wait3A_258 = arith.constant 0 : i32
    %dma_wait3A_259 = tpu.memref_slice %arg9[%dma_wait3A_258] : memref<256xi32, #tpu.memory_space<vmem>> -> memref<128xi32, #tpu.memory_space<vmem>>
    %dma_wait3A_260 = arith.constant 0 : i32
    %dma_wait3A_261 = tpu.memref_slice %arg3[%dma_wait3A_260] : memref<524288xi32, #tpu.memory_space<hbm>> -> memref<524288xi32, #tpu.memory_space<hbm>>
    tpu.wait_indirect_dma semaphore(%arg13 : memref<!tpu.dma_semaphore, #tpu.memory_space<semaphore_mem>>) src(%dma_wait3A_261 : memref<524288xi32, #tpu.memory_space<hbm>>) dst(%dma_wait3A_257 : memref<128xi32, #tpu.memory_space<vmem>>)
    %dma_wait3A_262 = arith.constant 384 : i32
    %dma_wait3A_263 = tpu.memref_slice %arg7[%dma_wait3A_262] : memref<512xi32, #tpu.memory_space<vmem>> -> memref<128xi32, #tpu.memory_space<vmem>>
    %dma_wait3A_264 = arith.constant 128 : i32
    %dma_wait3A_265 = tpu.memref_slice %arg9[%dma_wait3A_264] : memref<256xi32, #tpu.memory_space<vmem>> -> memref<128xi32, #tpu.memory_space<vmem>>
    %dma_wait3A_266 = arith.constant 0 : i32
    %dma_wait3A_267 = tpu.memref_slice %arg3[%dma_wait3A_266] : memref<524288xi32, #tpu.memory_space<hbm>> -> memref<524288xi32, #tpu.memory_space<hbm>>
    tpu.wait_indirect_dma semaphore(%arg13 : memref<!tpu.dma_semaphore, #tpu.memory_space<semaphore_mem>>) src(%dma_wait3A_267 : memref<524288xi32, #tpu.memory_space<hbm>>) dst(%dma_wait3A_263 : memref<128xi32, #tpu.memory_space<vmem>>)
    %add3A_268 = arith.constant 0 : i32
    %add3A_269 = arith.addi %mul3A_2, %add3A_268 : i32
    %dma_start3A_270 = arith.constant 0 : i32
    %dma_start3A_271 = tpu.memref_slice %arg4[%add3A_269, %dma_start3A_270] : memref<64x512xi32, #tpu.memory_space<hbm>> -> memref<1x512xi32, #tpu.memory_space<hbm>>
    %dma_start3A_272 = tpu.memref_squeeze %dma_start3A_271 : memref<1x512xi32, #tpu.memory_space<hbm>> -> memref<512xi32, #tpu.memory_space<hbm>>
    %dma_start3A_273 = arith.constant 0 : i32
    %dma_start3A_274 = tpu.memref_slice %arg4[%add3A_269, %dma_start3A_273] : memref<64x512xi32, #tpu.memory_space<hbm>> -> memref<1x512xi32, #tpu.memory_space<hbm>>
    %dma_start3A_275 = tpu.memref_squeeze %dma_start3A_274 : memref<1x512xi32, #tpu.memory_space<hbm>> -> memref<512xi32, #tpu.memory_space<hbm>>
    tpu.enqueue_dma source(%arg7 : memref<512xi32, #tpu.memory_space<vmem>>) target(%dma_start3A_275 : memref<512xi32, #tpu.memory_space<hbm>>) target_semaphore(%arg11 : memref<!tpu.dma_semaphore, #tpu.memory_space<semaphore_mem>>)
    %dma_wait3A_276 = arith.constant 256 : i32
    %dma_wait3A_277 = tpu.memref_slice %arg8[%dma_wait3A_276] : memref<512xi32, #tpu.memory_space<vmem>> -> memref<128xi32, #tpu.memory_space<vmem>>
    %dma_wait3A_278 = arith.constant 0 : i32
    %dma_wait3A_279 = tpu.memref_slice %arg10[%dma_wait3A_278] : memref<256xi32, #tpu.memory_space<vmem>> -> memref<128xi32, #tpu.memory_space<vmem>>
    %dma_wait3A_280 = arith.constant 0 : i32
    %dma_wait3A_281 = tpu.memref_slice %arg3[%dma_wait3A_280] : memref<524288xi32, #tpu.memory_space<hbm>> -> memref<524288xi32, #tpu.memory_space<hbm>>
    tpu.wait_indirect_dma semaphore(%arg14 : memref<!tpu.dma_semaphore, #tpu.memory_space<semaphore_mem>>) src(%dma_wait3A_281 : memref<524288xi32, #tpu.memory_space<hbm>>) dst(%dma_wait3A_277 : memref<128xi32, #tpu.memory_space<vmem>>)
    %dma_wait3A_282 = arith.constant 384 : i32
    %dma_wait3A_283 = tpu.memref_slice %arg8[%dma_wait3A_282] : memref<512xi32, #tpu.memory_space<vmem>> -> memref<128xi32, #tpu.memory_space<vmem>>
    %dma_wait3A_284 = arith.constant 128 : i32
    %dma_wait3A_285 = tpu.memref_slice %arg10[%dma_wait3A_284] : memref<256xi32, #tpu.memory_space<vmem>> -> memref<128xi32, #tpu.memory_space<vmem>>
    %dma_wait3A_286 = arith.constant 0 : i32
    %dma_wait3A_287 = tpu.memref_slice %arg3[%dma_wait3A_286] : memref<524288xi32, #tpu.memory_space<hbm>> -> memref<524288xi32, #tpu.memory_space<hbm>>
    tpu.wait_indirect_dma semaphore(%arg14 : memref<!tpu.dma_semaphore, #tpu.memory_space<semaphore_mem>>) src(%dma_wait3A_287 : memref<524288xi32, #tpu.memory_space<hbm>>) dst(%dma_wait3A_283 : memref<128xi32, #tpu.memory_space<vmem>>)
    %add3A_288 = arith.constant 1 : i32
    %add3A_289 = arith.addi %mul3A_2, %add3A_288 : i32
    %dma_start3A_290 = arith.constant 0 : i32
    %dma_start3A_291 = tpu.memref_slice %arg4[%add3A_289, %dma_start3A_290] : memref<64x512xi32, #tpu.memory_space<hbm>> -> memref<1x512xi32, #tpu.memory_space<hbm>>
    %dma_start3A_292 = tpu.memref_squeeze %dma_start3A_291 : memref<1x512xi32, #tpu.memory_space<hbm>> -> memref<512xi32, #tpu.memory_space<hbm>>
    %dma_start3A_293 = arith.constant 0 : i32
    %dma_start3A_294 = tpu.memref_slice %arg4[%add3A_289, %dma_start3A_293] : memref<64x512xi32, #tpu.memory_space<hbm>> -> memref<1x512xi32, #tpu.memory_space<hbm>>
    %dma_start3A_295 = tpu.memref_squeeze %dma_start3A_294 : memref<1x512xi32, #tpu.memory_space<hbm>> -> memref<512xi32, #tpu.memory_space<hbm>>
    tpu.enqueue_dma source(%arg8 : memref<512xi32, #tpu.memory_space<vmem>>) target(%dma_start3A_295 : memref<512xi32, #tpu.memory_space<hbm>>) target_semaphore(%arg12 : memref<!tpu.dma_semaphore, #tpu.memory_space<semaphore_mem>>)
    %dma_wait3A_296 = arith.constant 0 : i32
    %dma_wait3A_297 = tpu.memref_slice %arg4[%add3A_269, %dma_wait3A_296] : memref<64x512xi32, #tpu.memory_space<hbm>> -> memref<1x512xi32, #tpu.memory_space<hbm>>
    %dma_wait3A_298 = tpu.memref_squeeze %dma_wait3A_297 : memref<1x512xi32, #tpu.memory_space<hbm>> -> memref<512xi32, #tpu.memory_space<hbm>>
    %dma_wait3A_299 = arith.constant 0 : i32
    %dma_wait3A_300 = tpu.memref_slice %arg4[%add3A_269, %dma_wait3A_299] : memref<64x512xi32, #tpu.memory_space<hbm>> -> memref<1x512xi32, #tpu.memory_space<hbm>>
    %dma_wait3A_301 = tpu.memref_squeeze %dma_wait3A_300 : memref<1x512xi32, #tpu.memory_space<hbm>> -> memref<512xi32, #tpu.memory_space<hbm>>
    tpu.wait_dma2 semaphore(%arg11 : memref<!tpu.dma_semaphore, #tpu.memory_space<semaphore_mem>>) src(%arg7 : memref<512xi32, #tpu.memory_space<vmem>>) dst(%dma_wait3A_301 : memref<512xi32, #tpu.memory_space<hbm>>)
    %dma_wait3A_302 = arith.constant 0 : i32
    %dma_wait3A_303 = tpu.memref_slice %arg4[%add3A_289, %dma_wait3A_302] : memref<64x512xi32, #tpu.memory_space<hbm>> -> memref<1x512xi32, #tpu.memory_space<hbm>>
    %dma_wait3A_304 = tpu.memref_squeeze %dma_wait3A_303 : memref<1x512xi32, #tpu.memory_space<hbm>> -> memref<512xi32, #tpu.memory_space<hbm>>
    %dma_wait3A_305 = arith.constant 0 : i32
    %dma_wait3A_306 = tpu.memref_slice %arg4[%add3A_289, %dma_wait3A_305] : memref<64x512xi32, #tpu.memory_space<hbm>> -> memref<1x512xi32, #tpu.memory_space<hbm>>
    %dma_wait3A_307 = tpu.memref_squeeze %dma_wait3A_306 : memref<1x512xi32, #tpu.memory_space<hbm>> -> memref<512xi32, #tpu.memory_space<hbm>>
    tpu.wait_dma2 semaphore(%arg12 : memref<!tpu.dma_semaphore, #tpu.memory_space<semaphore_mem>>) src(%arg8 : memref<512xi32, #tpu.memory_space<vmem>>) dst(%dma_wait3A_307 : memref<512xi32, #tpu.memory_space<hbm>>)
    return
  }
}

module attributes {stable_mosaic.version = 14 : i64} {
  func.func @_phase_a_body(%arg0: i32, %arg1: memref<64x8192xf32, #tpu.memory_space<vmem>>, %arg2: memref<64x8192xf32, #tpu.memory_space<vmem>>, %arg3: memref<64x8192xf32, #tpu.memory_space<vmem>>, %arg4: memref<64x8192xi32, #tpu.memory_space<vmem>>, %arg5: memref<64x1024xi32, #tpu.memory_space<vmem>>) attributes {dimension_semantics = [#tpu.dimension_semantics<arbitrary>], iteration_bounds = array<i64: 1>, scalar_prefetch = 0 : i64, scratch_operands = 0 : i64, tpu.core_type = #tpu.core_type<tc>, window_params = [{pipeline_mode = #tpu.pipeline_mode<synchronous>, transform_indices = @transform_0, window_bounds = array<i64: 64, 8192>}, {pipeline_mode = #tpu.pipeline_mode<synchronous>, transform_indices = @transform_1, window_bounds = array<i64: 64, 8192>}, {pipeline_mode = #tpu.pipeline_mode<synchronous>, transform_indices = @transform_2, window_bounds = array<i64: 64, 8192>}, {pipeline_mode = #tpu.pipeline_mode<synchronous>, transform_indices = @transform_3, window_bounds = array<i64: 64, 8192>}, {pipeline_mode = #tpu.pipeline_mode<synchronous>, transform_indices = @transform_4, window_bounds = array<i64: 64, 1024>}]} {
    %get3A = arith.constant 0 : index
    %get3A_0 = arith.constant 0 : index
    %get3A_1 = vector.load %arg1[%get3A, %get3A_0] : memref<64x8192xf32, #tpu.memory_space<vmem>>, vector<64x8192xf32>
    %get3A_2 = arith.constant 0 : index
    %get3A_3 = arith.constant 0 : index
    %get3A_4 = vector.load %arg2[%get3A_2, %get3A_3] : memref<64x8192xf32, #tpu.memory_space<vmem>>, vector<64x8192xf32>
    %add3A = arith.constant 9.99999968E-21 : f32
    %add3A_5 = vector.broadcast %add3A : f32 to vector<64x8192xf32>
    %add3A_6 = arith.addf %get3A_4, %add3A_5 : vector<64x8192xf32>
    %log3A = math.log %add3A_6 : vector<64x8192xf32>
    %neg3A = arith.constant 0.000000e+00 : f32
    %neg3A_7 = vector.broadcast %neg3A : f32 to vector<64x8192xf32>
    %neg3A_8 = arith.subf %neg3A_7, %log3A : vector<64x8192xf32>
    %add3A_9 = arith.constant 9.99999968E-21 : f32
    %add3A_10 = vector.broadcast %add3A_9 : f32 to vector<64x8192xf32>
    %add3A_11 = arith.addf %neg3A_8, %add3A_10 : vector<64x8192xf32>
    %log3A_12 = math.log %add3A_11 : vector<64x8192xf32>
    %neg3A_13 = arith.constant 0.000000e+00 : f32
    %neg3A_14 = vector.broadcast %neg3A_13 : f32 to vector<64x8192xf32>
    %neg3A_15 = arith.subf %neg3A_14, %log3A_12 : vector<64x8192xf32>
    %add3A_16 = arith.addf %get3A_1, %neg3A_15 : vector<64x8192xf32>
    %bitcast_convert_type3A = tpu.bitcast %add3A_16 : vector<64x8192xf32> -> vector<64x8192xi32>
    %lt3A = arith.constant 0 : i32
    %lt3A_17 = vector.broadcast %lt3A : i32 to vector<64x8192xi32>
    %lt3A_18 = arith.cmpi slt, %bitcast_convert_type3A, %lt3A_17 : vector<64x8192xi32>
    %xor3A = arith.constant 2147483647 : i32
    %xor3A_19 = vector.broadcast %xor3A : i32 to vector<64x8192xi32>
    %xor3A_20 = arith.xori %bitcast_convert_type3A, %xor3A_19 : vector<64x8192xi32>
    %select_n3A = arith.select %lt3A_18, %xor3A_20, %bitcast_convert_type3A : vector<64x8192xi1>, vector<64x8192xi32>
    %broadcast_in_dim3A = arith.constant 0 : i32
    %broadcast_in_dim3A_21 = vector.broadcast %broadcast_in_dim3A : i32 to vector<64x1xi32>
    %scan3A = arith.constant 0 : i32
    %scan3A_22 = arith.constant 32 : i32
    %scan3A_23 = arith.addi %scan3A, %scan3A_22 : i32
    %scan3A_24 = arith.constant 1 : i32
    %scan3A_25 = scf.for %scan3A_370 = %scan3A to %scan3A_23 step %scan3A_24 iter_args(%scan3A_371 = %broadcast_in_dim3A_21) -> (vector<64x1xi32>)  : i32 {
      %sub3A_372 = arith.constant 31 : i32
      %sub3A_373 = arith.subi %sub3A_372, %scan3A_370 : i32
      %shift_left3A_374 = arith.constant 1 : i32
      %shift_left3A_375 = arith.shli %shift_left3A_374, %sub3A_373 : i32
      %or3A_376 = vector.broadcast %shift_left3A_375 : i32 to vector<64x1xi32>
      %or3A_377 = arith.ori %scan3A_371, %or3A_376 : vector<64x1xi32>
      %xor3A_378 = arith.constant -2147483648 : i32
      %xor3A_379 = vector.broadcast %xor3A_378 : i32 to vector<64x1xi32>
      %xor3A_380 = arith.xori %or3A_377, %xor3A_379 : vector<64x1xi32>
      %ge3A_381 = vector.broadcast %xor3A_380 : vector<64x1xi32> to vector<64x8192xi32>
      %ge3A_382 = arith.cmpi sge, %select_n3A, %ge3A_381 : vector<64x8192xi32>
      %convert_element_type3A_383 = arith.extui %ge3A_382 : vector<64x8192xi1> to vector<64x8192xi32>
      %reduce_sum3A_384 = arith.constant dense<0> : vector<64xi32>
      %reduce_sum3A_385 = vector.multi_reduction <add>, %convert_element_type3A_383, %reduce_sum3A_384 [1] : vector<64x8192xi32> to vector<64xi32>
      %broadcast_in_dim3A_386 = vector.shape_cast %reduce_sum3A_385 : vector<64xi32> to vector<64x1xi32>
      %ge3A_387 = arith.constant 256 : i32
      %ge3A_388 = vector.broadcast %ge3A_387 : i32 to vector<64x1xi32>
      %ge3A_389 = arith.cmpi sge, %broadcast_in_dim3A_386, %ge3A_388 : vector<64x1xi32>
      %select_n3A_390 = arith.select %ge3A_389, %or3A_377, %scan3A_371 : vector<64x1xi1>, vector<64x1xi32>
      scf.yield %select_n3A_390 : vector<64x1xi32>
    }
    %scan3A_26 = arith.constant 32 : i32
    %xor3A_27 = arith.constant -2147483648 : i32
    %xor3A_28 = vector.broadcast %xor3A_27 : i32 to vector<64x1xi32>
    %xor3A_29 = arith.xori %scan3A_25, %xor3A_28 : vector<64x1xi32>
    %gt3A = vector.broadcast %xor3A_29 : vector<64x1xi32> to vector<64x8192xi32>
    %gt3A_30 = arith.cmpi sgt, %select_n3A, %gt3A : vector<64x8192xi32>
    %eq3A = vector.broadcast %xor3A_29 : vector<64x1xi32> to vector<64x8192xi32>
    %eq3A_31 = arith.cmpi eq, %select_n3A, %eq3A : vector<64x8192xi32>
    %convert_element_type3A = arith.extui %gt3A_30 : vector<64x8192xi1> to vector<64x8192xi32>
    %reduce_sum3A = arith.constant dense<0> : vector<64xi32>
    %reduce_sum3A_32 = vector.multi_reduction <add>, %convert_element_type3A, %reduce_sum3A [1] : vector<64x8192xi32> to vector<64xi32>
    %broadcast_in_dim3A_33 = vector.shape_cast %reduce_sum3A_32 : vector<64xi32> to vector<64x1xi32>
    %sub3A = arith.constant 256 : i32
    %sub3A_34 = vector.broadcast %sub3A : i32 to vector<64x1xi32>
    %sub3A_35 = arith.subi %sub3A_34, %broadcast_in_dim3A_33 : vector<64x1xi32>
    %convert_element_type3A_36 = arith.extui %eq3A_31 : vector<64x8192xi1> to vector<64x8192xi16>
    %iota3A = tpu.iota {dimensions = array<i32: 1>} : vector<64x8192xi16>
    %ge3A = arith.constant 1 : i16
    %ge3A_37 = vector.broadcast %ge3A : i16 to vector<64x8192xi16>
    %ge3A_38 = arith.cmpi sge, %iota3A, %ge3A_37 : vector<64x8192xi16>
    %roll3A = arith.constant 1 : i32
    %roll3A_39 = tpu.dynamic_rotate %convert_element_type3A_36 by %roll3A dim 1 : vector<64x8192xi16>, i32 -> vector<64x8192xi16>
    %jit3A = arith.constant 0 : i32
    %convert_element_type3A_40 = arith.trunci %jit3A : i32 to i16
    %broadcast_in_dim3A_41 = vector.broadcast %convert_element_type3A_40 : i16 to vector<64x8192xi16>
    %select_n3A_42 = arith.select %ge3A_38, %roll3A_39, %broadcast_in_dim3A_41 : vector<64x8192xi1>, vector<64x8192xi16>
    %add3A_43 = arith.addi %convert_element_type3A_36, %select_n3A_42 : vector<64x8192xi16>
    %ge3A_44 = arith.constant 2 : i16
    %ge3A_45 = vector.broadcast %ge3A_44 : i16 to vector<64x8192xi16>
    %ge3A_46 = arith.cmpi sge, %iota3A, %ge3A_45 : vector<64x8192xi16>
    %roll3A_47 = arith.constant 2 : i32
    %roll3A_48 = tpu.dynamic_rotate %add3A_43 by %roll3A_47 dim 1 : vector<64x8192xi16>, i32 -> vector<64x8192xi16>
    %jit3A_49 = arith.constant 0 : i32
    %convert_element_type3A_50 = arith.trunci %jit3A_49 : i32 to i16
    %broadcast_in_dim3A_51 = vector.broadcast %convert_element_type3A_50 : i16 to vector<64x8192xi16>
    %select_n3A_52 = arith.select %ge3A_46, %roll3A_48, %broadcast_in_dim3A_51 : vector<64x8192xi1>, vector<64x8192xi16>
    %add3A_53 = arith.addi %add3A_43, %select_n3A_52 : vector<64x8192xi16>
    %ge3A_54 = arith.constant 4 : i16
    %ge3A_55 = vector.broadcast %ge3A_54 : i16 to vector<64x8192xi16>
    %ge3A_56 = arith.cmpi sge, %iota3A, %ge3A_55 : vector<64x8192xi16>
    %roll3A_57 = arith.constant 4 : i32
    %roll3A_58 = tpu.dynamic_rotate %add3A_53 by %roll3A_57 dim 1 : vector<64x8192xi16>, i32 -> vector<64x8192xi16>
    %jit3A_59 = arith.constant 0 : i32
    %convert_element_type3A_60 = arith.trunci %jit3A_59 : i32 to i16
    %broadcast_in_dim3A_61 = vector.broadcast %convert_element_type3A_60 : i16 to vector<64x8192xi16>
    %select_n3A_62 = arith.select %ge3A_56, %roll3A_58, %broadcast_in_dim3A_61 : vector<64x8192xi1>, vector<64x8192xi16>
    %add3A_63 = arith.addi %add3A_53, %select_n3A_62 : vector<64x8192xi16>
    %ge3A_64 = arith.constant 8 : i16
    %ge3A_65 = vector.broadcast %ge3A_64 : i16 to vector<64x8192xi16>
    %ge3A_66 = arith.cmpi sge, %iota3A, %ge3A_65 : vector<64x8192xi16>
    %roll3A_67 = arith.constant 8 : i32
    %roll3A_68 = tpu.dynamic_rotate %add3A_63 by %roll3A_67 dim 1 : vector<64x8192xi16>, i32 -> vector<64x8192xi16>
    %jit3A_69 = arith.constant 0 : i32
    %convert_element_type3A_70 = arith.trunci %jit3A_69 : i32 to i16
    %broadcast_in_dim3A_71 = vector.broadcast %convert_element_type3A_70 : i16 to vector<64x8192xi16>
    %select_n3A_72 = arith.select %ge3A_66, %roll3A_68, %broadcast_in_dim3A_71 : vector<64x8192xi1>, vector<64x8192xi16>
    %add3A_73 = arith.addi %add3A_63, %select_n3A_72 : vector<64x8192xi16>
    %ge3A_74 = arith.constant 16 : i16
    %ge3A_75 = vector.broadcast %ge3A_74 : i16 to vector<64x8192xi16>
    %ge3A_76 = arith.cmpi sge, %iota3A, %ge3A_75 : vector<64x8192xi16>
    %roll3A_77 = arith.constant 16 : i32
    %roll3A_78 = tpu.dynamic_rotate %add3A_73 by %roll3A_77 dim 1 : vector<64x8192xi16>, i32 -> vector<64x8192xi16>
    %jit3A_79 = arith.constant 0 : i32
    %convert_element_type3A_80 = arith.trunci %jit3A_79 : i32 to i16
    %broadcast_in_dim3A_81 = vector.broadcast %convert_element_type3A_80 : i16 to vector<64x8192xi16>
    %select_n3A_82 = arith.select %ge3A_76, %roll3A_78, %broadcast_in_dim3A_81 : vector<64x8192xi1>, vector<64x8192xi16>
    %add3A_83 = arith.addi %add3A_73, %select_n3A_82 : vector<64x8192xi16>
    %ge3A_84 = arith.constant 32 : i16
    %ge3A_85 = vector.broadcast %ge3A_84 : i16 to vector<64x8192xi16>
    %ge3A_86 = arith.cmpi sge, %iota3A, %ge3A_85 : vector<64x8192xi16>
    %roll3A_87 = arith.constant 32 : i32
    %roll3A_88 = tpu.dynamic_rotate %add3A_83 by %roll3A_87 dim 1 : vector<64x8192xi16>, i32 -> vector<64x8192xi16>
    %jit3A_89 = arith.constant 0 : i32
    %convert_element_type3A_90 = arith.trunci %jit3A_89 : i32 to i16
    %broadcast_in_dim3A_91 = vector.broadcast %convert_element_type3A_90 : i16 to vector<64x8192xi16>
    %select_n3A_92 = arith.select %ge3A_86, %roll3A_88, %broadcast_in_dim3A_91 : vector<64x8192xi1>, vector<64x8192xi16>
    %add3A_93 = arith.addi %add3A_83, %select_n3A_92 : vector<64x8192xi16>
    %ge3A_94 = arith.constant 64 : i16
    %ge3A_95 = vector.broadcast %ge3A_94 : i16 to vector<64x8192xi16>
    %ge3A_96 = arith.cmpi sge, %iota3A, %ge3A_95 : vector<64x8192xi16>
    %roll3A_97 = arith.constant 64 : i32
    %roll3A_98 = tpu.dynamic_rotate %add3A_93 by %roll3A_97 dim 1 : vector<64x8192xi16>, i32 -> vector<64x8192xi16>
    %jit3A_99 = arith.constant 0 : i32
    %convert_element_type3A_100 = arith.trunci %jit3A_99 : i32 to i16
    %broadcast_in_dim3A_101 = vector.broadcast %convert_element_type3A_100 : i16 to vector<64x8192xi16>
    %select_n3A_102 = arith.select %ge3A_96, %roll3A_98, %broadcast_in_dim3A_101 : vector<64x8192xi1>, vector<64x8192xi16>
    %add3A_103 = arith.addi %add3A_93, %select_n3A_102 : vector<64x8192xi16>
    %ge3A_104 = arith.constant 128 : i16
    %ge3A_105 = vector.broadcast %ge3A_104 : i16 to vector<64x8192xi16>
    %ge3A_106 = arith.cmpi sge, %iota3A, %ge3A_105 : vector<64x8192xi16>
    %roll3A_107 = arith.constant 128 : i32
    %roll3A_108 = tpu.dynamic_rotate %add3A_103 by %roll3A_107 dim 1 : vector<64x8192xi16>, i32 -> vector<64x8192xi16>
    %jit3A_109 = arith.constant 0 : i32
    %convert_element_type3A_110 = arith.trunci %jit3A_109 : i32 to i16
    %broadcast_in_dim3A_111 = vector.broadcast %convert_element_type3A_110 : i16 to vector<64x8192xi16>
    %select_n3A_112 = arith.select %ge3A_106, %roll3A_108, %broadcast_in_dim3A_111 : vector<64x8192xi1>, vector<64x8192xi16>
    %add3A_113 = arith.addi %add3A_103, %select_n3A_112 : vector<64x8192xi16>
    %ge3A_114 = arith.constant 256 : i16
    %ge3A_115 = vector.broadcast %ge3A_114 : i16 to vector<64x8192xi16>
    %ge3A_116 = arith.cmpi sge, %iota3A, %ge3A_115 : vector<64x8192xi16>
    %roll3A_117 = arith.constant 256 : i32
    %roll3A_118 = tpu.dynamic_rotate %add3A_113 by %roll3A_117 dim 1 : vector<64x8192xi16>, i32 -> vector<64x8192xi16>
    %jit3A_119 = arith.constant 0 : i32
    %convert_element_type3A_120 = arith.trunci %jit3A_119 : i32 to i16
    %broadcast_in_dim3A_121 = vector.broadcast %convert_element_type3A_120 : i16 to vector<64x8192xi16>
    %select_n3A_122 = arith.select %ge3A_116, %roll3A_118, %broadcast_in_dim3A_121 : vector<64x8192xi1>, vector<64x8192xi16>
    %add3A_123 = arith.addi %add3A_113, %select_n3A_122 : vector<64x8192xi16>
    %ge3A_124 = arith.constant 512 : i16
    %ge3A_125 = vector.broadcast %ge3A_124 : i16 to vector<64x8192xi16>
    %ge3A_126 = arith.cmpi sge, %iota3A, %ge3A_125 : vector<64x8192xi16>
    %roll3A_127 = arith.constant 512 : i32
    %roll3A_128 = tpu.dynamic_rotate %add3A_123 by %roll3A_127 dim 1 : vector<64x8192xi16>, i32 -> vector<64x8192xi16>
    %jit3A_129 = arith.constant 0 : i32
    %convert_element_type3A_130 = arith.trunci %jit3A_129 : i32 to i16
    %broadcast_in_dim3A_131 = vector.broadcast %convert_element_type3A_130 : i16 to vector<64x8192xi16>
    %select_n3A_132 = arith.select %ge3A_126, %roll3A_128, %broadcast_in_dim3A_131 : vector<64x8192xi1>, vector<64x8192xi16>
    %add3A_133 = arith.addi %add3A_123, %select_n3A_132 : vector<64x8192xi16>
    %ge3A_134 = arith.constant 1024 : i16
    %ge3A_135 = vector.broadcast %ge3A_134 : i16 to vector<64x8192xi16>
    %ge3A_136 = arith.cmpi sge, %iota3A, %ge3A_135 : vector<64x8192xi16>
    %roll3A_137 = arith.constant 1024 : i32
    %roll3A_138 = tpu.dynamic_rotate %add3A_133 by %roll3A_137 dim 1 : vector<64x8192xi16>, i32 -> vector<64x8192xi16>
    %jit3A_139 = arith.constant 0 : i32
    %convert_element_type3A_140 = arith.trunci %jit3A_139 : i32 to i16
    %broadcast_in_dim3A_141 = vector.broadcast %convert_element_type3A_140 : i16 to vector<64x8192xi16>
    %select_n3A_142 = arith.select %ge3A_136, %roll3A_138, %broadcast_in_dim3A_141 : vector<64x8192xi1>, vector<64x8192xi16>
    %add3A_143 = arith.addi %add3A_133, %select_n3A_142 : vector<64x8192xi16>
    %ge3A_144 = arith.constant 2048 : i16
    %ge3A_145 = vector.broadcast %ge3A_144 : i16 to vector<64x8192xi16>
    %ge3A_146 = arith.cmpi sge, %iota3A, %ge3A_145 : vector<64x8192xi16>
    %roll3A_147 = arith.constant 2048 : i32
    %roll3A_148 = tpu.dynamic_rotate %add3A_143 by %roll3A_147 dim 1 : vector<64x8192xi16>, i32 -> vector<64x8192xi16>
    %jit3A_149 = arith.constant 0 : i32
    %convert_element_type3A_150 = arith.trunci %jit3A_149 : i32 to i16
    %broadcast_in_dim3A_151 = vector.broadcast %convert_element_type3A_150 : i16 to vector<64x8192xi16>
    %select_n3A_152 = arith.select %ge3A_146, %roll3A_148, %broadcast_in_dim3A_151 : vector<64x8192xi1>, vector<64x8192xi16>
    %add3A_153 = arith.addi %add3A_143, %select_n3A_152 : vector<64x8192xi16>
    %ge3A_154 = arith.constant 4096 : i16
    %ge3A_155 = vector.broadcast %ge3A_154 : i16 to vector<64x8192xi16>
    %ge3A_156 = arith.cmpi sge, %iota3A, %ge3A_155 : vector<64x8192xi16>
    %roll3A_157 = arith.constant 4096 : i32
    %roll3A_158 = tpu.dynamic_rotate %add3A_153 by %roll3A_157 dim 1 : vector<64x8192xi16>, i32 -> vector<64x8192xi16>
    %jit3A_159 = arith.constant 0 : i32
    %convert_element_type3A_160 = arith.trunci %jit3A_159 : i32 to i16
    %broadcast_in_dim3A_161 = vector.broadcast %convert_element_type3A_160 : i16 to vector<64x8192xi16>
    %select_n3A_162 = arith.select %ge3A_156, %roll3A_158, %broadcast_in_dim3A_161 : vector<64x8192xi1>, vector<64x8192xi16>
    %add3A_163 = arith.addi %add3A_153, %select_n3A_162 : vector<64x8192xi16>
    %convert_element_type3A_164 = arith.extui %eq3A_31 : vector<64x8192xi1> to vector<64x8192xi16>
    %sub3A_165 = arith.subi %add3A_163, %convert_element_type3A_164 : vector<64x8192xi16>
    %convert_element_type3A_166 = arith.extsi %sub3A_165 : vector<64x8192xi16> to vector<64x8192xi32>
    %lt3A_167 = vector.broadcast %sub3A_35 : vector<64x1xi32> to vector<64x8192xi32>
    %lt3A_168 = arith.cmpi slt, %convert_element_type3A_166, %lt3A_167 : vector<64x8192xi32>
    %and3A = arith.andi %eq3A_31, %lt3A_168 : vector<64x8192xi1>
    %or3A = arith.ori %gt3A_30, %and3A : vector<64x8192xi1>
    %convert_element_type3A_169 = arith.extui %or3A : vector<64x8192xi1> to vector<64x8192xi32>
    %convert_element_type3A_170 = arith.sitofp %convert_element_type3A_169 : vector<64x8192xi32> to vector<64x8192xf32>
    %broadcast_in_dim3A_171 = arith.constant 0 : i32
    %broadcast_in_dim3A_172 = vector.broadcast %broadcast_in_dim3A_171 : i32 to vector<64x512xi32>
    %broadcast_in_dim3A_173 = arith.constant 0 : i32
    %broadcast_in_dim3A_174 = vector.broadcast %broadcast_in_dim3A_173 : i32 to vector<64x512xi32>
    %slice3A = vector.extract_strided_slice %convert_element_type3A_169 {offsets = [0, 0], sizes = [64, 512], strides = [1, 1]} : vector<64x8192xi32> to vector<64x512xi32>
    %shift_left3A = arith.constant 0 : i32
    %shift_left3A_175 = vector.broadcast %shift_left3A : i32 to vector<64x512xi32>
    %shift_left3A_176 = arith.shli %slice3A, %shift_left3A_175 : vector<64x512xi32>
    %or3A_177 = arith.ori %broadcast_in_dim3A_172, %shift_left3A_176 : vector<64x512xi32>
    %add3A_178 = arith.addi %broadcast_in_dim3A_174, %slice3A : vector<64x512xi32>
    %slice3A_179 = vector.extract_strided_slice %convert_element_type3A_169 {offsets = [0, 512], sizes = [64, 512], strides = [1, 1]} : vector<64x8192xi32> to vector<64x512xi32>
    %shift_left3A_180 = arith.constant 1 : i32
    %shift_left3A_181 = vector.broadcast %shift_left3A_180 : i32 to vector<64x512xi32>
    %shift_left3A_182 = arith.shli %slice3A_179, %shift_left3A_181 : vector<64x512xi32>
    %or3A_183 = arith.ori %or3A_177, %shift_left3A_182 : vector<64x512xi32>
    %add3A_184 = arith.addi %add3A_178, %slice3A_179 : vector<64x512xi32>
    %slice3A_185 = vector.extract_strided_slice %convert_element_type3A_169 {offsets = [0, 1024], sizes = [64, 512], strides = [1, 1]} : vector<64x8192xi32> to vector<64x512xi32>
    %shift_left3A_186 = arith.constant 2 : i32
    %shift_left3A_187 = vector.broadcast %shift_left3A_186 : i32 to vector<64x512xi32>
    %shift_left3A_188 = arith.shli %slice3A_185, %shift_left3A_187 : vector<64x512xi32>
    %or3A_189 = arith.ori %or3A_183, %shift_left3A_188 : vector<64x512xi32>
    %add3A_190 = arith.addi %add3A_184, %slice3A_185 : vector<64x512xi32>
    %slice3A_191 = vector.extract_strided_slice %convert_element_type3A_169 {offsets = [0, 1536], sizes = [64, 512], strides = [1, 1]} : vector<64x8192xi32> to vector<64x512xi32>
    %shift_left3A_192 = arith.constant 3 : i32
    %shift_left3A_193 = vector.broadcast %shift_left3A_192 : i32 to vector<64x512xi32>
    %shift_left3A_194 = arith.shli %slice3A_191, %shift_left3A_193 : vector<64x512xi32>
    %or3A_195 = arith.ori %or3A_189, %shift_left3A_194 : vector<64x512xi32>
    %add3A_196 = arith.addi %add3A_190, %slice3A_191 : vector<64x512xi32>
    %slice3A_197 = vector.extract_strided_slice %convert_element_type3A_169 {offsets = [0, 2048], sizes = [64, 512], strides = [1, 1]} : vector<64x8192xi32> to vector<64x512xi32>
    %shift_left3A_198 = arith.constant 4 : i32
    %shift_left3A_199 = vector.broadcast %shift_left3A_198 : i32 to vector<64x512xi32>
    %shift_left3A_200 = arith.shli %slice3A_197, %shift_left3A_199 : vector<64x512xi32>
    %or3A_201 = arith.ori %or3A_195, %shift_left3A_200 : vector<64x512xi32>
    %add3A_202 = arith.addi %add3A_196, %slice3A_197 : vector<64x512xi32>
    %slice3A_203 = vector.extract_strided_slice %convert_element_type3A_169 {offsets = [0, 2560], sizes = [64, 512], strides = [1, 1]} : vector<64x8192xi32> to vector<64x512xi32>
    %shift_left3A_204 = arith.constant 5 : i32
    %shift_left3A_205 = vector.broadcast %shift_left3A_204 : i32 to vector<64x512xi32>
    %shift_left3A_206 = arith.shli %slice3A_203, %shift_left3A_205 : vector<64x512xi32>
    %or3A_207 = arith.ori %or3A_201, %shift_left3A_206 : vector<64x512xi32>
    %add3A_208 = arith.addi %add3A_202, %slice3A_203 : vector<64x512xi32>
    %slice3A_209 = vector.extract_strided_slice %convert_element_type3A_169 {offsets = [0, 3072], sizes = [64, 512], strides = [1, 1]} : vector<64x8192xi32> to vector<64x512xi32>
    %shift_left3A_210 = arith.constant 6 : i32
    %shift_left3A_211 = vector.broadcast %shift_left3A_210 : i32 to vector<64x512xi32>
    %shift_left3A_212 = arith.shli %slice3A_209, %shift_left3A_211 : vector<64x512xi32>
    %or3A_213 = arith.ori %or3A_207, %shift_left3A_212 : vector<64x512xi32>
    %add3A_214 = arith.addi %add3A_208, %slice3A_209 : vector<64x512xi32>
    %slice3A_215 = vector.extract_strided_slice %convert_element_type3A_169 {offsets = [0, 3584], sizes = [64, 512], strides = [1, 1]} : vector<64x8192xi32> to vector<64x512xi32>
    %shift_left3A_216 = arith.constant 7 : i32
    %shift_left3A_217 = vector.broadcast %shift_left3A_216 : i32 to vector<64x512xi32>
    %shift_left3A_218 = arith.shli %slice3A_215, %shift_left3A_217 : vector<64x512xi32>
    %or3A_219 = arith.ori %or3A_213, %shift_left3A_218 : vector<64x512xi32>
    %add3A_220 = arith.addi %add3A_214, %slice3A_215 : vector<64x512xi32>
    %slice3A_221 = vector.extract_strided_slice %convert_element_type3A_169 {offsets = [0, 4096], sizes = [64, 512], strides = [1, 1]} : vector<64x8192xi32> to vector<64x512xi32>
    %shift_left3A_222 = arith.constant 8 : i32
    %shift_left3A_223 = vector.broadcast %shift_left3A_222 : i32 to vector<64x512xi32>
    %shift_left3A_224 = arith.shli %slice3A_221, %shift_left3A_223 : vector<64x512xi32>
    %or3A_225 = arith.ori %or3A_219, %shift_left3A_224 : vector<64x512xi32>
    %add3A_226 = arith.addi %add3A_220, %slice3A_221 : vector<64x512xi32>
    %slice3A_227 = vector.extract_strided_slice %convert_element_type3A_169 {offsets = [0, 4608], sizes = [64, 512], strides = [1, 1]} : vector<64x8192xi32> to vector<64x512xi32>
    %shift_left3A_228 = arith.constant 9 : i32
    %shift_left3A_229 = vector.broadcast %shift_left3A_228 : i32 to vector<64x512xi32>
    %shift_left3A_230 = arith.shli %slice3A_227, %shift_left3A_229 : vector<64x512xi32>
    %or3A_231 = arith.ori %or3A_225, %shift_left3A_230 : vector<64x512xi32>
    %add3A_232 = arith.addi %add3A_226, %slice3A_227 : vector<64x512xi32>
    %slice3A_233 = vector.extract_strided_slice %convert_element_type3A_169 {offsets = [0, 5120], sizes = [64, 512], strides = [1, 1]} : vector<64x8192xi32> to vector<64x512xi32>
    %shift_left3A_234 = arith.constant 10 : i32
    %shift_left3A_235 = vector.broadcast %shift_left3A_234 : i32 to vector<64x512xi32>
    %shift_left3A_236 = arith.shli %slice3A_233, %shift_left3A_235 : vector<64x512xi32>
    %or3A_237 = arith.ori %or3A_231, %shift_left3A_236 : vector<64x512xi32>
    %add3A_238 = arith.addi %add3A_232, %slice3A_233 : vector<64x512xi32>
    %slice3A_239 = vector.extract_strided_slice %convert_element_type3A_169 {offsets = [0, 5632], sizes = [64, 512], strides = [1, 1]} : vector<64x8192xi32> to vector<64x512xi32>
    %shift_left3A_240 = arith.constant 11 : i32
    %shift_left3A_241 = vector.broadcast %shift_left3A_240 : i32 to vector<64x512xi32>
    %shift_left3A_242 = arith.shli %slice3A_239, %shift_left3A_241 : vector<64x512xi32>
    %or3A_243 = arith.ori %or3A_237, %shift_left3A_242 : vector<64x512xi32>
    %add3A_244 = arith.addi %add3A_238, %slice3A_239 : vector<64x512xi32>
    %slice3A_245 = vector.extract_strided_slice %convert_element_type3A_169 {offsets = [0, 6144], sizes = [64, 512], strides = [1, 1]} : vector<64x8192xi32> to vector<64x512xi32>
    %shift_left3A_246 = arith.constant 12 : i32
    %shift_left3A_247 = vector.broadcast %shift_left3A_246 : i32 to vector<64x512xi32>
    %shift_left3A_248 = arith.shli %slice3A_245, %shift_left3A_247 : vector<64x512xi32>
    %or3A_249 = arith.ori %or3A_243, %shift_left3A_248 : vector<64x512xi32>
    %add3A_250 = arith.addi %add3A_244, %slice3A_245 : vector<64x512xi32>
    %slice3A_251 = vector.extract_strided_slice %convert_element_type3A_169 {offsets = [0, 6656], sizes = [64, 512], strides = [1, 1]} : vector<64x8192xi32> to vector<64x512xi32>
    %shift_left3A_252 = arith.constant 13 : i32
    %shift_left3A_253 = vector.broadcast %shift_left3A_252 : i32 to vector<64x512xi32>
    %shift_left3A_254 = arith.shli %slice3A_251, %shift_left3A_253 : vector<64x512xi32>
    %or3A_255 = arith.ori %or3A_249, %shift_left3A_254 : vector<64x512xi32>
    %add3A_256 = arith.addi %add3A_250, %slice3A_251 : vector<64x512xi32>
    %slice3A_257 = vector.extract_strided_slice %convert_element_type3A_169 {offsets = [0, 7168], sizes = [64, 512], strides = [1, 1]} : vector<64x8192xi32> to vector<64x512xi32>
    %shift_left3A_258 = arith.constant 14 : i32
    %shift_left3A_259 = vector.broadcast %shift_left3A_258 : i32 to vector<64x512xi32>
    %shift_left3A_260 = arith.shli %slice3A_257, %shift_left3A_259 : vector<64x512xi32>
    %or3A_261 = arith.ori %or3A_255, %shift_left3A_260 : vector<64x512xi32>
    %add3A_262 = arith.addi %add3A_256, %slice3A_257 : vector<64x512xi32>
    %slice3A_263 = vector.extract_strided_slice %convert_element_type3A_169 {offsets = [0, 7680], sizes = [64, 512], strides = [1, 1]} : vector<64x8192xi32> to vector<64x512xi32>
    %shift_left3A_264 = arith.constant 15 : i32
    %shift_left3A_265 = vector.broadcast %shift_left3A_264 : i32 to vector<64x512xi32>
    %shift_left3A_266 = arith.shli %slice3A_263, %shift_left3A_265 : vector<64x512xi32>
    %or3A_267 = arith.ori %or3A_261, %shift_left3A_266 : vector<64x512xi32>
    %add3A_268 = arith.addi %add3A_262, %slice3A_263 : vector<64x512xi32>
    %iota3A_269 = tpu.iota {dimensions = array<i32: 1>} : vector<64x512xi32>
    %ge3A_270 = arith.constant 1 : i32
    %ge3A_271 = vector.broadcast %ge3A_270 : i32 to vector<64x512xi32>
    %ge3A_272 = arith.cmpi sge, %iota3A_269, %ge3A_271 : vector<64x512xi32>
    %roll3A_273 = arith.constant 1 : i32
    %roll3A_274 = tpu.dynamic_rotate %add3A_268 by %roll3A_273 dim 1 : vector<64x512xi32>, i32 -> vector<64x512xi32>
    %jit3A_275 = arith.constant 0 : i32
    %broadcast_in_dim3A_276 = vector.broadcast %jit3A_275 : i32 to vector<64x512xi32>
    %select_n3A_277 = arith.select %ge3A_272, %roll3A_274, %broadcast_in_dim3A_276 : vector<64x512xi1>, vector<64x512xi32>
    %add3A_278 = arith.addi %add3A_268, %select_n3A_277 : vector<64x512xi32>
    %ge3A_279 = arith.constant 2 : i32
    %ge3A_280 = vector.broadcast %ge3A_279 : i32 to vector<64x512xi32>
    %ge3A_281 = arith.cmpi sge, %iota3A_269, %ge3A_280 : vector<64x512xi32>
    %roll3A_282 = arith.constant 2 : i32
    %roll3A_283 = tpu.dynamic_rotate %add3A_278 by %roll3A_282 dim 1 : vector<64x512xi32>, i32 -> vector<64x512xi32>
    %jit3A_284 = arith.constant 0 : i32
    %broadcast_in_dim3A_285 = vector.broadcast %jit3A_284 : i32 to vector<64x512xi32>
    %select_n3A_286 = arith.select %ge3A_281, %roll3A_283, %broadcast_in_dim3A_285 : vector<64x512xi1>, vector<64x512xi32>
    %add3A_287 = arith.addi %add3A_278, %select_n3A_286 : vector<64x512xi32>
    %ge3A_288 = arith.constant 4 : i32
    %ge3A_289 = vector.broadcast %ge3A_288 : i32 to vector<64x512xi32>
    %ge3A_290 = arith.cmpi sge, %iota3A_269, %ge3A_289 : vector<64x512xi32>
    %roll3A_291 = arith.constant 4 : i32
    %roll3A_292 = tpu.dynamic_rotate %add3A_287 by %roll3A_291 dim 1 : vector<64x512xi32>, i32 -> vector<64x512xi32>
    %jit3A_293 = arith.constant 0 : i32
    %broadcast_in_dim3A_294 = vector.broadcast %jit3A_293 : i32 to vector<64x512xi32>
    %select_n3A_295 = arith.select %ge3A_290, %roll3A_292, %broadcast_in_dim3A_294 : vector<64x512xi1>, vector<64x512xi32>
    %add3A_296 = arith.addi %add3A_287, %select_n3A_295 : vector<64x512xi32>
    %ge3A_297 = arith.constant 8 : i32
    %ge3A_298 = vector.broadcast %ge3A_297 : i32 to vector<64x512xi32>
    %ge3A_299 = arith.cmpi sge, %iota3A_269, %ge3A_298 : vector<64x512xi32>
    %roll3A_300 = arith.constant 8 : i32
    %roll3A_301 = tpu.dynamic_rotate %add3A_296 by %roll3A_300 dim 1 : vector<64x512xi32>, i32 -> vector<64x512xi32>
    %jit3A_302 = arith.constant 0 : i32
    %broadcast_in_dim3A_303 = vector.broadcast %jit3A_302 : i32 to vector<64x512xi32>
    %select_n3A_304 = arith.select %ge3A_299, %roll3A_301, %broadcast_in_dim3A_303 : vector<64x512xi1>, vector<64x512xi32>
    %add3A_305 = arith.addi %add3A_296, %select_n3A_304 : vector<64x512xi32>
    %ge3A_306 = arith.constant 16 : i32
    %ge3A_307 = vector.broadcast %ge3A_306 : i32 to vector<64x512xi32>
    %ge3A_308 = arith.cmpi sge, %iota3A_269, %ge3A_307 : vector<64x512xi32>
    %roll3A_309 = arith.constant 16 : i32
    %roll3A_310 = tpu.dynamic_rotate %add3A_305 by %roll3A_309 dim 1 : vector<64x512xi32>, i32 -> vector<64x512xi32>
    %jit3A_311 = arith.constant 0 : i32
    %broadcast_in_dim3A_312 = vector.broadcast %jit3A_311 : i32 to vector<64x512xi32>
    %select_n3A_313 = arith.select %ge3A_308, %roll3A_310, %broadcast_in_dim3A_312 : vector<64x512xi1>, vector<64x512xi32>
    %add3A_314 = arith.addi %add3A_305, %select_n3A_313 : vector<64x512xi32>
    %ge3A_315 = arith.constant 32 : i32
    %ge3A_316 = vector.broadcast %ge3A_315 : i32 to vector<64x512xi32>
    %ge3A_317 = arith.cmpi sge, %iota3A_269, %ge3A_316 : vector<64x512xi32>
    %roll3A_318 = arith.constant 32 : i32
    %roll3A_319 = tpu.dynamic_rotate %add3A_314 by %roll3A_318 dim 1 : vector<64x512xi32>, i32 -> vector<64x512xi32>
    %jit3A_320 = arith.constant 0 : i32
    %broadcast_in_dim3A_321 = vector.broadcast %jit3A_320 : i32 to vector<64x512xi32>
    %select_n3A_322 = arith.select %ge3A_317, %roll3A_319, %broadcast_in_dim3A_321 : vector<64x512xi1>, vector<64x512xi32>
    %add3A_323 = arith.addi %add3A_314, %select_n3A_322 : vector<64x512xi32>
    %ge3A_324 = arith.constant 64 : i32
    %ge3A_325 = vector.broadcast %ge3A_324 : i32 to vector<64x512xi32>
    %ge3A_326 = arith.cmpi sge, %iota3A_269, %ge3A_325 : vector<64x512xi32>
    %roll3A_327 = arith.constant 64 : i32
    %roll3A_328 = tpu.dynamic_rotate %add3A_323 by %roll3A_327 dim 1 : vector<64x512xi32>, i32 -> vector<64x512xi32>
    %jit3A_329 = arith.constant 0 : i32
    %broadcast_in_dim3A_330 = vector.broadcast %jit3A_329 : i32 to vector<64x512xi32>
    %select_n3A_331 = arith.select %ge3A_326, %roll3A_328, %broadcast_in_dim3A_330 : vector<64x512xi1>, vector<64x512xi32>
    %add3A_332 = arith.addi %add3A_323, %select_n3A_331 : vector<64x512xi32>
    %ge3A_333 = arith.constant 128 : i32
    %ge3A_334 = vector.broadcast %ge3A_333 : i32 to vector<64x512xi32>
    %ge3A_335 = arith.cmpi sge, %iota3A_269, %ge3A_334 : vector<64x512xi32>
    %roll3A_336 = arith.constant 128 : i32
    %roll3A_337 = tpu.dynamic_rotate %add3A_332 by %roll3A_336 dim 1 : vector<64x512xi32>, i32 -> vector<64x512xi32>
    %jit3A_338 = arith.constant 0 : i32
    %broadcast_in_dim3A_339 = vector.broadcast %jit3A_338 : i32 to vector<64x512xi32>
    %select_n3A_340 = arith.select %ge3A_335, %roll3A_337, %broadcast_in_dim3A_339 : vector<64x512xi1>, vector<64x512xi32>
    %add3A_341 = arith.addi %add3A_332, %select_n3A_340 : vector<64x512xi32>
    %ge3A_342 = arith.constant 256 : i32
    %ge3A_343 = vector.broadcast %ge3A_342 : i32 to vector<64x512xi32>
    %ge3A_344 = arith.cmpi sge, %iota3A_269, %ge3A_343 : vector<64x512xi32>
    %roll3A_345 = arith.constant 256 : i32
    %roll3A_346 = tpu.dynamic_rotate %add3A_341 by %roll3A_345 dim 1 : vector<64x512xi32>, i32 -> vector<64x512xi32>
    %jit3A_347 = arith.constant 0 : i32
    %broadcast_in_dim3A_348 = vector.broadcast %jit3A_347 : i32 to vector<64x512xi32>
    %select_n3A_349 = arith.select %ge3A_344, %roll3A_346, %broadcast_in_dim3A_348 : vector<64x512xi1>, vector<64x512xi32>
    %add3A_350 = arith.addi %add3A_341, %select_n3A_349 : vector<64x512xi32>
    %sub3A_351 = arith.subi %add3A_350, %add3A_268 : vector<64x512xi32>
    %reduce_max3A = arith.constant dense<0xFF800000> : vector<64xf32>
    %reduce_max3A_352 = vector.multi_reduction <maximumf>, %get3A_1, %reduce_max3A [1] : vector<64x8192xf32> to vector<64xf32>
    %broadcast_in_dim3A_353 = vector.shape_cast %reduce_max3A_352 : vector<64xf32> to vector<64x1xf32>
    %sub3A_354 = vector.broadcast %broadcast_in_dim3A_353 : vector<64x1xf32> to vector<64x8192xf32>
    %sub3A_355 = arith.subf %get3A_1, %sub3A_354 : vector<64x8192xf32>
    %exp3A = math.exp %sub3A_355 : vector<64x8192xf32>
    %reduce_sum3A_356 = arith.constant dense<0.000000e+00> : vector<64xf32>
    %reduce_sum3A_357 = vector.multi_reduction <add>, %exp3A, %reduce_sum3A_356 [1] : vector<64x8192xf32> to vector<64xf32>
    %broadcast_in_dim3A_358 = vector.shape_cast %reduce_sum3A_357 : vector<64xf32> to vector<64x1xf32>
    %div3A = vector.broadcast %broadcast_in_dim3A_358 : vector<64x1xf32> to vector<64x8192xf32>
    %div3A_359 = arith.divf %exp3A, %div3A : vector<64x8192xf32>
    %sub3A_360 = arith.subf %convert_element_type3A_170, %div3A_359 : vector<64x8192xf32>
    %add3A_361 = arith.addf %sub3A_360, %div3A_359 : vector<64x8192xf32>
    %swap3A = arith.constant 0 : index
    %swap3A_362 = arith.constant 0 : index
    %swap3A_363 = vector.load %arg3[%swap3A, %swap3A_362] : memref<64x8192xf32, #tpu.memory_space<vmem>>, vector<64x8192xf32>
    tpu.vector_store %arg3[%swap3A, %swap3A_362], %add3A_361 {strides = array<i32>} : memref<64x8192xf32, #tpu.memory_space<vmem>>, vector<64x8192xf32>,
    %swap3A_364 = arith.constant 0 : index
    %swap3A_365 = arith.constant 0 : index
    %swap3A_366 = vector.load %arg4[%swap3A_364, %swap3A_365] : memref<64x8192xi32, #tpu.memory_space<vmem>>, vector<64x8192xi32>
    tpu.vector_store %arg4[%swap3A_364, %swap3A_365], %select_n3A {strides = array<i32>} : memref<64x8192xi32, #tpu.memory_space<vmem>>, vector<64x8192xi32>,
    %concatenate3A = tpu.concatenate %or3A_267, %sub3A_351 in 1 : vector<64x512xi32>, vector<64x512xi32> -> vector<64x1024xi32>
    %swap3A_367 = arith.constant 0 : index
    %swap3A_368 = arith.constant 0 : index
    %swap3A_369 = vector.load %arg5[%swap3A_367, %swap3A_368] : memref<64x1024xi32, #tpu.memory_space<vmem>>, vector<64x1024xi32>
    tpu.vector_store %arg5[%swap3A_367, %swap3A_368], %concatenate3A {strides = array<i32>} : memref<64x1024xi32, #tpu.memory_space<vmem>>, vector<64x1024xi32>,
    return
  }
  func.func @transform_0(%arg0: i32) -> (i32, i32) {
    %c0_i32 = arith.constant 0 : i32
    %c0_i32_0 = arith.constant 0 : i32
    %c0_i32_1 = arith.constant 0 : i32
    return %c0_i32, %c0_i32_0 : i32, i32
  }
  func.func @transform_1(%arg0: i32) -> (i32, i32) {
    %c0_i32 = arith.constant 0 : i32
    %c0_i32_0 = arith.constant 0 : i32
    %c0_i32_1 = arith.constant 0 : i32
    return %c0_i32, %c0_i32_0 : i32, i32
  }
  func.func @transform_2(%arg0: i32) -> (i32, i32) {
    %c0_i32 = arith.constant 0 : i32
    %c0_i32_0 = arith.constant 0 : i32
    %c0_i32_1 = arith.constant 0 : i32
    return %c0_i32, %c0_i32_0 : i32, i32
  }
  func.func @transform_3(%arg0: i32) -> (i32, i32) {
    %c0_i32 = arith.constant 0 : i32
    %c0_i32_0 = arith.constant 0 : i32
    %c0_i32_1 = arith.constant 0 : i32
    return %c0_i32, %c0_i32_0 : i32, i32
  }
  func.func @transform_4(%arg0: i32) -> (i32, i32) {
    %c0_i32 = arith.constant 0 : i32
    %c0_i32_0 = arith.constant 0 : i32
    %c0_i32_1 = arith.constant 0 : i32
    return %c0_i32, %c0_i32_0 : i32, i32
  }
}

module attributes {stable_mosaic.version = 14 : i64} {
  func.func @_phase_c_body(%arg0: memref<64x512xi32, #tpu.memory_space<vmem>>, %arg1: memref<64x256xi32, #tpu.memory_space<vmem>>) attributes {dimension_semantics = [], scalar_prefetch = 0 : i64, scratch_operands = 0 : i64, tpu.core_type = #tpu.core_type<tc>} {
    %get3A = arith.constant 0 : index
    %get3A_0 = arith.constant 0 : index
    %get3A_1 = vector.load %arg0[%get3A, %get3A_0] : memref<64x512xi32, #tpu.memory_space<vmem>>, vector<64x256xi32>
    %get3A_2 = arith.constant 0 : index
    %get3A_3 = arith.constant 256 : index
    %get3A_4 = vector.load %arg0[%get3A_2, %get3A_3] : memref<64x512xi32, #tpu.memory_space<vmem>>, vector<64x256xi32>
    %iota3A = tpu.iota {dimensions = array<i32: 1>} : vector<64x256xi32>
    %and3A = arith.constant 1 : i32
    %and3A_5 = vector.broadcast %and3A : i32 to vector<64x256xi32>
    %and3A_6 = arith.andi %iota3A, %and3A_5 : vector<64x256xi32>
    %eq3A = arith.constant 0 : i32
    %eq3A_7 = vector.broadcast %eq3A : i32 to vector<64x256xi32>
    %eq3A_8 = arith.cmpi eq, %and3A_6, %eq3A_7 : vector<64x256xi32>
    %roll3A = arith.constant 255 : i32
    %roll3A_9 = tpu.dynamic_rotate %get3A_4 by %roll3A dim 1 : vector<64x256xi32>, i32 -> vector<64x256xi32>
    %roll3A_10 = arith.constant 1 : i32
    %roll3A_11 = tpu.dynamic_rotate %get3A_4 by %roll3A_10 dim 1 : vector<64x256xi32>, i32 -> vector<64x256xi32>
    %select_n3A = arith.select %eq3A_8, %roll3A_9, %roll3A_11 : vector<64x256xi1>, vector<64x256xi32>
    %roll3A_12 = arith.constant 255 : i32
    %roll3A_13 = tpu.dynamic_rotate %get3A_1 by %roll3A_12 dim 1 : vector<64x256xi32>, i32 -> vector<64x256xi32>
    %roll3A_14 = arith.constant 1 : i32
    %roll3A_15 = tpu.dynamic_rotate %get3A_1 by %roll3A_14 dim 1 : vector<64x256xi32>, i32 -> vector<64x256xi32>
    %select_n3A_16 = arith.select %eq3A_8, %roll3A_13, %roll3A_15 : vector<64x256xi1>, vector<64x256xi32>
    %gt3A = arith.cmpi sgt, %get3A_4, %select_n3A : vector<64x256xi32>
    %eq3A_17 = arith.cmpi eq, %get3A_4, %select_n3A : vector<64x256xi32>
    %lt3A = arith.cmpi slt, %get3A_1, %select_n3A_16 : vector<64x256xi32>
    %and3A_18 = arith.andi %eq3A_17, %lt3A : vector<64x256xi1>
    %or3A = arith.ori %gt3A, %and3A_18 : vector<64x256xi1>
    %and3A_19 = arith.constant 2 : i32
    %and3A_20 = vector.broadcast %and3A_19 : i32 to vector<64x256xi32>
    %and3A_21 = arith.andi %iota3A, %and3A_20 : vector<64x256xi32>
    %eq3A_22 = arith.constant 0 : i32
    %eq3A_23 = vector.broadcast %eq3A_22 : i32 to vector<64x256xi32>
    %eq3A_24 = arith.cmpi eq, %and3A_21, %eq3A_23 : vector<64x256xi32>
    %eq3A_25 = arith.xori %eq3A_8, %eq3A_24 : vector<64x256xi1>
    %eq3A_26 = arith.constant dense<true> : vector<64x256xi1>
    %eq3A_27 = arith.xori %eq3A_25, %eq3A_26 : vector<64x256xi1>
    %eq3A_28 = arith.xori %or3A, %eq3A_27 : vector<64x256xi1>
    %eq3A_29 = arith.constant dense<true> : vector<64x256xi1>
    %eq3A_30 = arith.xori %eq3A_28, %eq3A_29 : vector<64x256xi1>
    %select_n3A_31 = arith.select %eq3A_30, %get3A_4, %select_n3A : vector<64x256xi1>, vector<64x256xi32>
    %select_n3A_32 = arith.select %eq3A_30, %get3A_1, %select_n3A_16 : vector<64x256xi1>, vector<64x256xi32>
    %and3A_33 = arith.constant 2 : i32
    %and3A_34 = vector.broadcast %and3A_33 : i32 to vector<64x256xi32>
    %and3A_35 = arith.andi %iota3A, %and3A_34 : vector<64x256xi32>
    %eq3A_36 = arith.constant 0 : i32
    %eq3A_37 = vector.broadcast %eq3A_36 : i32 to vector<64x256xi32>
    %eq3A_38 = arith.cmpi eq, %and3A_35, %eq3A_37 : vector<64x256xi32>
    %roll3A_39 = arith.constant 254 : i32
    %roll3A_40 = tpu.dynamic_rotate %select_n3A_31 by %roll3A_39 dim 1 : vector<64x256xi32>, i32 -> vector<64x256xi32>
    %roll3A_41 = arith.constant 2 : i32
    %roll3A_42 = tpu.dynamic_rotate %select_n3A_31 by %roll3A_41 dim 1 : vector<64x256xi32>, i32 -> vector<64x256xi32>
    %select_n3A_43 = arith.select %eq3A_38, %roll3A_40, %roll3A_42 : vector<64x256xi1>, vector<64x256xi32>
    %roll3A_44 = arith.constant 254 : i32
    %roll3A_45 = tpu.dynamic_rotate %select_n3A_32 by %roll3A_44 dim 1 : vector<64x256xi32>, i32 -> vector<64x256xi32>
    %roll3A_46 = arith.constant 2 : i32
    %roll3A_47 = tpu.dynamic_rotate %select_n3A_32 by %roll3A_46 dim 1 : vector<64x256xi32>, i32 -> vector<64x256xi32>
    %select_n3A_48 = arith.select %eq3A_38, %roll3A_45, %roll3A_47 : vector<64x256xi1>, vector<64x256xi32>
    %gt3A_49 = arith.cmpi sgt, %select_n3A_31, %select_n3A_43 : vector<64x256xi32>
    %eq3A_50 = arith.cmpi eq, %select_n3A_31, %select_n3A_43 : vector<64x256xi32>
    %lt3A_51 = arith.cmpi slt, %select_n3A_32, %select_n3A_48 : vector<64x256xi32>
    %and3A_52 = arith.andi %eq3A_50, %lt3A_51 : vector<64x256xi1>
    %or3A_53 = arith.ori %gt3A_49, %and3A_52 : vector<64x256xi1>
    %and3A_54 = arith.constant 4 : i32
    %and3A_55 = vector.broadcast %and3A_54 : i32 to vector<64x256xi32>
    %and3A_56 = arith.andi %iota3A, %and3A_55 : vector<64x256xi32>
    %eq3A_57 = arith.constant 0 : i32
    %eq3A_58 = vector.broadcast %eq3A_57 : i32 to vector<64x256xi32>
    %eq3A_59 = arith.cmpi eq, %and3A_56, %eq3A_58 : vector<64x256xi32>
    %eq3A_60 = arith.xori %eq3A_38, %eq3A_59 : vector<64x256xi1>
    %eq3A_61 = arith.constant dense<true> : vector<64x256xi1>
    %eq3A_62 = arith.xori %eq3A_60, %eq3A_61 : vector<64x256xi1>
    %eq3A_63 = arith.xori %or3A_53, %eq3A_62 : vector<64x256xi1>
    %eq3A_64 = arith.constant dense<true> : vector<64x256xi1>
    %eq3A_65 = arith.xori %eq3A_63, %eq3A_64 : vector<64x256xi1>
    %select_n3A_66 = arith.select %eq3A_65, %select_n3A_31, %select_n3A_43 : vector<64x256xi1>, vector<64x256xi32>
    %select_n3A_67 = arith.select %eq3A_65, %select_n3A_32, %select_n3A_48 : vector<64x256xi1>, vector<64x256xi32>
    %and3A_68 = arith.constant 1 : i32
    %and3A_69 = vector.broadcast %and3A_68 : i32 to vector<64x256xi32>
    %and3A_70 = arith.andi %iota3A, %and3A_69 : vector<64x256xi32>
    %eq3A_71 = arith.constant 0 : i32
    %eq3A_72 = vector.broadcast %eq3A_71 : i32 to vector<64x256xi32>
    %eq3A_73 = arith.cmpi eq, %and3A_70, %eq3A_72 : vector<64x256xi32>
    %roll3A_74 = arith.constant 255 : i32
    %roll3A_75 = tpu.dynamic_rotate %select_n3A_66 by %roll3A_74 dim 1 : vector<64x256xi32>, i32 -> vector<64x256xi32>
    %roll3A_76 = arith.constant 1 : i32
    %roll3A_77 = tpu.dynamic_rotate %select_n3A_66 by %roll3A_76 dim 1 : vector<64x256xi32>, i32 -> vector<64x256xi32>
    %select_n3A_78 = arith.select %eq3A_73, %roll3A_75, %roll3A_77 : vector<64x256xi1>, vector<64x256xi32>
    %roll3A_79 = arith.constant 255 : i32
    %roll3A_80 = tpu.dynamic_rotate %select_n3A_67 by %roll3A_79 dim 1 : vector<64x256xi32>, i32 -> vector<64x256xi32>
    %roll3A_81 = arith.constant 1 : i32
    %roll3A_82 = tpu.dynamic_rotate %select_n3A_67 by %roll3A_81 dim 1 : vector<64x256xi32>, i32 -> vector<64x256xi32>
    %select_n3A_83 = arith.select %eq3A_73, %roll3A_80, %roll3A_82 : vector<64x256xi1>, vector<64x256xi32>
    %gt3A_84 = arith.cmpi sgt, %select_n3A_66, %select_n3A_78 : vector<64x256xi32>
    %eq3A_85 = arith.cmpi eq, %select_n3A_66, %select_n3A_78 : vector<64x256xi32>
    %lt3A_86 = arith.cmpi slt, %select_n3A_67, %select_n3A_83 : vector<64x256xi32>
    %and3A_87 = arith.andi %eq3A_85, %lt3A_86 : vector<64x256xi1>
    %or3A_88 = arith.ori %gt3A_84, %and3A_87 : vector<64x256xi1>
    %and3A_89 = arith.constant 4 : i32
    %and3A_90 = vector.broadcast %and3A_89 : i32 to vector<64x256xi32>
    %and3A_91 = arith.andi %iota3A, %and3A_90 : vector<64x256xi32>
    %eq3A_92 = arith.constant 0 : i32
    %eq3A_93 = vector.broadcast %eq3A_92 : i32 to vector<64x256xi32>
    %eq3A_94 = arith.cmpi eq, %and3A_91, %eq3A_93 : vector<64x256xi32>
    %eq3A_95 = arith.xori %eq3A_73, %eq3A_94 : vector<64x256xi1>
    %eq3A_96 = arith.constant dense<true> : vector<64x256xi1>
    %eq3A_97 = arith.xori %eq3A_95, %eq3A_96 : vector<64x256xi1>
    %eq3A_98 = arith.xori %or3A_88, %eq3A_97 : vector<64x256xi1>
    %eq3A_99 = arith.constant dense<true> : vector<64x256xi1>
    %eq3A_100 = arith.xori %eq3A_98, %eq3A_99 : vector<64x256xi1>
    %select_n3A_101 = arith.select %eq3A_100, %select_n3A_66, %select_n3A_78 : vector<64x256xi1>, vector<64x256xi32>
    %select_n3A_102 = arith.select %eq3A_100, %select_n3A_67, %select_n3A_83 : vector<64x256xi1>, vector<64x256xi32>
    %and3A_103 = arith.constant 4 : i32
    %and3A_104 = vector.broadcast %and3A_103 : i32 to vector<64x256xi32>
    %and3A_105 = arith.andi %iota3A, %and3A_104 : vector<64x256xi32>
    %eq3A_106 = arith.constant 0 : i32
    %eq3A_107 = vector.broadcast %eq3A_106 : i32 to vector<64x256xi32>
    %eq3A_108 = arith.cmpi eq, %and3A_105, %eq3A_107 : vector<64x256xi32>
    %roll3A_109 = arith.constant 252 : i32
    %roll3A_110 = tpu.dynamic_rotate %select_n3A_101 by %roll3A_109 dim 1 : vector<64x256xi32>, i32 -> vector<64x256xi32>
    %roll3A_111 = arith.constant 4 : i32
    %roll3A_112 = tpu.dynamic_rotate %select_n3A_101 by %roll3A_111 dim 1 : vector<64x256xi32>, i32 -> vector<64x256xi32>
    %select_n3A_113 = arith.select %eq3A_108, %roll3A_110, %roll3A_112 : vector<64x256xi1>, vector<64x256xi32>
    %roll3A_114 = arith.constant 252 : i32
    %roll3A_115 = tpu.dynamic_rotate %select_n3A_102 by %roll3A_114 dim 1 : vector<64x256xi32>, i32 -> vector<64x256xi32>
    %roll3A_116 = arith.constant 4 : i32
    %roll3A_117 = tpu.dynamic_rotate %select_n3A_102 by %roll3A_116 dim 1 : vector<64x256xi32>, i32 -> vector<64x256xi32>
    %select_n3A_118 = arith.select %eq3A_108, %roll3A_115, %roll3A_117 : vector<64x256xi1>, vector<64x256xi32>
    %gt3A_119 = arith.cmpi sgt, %select_n3A_101, %select_n3A_113 : vector<64x256xi32>
    %eq3A_120 = arith.cmpi eq, %select_n3A_101, %select_n3A_113 : vector<64x256xi32>
    %lt3A_121 = arith.cmpi slt, %select_n3A_102, %select_n3A_118 : vector<64x256xi32>
    %and3A_122 = arith.andi %eq3A_120, %lt3A_121 : vector<64x256xi1>
    %or3A_123 = arith.ori %gt3A_119, %and3A_122 : vector<64x256xi1>
    %and3A_124 = arith.constant 8 : i32
    %and3A_125 = vector.broadcast %and3A_124 : i32 to vector<64x256xi32>
    %and3A_126 = arith.andi %iota3A, %and3A_125 : vector<64x256xi32>
    %eq3A_127 = arith.constant 0 : i32
    %eq3A_128 = vector.broadcast %eq3A_127 : i32 to vector<64x256xi32>
    %eq3A_129 = arith.cmpi eq, %and3A_126, %eq3A_128 : vector<64x256xi32>
    %eq3A_130 = arith.xori %eq3A_108, %eq3A_129 : vector<64x256xi1>
    %eq3A_131 = arith.constant dense<true> : vector<64x256xi1>
    %eq3A_132 = arith.xori %eq3A_130, %eq3A_131 : vector<64x256xi1>
    %eq3A_133 = arith.xori %or3A_123, %eq3A_132 : vector<64x256xi1>
    %eq3A_134 = arith.constant dense<true> : vector<64x256xi1>
    %eq3A_135 = arith.xori %eq3A_133, %eq3A_134 : vector<64x256xi1>
    %select_n3A_136 = arith.select %eq3A_135, %select_n3A_101, %select_n3A_113 : vector<64x256xi1>, vector<64x256xi32>
    %select_n3A_137 = arith.select %eq3A_135, %select_n3A_102, %select_n3A_118 : vector<64x256xi1>, vector<64x256xi32>
    %and3A_138 = arith.constant 2 : i32
    %and3A_139 = vector.broadcast %and3A_138 : i32 to vector<64x256xi32>
    %and3A_140 = arith.andi %iota3A, %and3A_139 : vector<64x256xi32>
    %eq3A_141 = arith.constant 0 : i32
    %eq3A_142 = vector.broadcast %eq3A_141 : i32 to vector<64x256xi32>
    %eq3A_143 = arith.cmpi eq, %and3A_140, %eq3A_142 : vector<64x256xi32>
    %roll3A_144 = arith.constant 254 : i32
    %roll3A_145 = tpu.dynamic_rotate %select_n3A_136 by %roll3A_144 dim 1 : vector<64x256xi32>, i32 -> vector<64x256xi32>
    %roll3A_146 = arith.constant 2 : i32
    %roll3A_147 = tpu.dynamic_rotate %select_n3A_136 by %roll3A_146 dim 1 : vector<64x256xi32>, i32 -> vector<64x256xi32>
    %select_n3A_148 = arith.select %eq3A_143, %roll3A_145, %roll3A_147 : vector<64x256xi1>, vector<64x256xi32>
    %roll3A_149 = arith.constant 254 : i32
    %roll3A_150 = tpu.dynamic_rotate %select_n3A_137 by %roll3A_149 dim 1 : vector<64x256xi32>, i32 -> vector<64x256xi32>
    %roll3A_151 = arith.constant 2 : i32
    %roll3A_152 = tpu.dynamic_rotate %select_n3A_137 by %roll3A_151 dim 1 : vector<64x256xi32>, i32 -> vector<64x256xi32>
    %select_n3A_153 = arith.select %eq3A_143, %roll3A_150, %roll3A_152 : vector<64x256xi1>, vector<64x256xi32>
    %gt3A_154 = arith.cmpi sgt, %select_n3A_136, %select_n3A_148 : vector<64x256xi32>
    %eq3A_155 = arith.cmpi eq, %select_n3A_136, %select_n3A_148 : vector<64x256xi32>
    %lt3A_156 = arith.cmpi slt, %select_n3A_137, %select_n3A_153 : vector<64x256xi32>
    %and3A_157 = arith.andi %eq3A_155, %lt3A_156 : vector<64x256xi1>
    %or3A_158 = arith.ori %gt3A_154, %and3A_157 : vector<64x256xi1>
    %and3A_159 = arith.constant 8 : i32
    %and3A_160 = vector.broadcast %and3A_159 : i32 to vector<64x256xi32>
    %and3A_161 = arith.andi %iota3A, %and3A_160 : vector<64x256xi32>
    %eq3A_162 = arith.constant 0 : i32
    %eq3A_163 = vector.broadcast %eq3A_162 : i32 to vector<64x256xi32>
    %eq3A_164 = arith.cmpi eq, %and3A_161, %eq3A_163 : vector<64x256xi32>
    %eq3A_165 = arith.xori %eq3A_143, %eq3A_164 : vector<64x256xi1>
    %eq3A_166 = arith.constant dense<true> : vector<64x256xi1>
    %eq3A_167 = arith.xori %eq3A_165, %eq3A_166 : vector<64x256xi1>
    %eq3A_168 = arith.xori %or3A_158, %eq3A_167 : vector<64x256xi1>
    %eq3A_169 = arith.constant dense<true> : vector<64x256xi1>
    %eq3A_170 = arith.xori %eq3A_168, %eq3A_169 : vector<64x256xi1>
    %select_n3A_171 = arith.select %eq3A_170, %select_n3A_136, %select_n3A_148 : vector<64x256xi1>, vector<64x256xi32>
    %select_n3A_172 = arith.select %eq3A_170, %select_n3A_137, %select_n3A_153 : vector<64x256xi1>, vector<64x256xi32>
    %and3A_173 = arith.constant 1 : i32
    %and3A_174 = vector.broadcast %and3A_173 : i32 to vector<64x256xi32>
    %and3A_175 = arith.andi %iota3A, %and3A_174 : vector<64x256xi32>
    %eq3A_176 = arith.constant 0 : i32
    %eq3A_177 = vector.broadcast %eq3A_176 : i32 to vector<64x256xi32>
    %eq3A_178 = arith.cmpi eq, %and3A_175, %eq3A_177 : vector<64x256xi32>
    %roll3A_179 = arith.constant 255 : i32
    %roll3A_180 = tpu.dynamic_rotate %select_n3A_171 by %roll3A_179 dim 1 : vector<64x256xi32>, i32 -> vector<64x256xi32>
    %roll3A_181 = arith.constant 1 : i32
    %roll3A_182 = tpu.dynamic_rotate %select_n3A_171 by %roll3A_181 dim 1 : vector<64x256xi32>, i32 -> vector<64x256xi32>
    %select_n3A_183 = arith.select %eq3A_178, %roll3A_180, %roll3A_182 : vector<64x256xi1>, vector<64x256xi32>
    %roll3A_184 = arith.constant 255 : i32
    %roll3A_185 = tpu.dynamic_rotate %select_n3A_172 by %roll3A_184 dim 1 : vector<64x256xi32>, i32 -> vector<64x256xi32>
    %roll3A_186 = arith.constant 1 : i32
    %roll3A_187 = tpu.dynamic_rotate %select_n3A_172 by %roll3A_186 dim 1 : vector<64x256xi32>, i32 -> vector<64x256xi32>
    %select_n3A_188 = arith.select %eq3A_178, %roll3A_185, %roll3A_187 : vector<64x256xi1>, vector<64x256xi32>
    %gt3A_189 = arith.cmpi sgt, %select_n3A_171, %select_n3A_183 : vector<64x256xi32>
    %eq3A_190 = arith.cmpi eq, %select_n3A_171, %select_n3A_183 : vector<64x256xi32>
    %lt3A_191 = arith.cmpi slt, %select_n3A_172, %select_n3A_188 : vector<64x256xi32>
    %and3A_192 = arith.andi %eq3A_190, %lt3A_191 : vector<64x256xi1>
    %or3A_193 = arith.ori %gt3A_189, %and3A_192 : vector<64x256xi1>
    %and3A_194 = arith.constant 8 : i32
    %and3A_195 = vector.broadcast %and3A_194 : i32 to vector<64x256xi32>
    %and3A_196 = arith.andi %iota3A, %and3A_195 : vector<64x256xi32>
    %eq3A_197 = arith.constant 0 : i32
    %eq3A_198 = vector.broadcast %eq3A_197 : i32 to vector<64x256xi32>
    %eq3A_199 = arith.cmpi eq, %and3A_196, %eq3A_198 : vector<64x256xi32>
    %eq3A_200 = arith.xori %eq3A_178, %eq3A_199 : vector<64x256xi1>
    %eq3A_201 = arith.constant dense<true> : vector<64x256xi1>
    %eq3A_202 = arith.xori %eq3A_200, %eq3A_201 : vector<64x256xi1>
    %eq3A_203 = arith.xori %or3A_193, %eq3A_202 : vector<64x256xi1>
    %eq3A_204 = arith.constant dense<true> : vector<64x256xi1>
    %eq3A_205 = arith.xori %eq3A_203, %eq3A_204 : vector<64x256xi1>
    %select_n3A_206 = arith.select %eq3A_205, %select_n3A_171, %select_n3A_183 : vector<64x256xi1>, vector<64x256xi32>
    %select_n3A_207 = arith.select %eq3A_205, %select_n3A_172, %select_n3A_188 : vector<64x256xi1>, vector<64x256xi32>
    %and3A_208 = arith.constant 8 : i32
    %and3A_209 = vector.broadcast %and3A_208 : i32 to vector<64x256xi32>
    %and3A_210 = arith.andi %iota3A, %and3A_209 : vector<64x256xi32>
    %eq3A_211 = arith.constant 0 : i32
    %eq3A_212 = vector.broadcast %eq3A_211 : i32 to vector<64x256xi32>
    %eq3A_213 = arith.cmpi eq, %and3A_210, %eq3A_212 : vector<64x256xi32>
    %roll3A_214 = arith.constant 248 : i32
    %roll3A_215 = tpu.dynamic_rotate %select_n3A_206 by %roll3A_214 dim 1 : vector<64x256xi32>, i32 -> vector<64x256xi32>
    %roll3A_216 = arith.constant 8 : i32
    %roll3A_217 = tpu.dynamic_rotate %select_n3A_206 by %roll3A_216 dim 1 : vector<64x256xi32>, i32 -> vector<64x256xi32>
    %select_n3A_218 = arith.select %eq3A_213, %roll3A_215, %roll3A_217 : vector<64x256xi1>, vector<64x256xi32>
    %roll3A_219 = arith.constant 248 : i32
    %roll3A_220 = tpu.dynamic_rotate %select_n3A_207 by %roll3A_219 dim 1 : vector<64x256xi32>, i32 -> vector<64x256xi32>
    %roll3A_221 = arith.constant 8 : i32
    %roll3A_222 = tpu.dynamic_rotate %select_n3A_207 by %roll3A_221 dim 1 : vector<64x256xi32>, i32 -> vector<64x256xi32>
    %select_n3A_223 = arith.select %eq3A_213, %roll3A_220, %roll3A_222 : vector<64x256xi1>, vector<64x256xi32>
    %gt3A_224 = arith.cmpi sgt, %select_n3A_206, %select_n3A_218 : vector<64x256xi32>
    %eq3A_225 = arith.cmpi eq, %select_n3A_206, %select_n3A_218 : vector<64x256xi32>
    %lt3A_226 = arith.cmpi slt, %select_n3A_207, %select_n3A_223 : vector<64x256xi32>
    %and3A_227 = arith.andi %eq3A_225, %lt3A_226 : vector<64x256xi1>
    %or3A_228 = arith.ori %gt3A_224, %and3A_227 : vector<64x256xi1>
    %and3A_229 = arith.constant 16 : i32
    %and3A_230 = vector.broadcast %and3A_229 : i32 to vector<64x256xi32>
    %and3A_231 = arith.andi %iota3A, %and3A_230 : vector<64x256xi32>
    %eq3A_232 = arith.constant 0 : i32
    %eq3A_233 = vector.broadcast %eq3A_232 : i32 to vector<64x256xi32>
    %eq3A_234 = arith.cmpi eq, %and3A_231, %eq3A_233 : vector<64x256xi32>
    %eq3A_235 = arith.xori %eq3A_213, %eq3A_234 : vector<64x256xi1>
    %eq3A_236 = arith.constant dense<true> : vector<64x256xi1>
    %eq3A_237 = arith.xori %eq3A_235, %eq3A_236 : vector<64x256xi1>
    %eq3A_238 = arith.xori %or3A_228, %eq3A_237 : vector<64x256xi1>
    %eq3A_239 = arith.constant dense<true> : vector<64x256xi1>
    %eq3A_240 = arith.xori %eq3A_238, %eq3A_239 : vector<64x256xi1>
    %select_n3A_241 = arith.select %eq3A_240, %select_n3A_206, %select_n3A_218 : vector<64x256xi1>, vector<64x256xi32>
    %select_n3A_242 = arith.select %eq3A_240, %select_n3A_207, %select_n3A_223 : vector<64x256xi1>, vector<64x256xi32>
    %and3A_243 = arith.constant 4 : i32
    %and3A_244 = vector.broadcast %and3A_243 : i32 to vector<64x256xi32>
    %and3A_245 = arith.andi %iota3A, %and3A_244 : vector<64x256xi32>
    %eq3A_246 = arith.constant 0 : i32
    %eq3A_247 = vector.broadcast %eq3A_246 : i32 to vector<64x256xi32>
    %eq3A_248 = arith.cmpi eq, %and3A_245, %eq3A_247 : vector<64x256xi32>
    %roll3A_249 = arith.constant 252 : i32
    %roll3A_250 = tpu.dynamic_rotate %select_n3A_241 by %roll3A_249 dim 1 : vector<64x256xi32>, i32 -> vector<64x256xi32>
    %roll3A_251 = arith.constant 4 : i32
    %roll3A_252 = tpu.dynamic_rotate %select_n3A_241 by %roll3A_251 dim 1 : vector<64x256xi32>, i32 -> vector<64x256xi32>
    %select_n3A_253 = arith.select %eq3A_248, %roll3A_250, %roll3A_252 : vector<64x256xi1>, vector<64x256xi32>
    %roll3A_254 = arith.constant 252 : i32
    %roll3A_255 = tpu.dynamic_rotate %select_n3A_242 by %roll3A_254 dim 1 : vector<64x256xi32>, i32 -> vector<64x256xi32>
    %roll3A_256 = arith.constant 4 : i32
    %roll3A_257 = tpu.dynamic_rotate %select_n3A_242 by %roll3A_256 dim 1 : vector<64x256xi32>, i32 -> vector<64x256xi32>
    %select_n3A_258 = arith.select %eq3A_248, %roll3A_255, %roll3A_257 : vector<64x256xi1>, vector<64x256xi32>
    %gt3A_259 = arith.cmpi sgt, %select_n3A_241, %select_n3A_253 : vector<64x256xi32>
    %eq3A_260 = arith.cmpi eq, %select_n3A_241, %select_n3A_253 : vector<64x256xi32>
    %lt3A_261 = arith.cmpi slt, %select_n3A_242, %select_n3A_258 : vector<64x256xi32>
    %and3A_262 = arith.andi %eq3A_260, %lt3A_261 : vector<64x256xi1>
    %or3A_263 = arith.ori %gt3A_259, %and3A_262 : vector<64x256xi1>
    %and3A_264 = arith.constant 16 : i32
    %and3A_265 = vector.broadcast %and3A_264 : i32 to vector<64x256xi32>
    %and3A_266 = arith.andi %iota3A, %and3A_265 : vector<64x256xi32>
    %eq3A_267 = arith.constant 0 : i32
    %eq3A_268 = vector.broadcast %eq3A_267 : i32 to vector<64x256xi32>
    %eq3A_269 = arith.cmpi eq, %and3A_266, %eq3A_268 : vector<64x256xi32>
    %eq3A_270 = arith.xori %eq3A_248, %eq3A_269 : vector<64x256xi1>
    %eq3A_271 = arith.constant dense<true> : vector<64x256xi1>
    %eq3A_272 = arith.xori %eq3A_270, %eq3A_271 : vector<64x256xi1>
    %eq3A_273 = arith.xori %or3A_263, %eq3A_272 : vector<64x256xi1>
    %eq3A_274 = arith.constant dense<true> : vector<64x256xi1>
    %eq3A_275 = arith.xori %eq3A_273, %eq3A_274 : vector<64x256xi1>
    %select_n3A_276 = arith.select %eq3A_275, %select_n3A_241, %select_n3A_253 : vector<64x256xi1>, vector<64x256xi32>
    %select_n3A_277 = arith.select %eq3A_275, %select_n3A_242, %select_n3A_258 : vector<64x256xi1>, vector<64x256xi32>
    %and3A_278 = arith.constant 2 : i32
    %and3A_279 = vector.broadcast %and3A_278 : i32 to vector<64x256xi32>
    %and3A_280 = arith.andi %iota3A, %and3A_279 : vector<64x256xi32>
    %eq3A_281 = arith.constant 0 : i32
    %eq3A_282 = vector.broadcast %eq3A_281 : i32 to vector<64x256xi32>
    %eq3A_283 = arith.cmpi eq, %and3A_280, %eq3A_282 : vector<64x256xi32>
    %roll3A_284 = arith.constant 254 : i32
    %roll3A_285 = tpu.dynamic_rotate %select_n3A_276 by %roll3A_284 dim 1 : vector<64x256xi32>, i32 -> vector<64x256xi32>
    %roll3A_286 = arith.constant 2 : i32
    %roll3A_287 = tpu.dynamic_rotate %select_n3A_276 by %roll3A_286 dim 1 : vector<64x256xi32>, i32 -> vector<64x256xi32>
    %select_n3A_288 = arith.select %eq3A_283, %roll3A_285, %roll3A_287 : vector<64x256xi1>, vector<64x256xi32>
    %roll3A_289 = arith.constant 254 : i32
    %roll3A_290 = tpu.dynamic_rotate %select_n3A_277 by %roll3A_289 dim 1 : vector<64x256xi32>, i32 -> vector<64x256xi32>
    %roll3A_291 = arith.constant 2 : i32
    %roll3A_292 = tpu.dynamic_rotate %select_n3A_277 by %roll3A_291 dim 1 : vector<64x256xi32>, i32 -> vector<64x256xi32>
    %select_n3A_293 = arith.select %eq3A_283, %roll3A_290, %roll3A_292 : vector<64x256xi1>, vector<64x256xi32>
    %gt3A_294 = arith.cmpi sgt, %select_n3A_276, %select_n3A_288 : vector<64x256xi32>
    %eq3A_295 = arith.cmpi eq, %select_n3A_276, %select_n3A_288 : vector<64x256xi32>
    %lt3A_296 = arith.cmpi slt, %select_n3A_277, %select_n3A_293 : vector<64x256xi32>
    %and3A_297 = arith.andi %eq3A_295, %lt3A_296 : vector<64x256xi1>
    %or3A_298 = arith.ori %gt3A_294, %and3A_297 : vector<64x256xi1>
    %and3A_299 = arith.constant 16 : i32
    %and3A_300 = vector.broadcast %and3A_299 : i32 to vector<64x256xi32>
    %and3A_301 = arith.andi %iota3A, %and3A_300 : vector<64x256xi32>
    %eq3A_302 = arith.constant 0 : i32
    %eq3A_303 = vector.broadcast %eq3A_302 : i32 to vector<64x256xi32>
    %eq3A_304 = arith.cmpi eq, %and3A_301, %eq3A_303 : vector<64x256xi32>
    %eq3A_305 = arith.xori %eq3A_283, %eq3A_304 : vector<64x256xi1>
    %eq3A_306 = arith.constant dense<true> : vector<64x256xi1>
    %eq3A_307 = arith.xori %eq3A_305, %eq3A_306 : vector<64x256xi1>
    %eq3A_308 = arith.xori %or3A_298, %eq3A_307 : vector<64x256xi1>
    %eq3A_309 = arith.constant dense<true> : vector<64x256xi1>
    %eq3A_310 = arith.xori %eq3A_308, %eq3A_309 : vector<64x256xi1>
    %select_n3A_311 = arith.select %eq3A_310, %select_n3A_276, %select_n3A_288 : vector<64x256xi1>, vector<64x256xi32>
    %select_n3A_312 = arith.select %eq3A_310, %select_n3A_277, %select_n3A_293 : vector<64x256xi1>, vector<64x256xi32>
    %and3A_313 = arith.constant 1 : i32
    %and3A_314 = vector.broadcast %and3A_313 : i32 to vector<64x256xi32>
    %and3A_315 = arith.andi %iota3A, %and3A_314 : vector<64x256xi32>
    %eq3A_316 = arith.constant 0 : i32
    %eq3A_317 = vector.broadcast %eq3A_316 : i32 to vector<64x256xi32>
    %eq3A_318 = arith.cmpi eq, %and3A_315, %eq3A_317 : vector<64x256xi32>
    %roll3A_319 = arith.constant 255 : i32
    %roll3A_320 = tpu.dynamic_rotate %select_n3A_311 by %roll3A_319 dim 1 : vector<64x256xi32>, i32 -> vector<64x256xi32>
    %roll3A_321 = arith.constant 1 : i32
    %roll3A_322 = tpu.dynamic_rotate %select_n3A_311 by %roll3A_321 dim 1 : vector<64x256xi32>, i32 -> vector<64x256xi32>
    %select_n3A_323 = arith.select %eq3A_318, %roll3A_320, %roll3A_322 : vector<64x256xi1>, vector<64x256xi32>
    %roll3A_324 = arith.constant 255 : i32
    %roll3A_325 = tpu.dynamic_rotate %select_n3A_312 by %roll3A_324 dim 1 : vector<64x256xi32>, i32 -> vector<64x256xi32>
    %roll3A_326 = arith.constant 1 : i32
    %roll3A_327 = tpu.dynamic_rotate %select_n3A_312 by %roll3A_326 dim 1 : vector<64x256xi32>, i32 -> vector<64x256xi32>
    %select_n3A_328 = arith.select %eq3A_318, %roll3A_325, %roll3A_327 : vector<64x256xi1>, vector<64x256xi32>
    %gt3A_329 = arith.cmpi sgt, %select_n3A_311, %select_n3A_323 : vector<64x256xi32>
    %eq3A_330 = arith.cmpi eq, %select_n3A_311, %select_n3A_323 : vector<64x256xi32>
    %lt3A_331 = arith.cmpi slt, %select_n3A_312, %select_n3A_328 : vector<64x256xi32>
    %and3A_332 = arith.andi %eq3A_330, %lt3A_331 : vector<64x256xi1>
    %or3A_333 = arith.ori %gt3A_329, %and3A_332 : vector<64x256xi1>
    %and3A_334 = arith.constant 16 : i32
    %and3A_335 = vector.broadcast %and3A_334 : i32 to vector<64x256xi32>
    %and3A_336 = arith.andi %iota3A, %and3A_335 : vector<64x256xi32>
    %eq3A_337 = arith.constant 0 : i32
    %eq3A_338 = vector.broadcast %eq3A_337 : i32 to vector<64x256xi32>
    %eq3A_339 = arith.cmpi eq, %and3A_336, %eq3A_338 : vector<64x256xi32>
    %eq3A_340 = arith.xori %eq3A_318, %eq3A_339 : vector<64x256xi1>
    %eq3A_341 = arith.constant dense<true> : vector<64x256xi1>
    %eq3A_342 = arith.xori %eq3A_340, %eq3A_341 : vector<64x256xi1>
    %eq3A_343 = arith.xori %or3A_333, %eq3A_342 : vector<64x256xi1>
    %eq3A_344 = arith.constant dense<true> : vector<64x256xi1>
    %eq3A_345 = arith.xori %eq3A_343, %eq3A_344 : vector<64x256xi1>
    %select_n3A_346 = arith.select %eq3A_345, %select_n3A_311, %select_n3A_323 : vector<64x256xi1>, vector<64x256xi32>
    %select_n3A_347 = arith.select %eq3A_345, %select_n3A_312, %select_n3A_328 : vector<64x256xi1>, vector<64x256xi32>
    %and3A_348 = arith.constant 16 : i32
    %and3A_349 = vector.broadcast %and3A_348 : i32 to vector<64x256xi32>
    %and3A_350 = arith.andi %iota3A, %and3A_349 : vector<64x256xi32>
    %eq3A_351 = arith.constant 0 : i32
    %eq3A_352 = vector.broadcast %eq3A_351 : i32 to vector<64x256xi32>
    %eq3A_353 = arith.cmpi eq, %and3A_350, %eq3A_352 : vector<64x256xi32>
    %roll3A_354 = arith.constant 240 : i32
    %roll3A_355 = tpu.dynamic_rotate %select_n3A_346 by %roll3A_354 dim 1 : vector<64x256xi32>, i32 -> vector<64x256xi32>
    %roll3A_356 = arith.constant 16 : i32
    %roll3A_357 = tpu.dynamic_rotate %select_n3A_346 by %roll3A_356 dim 1 : vector<64x256xi32>, i32 -> vector<64x256xi32>
    %select_n3A_358 = arith.select %eq3A_353, %roll3A_355, %roll3A_357 : vector<64x256xi1>, vector<64x256xi32>
    %roll3A_359 = arith.constant 240 : i32
    %roll3A_360 = tpu.dynamic_rotate %select_n3A_347 by %roll3A_359 dim 1 : vector<64x256xi32>, i32 -> vector<64x256xi32>
    %roll3A_361 = arith.constant 16 : i32
    %roll3A_362 = tpu.dynamic_rotate %select_n3A_347 by %roll3A_361 dim 1 : vector<64x256xi32>, i32 -> vector<64x256xi32>
    %select_n3A_363 = arith.select %eq3A_353, %roll3A_360, %roll3A_362 : vector<64x256xi1>, vector<64x256xi32>
    %gt3A_364 = arith.cmpi sgt, %select_n3A_346, %select_n3A_358 : vector<64x256xi32>
    %eq3A_365 = arith.cmpi eq, %select_n3A_346, %select_n3A_358 : vector<64x256xi32>
    %lt3A_366 = arith.cmpi slt, %select_n3A_347, %select_n3A_363 : vector<64x256xi32>
    %and3A_367 = arith.andi %eq3A_365, %lt3A_366 : vector<64x256xi1>
    %or3A_368 = arith.ori %gt3A_364, %and3A_367 : vector<64x256xi1>
    %and3A_369 = arith.constant 32 : i32
    %and3A_370 = vector.broadcast %and3A_369 : i32 to vector<64x256xi32>
    %and3A_371 = arith.andi %iota3A, %and3A_370 : vector<64x256xi32>
    %eq3A_372 = arith.constant 0 : i32
    %eq3A_373 = vector.broadcast %eq3A_372 : i32 to vector<64x256xi32>
    %eq3A_374 = arith.cmpi eq, %and3A_371, %eq3A_373 : vector<64x256xi32>
    %eq3A_375 = arith.xori %eq3A_353, %eq3A_374 : vector<64x256xi1>
    %eq3A_376 = arith.constant dense<true> : vector<64x256xi1>
    %eq3A_377 = arith.xori %eq3A_375, %eq3A_376 : vector<64x256xi1>
    %eq3A_378 = arith.xori %or3A_368, %eq3A_377 : vector<64x256xi1>
    %eq3A_379 = arith.constant dense<true> : vector<64x256xi1>
    %eq3A_380 = arith.xori %eq3A_378, %eq3A_379 : vector<64x256xi1>
    %select_n3A_381 = arith.select %eq3A_380, %select_n3A_346, %select_n3A_358 : vector<64x256xi1>, vector<64x256xi32>
    %select_n3A_382 = arith.select %eq3A_380, %select_n3A_347, %select_n3A_363 : vector<64x256xi1>, vector<64x256xi32>
    %and3A_383 = arith.constant 8 : i32
    %and3A_384 = vector.broadcast %and3A_383 : i32 to vector<64x256xi32>
    %and3A_385 = arith.andi %iota3A, %and3A_384 : vector<64x256xi32>
    %eq3A_386 = arith.constant 0 : i32
    %eq3A_387 = vector.broadcast %eq3A_386 : i32 to vector<64x256xi32>
    %eq3A_388 = arith.cmpi eq, %and3A_385, %eq3A_387 : vector<64x256xi32>
    %roll3A_389 = arith.constant 248 : i32
    %roll3A_390 = tpu.dynamic_rotate %select_n3A_381 by %roll3A_389 dim 1 : vector<64x256xi32>, i32 -> vector<64x256xi32>
    %roll3A_391 = arith.constant 8 : i32
    %roll3A_392 = tpu.dynamic_rotate %select_n3A_381 by %roll3A_391 dim 1 : vector<64x256xi32>, i32 -> vector<64x256xi32>
    %select_n3A_393 = arith.select %eq3A_388, %roll3A_390, %roll3A_392 : vector<64x256xi1>, vector<64x256xi32>
    %roll3A_394 = arith.constant 248 : i32
    %roll3A_395 = tpu.dynamic_rotate %select_n3A_382 by %roll3A_394 dim 1 : vector<64x256xi32>, i32 -> vector<64x256xi32>
    %roll3A_396 = arith.constant 8 : i32
    %roll3A_397 = tpu.dynamic_rotate %select_n3A_382 by %roll3A_396 dim 1 : vector<64x256xi32>, i32 -> vector<64x256xi32>
    %select_n3A_398 = arith.select %eq3A_388, %roll3A_395, %roll3A_397 : vector<64x256xi1>, vector<64x256xi32>
    %gt3A_399 = arith.cmpi sgt, %select_n3A_381, %select_n3A_393 : vector<64x256xi32>
    %eq3A_400 = arith.cmpi eq, %select_n3A_381, %select_n3A_393 : vector<64x256xi32>
    %lt3A_401 = arith.cmpi slt, %select_n3A_382, %select_n3A_398 : vector<64x256xi32>
    %and3A_402 = arith.andi %eq3A_400, %lt3A_401 : vector<64x256xi1>
    %or3A_403 = arith.ori %gt3A_399, %and3A_402 : vector<64x256xi1>
    %and3A_404 = arith.constant 32 : i32
    %and3A_405 = vector.broadcast %and3A_404 : i32 to vector<64x256xi32>
    %and3A_406 = arith.andi %iota3A, %and3A_405 : vector<64x256xi32>
    %eq3A_407 = arith.constant 0 : i32
    %eq3A_408 = vector.broadcast %eq3A_407 : i32 to vector<64x256xi32>
    %eq3A_409 = arith.cmpi eq, %and3A_406, %eq3A_408 : vector<64x256xi32>
    %eq3A_410 = arith.xori %eq3A_388, %eq3A_409 : vector<64x256xi1>
    %eq3A_411 = arith.constant dense<true> : vector<64x256xi1>
    %eq3A_412 = arith.xori %eq3A_410, %eq3A_411 : vector<64x256xi1>
    %eq3A_413 = arith.xori %or3A_403, %eq3A_412 : vector<64x256xi1>
    %eq3A_414 = arith.constant dense<true> : vector<64x256xi1>
    %eq3A_415 = arith.xori %eq3A_413, %eq3A_414 : vector<64x256xi1>
    %select_n3A_416 = arith.select %eq3A_415, %select_n3A_381, %select_n3A_393 : vector<64x256xi1>, vector<64x256xi32>
    %select_n3A_417 = arith.select %eq3A_415, %select_n3A_382, %select_n3A_398 : vector<64x256xi1>, vector<64x256xi32>
    %and3A_418 = arith.constant 4 : i32
    %and3A_419 = vector.broadcast %and3A_418 : i32 to vector<64x256xi32>
    %and3A_420 = arith.andi %iota3A, %and3A_419 : vector<64x256xi32>
    %eq3A_421 = arith.constant 0 : i32
    %eq3A_422 = vector.broadcast %eq3A_421 : i32 to vector<64x256xi32>
    %eq3A_423 = arith.cmpi eq, %and3A_420, %eq3A_422 : vector<64x256xi32>
    %roll3A_424 = arith.constant 252 : i32
    %roll3A_425 = tpu.dynamic_rotate %select_n3A_416 by %roll3A_424 dim 1 : vector<64x256xi32>, i32 -> vector<64x256xi32>
    %roll3A_426 = arith.constant 4 : i32
    %roll3A_427 = tpu.dynamic_rotate %select_n3A_416 by %roll3A_426 dim 1 : vector<64x256xi32>, i32 -> vector<64x256xi32>
    %select_n3A_428 = arith.select %eq3A_423, %roll3A_425, %roll3A_427 : vector<64x256xi1>, vector<64x256xi32>
    %roll3A_429 = arith.constant 252 : i32
    %roll3A_430 = tpu.dynamic_rotate %select_n3A_417 by %roll3A_429 dim 1 : vector<64x256xi32>, i32 -> vector<64x256xi32>
    %roll3A_431 = arith.constant 4 : i32
    %roll3A_432 = tpu.dynamic_rotate %select_n3A_417 by %roll3A_431 dim 1 : vector<64x256xi32>, i32 -> vector<64x256xi32>
    %select_n3A_433 = arith.select %eq3A_423, %roll3A_430, %roll3A_432 : vector<64x256xi1>, vector<64x256xi32>
    %gt3A_434 = arith.cmpi sgt, %select_n3A_416, %select_n3A_428 : vector<64x256xi32>
    %eq3A_435 = arith.cmpi eq, %select_n3A_416, %select_n3A_428 : vector<64x256xi32>
    %lt3A_436 = arith.cmpi slt, %select_n3A_417, %select_n3A_433 : vector<64x256xi32>
    %and3A_437 = arith.andi %eq3A_435, %lt3A_436 : vector<64x256xi1>
    %or3A_438 = arith.ori %gt3A_434, %and3A_437 : vector<64x256xi1>
    %and3A_439 = arith.constant 32 : i32
    %and3A_440 = vector.broadcast %and3A_439 : i32 to vector<64x256xi32>
    %and3A_441 = arith.andi %iota3A, %and3A_440 : vector<64x256xi32>
    %eq3A_442 = arith.constant 0 : i32
    %eq3A_443 = vector.broadcast %eq3A_442 : i32 to vector<64x256xi32>
    %eq3A_444 = arith.cmpi eq, %and3A_441, %eq3A_443 : vector<64x256xi32>
    %eq3A_445 = arith.xori %eq3A_423, %eq3A_444 : vector<64x256xi1>
    %eq3A_446 = arith.constant dense<true> : vector<64x256xi1>
    %eq3A_447 = arith.xori %eq3A_445, %eq3A_446 : vector<64x256xi1>
    %eq3A_448 = arith.xori %or3A_438, %eq3A_447 : vector<64x256xi1>
    %eq3A_449 = arith.constant dense<true> : vector<64x256xi1>
    %eq3A_450 = arith.xori %eq3A_448, %eq3A_449 : vector<64x256xi1>
    %select_n3A_451 = arith.select %eq3A_450, %select_n3A_416, %select_n3A_428 : vector<64x256xi1>, vector<64x256xi32>
    %select_n3A_452 = arith.select %eq3A_450, %select_n3A_417, %select_n3A_433 : vector<64x256xi1>, vector<64x256xi32>
    %and3A_453 = arith.constant 2 : i32
    %and3A_454 = vector.broadcast %and3A_453 : i32 to vector<64x256xi32>
    %and3A_455 = arith.andi %iota3A, %and3A_454 : vector<64x256xi32>
    %eq3A_456 = arith.constant 0 : i32
    %eq3A_457 = vector.broadcast %eq3A_456 : i32 to vector<64x256xi32>
    %eq3A_458 = arith.cmpi eq, %and3A_455, %eq3A_457 : vector<64x256xi32>
    %roll3A_459 = arith.constant 254 : i32
    %roll3A_460 = tpu.dynamic_rotate %select_n3A_451 by %roll3A_459 dim 1 : vector<64x256xi32>, i32 -> vector<64x256xi32>
    %roll3A_461 = arith.constant 2 : i32
    %roll3A_462 = tpu.dynamic_rotate %select_n3A_451 by %roll3A_461 dim 1 : vector<64x256xi32>, i32 -> vector<64x256xi32>
    %select_n3A_463 = arith.select %eq3A_458, %roll3A_460, %roll3A_462 : vector<64x256xi1>, vector<64x256xi32>
    %roll3A_464 = arith.constant 254 : i32
    %roll3A_465 = tpu.dynamic_rotate %select_n3A_452 by %roll3A_464 dim 1 : vector<64x256xi32>, i32 -> vector<64x256xi32>
    %roll3A_466 = arith.constant 2 : i32
    %roll3A_467 = tpu.dynamic_rotate %select_n3A_452 by %roll3A_466 dim 1 : vector<64x256xi32>, i32 -> vector<64x256xi32>
    %select_n3A_468 = arith.select %eq3A_458, %roll3A_465, %roll3A_467 : vector<64x256xi1>, vector<64x256xi32>
    %gt3A_469 = arith.cmpi sgt, %select_n3A_451, %select_n3A_463 : vector<64x256xi32>
    %eq3A_470 = arith.cmpi eq, %select_n3A_451, %select_n3A_463 : vector<64x256xi32>
    %lt3A_471 = arith.cmpi slt, %select_n3A_452, %select_n3A_468 : vector<64x256xi32>
    %and3A_472 = arith.andi %eq3A_470, %lt3A_471 : vector<64x256xi1>
    %or3A_473 = arith.ori %gt3A_469, %and3A_472 : vector<64x256xi1>
    %and3A_474 = arith.constant 32 : i32
    %and3A_475 = vector.broadcast %and3A_474 : i32 to vector<64x256xi32>
    %and3A_476 = arith.andi %iota3A, %and3A_475 : vector<64x256xi32>
    %eq3A_477 = arith.constant 0 : i32
    %eq3A_478 = vector.broadcast %eq3A_477 : i32 to vector<64x256xi32>
    %eq3A_479 = arith.cmpi eq, %and3A_476, %eq3A_478 : vector<64x256xi32>
    %eq3A_480 = arith.xori %eq3A_458, %eq3A_479 : vector<64x256xi1>
    %eq3A_481 = arith.constant dense<true> : vector<64x256xi1>
    %eq3A_482 = arith.xori %eq3A_480, %eq3A_481 : vector<64x256xi1>
    %eq3A_483 = arith.xori %or3A_473, %eq3A_482 : vector<64x256xi1>
    %eq3A_484 = arith.constant dense<true> : vector<64x256xi1>
    %eq3A_485 = arith.xori %eq3A_483, %eq3A_484 : vector<64x256xi1>
    %select_n3A_486 = arith.select %eq3A_485, %select_n3A_451, %select_n3A_463 : vector<64x256xi1>, vector<64x256xi32>
    %select_n3A_487 = arith.select %eq3A_485, %select_n3A_452, %select_n3A_468 : vector<64x256xi1>, vector<64x256xi32>
    %and3A_488 = arith.constant 1 : i32
    %and3A_489 = vector.broadcast %and3A_488 : i32 to vector<64x256xi32>
    %and3A_490 = arith.andi %iota3A, %and3A_489 : vector<64x256xi32>
    %eq3A_491 = arith.constant 0 : i32
    %eq3A_492 = vector.broadcast %eq3A_491 : i32 to vector<64x256xi32>
    %eq3A_493 = arith.cmpi eq, %and3A_490, %eq3A_492 : vector<64x256xi32>
    %roll3A_494 = arith.constant 255 : i32
    %roll3A_495 = tpu.dynamic_rotate %select_n3A_486 by %roll3A_494 dim 1 : vector<64x256xi32>, i32 -> vector<64x256xi32>
    %roll3A_496 = arith.constant 1 : i32
    %roll3A_497 = tpu.dynamic_rotate %select_n3A_486 by %roll3A_496 dim 1 : vector<64x256xi32>, i32 -> vector<64x256xi32>
    %select_n3A_498 = arith.select %eq3A_493, %roll3A_495, %roll3A_497 : vector<64x256xi1>, vector<64x256xi32>
    %roll3A_499 = arith.constant 255 : i32
    %roll3A_500 = tpu.dynamic_rotate %select_n3A_487 by %roll3A_499 dim 1 : vector<64x256xi32>, i32 -> vector<64x256xi32>
    %roll3A_501 = arith.constant 1 : i32
    %roll3A_502 = tpu.dynamic_rotate %select_n3A_487 by %roll3A_501 dim 1 : vector<64x256xi32>, i32 -> vector<64x256xi32>
    %select_n3A_503 = arith.select %eq3A_493, %roll3A_500, %roll3A_502 : vector<64x256xi1>, vector<64x256xi32>
    %gt3A_504 = arith.cmpi sgt, %select_n3A_486, %select_n3A_498 : vector<64x256xi32>
    %eq3A_505 = arith.cmpi eq, %select_n3A_486, %select_n3A_498 : vector<64x256xi32>
    %lt3A_506 = arith.cmpi slt, %select_n3A_487, %select_n3A_503 : vector<64x256xi32>
    %and3A_507 = arith.andi %eq3A_505, %lt3A_506 : vector<64x256xi1>
    %or3A_508 = arith.ori %gt3A_504, %and3A_507 : vector<64x256xi1>
    %and3A_509 = arith.constant 32 : i32
    %and3A_510 = vector.broadcast %and3A_509 : i32 to vector<64x256xi32>
    %and3A_511 = arith.andi %iota3A, %and3A_510 : vector<64x256xi32>
    %eq3A_512 = arith.constant 0 : i32
    %eq3A_513 = vector.broadcast %eq3A_512 : i32 to vector<64x256xi32>
    %eq3A_514 = arith.cmpi eq, %and3A_511, %eq3A_513 : vector<64x256xi32>
    %eq3A_515 = arith.xori %eq3A_493, %eq3A_514 : vector<64x256xi1>
    %eq3A_516 = arith.constant dense<true> : vector<64x256xi1>
    %eq3A_517 = arith.xori %eq3A_515, %eq3A_516 : vector<64x256xi1>
    %eq3A_518 = arith.xori %or3A_508, %eq3A_517 : vector<64x256xi1>
    %eq3A_519 = arith.constant dense<true> : vector<64x256xi1>
    %eq3A_520 = arith.xori %eq3A_518, %eq3A_519 : vector<64x256xi1>
    %select_n3A_521 = arith.select %eq3A_520, %select_n3A_486, %select_n3A_498 : vector<64x256xi1>, vector<64x256xi32>
    %select_n3A_522 = arith.select %eq3A_520, %select_n3A_487, %select_n3A_503 : vector<64x256xi1>, vector<64x256xi32>
    %and3A_523 = arith.constant 32 : i32
    %and3A_524 = vector.broadcast %and3A_523 : i32 to vector<64x256xi32>
    %and3A_525 = arith.andi %iota3A, %and3A_524 : vector<64x256xi32>
    %eq3A_526 = arith.constant 0 : i32
    %eq3A_527 = vector.broadcast %eq3A_526 : i32 to vector<64x256xi32>
    %eq3A_528 = arith.cmpi eq, %and3A_525, %eq3A_527 : vector<64x256xi32>
    %roll3A_529 = arith.constant 224 : i32
    %roll3A_530 = tpu.dynamic_rotate %select_n3A_521 by %roll3A_529 dim 1 : vector<64x256xi32>, i32 -> vector<64x256xi32>
    %roll3A_531 = arith.constant 32 : i32
    %roll3A_532 = tpu.dynamic_rotate %select_n3A_521 by %roll3A_531 dim 1 : vector<64x256xi32>, i32 -> vector<64x256xi32>
    %select_n3A_533 = arith.select %eq3A_528, %roll3A_530, %roll3A_532 : vector<64x256xi1>, vector<64x256xi32>
    %roll3A_534 = arith.constant 224 : i32
    %roll3A_535 = tpu.dynamic_rotate %select_n3A_522 by %roll3A_534 dim 1 : vector<64x256xi32>, i32 -> vector<64x256xi32>
    %roll3A_536 = arith.constant 32 : i32
    %roll3A_537 = tpu.dynamic_rotate %select_n3A_522 by %roll3A_536 dim 1 : vector<64x256xi32>, i32 -> vector<64x256xi32>
    %select_n3A_538 = arith.select %eq3A_528, %roll3A_535, %roll3A_537 : vector<64x256xi1>, vector<64x256xi32>
    %gt3A_539 = arith.cmpi sgt, %select_n3A_521, %select_n3A_533 : vector<64x256xi32>
    %eq3A_540 = arith.cmpi eq, %select_n3A_521, %select_n3A_533 : vector<64x256xi32>
    %lt3A_541 = arith.cmpi slt, %select_n3A_522, %select_n3A_538 : vector<64x256xi32>
    %and3A_542 = arith.andi %eq3A_540, %lt3A_541 : vector<64x256xi1>
    %or3A_543 = arith.ori %gt3A_539, %and3A_542 : vector<64x256xi1>
    %and3A_544 = arith.constant 64 : i32
    %and3A_545 = vector.broadcast %and3A_544 : i32 to vector<64x256xi32>
    %and3A_546 = arith.andi %iota3A, %and3A_545 : vector<64x256xi32>
    %eq3A_547 = arith.constant 0 : i32
    %eq3A_548 = vector.broadcast %eq3A_547 : i32 to vector<64x256xi32>
    %eq3A_549 = arith.cmpi eq, %and3A_546, %eq3A_548 : vector<64x256xi32>
    %eq3A_550 = arith.xori %eq3A_528, %eq3A_549 : vector<64x256xi1>
    %eq3A_551 = arith.constant dense<true> : vector<64x256xi1>
    %eq3A_552 = arith.xori %eq3A_550, %eq3A_551 : vector<64x256xi1>
    %eq3A_553 = arith.xori %or3A_543, %eq3A_552 : vector<64x256xi1>
    %eq3A_554 = arith.constant dense<true> : vector<64x256xi1>
    %eq3A_555 = arith.xori %eq3A_553, %eq3A_554 : vector<64x256xi1>
    %select_n3A_556 = arith.select %eq3A_555, %select_n3A_521, %select_n3A_533 : vector<64x256xi1>, vector<64x256xi32>
    %select_n3A_557 = arith.select %eq3A_555, %select_n3A_522, %select_n3A_538 : vector<64x256xi1>, vector<64x256xi32>
    %and3A_558 = arith.constant 16 : i32
    %and3A_559 = vector.broadcast %and3A_558 : i32 to vector<64x256xi32>
    %and3A_560 = arith.andi %iota3A, %and3A_559 : vector<64x256xi32>
    %eq3A_561 = arith.constant 0 : i32
    %eq3A_562 = vector.broadcast %eq3A_561 : i32 to vector<64x256xi32>
    %eq3A_563 = arith.cmpi eq, %and3A_560, %eq3A_562 : vector<64x256xi32>
    %roll3A_564 = arith.constant 240 : i32
    %roll3A_565 = tpu.dynamic_rotate %select_n3A_556 by %roll3A_564 dim 1 : vector<64x256xi32>, i32 -> vector<64x256xi32>
    %roll3A_566 = arith.constant 16 : i32
    %roll3A_567 = tpu.dynamic_rotate %select_n3A_556 by %roll3A_566 dim 1 : vector<64x256xi32>, i32 -> vector<64x256xi32>
    %select_n3A_568 = arith.select %eq3A_563, %roll3A_565, %roll3A_567 : vector<64x256xi1>, vector<64x256xi32>
    %roll3A_569 = arith.constant 240 : i32
    %roll3A_570 = tpu.dynamic_rotate %select_n3A_557 by %roll3A_569 dim 1 : vector<64x256xi32>, i32 -> vector<64x256xi32>
    %roll3A_571 = arith.constant 16 : i32
    %roll3A_572 = tpu.dynamic_rotate %select_n3A_557 by %roll3A_571 dim 1 : vector<64x256xi32>, i32 -> vector<64x256xi32>
    %select_n3A_573 = arith.select %eq3A_563, %roll3A_570, %roll3A_572 : vector<64x256xi1>, vector<64x256xi32>
    %gt3A_574 = arith.cmpi sgt, %select_n3A_556, %select_n3A_568 : vector<64x256xi32>
    %eq3A_575 = arith.cmpi eq, %select_n3A_556, %select_n3A_568 : vector<64x256xi32>
    %lt3A_576 = arith.cmpi slt, %select_n3A_557, %select_n3A_573 : vector<64x256xi32>
    %and3A_577 = arith.andi %eq3A_575, %lt3A_576 : vector<64x256xi1>
    %or3A_578 = arith.ori %gt3A_574, %and3A_577 : vector<64x256xi1>
    %and3A_579 = arith.constant 64 : i32
    %and3A_580 = vector.broadcast %and3A_579 : i32 to vector<64x256xi32>
    %and3A_581 = arith.andi %iota3A, %and3A_580 : vector<64x256xi32>
    %eq3A_582 = arith.constant 0 : i32
    %eq3A_583 = vector.broadcast %eq3A_582 : i32 to vector<64x256xi32>
    %eq3A_584 = arith.cmpi eq, %and3A_581, %eq3A_583 : vector<64x256xi32>
    %eq3A_585 = arith.xori %eq3A_563, %eq3A_584 : vector<64x256xi1>
    %eq3A_586 = arith.constant dense<true> : vector<64x256xi1>
    %eq3A_587 = arith.xori %eq3A_585, %eq3A_586 : vector<64x256xi1>
    %eq3A_588 = arith.xori %or3A_578, %eq3A_587 : vector<64x256xi1>
    %eq3A_589 = arith.constant dense<true> : vector<64x256xi1>
    %eq3A_590 = arith.xori %eq3A_588, %eq3A_589 : vector<64x256xi1>
    %select_n3A_591 = arith.select %eq3A_590, %select_n3A_556, %select_n3A_568 : vector<64x256xi1>, vector<64x256xi32>
    %select_n3A_592 = arith.select %eq3A_590, %select_n3A_557, %select_n3A_573 : vector<64x256xi1>, vector<64x256xi32>
    %and3A_593 = arith.constant 8 : i32
    %and3A_594 = vector.broadcast %and3A_593 : i32 to vector<64x256xi32>
    %and3A_595 = arith.andi %iota3A, %and3A_594 : vector<64x256xi32>
    %eq3A_596 = arith.constant 0 : i32
    %eq3A_597 = vector.broadcast %eq3A_596 : i32 to vector<64x256xi32>
    %eq3A_598 = arith.cmpi eq, %and3A_595, %eq3A_597 : vector<64x256xi32>
    %roll3A_599 = arith.constant 248 : i32
    %roll3A_600 = tpu.dynamic_rotate %select_n3A_591 by %roll3A_599 dim 1 : vector<64x256xi32>, i32 -> vector<64x256xi32>
    %roll3A_601 = arith.constant 8 : i32
    %roll3A_602 = tpu.dynamic_rotate %select_n3A_591 by %roll3A_601 dim 1 : vector<64x256xi32>, i32 -> vector<64x256xi32>
    %select_n3A_603 = arith.select %eq3A_598, %roll3A_600, %roll3A_602 : vector<64x256xi1>, vector<64x256xi32>
    %roll3A_604 = arith.constant 248 : i32
    %roll3A_605 = tpu.dynamic_rotate %select_n3A_592 by %roll3A_604 dim 1 : vector<64x256xi32>, i32 -> vector<64x256xi32>
    %roll3A_606 = arith.constant 8 : i32
    %roll3A_607 = tpu.dynamic_rotate %select_n3A_592 by %roll3A_606 dim 1 : vector<64x256xi32>, i32 -> vector<64x256xi32>
    %select_n3A_608 = arith.select %eq3A_598, %roll3A_605, %roll3A_607 : vector<64x256xi1>, vector<64x256xi32>
    %gt3A_609 = arith.cmpi sgt, %select_n3A_591, %select_n3A_603 : vector<64x256xi32>
    %eq3A_610 = arith.cmpi eq, %select_n3A_591, %select_n3A_603 : vector<64x256xi32>
    %lt3A_611 = arith.cmpi slt, %select_n3A_592, %select_n3A_608 : vector<64x256xi32>
    %and3A_612 = arith.andi %eq3A_610, %lt3A_611 : vector<64x256xi1>
    %or3A_613 = arith.ori %gt3A_609, %and3A_612 : vector<64x256xi1>
    %and3A_614 = arith.constant 64 : i32
    %and3A_615 = vector.broadcast %and3A_614 : i32 to vector<64x256xi32>
    %and3A_616 = arith.andi %iota3A, %and3A_615 : vector<64x256xi32>
    %eq3A_617 = arith.constant 0 : i32
    %eq3A_618 = vector.broadcast %eq3A_617 : i32 to vector<64x256xi32>
    %eq3A_619 = arith.cmpi eq, %and3A_616, %eq3A_618 : vector<64x256xi32>
    %eq3A_620 = arith.xori %eq3A_598, %eq3A_619 : vector<64x256xi1>
    %eq3A_621 = arith.constant dense<true> : vector<64x256xi1>
    %eq3A_622 = arith.xori %eq3A_620, %eq3A_621 : vector<64x256xi1>
    %eq3A_623 = arith.xori %or3A_613, %eq3A_622 : vector<64x256xi1>
    %eq3A_624 = arith.constant dense<true> : vector<64x256xi1>
    %eq3A_625 = arith.xori %eq3A_623, %eq3A_624 : vector<64x256xi1>
    %select_n3A_626 = arith.select %eq3A_625, %select_n3A_591, %select_n3A_603 : vector<64x256xi1>, vector<64x256xi32>
    %select_n3A_627 = arith.select %eq3A_625, %select_n3A_592, %select_n3A_608 : vector<64x256xi1>, vector<64x256xi32>
    %and3A_628 = arith.constant 4 : i32
    %and3A_629 = vector.broadcast %and3A_628 : i32 to vector<64x256xi32>
    %and3A_630 = arith.andi %iota3A, %and3A_629 : vector<64x256xi32>
    %eq3A_631 = arith.constant 0 : i32
    %eq3A_632 = vector.broadcast %eq3A_631 : i32 to vector<64x256xi32>
    %eq3A_633 = arith.cmpi eq, %and3A_630, %eq3A_632 : vector<64x256xi32>
    %roll3A_634 = arith.constant 252 : i32
    %roll3A_635 = tpu.dynamic_rotate %select_n3A_626 by %roll3A_634 dim 1 : vector<64x256xi32>, i32 -> vector<64x256xi32>
    %roll3A_636 = arith.constant 4 : i32
    %roll3A_637 = tpu.dynamic_rotate %select_n3A_626 by %roll3A_636 dim 1 : vector<64x256xi32>, i32 -> vector<64x256xi32>
    %select_n3A_638 = arith.select %eq3A_633, %roll3A_635, %roll3A_637 : vector<64x256xi1>, vector<64x256xi32>
    %roll3A_639 = arith.constant 252 : i32
    %roll3A_640 = tpu.dynamic_rotate %select_n3A_627 by %roll3A_639 dim 1 : vector<64x256xi32>, i32 -> vector<64x256xi32>
    %roll3A_641 = arith.constant 4 : i32
    %roll3A_642 = tpu.dynamic_rotate %select_n3A_627 by %roll3A_641 dim 1 : vector<64x256xi32>, i32 -> vector<64x256xi32>
    %select_n3A_643 = arith.select %eq3A_633, %roll3A_640, %roll3A_642 : vector<64x256xi1>, vector<64x256xi32>
    %gt3A_644 = arith.cmpi sgt, %select_n3A_626, %select_n3A_638 : vector<64x256xi32>
    %eq3A_645 = arith.cmpi eq, %select_n3A_626, %select_n3A_638 : vector<64x256xi32>
    %lt3A_646 = arith.cmpi slt, %select_n3A_627, %select_n3A_643 : vector<64x256xi32>
    %and3A_647 = arith.andi %eq3A_645, %lt3A_646 : vector<64x256xi1>
    %or3A_648 = arith.ori %gt3A_644, %and3A_647 : vector<64x256xi1>
    %and3A_649 = arith.constant 64 : i32
    %and3A_650 = vector.broadcast %and3A_649 : i32 to vector<64x256xi32>
    %and3A_651 = arith.andi %iota3A, %and3A_650 : vector<64x256xi32>
    %eq3A_652 = arith.constant 0 : i32
    %eq3A_653 = vector.broadcast %eq3A_652 : i32 to vector<64x256xi32>
    %eq3A_654 = arith.cmpi eq, %and3A_651, %eq3A_653 : vector<64x256xi32>
    %eq3A_655 = arith.xori %eq3A_633, %eq3A_654 : vector<64x256xi1>
    %eq3A_656 = arith.constant dense<true> : vector<64x256xi1>
    %eq3A_657 = arith.xori %eq3A_655, %eq3A_656 : vector<64x256xi1>
    %eq3A_658 = arith.xori %or3A_648, %eq3A_657 : vector<64x256xi1>
    %eq3A_659 = arith.constant dense<true> : vector<64x256xi1>
    %eq3A_660 = arith.xori %eq3A_658, %eq3A_659 : vector<64x256xi1>
    %select_n3A_661 = arith.select %eq3A_660, %select_n3A_626, %select_n3A_638 : vector<64x256xi1>, vector<64x256xi32>
    %select_n3A_662 = arith.select %eq3A_660, %select_n3A_627, %select_n3A_643 : vector<64x256xi1>, vector<64x256xi32>
    %and3A_663 = arith.constant 2 : i32
    %and3A_664 = vector.broadcast %and3A_663 : i32 to vector<64x256xi32>
    %and3A_665 = arith.andi %iota3A, %and3A_664 : vector<64x256xi32>
    %eq3A_666 = arith.constant 0 : i32
    %eq3A_667 = vector.broadcast %eq3A_666 : i32 to vector<64x256xi32>
    %eq3A_668 = arith.cmpi eq, %and3A_665, %eq3A_667 : vector<64x256xi32>
    %roll3A_669 = arith.constant 254 : i32
    %roll3A_670 = tpu.dynamic_rotate %select_n3A_661 by %roll3A_669 dim 1 : vector<64x256xi32>, i32 -> vector<64x256xi32>
    %roll3A_671 = arith.constant 2 : i32
    %roll3A_672 = tpu.dynamic_rotate %select_n3A_661 by %roll3A_671 dim 1 : vector<64x256xi32>, i32 -> vector<64x256xi32>
    %select_n3A_673 = arith.select %eq3A_668, %roll3A_670, %roll3A_672 : vector<64x256xi1>, vector<64x256xi32>
    %roll3A_674 = arith.constant 254 : i32
    %roll3A_675 = tpu.dynamic_rotate %select_n3A_662 by %roll3A_674 dim 1 : vector<64x256xi32>, i32 -> vector<64x256xi32>
    %roll3A_676 = arith.constant 2 : i32
    %roll3A_677 = tpu.dynamic_rotate %select_n3A_662 by %roll3A_676 dim 1 : vector<64x256xi32>, i32 -> vector<64x256xi32>
    %select_n3A_678 = arith.select %eq3A_668, %roll3A_675, %roll3A_677 : vector<64x256xi1>, vector<64x256xi32>
    %gt3A_679 = arith.cmpi sgt, %select_n3A_661, %select_n3A_673 : vector<64x256xi32>
    %eq3A_680 = arith.cmpi eq, %select_n3A_661, %select_n3A_673 : vector<64x256xi32>
    %lt3A_681 = arith.cmpi slt, %select_n3A_662, %select_n3A_678 : vector<64x256xi32>
    %and3A_682 = arith.andi %eq3A_680, %lt3A_681 : vector<64x256xi1>
    %or3A_683 = arith.ori %gt3A_679, %and3A_682 : vector<64x256xi1>
    %and3A_684 = arith.constant 64 : i32
    %and3A_685 = vector.broadcast %and3A_684 : i32 to vector<64x256xi32>
    %and3A_686 = arith.andi %iota3A, %and3A_685 : vector<64x256xi32>
    %eq3A_687 = arith.constant 0 : i32
    %eq3A_688 = vector.broadcast %eq3A_687 : i32 to vector<64x256xi32>
    %eq3A_689 = arith.cmpi eq, %and3A_686, %eq3A_688 : vector<64x256xi32>
    %eq3A_690 = arith.xori %eq3A_668, %eq3A_689 : vector<64x256xi1>
    %eq3A_691 = arith.constant dense<true> : vector<64x256xi1>
    %eq3A_692 = arith.xori %eq3A_690, %eq3A_691 : vector<64x256xi1>
    %eq3A_693 = arith.xori %or3A_683, %eq3A_692 : vector<64x256xi1>
    %eq3A_694 = arith.constant dense<true> : vector<64x256xi1>
    %eq3A_695 = arith.xori %eq3A_693, %eq3A_694 : vector<64x256xi1>
    %select_n3A_696 = arith.select %eq3A_695, %select_n3A_661, %select_n3A_673 : vector<64x256xi1>, vector<64x256xi32>
    %select_n3A_697 = arith.select %eq3A_695, %select_n3A_662, %select_n3A_678 : vector<64x256xi1>, vector<64x256xi32>
    %and3A_698 = arith.constant 1 : i32
    %and3A_699 = vector.broadcast %and3A_698 : i32 to vector<64x256xi32>
    %and3A_700 = arith.andi %iota3A, %and3A_699 : vector<64x256xi32>
    %eq3A_701 = arith.constant 0 : i32
    %eq3A_702 = vector.broadcast %eq3A_701 : i32 to vector<64x256xi32>
    %eq3A_703 = arith.cmpi eq, %and3A_700, %eq3A_702 : vector<64x256xi32>
    %roll3A_704 = arith.constant 255 : i32
    %roll3A_705 = tpu.dynamic_rotate %select_n3A_696 by %roll3A_704 dim 1 : vector<64x256xi32>, i32 -> vector<64x256xi32>
    %roll3A_706 = arith.constant 1 : i32
    %roll3A_707 = tpu.dynamic_rotate %select_n3A_696 by %roll3A_706 dim 1 : vector<64x256xi32>, i32 -> vector<64x256xi32>
    %select_n3A_708 = arith.select %eq3A_703, %roll3A_705, %roll3A_707 : vector<64x256xi1>, vector<64x256xi32>
    %roll3A_709 = arith.constant 255 : i32
    %roll3A_710 = tpu.dynamic_rotate %select_n3A_697 by %roll3A_709 dim 1 : vector<64x256xi32>, i32 -> vector<64x256xi32>
    %roll3A_711 = arith.constant 1 : i32
    %roll3A_712 = tpu.dynamic_rotate %select_n3A_697 by %roll3A_711 dim 1 : vector<64x256xi32>, i32 -> vector<64x256xi32>
    %select_n3A_713 = arith.select %eq3A_703, %roll3A_710, %roll3A_712 : vector<64x256xi1>, vector<64x256xi32>
    %gt3A_714 = arith.cmpi sgt, %select_n3A_696, %select_n3A_708 : vector<64x256xi32>
    %eq3A_715 = arith.cmpi eq, %select_n3A_696, %select_n3A_708 : vector<64x256xi32>
    %lt3A_716 = arith.cmpi slt, %select_n3A_697, %select_n3A_713 : vector<64x256xi32>
    %and3A_717 = arith.andi %eq3A_715, %lt3A_716 : vector<64x256xi1>
    %or3A_718 = arith.ori %gt3A_714, %and3A_717 : vector<64x256xi1>
    %and3A_719 = arith.constant 64 : i32
    %and3A_720 = vector.broadcast %and3A_719 : i32 to vector<64x256xi32>
    %and3A_721 = arith.andi %iota3A, %and3A_720 : vector<64x256xi32>
    %eq3A_722 = arith.constant 0 : i32
    %eq3A_723 = vector.broadcast %eq3A_722 : i32 to vector<64x256xi32>
    %eq3A_724 = arith.cmpi eq, %and3A_721, %eq3A_723 : vector<64x256xi32>
    %eq3A_725 = arith.xori %eq3A_703, %eq3A_724 : vector<64x256xi1>
    %eq3A_726 = arith.constant dense<true> : vector<64x256xi1>
    %eq3A_727 = arith.xori %eq3A_725, %eq3A_726 : vector<64x256xi1>
    %eq3A_728 = arith.xori %or3A_718, %eq3A_727 : vector<64x256xi1>
    %eq3A_729 = arith.constant dense<true> : vector<64x256xi1>
    %eq3A_730 = arith.xori %eq3A_728, %eq3A_729 : vector<64x256xi1>
    %select_n3A_731 = arith.select %eq3A_730, %select_n3A_696, %select_n3A_708 : vector<64x256xi1>, vector<64x256xi32>
    %select_n3A_732 = arith.select %eq3A_730, %select_n3A_697, %select_n3A_713 : vector<64x256xi1>, vector<64x256xi32>
    %and3A_733 = arith.constant 64 : i32
    %and3A_734 = vector.broadcast %and3A_733 : i32 to vector<64x256xi32>
    %and3A_735 = arith.andi %iota3A, %and3A_734 : vector<64x256xi32>
    %eq3A_736 = arith.constant 0 : i32
    %eq3A_737 = vector.broadcast %eq3A_736 : i32 to vector<64x256xi32>
    %eq3A_738 = arith.cmpi eq, %and3A_735, %eq3A_737 : vector<64x256xi32>
    %roll3A_739 = arith.constant 192 : i32
    %roll3A_740 = tpu.dynamic_rotate %select_n3A_731 by %roll3A_739 dim 1 : vector<64x256xi32>, i32 -> vector<64x256xi32>
    %roll3A_741 = arith.constant 64 : i32
    %roll3A_742 = tpu.dynamic_rotate %select_n3A_731 by %roll3A_741 dim 1 : vector<64x256xi32>, i32 -> vector<64x256xi32>
    %select_n3A_743 = arith.select %eq3A_738, %roll3A_740, %roll3A_742 : vector<64x256xi1>, vector<64x256xi32>
    %roll3A_744 = arith.constant 192 : i32
    %roll3A_745 = tpu.dynamic_rotate %select_n3A_732 by %roll3A_744 dim 1 : vector<64x256xi32>, i32 -> vector<64x256xi32>
    %roll3A_746 = arith.constant 64 : i32
    %roll3A_747 = tpu.dynamic_rotate %select_n3A_732 by %roll3A_746 dim 1 : vector<64x256xi32>, i32 -> vector<64x256xi32>
    %select_n3A_748 = arith.select %eq3A_738, %roll3A_745, %roll3A_747 : vector<64x256xi1>, vector<64x256xi32>
    %gt3A_749 = arith.cmpi sgt, %select_n3A_731, %select_n3A_743 : vector<64x256xi32>
    %eq3A_750 = arith.cmpi eq, %select_n3A_731, %select_n3A_743 : vector<64x256xi32>
    %lt3A_751 = arith.cmpi slt, %select_n3A_732, %select_n3A_748 : vector<64x256xi32>
    %and3A_752 = arith.andi %eq3A_750, %lt3A_751 : vector<64x256xi1>
    %or3A_753 = arith.ori %gt3A_749, %and3A_752 : vector<64x256xi1>
    %and3A_754 = arith.constant 128 : i32
    %and3A_755 = vector.broadcast %and3A_754 : i32 to vector<64x256xi32>
    %and3A_756 = arith.andi %iota3A, %and3A_755 : vector<64x256xi32>
    %eq3A_757 = arith.constant 0 : i32
    %eq3A_758 = vector.broadcast %eq3A_757 : i32 to vector<64x256xi32>
    %eq3A_759 = arith.cmpi eq, %and3A_756, %eq3A_758 : vector<64x256xi32>
    %eq3A_760 = arith.xori %eq3A_738, %eq3A_759 : vector<64x256xi1>
    %eq3A_761 = arith.constant dense<true> : vector<64x256xi1>
    %eq3A_762 = arith.xori %eq3A_760, %eq3A_761 : vector<64x256xi1>
    %eq3A_763 = arith.xori %or3A_753, %eq3A_762 : vector<64x256xi1>
    %eq3A_764 = arith.constant dense<true> : vector<64x256xi1>
    %eq3A_765 = arith.xori %eq3A_763, %eq3A_764 : vector<64x256xi1>
    %select_n3A_766 = arith.select %eq3A_765, %select_n3A_731, %select_n3A_743 : vector<64x256xi1>, vector<64x256xi32>
    %select_n3A_767 = arith.select %eq3A_765, %select_n3A_732, %select_n3A_748 : vector<64x256xi1>, vector<64x256xi32>
    %and3A_768 = arith.constant 32 : i32
    %and3A_769 = vector.broadcast %and3A_768 : i32 to vector<64x256xi32>
    %and3A_770 = arith.andi %iota3A, %and3A_769 : vector<64x256xi32>
    %eq3A_771 = arith.constant 0 : i32
    %eq3A_772 = vector.broadcast %eq3A_771 : i32 to vector<64x256xi32>
    %eq3A_773 = arith.cmpi eq, %and3A_770, %eq3A_772 : vector<64x256xi32>
    %roll3A_774 = arith.constant 224 : i32
    %roll3A_775 = tpu.dynamic_rotate %select_n3A_766 by %roll3A_774 dim 1 : vector<64x256xi32>, i32 -> vector<64x256xi32>
    %roll3A_776 = arith.constant 32 : i32
    %roll3A_777 = tpu.dynamic_rotate %select_n3A_766 by %roll3A_776 dim 1 : vector<64x256xi32>, i32 -> vector<64x256xi32>
    %select_n3A_778 = arith.select %eq3A_773, %roll3A_775, %roll3A_777 : vector<64x256xi1>, vector<64x256xi32>
    %roll3A_779 = arith.constant 224 : i32
    %roll3A_780 = tpu.dynamic_rotate %select_n3A_767 by %roll3A_779 dim 1 : vector<64x256xi32>, i32 -> vector<64x256xi32>
    %roll3A_781 = arith.constant 32 : i32
    %roll3A_782 = tpu.dynamic_rotate %select_n3A_767 by %roll3A_781 dim 1 : vector<64x256xi32>, i32 -> vector<64x256xi32>
    %select_n3A_783 = arith.select %eq3A_773, %roll3A_780, %roll3A_782 : vector<64x256xi1>, vector<64x256xi32>
    %gt3A_784 = arith.cmpi sgt, %select_n3A_766, %select_n3A_778 : vector<64x256xi32>
    %eq3A_785 = arith.cmpi eq, %select_n3A_766, %select_n3A_778 : vector<64x256xi32>
    %lt3A_786 = arith.cmpi slt, %select_n3A_767, %select_n3A_783 : vector<64x256xi32>
    %and3A_787 = arith.andi %eq3A_785, %lt3A_786 : vector<64x256xi1>
    %or3A_788 = arith.ori %gt3A_784, %and3A_787 : vector<64x256xi1>
    %and3A_789 = arith.constant 128 : i32
    %and3A_790 = vector.broadcast %and3A_789 : i32 to vector<64x256xi32>
    %and3A_791 = arith.andi %iota3A, %and3A_790 : vector<64x256xi32>
    %eq3A_792 = arith.constant 0 : i32
    %eq3A_793 = vector.broadcast %eq3A_792 : i32 to vector<64x256xi32>
    %eq3A_794 = arith.cmpi eq, %and3A_791, %eq3A_793 : vector<64x256xi32>
    %eq3A_795 = arith.xori %eq3A_773, %eq3A_794 : vector<64x256xi1>
    %eq3A_796 = arith.constant dense<true> : vector<64x256xi1>
    %eq3A_797 = arith.xori %eq3A_795, %eq3A_796 : vector<64x256xi1>
    %eq3A_798 = arith.xori %or3A_788, %eq3A_797 : vector<64x256xi1>
    %eq3A_799 = arith.constant dense<true> : vector<64x256xi1>
    %eq3A_800 = arith.xori %eq3A_798, %eq3A_799 : vector<64x256xi1>
    %select_n3A_801 = arith.select %eq3A_800, %select_n3A_766, %select_n3A_778 : vector<64x256xi1>, vector<64x256xi32>
    %select_n3A_802 = arith.select %eq3A_800, %select_n3A_767, %select_n3A_783 : vector<64x256xi1>, vector<64x256xi32>
    %and3A_803 = arith.constant 16 : i32
    %and3A_804 = vector.broadcast %and3A_803 : i32 to vector<64x256xi32>
    %and3A_805 = arith.andi %iota3A, %and3A_804 : vector<64x256xi32>
    %eq3A_806 = arith.constant 0 : i32
    %eq3A_807 = vector.broadcast %eq3A_806 : i32 to vector<64x256xi32>
    %eq3A_808 = arith.cmpi eq, %and3A_805, %eq3A_807 : vector<64x256xi32>
    %roll3A_809 = arith.constant 240 : i32
    %roll3A_810 = tpu.dynamic_rotate %select_n3A_801 by %roll3A_809 dim 1 : vector<64x256xi32>, i32 -> vector<64x256xi32>
    %roll3A_811 = arith.constant 16 : i32
    %roll3A_812 = tpu.dynamic_rotate %select_n3A_801 by %roll3A_811 dim 1 : vector<64x256xi32>, i32 -> vector<64x256xi32>
    %select_n3A_813 = arith.select %eq3A_808, %roll3A_810, %roll3A_812 : vector<64x256xi1>, vector<64x256xi32>
    %roll3A_814 = arith.constant 240 : i32
    %roll3A_815 = tpu.dynamic_rotate %select_n3A_802 by %roll3A_814 dim 1 : vector<64x256xi32>, i32 -> vector<64x256xi32>
    %roll3A_816 = arith.constant 16 : i32
    %roll3A_817 = tpu.dynamic_rotate %select_n3A_802 by %roll3A_816 dim 1 : vector<64x256xi32>, i32 -> vector<64x256xi32>
    %select_n3A_818 = arith.select %eq3A_808, %roll3A_815, %roll3A_817 : vector<64x256xi1>, vector<64x256xi32>
    %gt3A_819 = arith.cmpi sgt, %select_n3A_801, %select_n3A_813 : vector<64x256xi32>
    %eq3A_820 = arith.cmpi eq, %select_n3A_801, %select_n3A_813 : vector<64x256xi32>
    %lt3A_821 = arith.cmpi slt, %select_n3A_802, %select_n3A_818 : vector<64x256xi32>
    %and3A_822 = arith.andi %eq3A_820, %lt3A_821 : vector<64x256xi1>
    %or3A_823 = arith.ori %gt3A_819, %and3A_822 : vector<64x256xi1>
    %and3A_824 = arith.constant 128 : i32
    %and3A_825 = vector.broadcast %and3A_824 : i32 to vector<64x256xi32>
    %and3A_826 = arith.andi %iota3A, %and3A_825 : vector<64x256xi32>
    %eq3A_827 = arith.constant 0 : i32
    %eq3A_828 = vector.broadcast %eq3A_827 : i32 to vector<64x256xi32>
    %eq3A_829 = arith.cmpi eq, %and3A_826, %eq3A_828 : vector<64x256xi32>
    %eq3A_830 = arith.xori %eq3A_808, %eq3A_829 : vector<64x256xi1>
    %eq3A_831 = arith.constant dense<true> : vector<64x256xi1>
    %eq3A_832 = arith.xori %eq3A_830, %eq3A_831 : vector<64x256xi1>
    %eq3A_833 = arith.xori %or3A_823, %eq3A_832 : vector<64x256xi1>
    %eq3A_834 = arith.constant dense<true> : vector<64x256xi1>
    %eq3A_835 = arith.xori %eq3A_833, %eq3A_834 : vector<64x256xi1>
    %select_n3A_836 = arith.select %eq3A_835, %select_n3A_801, %select_n3A_813 : vector<64x256xi1>, vector<64x256xi32>
    %select_n3A_837 = arith.select %eq3A_835, %select_n3A_802, %select_n3A_818 : vector<64x256xi1>, vector<64x256xi32>
    %and3A_838 = arith.constant 8 : i32
    %and3A_839 = vector.broadcast %and3A_838 : i32 to vector<64x256xi32>
    %and3A_840 = arith.andi %iota3A, %and3A_839 : vector<64x256xi32>
    %eq3A_841 = arith.constant 0 : i32
    %eq3A_842 = vector.broadcast %eq3A_841 : i32 to vector<64x256xi32>
    %eq3A_843 = arith.cmpi eq, %and3A_840, %eq3A_842 : vector<64x256xi32>
    %roll3A_844 = arith.constant 248 : i32
    %roll3A_845 = tpu.dynamic_rotate %select_n3A_836 by %roll3A_844 dim 1 : vector<64x256xi32>, i32 -> vector<64x256xi32>
    %roll3A_846 = arith.constant 8 : i32
    %roll3A_847 = tpu.dynamic_rotate %select_n3A_836 by %roll3A_846 dim 1 : vector<64x256xi32>, i32 -> vector<64x256xi32>
    %select_n3A_848 = arith.select %eq3A_843, %roll3A_845, %roll3A_847 : vector<64x256xi1>, vector<64x256xi32>
    %roll3A_849 = arith.constant 248 : i32
    %roll3A_850 = tpu.dynamic_rotate %select_n3A_837 by %roll3A_849 dim 1 : vector<64x256xi32>, i32 -> vector<64x256xi32>
    %roll3A_851 = arith.constant 8 : i32
    %roll3A_852 = tpu.dynamic_rotate %select_n3A_837 by %roll3A_851 dim 1 : vector<64x256xi32>, i32 -> vector<64x256xi32>
    %select_n3A_853 = arith.select %eq3A_843, %roll3A_850, %roll3A_852 : vector<64x256xi1>, vector<64x256xi32>
    %gt3A_854 = arith.cmpi sgt, %select_n3A_836, %select_n3A_848 : vector<64x256xi32>
    %eq3A_855 = arith.cmpi eq, %select_n3A_836, %select_n3A_848 : vector<64x256xi32>
    %lt3A_856 = arith.cmpi slt, %select_n3A_837, %select_n3A_853 : vector<64x256xi32>
    %and3A_857 = arith.andi %eq3A_855, %lt3A_856 : vector<64x256xi1>
    %or3A_858 = arith.ori %gt3A_854, %and3A_857 : vector<64x256xi1>
    %and3A_859 = arith.constant 128 : i32
    %and3A_860 = vector.broadcast %and3A_859 : i32 to vector<64x256xi32>
    %and3A_861 = arith.andi %iota3A, %and3A_860 : vector<64x256xi32>
    %eq3A_862 = arith.constant 0 : i32
    %eq3A_863 = vector.broadcast %eq3A_862 : i32 to vector<64x256xi32>
    %eq3A_864 = arith.cmpi eq, %and3A_861, %eq3A_863 : vector<64x256xi32>
    %eq3A_865 = arith.xori %eq3A_843, %eq3A_864 : vector<64x256xi1>
    %eq3A_866 = arith.constant dense<true> : vector<64x256xi1>
    %eq3A_867 = arith.xori %eq3A_865, %eq3A_866 : vector<64x256xi1>
    %eq3A_868 = arith.xori %or3A_858, %eq3A_867 : vector<64x256xi1>
    %eq3A_869 = arith.constant dense<true> : vector<64x256xi1>
    %eq3A_870 = arith.xori %eq3A_868, %eq3A_869 : vector<64x256xi1>
    %select_n3A_871 = arith.select %eq3A_870, %select_n3A_836, %select_n3A_848 : vector<64x256xi1>, vector<64x256xi32>
    %select_n3A_872 = arith.select %eq3A_870, %select_n3A_837, %select_n3A_853 : vector<64x256xi1>, vector<64x256xi32>
    %and3A_873 = arith.constant 4 : i32
    %and3A_874 = vector.broadcast %and3A_873 : i32 to vector<64x256xi32>
    %and3A_875 = arith.andi %iota3A, %and3A_874 : vector<64x256xi32>
    %eq3A_876 = arith.constant 0 : i32
    %eq3A_877 = vector.broadcast %eq3A_876 : i32 to vector<64x256xi32>
    %eq3A_878 = arith.cmpi eq, %and3A_875, %eq3A_877 : vector<64x256xi32>
    %roll3A_879 = arith.constant 252 : i32
    %roll3A_880 = tpu.dynamic_rotate %select_n3A_871 by %roll3A_879 dim 1 : vector<64x256xi32>, i32 -> vector<64x256xi32>
    %roll3A_881 = arith.constant 4 : i32
    %roll3A_882 = tpu.dynamic_rotate %select_n3A_871 by %roll3A_881 dim 1 : vector<64x256xi32>, i32 -> vector<64x256xi32>
    %select_n3A_883 = arith.select %eq3A_878, %roll3A_880, %roll3A_882 : vector<64x256xi1>, vector<64x256xi32>
    %roll3A_884 = arith.constant 252 : i32
    %roll3A_885 = tpu.dynamic_rotate %select_n3A_872 by %roll3A_884 dim 1 : vector<64x256xi32>, i32 -> vector<64x256xi32>
    %roll3A_886 = arith.constant 4 : i32
    %roll3A_887 = tpu.dynamic_rotate %select_n3A_872 by %roll3A_886 dim 1 : vector<64x256xi32>, i32 -> vector<64x256xi32>
    %select_n3A_888 = arith.select %eq3A_878, %roll3A_885, %roll3A_887 : vector<64x256xi1>, vector<64x256xi32>
    %gt3A_889 = arith.cmpi sgt, %select_n3A_871, %select_n3A_883 : vector<64x256xi32>
    %eq3A_890 = arith.cmpi eq, %select_n3A_871, %select_n3A_883 : vector<64x256xi32>
    %lt3A_891 = arith.cmpi slt, %select_n3A_872, %select_n3A_888 : vector<64x256xi32>
    %and3A_892 = arith.andi %eq3A_890, %lt3A_891 : vector<64x256xi1>
    %or3A_893 = arith.ori %gt3A_889, %and3A_892 : vector<64x256xi1>
    %and3A_894 = arith.constant 128 : i32
    %and3A_895 = vector.broadcast %and3A_894 : i32 to vector<64x256xi32>
    %and3A_896 = arith.andi %iota3A, %and3A_895 : vector<64x256xi32>
    %eq3A_897 = arith.constant 0 : i32
    %eq3A_898 = vector.broadcast %eq3A_897 : i32 to vector<64x256xi32>
    %eq3A_899 = arith.cmpi eq, %and3A_896, %eq3A_898 : vector<64x256xi32>
    %eq3A_900 = arith.xori %eq3A_878, %eq3A_899 : vector<64x256xi1>
    %eq3A_901 = arith.constant dense<true> : vector<64x256xi1>
    %eq3A_902 = arith.xori %eq3A_900, %eq3A_901 : vector<64x256xi1>
    %eq3A_903 = arith.xori %or3A_893, %eq3A_902 : vector<64x256xi1>
    %eq3A_904 = arith.constant dense<true> : vector<64x256xi1>
    %eq3A_905 = arith.xori %eq3A_903, %eq3A_904 : vector<64x256xi1>
    %select_n3A_906 = arith.select %eq3A_905, %select_n3A_871, %select_n3A_883 : vector<64x256xi1>, vector<64x256xi32>
    %select_n3A_907 = arith.select %eq3A_905, %select_n3A_872, %select_n3A_888 : vector<64x256xi1>, vector<64x256xi32>
    %and3A_908 = arith.constant 2 : i32
    %and3A_909 = vector.broadcast %and3A_908 : i32 to vector<64x256xi32>
    %and3A_910 = arith.andi %iota3A, %and3A_909 : vector<64x256xi32>
    %eq3A_911 = arith.constant 0 : i32
    %eq3A_912 = vector.broadcast %eq3A_911 : i32 to vector<64x256xi32>
    %eq3A_913 = arith.cmpi eq, %and3A_910, %eq3A_912 : vector<64x256xi32>
    %roll3A_914 = arith.constant 254 : i32
    %roll3A_915 = tpu.dynamic_rotate %select_n3A_906 by %roll3A_914 dim 1 : vector<64x256xi32>, i32 -> vector<64x256xi32>
    %roll3A_916 = arith.constant 2 : i32
    %roll3A_917 = tpu.dynamic_rotate %select_n3A_906 by %roll3A_916 dim 1 : vector<64x256xi32>, i32 -> vector<64x256xi32>
    %select_n3A_918 = arith.select %eq3A_913, %roll3A_915, %roll3A_917 : vector<64x256xi1>, vector<64x256xi32>
    %roll3A_919 = arith.constant 254 : i32
    %roll3A_920 = tpu.dynamic_rotate %select_n3A_907 by %roll3A_919 dim 1 : vector<64x256xi32>, i32 -> vector<64x256xi32>
    %roll3A_921 = arith.constant 2 : i32
    %roll3A_922 = tpu.dynamic_rotate %select_n3A_907 by %roll3A_921 dim 1 : vector<64x256xi32>, i32 -> vector<64x256xi32>
    %select_n3A_923 = arith.select %eq3A_913, %roll3A_920, %roll3A_922 : vector<64x256xi1>, vector<64x256xi32>
    %gt3A_924 = arith.cmpi sgt, %select_n3A_906, %select_n3A_918 : vector<64x256xi32>
    %eq3A_925 = arith.cmpi eq, %select_n3A_906, %select_n3A_918 : vector<64x256xi32>
    %lt3A_926 = arith.cmpi slt, %select_n3A_907, %select_n3A_923 : vector<64x256xi32>
    %and3A_927 = arith.andi %eq3A_925, %lt3A_926 : vector<64x256xi1>
    %or3A_928 = arith.ori %gt3A_924, %and3A_927 : vector<64x256xi1>
    %and3A_929 = arith.constant 128 : i32
    %and3A_930 = vector.broadcast %and3A_929 : i32 to vector<64x256xi32>
    %and3A_931 = arith.andi %iota3A, %and3A_930 : vector<64x256xi32>
    %eq3A_932 = arith.constant 0 : i32
    %eq3A_933 = vector.broadcast %eq3A_932 : i32 to vector<64x256xi32>
    %eq3A_934 = arith.cmpi eq, %and3A_931, %eq3A_933 : vector<64x256xi32>
    %eq3A_935 = arith.xori %eq3A_913, %eq3A_934 : vector<64x256xi1>
    %eq3A_936 = arith.constant dense<true> : vector<64x256xi1>
    %eq3A_937 = arith.xori %eq3A_935, %eq3A_936 : vector<64x256xi1>
    %eq3A_938 = arith.xori %or3A_928, %eq3A_937 : vector<64x256xi1>
    %eq3A_939 = arith.constant dense<true> : vector<64x256xi1>
    %eq3A_940 = arith.xori %eq3A_938, %eq3A_939 : vector<64x256xi1>
    %select_n3A_941 = arith.select %eq3A_940, %select_n3A_906, %select_n3A_918 : vector<64x256xi1>, vector<64x256xi32>
    %select_n3A_942 = arith.select %eq3A_940, %select_n3A_907, %select_n3A_923 : vector<64x256xi1>, vector<64x256xi32>
    %and3A_943 = arith.constant 1 : i32
    %and3A_944 = vector.broadcast %and3A_943 : i32 to vector<64x256xi32>
    %and3A_945 = arith.andi %iota3A, %and3A_944 : vector<64x256xi32>
    %eq3A_946 = arith.constant 0 : i32
    %eq3A_947 = vector.broadcast %eq3A_946 : i32 to vector<64x256xi32>
    %eq3A_948 = arith.cmpi eq, %and3A_945, %eq3A_947 : vector<64x256xi32>
    %roll3A_949 = arith.constant 255 : i32
    %roll3A_950 = tpu.dynamic_rotate %select_n3A_941 by %roll3A_949 dim 1 : vector<64x256xi32>, i32 -> vector<64x256xi32>
    %roll3A_951 = arith.constant 1 : i32
    %roll3A_952 = tpu.dynamic_rotate %select_n3A_941 by %roll3A_951 dim 1 : vector<64x256xi32>, i32 -> vector<64x256xi32>
    %select_n3A_953 = arith.select %eq3A_948, %roll3A_950, %roll3A_952 : vector<64x256xi1>, vector<64x256xi32>
    %roll3A_954 = arith.constant 255 : i32
    %roll3A_955 = tpu.dynamic_rotate %select_n3A_942 by %roll3A_954 dim 1 : vector<64x256xi32>, i32 -> vector<64x256xi32>
    %roll3A_956 = arith.constant 1 : i32
    %roll3A_957 = tpu.dynamic_rotate %select_n3A_942 by %roll3A_956 dim 1 : vector<64x256xi32>, i32 -> vector<64x256xi32>
    %select_n3A_958 = arith.select %eq3A_948, %roll3A_955, %roll3A_957 : vector<64x256xi1>, vector<64x256xi32>
    %gt3A_959 = arith.cmpi sgt, %select_n3A_941, %select_n3A_953 : vector<64x256xi32>
    %eq3A_960 = arith.cmpi eq, %select_n3A_941, %select_n3A_953 : vector<64x256xi32>
    %lt3A_961 = arith.cmpi slt, %select_n3A_942, %select_n3A_958 : vector<64x256xi32>
    %and3A_962 = arith.andi %eq3A_960, %lt3A_961 : vector<64x256xi1>
    %or3A_963 = arith.ori %gt3A_959, %and3A_962 : vector<64x256xi1>
    %and3A_964 = arith.constant 128 : i32
    %and3A_965 = vector.broadcast %and3A_964 : i32 to vector<64x256xi32>
    %and3A_966 = arith.andi %iota3A, %and3A_965 : vector<64x256xi32>
    %eq3A_967 = arith.constant 0 : i32
    %eq3A_968 = vector.broadcast %eq3A_967 : i32 to vector<64x256xi32>
    %eq3A_969 = arith.cmpi eq, %and3A_966, %eq3A_968 : vector<64x256xi32>
    %eq3A_970 = arith.xori %eq3A_948, %eq3A_969 : vector<64x256xi1>
    %eq3A_971 = arith.constant dense<true> : vector<64x256xi1>
    %eq3A_972 = arith.xori %eq3A_970, %eq3A_971 : vector<64x256xi1>
    %eq3A_973 = arith.xori %or3A_963, %eq3A_972 : vector<64x256xi1>
    %eq3A_974 = arith.constant dense<true> : vector<64x256xi1>
    %eq3A_975 = arith.xori %eq3A_973, %eq3A_974 : vector<64x256xi1>
    %select_n3A_976 = arith.select %eq3A_975, %select_n3A_941, %select_n3A_953 : vector<64x256xi1>, vector<64x256xi32>
    %select_n3A_977 = arith.select %eq3A_975, %select_n3A_942, %select_n3A_958 : vector<64x256xi1>, vector<64x256xi32>
    %and3A_978 = arith.constant 128 : i32
    %and3A_979 = vector.broadcast %and3A_978 : i32 to vector<64x256xi32>
    %and3A_980 = arith.andi %iota3A, %and3A_979 : vector<64x256xi32>
    %eq3A_981 = arith.constant 0 : i32
    %eq3A_982 = vector.broadcast %eq3A_981 : i32 to vector<64x256xi32>
    %eq3A_983 = arith.cmpi eq, %and3A_980, %eq3A_982 : vector<64x256xi32>
    %roll3A_984 = arith.constant 128 : i32
    %roll3A_985 = tpu.dynamic_rotate %select_n3A_976 by %roll3A_984 dim 1 : vector<64x256xi32>, i32 -> vector<64x256xi32>
    %roll3A_986 = arith.constant 128 : i32
    %roll3A_987 = tpu.dynamic_rotate %select_n3A_976 by %roll3A_986 dim 1 : vector<64x256xi32>, i32 -> vector<64x256xi32>
    %select_n3A_988 = arith.select %eq3A_983, %roll3A_985, %roll3A_987 : vector<64x256xi1>, vector<64x256xi32>
    %roll3A_989 = arith.constant 128 : i32
    %roll3A_990 = tpu.dynamic_rotate %select_n3A_977 by %roll3A_989 dim 1 : vector<64x256xi32>, i32 -> vector<64x256xi32>
    %roll3A_991 = arith.constant 128 : i32
    %roll3A_992 = tpu.dynamic_rotate %select_n3A_977 by %roll3A_991 dim 1 : vector<64x256xi32>, i32 -> vector<64x256xi32>
    %select_n3A_993 = arith.select %eq3A_983, %roll3A_990, %roll3A_992 : vector<64x256xi1>, vector<64x256xi32>
    %gt3A_994 = arith.cmpi sgt, %select_n3A_976, %select_n3A_988 : vector<64x256xi32>
    %eq3A_995 = arith.cmpi eq, %select_n3A_976, %select_n3A_988 : vector<64x256xi32>
    %lt3A_996 = arith.cmpi slt, %select_n3A_977, %select_n3A_993 : vector<64x256xi32>
    %and3A_997 = arith.andi %eq3A_995, %lt3A_996 : vector<64x256xi1>
    %or3A_998 = arith.ori %gt3A_994, %and3A_997 : vector<64x256xi1>
    %and3A_999 = arith.constant 256 : i32
    %and3A_1000 = vector.broadcast %and3A_999 : i32 to vector<64x256xi32>
    %and3A_1001 = arith.andi %iota3A, %and3A_1000 : vector<64x256xi32>
    %eq3A_1002 = arith.constant 0 : i32
    %eq3A_1003 = vector.broadcast %eq3A_1002 : i32 to vector<64x256xi32>
    %eq3A_1004 = arith.cmpi eq, %and3A_1001, %eq3A_1003 : vector<64x256xi32>
    %eq3A_1005 = arith.xori %eq3A_983, %eq3A_1004 : vector<64x256xi1>
    %eq3A_1006 = arith.constant dense<true> : vector<64x256xi1>
    %eq3A_1007 = arith.xori %eq3A_1005, %eq3A_1006 : vector<64x256xi1>
    %eq3A_1008 = arith.xori %or3A_998, %eq3A_1007 : vector<64x256xi1>
    %eq3A_1009 = arith.constant dense<true> : vector<64x256xi1>
    %eq3A_1010 = arith.xori %eq3A_1008, %eq3A_1009 : vector<64x256xi1>
    %select_n3A_1011 = arith.select %eq3A_1010, %select_n3A_976, %select_n3A_988 : vector<64x256xi1>, vector<64x256xi32>
    %select_n3A_1012 = arith.select %eq3A_1010, %select_n3A_977, %select_n3A_993 : vector<64x256xi1>, vector<64x256xi32>
    %and3A_1013 = arith.constant 64 : i32
    %and3A_1014 = vector.broadcast %and3A_1013 : i32 to vector<64x256xi32>
    %and3A_1015 = arith.andi %iota3A, %and3A_1014 : vector<64x256xi32>
    %eq3A_1016 = arith.constant 0 : i32
    %eq3A_1017 = vector.broadcast %eq3A_1016 : i32 to vector<64x256xi32>
    %eq3A_1018 = arith.cmpi eq, %and3A_1015, %eq3A_1017 : vector<64x256xi32>
    %roll3A_1019 = arith.constant 192 : i32
    %roll3A_1020 = tpu.dynamic_rotate %select_n3A_1011 by %roll3A_1019 dim 1 : vector<64x256xi32>, i32 -> vector<64x256xi32>
    %roll3A_1021 = arith.constant 64 : i32
    %roll3A_1022 = tpu.dynamic_rotate %select_n3A_1011 by %roll3A_1021 dim 1 : vector<64x256xi32>, i32 -> vector<64x256xi32>
    %select_n3A_1023 = arith.select %eq3A_1018, %roll3A_1020, %roll3A_1022 : vector<64x256xi1>, vector<64x256xi32>
    %roll3A_1024 = arith.constant 192 : i32
    %roll3A_1025 = tpu.dynamic_rotate %select_n3A_1012 by %roll3A_1024 dim 1 : vector<64x256xi32>, i32 -> vector<64x256xi32>
    %roll3A_1026 = arith.constant 64 : i32
    %roll3A_1027 = tpu.dynamic_rotate %select_n3A_1012 by %roll3A_1026 dim 1 : vector<64x256xi32>, i32 -> vector<64x256xi32>
    %select_n3A_1028 = arith.select %eq3A_1018, %roll3A_1025, %roll3A_1027 : vector<64x256xi1>, vector<64x256xi32>
    %gt3A_1029 = arith.cmpi sgt, %select_n3A_1011, %select_n3A_1023 : vector<64x256xi32>
    %eq3A_1030 = arith.cmpi eq, %select_n3A_1011, %select_n3A_1023 : vector<64x256xi32>
    %lt3A_1031 = arith.cmpi slt, %select_n3A_1012, %select_n3A_1028 : vector<64x256xi32>
    %and3A_1032 = arith.andi %eq3A_1030, %lt3A_1031 : vector<64x256xi1>
    %or3A_1033 = arith.ori %gt3A_1029, %and3A_1032 : vector<64x256xi1>
    %and3A_1034 = arith.constant 256 : i32
    %and3A_1035 = vector.broadcast %and3A_1034 : i32 to vector<64x256xi32>
    %and3A_1036 = arith.andi %iota3A, %and3A_1035 : vector<64x256xi32>
    %eq3A_1037 = arith.constant 0 : i32
    %eq3A_1038 = vector.broadcast %eq3A_1037 : i32 to vector<64x256xi32>
    %eq3A_1039 = arith.cmpi eq, %and3A_1036, %eq3A_1038 : vector<64x256xi32>
    %eq3A_1040 = arith.xori %eq3A_1018, %eq3A_1039 : vector<64x256xi1>
    %eq3A_1041 = arith.constant dense<true> : vector<64x256xi1>
    %eq3A_1042 = arith.xori %eq3A_1040, %eq3A_1041 : vector<64x256xi1>
    %eq3A_1043 = arith.xori %or3A_1033, %eq3A_1042 : vector<64x256xi1>
    %eq3A_1044 = arith.constant dense<true> : vector<64x256xi1>
    %eq3A_1045 = arith.xori %eq3A_1043, %eq3A_1044 : vector<64x256xi1>
    %select_n3A_1046 = arith.select %eq3A_1045, %select_n3A_1011, %select_n3A_1023 : vector<64x256xi1>, vector<64x256xi32>
    %select_n3A_1047 = arith.select %eq3A_1045, %select_n3A_1012, %select_n3A_1028 : vector<64x256xi1>, vector<64x256xi32>
    %and3A_1048 = arith.constant 32 : i32
    %and3A_1049 = vector.broadcast %and3A_1048 : i32 to vector<64x256xi32>
    %and3A_1050 = arith.andi %iota3A, %and3A_1049 : vector<64x256xi32>
    %eq3A_1051 = arith.constant 0 : i32
    %eq3A_1052 = vector.broadcast %eq3A_1051 : i32 to vector<64x256xi32>
    %eq3A_1053 = arith.cmpi eq, %and3A_1050, %eq3A_1052 : vector<64x256xi32>
    %roll3A_1054 = arith.constant 224 : i32
    %roll3A_1055 = tpu.dynamic_rotate %select_n3A_1046 by %roll3A_1054 dim 1 : vector<64x256xi32>, i32 -> vector<64x256xi32>
    %roll3A_1056 = arith.constant 32 : i32
    %roll3A_1057 = tpu.dynamic_rotate %select_n3A_1046 by %roll3A_1056 dim 1 : vector<64x256xi32>, i32 -> vector<64x256xi32>
    %select_n3A_1058 = arith.select %eq3A_1053, %roll3A_1055, %roll3A_1057 : vector<64x256xi1>, vector<64x256xi32>
    %roll3A_1059 = arith.constant 224 : i32
    %roll3A_1060 = tpu.dynamic_rotate %select_n3A_1047 by %roll3A_1059 dim 1 : vector<64x256xi32>, i32 -> vector<64x256xi32>
    %roll3A_1061 = arith.constant 32 : i32
    %roll3A_1062 = tpu.dynamic_rotate %select_n3A_1047 by %roll3A_1061 dim 1 : vector<64x256xi32>, i32 -> vector<64x256xi32>
    %select_n3A_1063 = arith.select %eq3A_1053, %roll3A_1060, %roll3A_1062 : vector<64x256xi1>, vector<64x256xi32>
    %gt3A_1064 = arith.cmpi sgt, %select_n3A_1046, %select_n3A_1058 : vector<64x256xi32>
    %eq3A_1065 = arith.cmpi eq, %select_n3A_1046, %select_n3A_1058 : vector<64x256xi32>
    %lt3A_1066 = arith.cmpi slt, %select_n3A_1047, %select_n3A_1063 : vector<64x256xi32>
    %and3A_1067 = arith.andi %eq3A_1065, %lt3A_1066 : vector<64x256xi1>
    %or3A_1068 = arith.ori %gt3A_1064, %and3A_1067 : vector<64x256xi1>
    %and3A_1069 = arith.constant 256 : i32
    %and3A_1070 = vector.broadcast %and3A_1069 : i32 to vector<64x256xi32>
    %and3A_1071 = arith.andi %iota3A, %and3A_1070 : vector<64x256xi32>
    %eq3A_1072 = arith.constant 0 : i32
    %eq3A_1073 = vector.broadcast %eq3A_1072 : i32 to vector<64x256xi32>
    %eq3A_1074 = arith.cmpi eq, %and3A_1071, %eq3A_1073 : vector<64x256xi32>
    %eq3A_1075 = arith.xori %eq3A_1053, %eq3A_1074 : vector<64x256xi1>
    %eq3A_1076 = arith.constant dense<true> : vector<64x256xi1>
    %eq3A_1077 = arith.xori %eq3A_1075, %eq3A_1076 : vector<64x256xi1>
    %eq3A_1078 = arith.xori %or3A_1068, %eq3A_1077 : vector<64x256xi1>
    %eq3A_1079 = arith.constant dense<true> : vector<64x256xi1>
    %eq3A_1080 = arith.xori %eq3A_1078, %eq3A_1079 : vector<64x256xi1>
    %select_n3A_1081 = arith.select %eq3A_1080, %select_n3A_1046, %select_n3A_1058 : vector<64x256xi1>, vector<64x256xi32>
    %select_n3A_1082 = arith.select %eq3A_1080, %select_n3A_1047, %select_n3A_1063 : vector<64x256xi1>, vector<64x256xi32>
    %and3A_1083 = arith.constant 16 : i32
    %and3A_1084 = vector.broadcast %and3A_1083 : i32 to vector<64x256xi32>
    %and3A_1085 = arith.andi %iota3A, %and3A_1084 : vector<64x256xi32>
    %eq3A_1086 = arith.constant 0 : i32
    %eq3A_1087 = vector.broadcast %eq3A_1086 : i32 to vector<64x256xi32>
    %eq3A_1088 = arith.cmpi eq, %and3A_1085, %eq3A_1087 : vector<64x256xi32>
    %roll3A_1089 = arith.constant 240 : i32
    %roll3A_1090 = tpu.dynamic_rotate %select_n3A_1081 by %roll3A_1089 dim 1 : vector<64x256xi32>, i32 -> vector<64x256xi32>
    %roll3A_1091 = arith.constant 16 : i32
    %roll3A_1092 = tpu.dynamic_rotate %select_n3A_1081 by %roll3A_1091 dim 1 : vector<64x256xi32>, i32 -> vector<64x256xi32>
    %select_n3A_1093 = arith.select %eq3A_1088, %roll3A_1090, %roll3A_1092 : vector<64x256xi1>, vector<64x256xi32>
    %roll3A_1094 = arith.constant 240 : i32
    %roll3A_1095 = tpu.dynamic_rotate %select_n3A_1082 by %roll3A_1094 dim 1 : vector<64x256xi32>, i32 -> vector<64x256xi32>
    %roll3A_1096 = arith.constant 16 : i32
    %roll3A_1097 = tpu.dynamic_rotate %select_n3A_1082 by %roll3A_1096 dim 1 : vector<64x256xi32>, i32 -> vector<64x256xi32>
    %select_n3A_1098 = arith.select %eq3A_1088, %roll3A_1095, %roll3A_1097 : vector<64x256xi1>, vector<64x256xi32>
    %gt3A_1099 = arith.cmpi sgt, %select_n3A_1081, %select_n3A_1093 : vector<64x256xi32>
    %eq3A_1100 = arith.cmpi eq, %select_n3A_1081, %select_n3A_1093 : vector<64x256xi32>
    %lt3A_1101 = arith.cmpi slt, %select_n3A_1082, %select_n3A_1098 : vector<64x256xi32>
    %and3A_1102 = arith.andi %eq3A_1100, %lt3A_1101 : vector<64x256xi1>
    %or3A_1103 = arith.ori %gt3A_1099, %and3A_1102 : vector<64x256xi1>
    %and3A_1104 = arith.constant 256 : i32
    %and3A_1105 = vector.broadcast %and3A_1104 : i32 to vector<64x256xi32>
    %and3A_1106 = arith.andi %iota3A, %and3A_1105 : vector<64x256xi32>
    %eq3A_1107 = arith.constant 0 : i32
    %eq3A_1108 = vector.broadcast %eq3A_1107 : i32 to vector<64x256xi32>
    %eq3A_1109 = arith.cmpi eq, %and3A_1106, %eq3A_1108 : vector<64x256xi32>
    %eq3A_1110 = arith.xori %eq3A_1088, %eq3A_1109 : vector<64x256xi1>
    %eq3A_1111 = arith.constant dense<true> : vector<64x256xi1>
    %eq3A_1112 = arith.xori %eq3A_1110, %eq3A_1111 : vector<64x256xi1>
    %eq3A_1113 = arith.xori %or3A_1103, %eq3A_1112 : vector<64x256xi1>
    %eq3A_1114 = arith.constant dense<true> : vector<64x256xi1>
    %eq3A_1115 = arith.xori %eq3A_1113, %eq3A_1114 : vector<64x256xi1>
    %select_n3A_1116 = arith.select %eq3A_1115, %select_n3A_1081, %select_n3A_1093 : vector<64x256xi1>, vector<64x256xi32>
    %select_n3A_1117 = arith.select %eq3A_1115, %select_n3A_1082, %select_n3A_1098 : vector<64x256xi1>, vector<64x256xi32>
    %and3A_1118 = arith.constant 8 : i32
    %and3A_1119 = vector.broadcast %and3A_1118 : i32 to vector<64x256xi32>
    %and3A_1120 = arith.andi %iota3A, %and3A_1119 : vector<64x256xi32>
    %eq3A_1121 = arith.constant 0 : i32
    %eq3A_1122 = vector.broadcast %eq3A_1121 : i32 to vector<64x256xi32>
    %eq3A_1123 = arith.cmpi eq, %and3A_1120, %eq3A_1122 : vector<64x256xi32>
    %roll3A_1124 = arith.constant 248 : i32
    %roll3A_1125 = tpu.dynamic_rotate %select_n3A_1116 by %roll3A_1124 dim 1 : vector<64x256xi32>, i32 -> vector<64x256xi32>
    %roll3A_1126 = arith.constant 8 : i32
    %roll3A_1127 = tpu.dynamic_rotate %select_n3A_1116 by %roll3A_1126 dim 1 : vector<64x256xi32>, i32 -> vector<64x256xi32>
    %select_n3A_1128 = arith.select %eq3A_1123, %roll3A_1125, %roll3A_1127 : vector<64x256xi1>, vector<64x256xi32>
    %roll3A_1129 = arith.constant 248 : i32
    %roll3A_1130 = tpu.dynamic_rotate %select_n3A_1117 by %roll3A_1129 dim 1 : vector<64x256xi32>, i32 -> vector<64x256xi32>
    %roll3A_1131 = arith.constant 8 : i32
    %roll3A_1132 = tpu.dynamic_rotate %select_n3A_1117 by %roll3A_1131 dim 1 : vector<64x256xi32>, i32 -> vector<64x256xi32>
    %select_n3A_1133 = arith.select %eq3A_1123, %roll3A_1130, %roll3A_1132 : vector<64x256xi1>, vector<64x256xi32>
    %gt3A_1134 = arith.cmpi sgt, %select_n3A_1116, %select_n3A_1128 : vector<64x256xi32>
    %eq3A_1135 = arith.cmpi eq, %select_n3A_1116, %select_n3A_1128 : vector<64x256xi32>
    %lt3A_1136 = arith.cmpi slt, %select_n3A_1117, %select_n3A_1133 : vector<64x256xi32>
    %and3A_1137 = arith.andi %eq3A_1135, %lt3A_1136 : vector<64x256xi1>
    %or3A_1138 = arith.ori %gt3A_1134, %and3A_1137 : vector<64x256xi1>
    %and3A_1139 = arith.constant 256 : i32
    %and3A_1140 = vector.broadcast %and3A_1139 : i32 to vector<64x256xi32>
    %and3A_1141 = arith.andi %iota3A, %and3A_1140 : vector<64x256xi32>
    %eq3A_1142 = arith.constant 0 : i32
    %eq3A_1143 = vector.broadcast %eq3A_1142 : i32 to vector<64x256xi32>
    %eq3A_1144 = arith.cmpi eq, %and3A_1141, %eq3A_1143 : vector<64x256xi32>
    %eq3A_1145 = arith.xori %eq3A_1123, %eq3A_1144 : vector<64x256xi1>
    %eq3A_1146 = arith.constant dense<true> : vector<64x256xi1>
    %eq3A_1147 = arith.xori %eq3A_1145, %eq3A_1146 : vector<64x256xi1>
    %eq3A_1148 = arith.xori %or3A_1138, %eq3A_1147 : vector<64x256xi1>
    %eq3A_1149 = arith.constant dense<true> : vector<64x256xi1>
    %eq3A_1150 = arith.xori %eq3A_1148, %eq3A_1149 : vector<64x256xi1>
    %select_n3A_1151 = arith.select %eq3A_1150, %select_n3A_1116, %select_n3A_1128 : vector<64x256xi1>, vector<64x256xi32>
    %select_n3A_1152 = arith.select %eq3A_1150, %select_n3A_1117, %select_n3A_1133 : vector<64x256xi1>, vector<64x256xi32>
    %and3A_1153 = arith.constant 4 : i32
    %and3A_1154 = vector.broadcast %and3A_1153 : i32 to vector<64x256xi32>
    %and3A_1155 = arith.andi %iota3A, %and3A_1154 : vector<64x256xi32>
    %eq3A_1156 = arith.constant 0 : i32
    %eq3A_1157 = vector.broadcast %eq3A_1156 : i32 to vector<64x256xi32>
    %eq3A_1158 = arith.cmpi eq, %and3A_1155, %eq3A_1157 : vector<64x256xi32>
    %roll3A_1159 = arith.constant 252 : i32
    %roll3A_1160 = tpu.dynamic_rotate %select_n3A_1151 by %roll3A_1159 dim 1 : vector<64x256xi32>, i32 -> vector<64x256xi32>
    %roll3A_1161 = arith.constant 4 : i32
    %roll3A_1162 = tpu.dynamic_rotate %select_n3A_1151 by %roll3A_1161 dim 1 : vector<64x256xi32>, i32 -> vector<64x256xi32>
    %select_n3A_1163 = arith.select %eq3A_1158, %roll3A_1160, %roll3A_1162 : vector<64x256xi1>, vector<64x256xi32>
    %roll3A_1164 = arith.constant 252 : i32
    %roll3A_1165 = tpu.dynamic_rotate %select_n3A_1152 by %roll3A_1164 dim 1 : vector<64x256xi32>, i32 -> vector<64x256xi32>
    %roll3A_1166 = arith.constant 4 : i32
    %roll3A_1167 = tpu.dynamic_rotate %select_n3A_1152 by %roll3A_1166 dim 1 : vector<64x256xi32>, i32 -> vector<64x256xi32>
    %select_n3A_1168 = arith.select %eq3A_1158, %roll3A_1165, %roll3A_1167 : vector<64x256xi1>, vector<64x256xi32>
    %gt3A_1169 = arith.cmpi sgt, %select_n3A_1151, %select_n3A_1163 : vector<64x256xi32>
    %eq3A_1170 = arith.cmpi eq, %select_n3A_1151, %select_n3A_1163 : vector<64x256xi32>
    %lt3A_1171 = arith.cmpi slt, %select_n3A_1152, %select_n3A_1168 : vector<64x256xi32>
    %and3A_1172 = arith.andi %eq3A_1170, %lt3A_1171 : vector<64x256xi1>
    %or3A_1173 = arith.ori %gt3A_1169, %and3A_1172 : vector<64x256xi1>
    %and3A_1174 = arith.constant 256 : i32
    %and3A_1175 = vector.broadcast %and3A_1174 : i32 to vector<64x256xi32>
    %and3A_1176 = arith.andi %iota3A, %and3A_1175 : vector<64x256xi32>
    %eq3A_1177 = arith.constant 0 : i32
    %eq3A_1178 = vector.broadcast %eq3A_1177 : i32 to vector<64x256xi32>
    %eq3A_1179 = arith.cmpi eq, %and3A_1176, %eq3A_1178 : vector<64x256xi32>
    %eq3A_1180 = arith.xori %eq3A_1158, %eq3A_1179 : vector<64x256xi1>
    %eq3A_1181 = arith.constant dense<true> : vector<64x256xi1>
    %eq3A_1182 = arith.xori %eq3A_1180, %eq3A_1181 : vector<64x256xi1>
    %eq3A_1183 = arith.xori %or3A_1173, %eq3A_1182 : vector<64x256xi1>
    %eq3A_1184 = arith.constant dense<true> : vector<64x256xi1>
    %eq3A_1185 = arith.xori %eq3A_1183, %eq3A_1184 : vector<64x256xi1>
    %select_n3A_1186 = arith.select %eq3A_1185, %select_n3A_1151, %select_n3A_1163 : vector<64x256xi1>, vector<64x256xi32>
    %select_n3A_1187 = arith.select %eq3A_1185, %select_n3A_1152, %select_n3A_1168 : vector<64x256xi1>, vector<64x256xi32>
    %and3A_1188 = arith.constant 2 : i32
    %and3A_1189 = vector.broadcast %and3A_1188 : i32 to vector<64x256xi32>
    %and3A_1190 = arith.andi %iota3A, %and3A_1189 : vector<64x256xi32>
    %eq3A_1191 = arith.constant 0 : i32
    %eq3A_1192 = vector.broadcast %eq3A_1191 : i32 to vector<64x256xi32>
    %eq3A_1193 = arith.cmpi eq, %and3A_1190, %eq3A_1192 : vector<64x256xi32>
    %roll3A_1194 = arith.constant 254 : i32
    %roll3A_1195 = tpu.dynamic_rotate %select_n3A_1186 by %roll3A_1194 dim 1 : vector<64x256xi32>, i32 -> vector<64x256xi32>
    %roll3A_1196 = arith.constant 2 : i32
    %roll3A_1197 = tpu.dynamic_rotate %select_n3A_1186 by %roll3A_1196 dim 1 : vector<64x256xi32>, i32 -> vector<64x256xi32>
    %select_n3A_1198 = arith.select %eq3A_1193, %roll3A_1195, %roll3A_1197 : vector<64x256xi1>, vector<64x256xi32>
    %roll3A_1199 = arith.constant 254 : i32
    %roll3A_1200 = tpu.dynamic_rotate %select_n3A_1187 by %roll3A_1199 dim 1 : vector<64x256xi32>, i32 -> vector<64x256xi32>
    %roll3A_1201 = arith.constant 2 : i32
    %roll3A_1202 = tpu.dynamic_rotate %select_n3A_1187 by %roll3A_1201 dim 1 : vector<64x256xi32>, i32 -> vector<64x256xi32>
    %select_n3A_1203 = arith.select %eq3A_1193, %roll3A_1200, %roll3A_1202 : vector<64x256xi1>, vector<64x256xi32>
    %gt3A_1204 = arith.cmpi sgt, %select_n3A_1186, %select_n3A_1198 : vector<64x256xi32>
    %eq3A_1205 = arith.cmpi eq, %select_n3A_1186, %select_n3A_1198 : vector<64x256xi32>
    %lt3A_1206 = arith.cmpi slt, %select_n3A_1187, %select_n3A_1203 : vector<64x256xi32>
    %and3A_1207 = arith.andi %eq3A_1205, %lt3A_1206 : vector<64x256xi1>
    %or3A_1208 = arith.ori %gt3A_1204, %and3A_1207 : vector<64x256xi1>
    %and3A_1209 = arith.constant 256 : i32
    %and3A_1210 = vector.broadcast %and3A_1209 : i32 to vector<64x256xi32>
    %and3A_1211 = arith.andi %iota3A, %and3A_1210 : vector<64x256xi32>
    %eq3A_1212 = arith.constant 0 : i32
    %eq3A_1213 = vector.broadcast %eq3A_1212 : i32 to vector<64x256xi32>
    %eq3A_1214 = arith.cmpi eq, %and3A_1211, %eq3A_1213 : vector<64x256xi32>
    %eq3A_1215 = arith.xori %eq3A_1193, %eq3A_1214 : vector<64x256xi1>
    %eq3A_1216 = arith.constant dense<true> : vector<64x256xi1>
    %eq3A_1217 = arith.xori %eq3A_1215, %eq3A_1216 : vector<64x256xi1>
    %eq3A_1218 = arith.xori %or3A_1208, %eq3A_1217 : vector<64x256xi1>
    %eq3A_1219 = arith.constant dense<true> : vector<64x256xi1>
    %eq3A_1220 = arith.xori %eq3A_1218, %eq3A_1219 : vector<64x256xi1>
    %select_n3A_1221 = arith.select %eq3A_1220, %select_n3A_1186, %select_n3A_1198 : vector<64x256xi1>, vector<64x256xi32>
    %select_n3A_1222 = arith.select %eq3A_1220, %select_n3A_1187, %select_n3A_1203 : vector<64x256xi1>, vector<64x256xi32>
    %and3A_1223 = arith.constant 1 : i32
    %and3A_1224 = vector.broadcast %and3A_1223 : i32 to vector<64x256xi32>
    %and3A_1225 = arith.andi %iota3A, %and3A_1224 : vector<64x256xi32>
    %eq3A_1226 = arith.constant 0 : i32
    %eq3A_1227 = vector.broadcast %eq3A_1226 : i32 to vector<64x256xi32>
    %eq3A_1228 = arith.cmpi eq, %and3A_1225, %eq3A_1227 : vector<64x256xi32>
    %roll3A_1229 = arith.constant 255 : i32
    %roll3A_1230 = tpu.dynamic_rotate %select_n3A_1221 by %roll3A_1229 dim 1 : vector<64x256xi32>, i32 -> vector<64x256xi32>
    %roll3A_1231 = arith.constant 1 : i32
    %roll3A_1232 = tpu.dynamic_rotate %select_n3A_1221 by %roll3A_1231 dim 1 : vector<64x256xi32>, i32 -> vector<64x256xi32>
    %select_n3A_1233 = arith.select %eq3A_1228, %roll3A_1230, %roll3A_1232 : vector<64x256xi1>, vector<64x256xi32>
    %roll3A_1234 = arith.constant 255 : i32
    %roll3A_1235 = tpu.dynamic_rotate %select_n3A_1222 by %roll3A_1234 dim 1 : vector<64x256xi32>, i32 -> vector<64x256xi32>
    %roll3A_1236 = arith.constant 1 : i32
    %roll3A_1237 = tpu.dynamic_rotate %select_n3A_1222 by %roll3A_1236 dim 1 : vector<64x256xi32>, i32 -> vector<64x256xi32>
    %select_n3A_1238 = arith.select %eq3A_1228, %roll3A_1235, %roll3A_1237 : vector<64x256xi1>, vector<64x256xi32>
    %gt3A_1239 = arith.cmpi sgt, %select_n3A_1221, %select_n3A_1233 : vector<64x256xi32>
    %eq3A_1240 = arith.cmpi eq, %select_n3A_1221, %select_n3A_1233 : vector<64x256xi32>
    %lt3A_1241 = arith.cmpi slt, %select_n3A_1222, %select_n3A_1238 : vector<64x256xi32>
    %and3A_1242 = arith.andi %eq3A_1240, %lt3A_1241 : vector<64x256xi1>
    %or3A_1243 = arith.ori %gt3A_1239, %and3A_1242 : vector<64x256xi1>
    %and3A_1244 = arith.constant 256 : i32
    %and3A_1245 = vector.broadcast %and3A_1244 : i32 to vector<64x256xi32>
    %and3A_1246 = arith.andi %iota3A, %and3A_1245 : vector<64x256xi32>
    %eq3A_1247 = arith.constant 0 : i32
    %eq3A_1248 = vector.broadcast %eq3A_1247 : i32 to vector<64x256xi32>
    %eq3A_1249 = arith.cmpi eq, %and3A_1246, %eq3A_1248 : vector<64x256xi32>
    %eq3A_1250 = arith.xori %eq3A_1228, %eq3A_1249 : vector<64x256xi1>
    %eq3A_1251 = arith.constant dense<true> : vector<64x256xi1>
    %eq3A_1252 = arith.xori %eq3A_1250, %eq3A_1251 : vector<64x256xi1>
    %eq3A_1253 = arith.xori %or3A_1243, %eq3A_1252 : vector<64x256xi1>
    %eq3A_1254 = arith.constant dense<true> : vector<64x256xi1>
    %eq3A_1255 = arith.xori %eq3A_1253, %eq3A_1254 : vector<64x256xi1>
    %select_n3A_1256 = arith.select %eq3A_1255, %select_n3A_1222, %select_n3A_1238 : vector<64x256xi1>, vector<64x256xi32>
    %swap3A = arith.constant 0 : index
    %swap3A_1257 = arith.constant 0 : index
    %swap3A_1258 = vector.load %arg1[%swap3A, %swap3A_1257] : memref<64x256xi32, #tpu.memory_space<vmem>>, vector<64x256xi32>
    tpu.vector_store %arg1[%swap3A, %swap3A_1257], %select_n3A_1256 {strides = array<i32>} : memref<64x256xi32, #tpu.memory_space<vmem>>, vector<64x256xi32>,
    return
  }
}

</mosaic_0001>

<sc_bundles>
// kernel: kernel.5.cloned.1.call-start
scs
__scs_entry_jumppad:
0x0: {  	(pc) =	sbr.rel $0x88, $3  }
0x1: {  	(tag) =	ssettag $0x0;
	lr =	simm.s32 $0x1  }
0x2: {  	[smem:$0x3FA0] =	sst lr;
	_ =	strace $0xD0000000  }
0x3: {  	_ = 	snop  }
0x4: {  	_ = 	snop  }
0x5: {  	_ = 	snop  }
0x6: {  	_ = 	snop  }
0x7: {  	_ = 	snop  }
__scs_overlays_trampoline_lowered:
0x8: {  	[smem:$0x3FAF] =	sst s0  }
0x9: {  	[smem:$0x3FB0] =	sst s1  }
0xa: {  	[smem:$0x3FB1] =	sst s2  }
0xb: {  	[smem:$0x3FB2] =	sst s3  }
0xc: {  	[smem:$0x3FB3] =	sst s4  }
0xd: {  	[smem:$0x3FB4] =	sst s5  }
0xe: {  	[smem:$0x3FB5] =	sst s6  }
0xf: {  	[smem:$0x3FB6] =	sst s7  }
0x10: {  	[smem:$0x3FB7] =	sst s8  }
0x11: {  	[smem:$0x3FB8] =	sst s9;
	s0 =	simm.s32 @!p0 $0x0  }
0x12: {  	s1 =	sld [smem:$0x3F9E];
	s0 =	simm.s32 @p0 $0x1  }
0x13: {  	[smem:$0x3FB9] =	sst s0;
	s0 =	simm.s32 @!p1 $0x0  }
0x14: {  	s2 =	sld [smem:$0x3F9D];
	s0 =	simm.s32 @p1 $0x1  }
0x15: {  	[smem:$0x3FBA] =	sst s0;
	s0 =	simm.s32 @!p2 $0x0  }
0x16: {  	s3 =	sld [smem:$0x3FDB];
	s0 =	simm.s32 @p2 $0x1  }
0x17: {  	s4 =	simm.s32 $0x1BF5;
	[smem:$0x3FBC] =	sst s0  }
0x18: {  	s0 =	sld [smem:$0x3F9F];
	_ =	swait.ge [sflag:s4], $0x0  }
0x19: {  	s7 =	sld [smem:$0x3FA0]  }
0x1a: {  	s8 =	sadd.s32 $0xFFFFE003, lr  }
0x1b: {  	s9 =	sadd.s32 $0xFFFFFEF7, lr;
	s5 =	simm.s32 $0xFFFFFFFF;
	p2 =	slt.u32 s8, $0xFFFFF086  }
0x1c: {  	p1 =	slt.u32 s9, $0xF7A;
	s5 =	simm.s32 @!p2 $0x0  }
0x1d: {  	s5 =	simm.s32 @p1 $0x1;
	p0 =	seq.s32 s7, s2  }
0x1e: {  	s7 =	smul.u32 @!p0 $0xF7A, s2;
	p2 =	seq.s32 @!p0 s5, $0x0  }
0x1f: {  	s9 =	smul.u32 $0xF7A, s1;
	s8 =	simm.s32 @!p0 $0x1BF5;
	p2 =	por !p2, p0  }
0x20: {  	[sflag:s8] =	ssyncset.s32 @!p0 $0xFFFFF086;
	s6 =	sadd.s32 @!p0 s3, s7;
	s7 =	simm.s32 @!p0 $0x108  }
0x21: {  	s3 =	sadd.s32 s3, s9;
	s6 =	sadd.s32 @!p0 $0x88, s6;
	s7 =	simm.s32 @p2 $0x1082  }
0x22: {  	[simem:s7], [sflag:s8] =	dma.local @!p0 [hbm:s6], $0xF7A  }
0x23: {  	s9 =	sor.u32 $0xD0000000, s2;
	s6 =	simm.s32 $0x108;
	_ =	swait.ge @!p0 [sflag:s8], $0x0  }
0x24: {  	s3 =	sadd.s32 $0x88, s3;
	s6 =	simm.s32 @!p1 $0x1082;
	[sflag:s4] =	ssyncset.s32 $0xFFFFF086  }
0x25: {  	[simem:s6], [sflag:s4] =	dma.local [hbm:s3], $0xF7A  }
0x26: {  	[smem:$0x3FA0] =	sst s1;
	(tag) =	ssettag s2;
	_ =	strace s9  }
0x27: {  	s1 =	sld [smem:$0x3FB0]  }
0x28: {  	s2 =	sld [smem:$0x3FB1]  }
0x29: {  	s4 =	sld [smem:$0x3FB3]  }
0x2a: {  	p0 =	seq.s32 s5, $0x0;
	s5 =	sld [smem:$0x3FB4]  }
0x2b: {  	s6 =	sld [smem:$0x3FB5]  }
0x2c: {  	s7 =	sld [smem:$0x3FB6]  }
0x2d: {  	s3 =	simm.s32 $0x108;
	s8 =	sld [smem:$0x3FB7]  }
0x2e: {  	s3 =	simm.s32 @!p0 $0x1082;
	s9 =	sld [smem:$0x3FB8]  }
0x2f: {  	lr =	sadd.s32 s0, s3;
	s0 =	sld [smem:$0x3FAF]  }
0x30: {  	s3 =	sld [smem:$0x3FB2]  }
0x31: {  	[smem:$0x3FBB] =	sst s10  }
0x32: {  	s10 =	sld [smem:$0x3FB9];
	_ =	sdelay $0x3  }
0x33: {  	p0 =	seq.s32 s10, $0x1;
	s10 =	sld [smem:$0x3FBB];
	_ =	sdelay $0x3  }
0x34: {  	[smem:$0x3FBB] =	sst s10  }
0x35: {  	s10 =	sld [smem:$0x3FBA];
	_ =	sdelay $0x3  }
0x36: {  	p1 =	seq.s32 s10, $0x1;
	s10 =	sld [smem:$0x3FBB];
	_ =	sdelay $0x3  }
0x37: {  	[smem:$0x3FBB] =	sst s10  }
0x38: {  	s10 =	sld [smem:$0x3FBC]  }
0x39: {  	_ = 	snop;
	(pc) =	sbr.ind lr, $3  }
0x3a: {  	_ = 	snop  }
0x3b: {  	_ = 	snop  }
0x3c: {  	p2 =	seq.s32 s10, $0x1;
	s10 =	sld [smem:$0x3FBB]  }
0x3d: {  	_ =	shalt  }
0x3e: {  	_ =	shalt  }
0x3f: {  	_ =	shalt  }
0x40: {  	_ =	shalt  }
0x41: {  	_ =	shalt  }
0x42: {  	_ =	shalt  }
0x43: {  	_ =	shalt  }
0x44: {  	_ =	shalt  }
0x45: {  	_ =	shalt  }
0x46: {  	_ =	shalt  }
0x47: {  	_ =	shalt  }
0x48: {  	_ =	shalt  }
0x49: {  	_ =	shalt  }
0x4a: {  	_ =	shalt  }
0x4b: {  	_ =	shalt  }
0x4c: {  	_ =	shalt  }
0x4d: {  	_ =	shalt  }
0x4e: {  	_ =	shalt  }
0x4f: {  	_ =	shalt  }
0x50: {  	_ =	shalt  }
0x51: {  	_ =	shalt  }
0x52: {  	_ =	shalt  }
0x53: {  	_ =	shalt  }
0x54: {  	_ =	shalt  }
0x55: {  	_ =	shalt  }
0x56: {  	_ =	shalt  }
0x57: {  	_ =	shalt  }
0x58: {  	_ =	shalt  }
0x59: {  	_ =	shalt  }
0x5a: {  	_ =	shalt  }
0x5b: {  	_ =	shalt  }
0x5c: {  	_ =	shalt  }
0x5d: {  	_ =	shalt  }
0x5e: {  	_ =	shalt  }
0x5f: {  	_ =	shalt  }
0x60: {  	_ =	shalt  }
0x61: {  	_ =	shalt  }
0x62: {  	_ =	shalt  }
0x63: {  	_ =	shalt  }
0x64: {  	_ =	shalt  }
0x65: {  	_ =	shalt  }
0x66: {  	_ =	shalt  }
0x67: {  	_ =	shalt  }
0x68: {  	_ =	shalt  }
0x69: {  	_ =	shalt  }
0x6a: {  	_ =	shalt  }
0x6b: {  	_ =	shalt  }
0x6c: {  	_ =	shalt  }
0x6d: {  	_ =	shalt  }
0x6e: {  	_ =	shalt  }
0x6f: {  	_ =	shalt  }
0x70: {  	_ =	shalt  }
0x71: {  	_ =	shalt  }
0x72: {  	_ =	shalt  }
0x73: {  	_ =	shalt  }
0x74: {  	_ =	shalt  }
0x75: {  	_ =	shalt  }
0x76: {  	_ =	shalt  }
0x77: {  	_ =	shalt  }
0x78: {  	_ =	shalt  }
0x79: {  	_ =	shalt  }
0x7a: {  	_ =	shalt  }
0x7b: {  	_ =	shalt  }
0x7c: {  	_ =	shalt  }
0x7d: {  	_ =	shalt  }
0x7e: {  	_ =	shalt  }
0x7f: {  	_ =	shalt  }
0x80: {  	_ =	shalt  }
0x81: {  	_ =	shalt  }
0x82: {  	_ =	shalt  }
0x83: {  	_ =	shalt  }
0x84: {  	_ =	shalt  }
0x85: {  	_ =	shalt  }
0x86: {  	_ =	shalt  }
0x87: {  	_ =	shalt  }
.Lfunc_end0:
.L_simem_size_0:
called_computation_lowered:
.L_overlay_start_0:
0x88: {  	s2 =	sld [smem:$0x3FD9]  }
0x89: {  	s3 =	sld [smem:$0x3FFE];
	_ =	sdelay $0x1  }
0x8a: {  	s1 =	srdreg.scid  }
0x8b: {  	s0 =	sand.u32 $0x1, s1  }
0x8c: {  	s16 =	sshll.u32 s0, $0xA;
	s2 =	sadd.s32 s3, s2  }
0x8d: {  	s2 =	sadd.s32 s2, s16  }
0x8e: {  	[smem:$0x3FC7] =	sst s2  }
0x8f: {  	_ = 	snop  }
0x90: {  	(tm) =	ssettm $0x1  }
0x91: {  	s17 =	sld [smem:$0x3FFB];
	_ =	sdelay $0x3  }
0x92: {  	_ =	strace s17  }
0x93: {  	s2 =	sld [smem:$0x3FFC];
	_ =	sdelay $0x3  }
0x94: {  	_ =	strace s2  }
0x95: {  	s2 =	sld [smem:$0x3FFD];
	_ =	sdelay $0x3  }
0x96: {  	_ =	strace s2  }
0x97: {  	_ =	strace $0x8FFFFFFF  }
0x98: {  	s18 =	sld [smem:$0x3FDB];
	_ =	sdelay $0x1  }
0x99: {  	s19 =	simm.s32 $_scs_section_size  }
0x9a: {  	s4 =	simm.s32 $_size__tile_overlayer_lowered;
	s5 =	simm.s32 $_tile_overlayer_lowered  }
0x9b: {  	s22 =	simm.s32 $0x1BFF;
	s21 =	sshll.u32 s5, $0x1;
	s2 =	sadd.s32 s19, s18  }
0x9c: {  	s6 =	simm.s32 $0x0;
	s20 =	sshll.u32 s4, $0x1;
	s4 =	sadd.s32 s21, s2  }
0x9d: {  	[timem:s6], [sflag:s22] =	dma.local [hbm:s4], s20  }
0x9e: {  	_ =	swait.ge [sflag:s22], s20  }
0x9f: {  	s3 =	ssub.s32 $0x0, s20;
	[sflag:s22] =	ssyncset.done $0x0  }
0xa0: {  	[sflag:s22] =	ssyncadd.s32 s3;
	_ =	sdelay $0x1  }
0xa1: {  	s23 =	simm.s32 $0x1B8B  }
0xa2: {  	_ =	swait.ge [sflag:s23], $0x1  }
0xa3: {  	[sflag:s23] =	ssyncset.done $0x0  }
0xa4: {  	s25 =	simm.s32 $0x1B8E;
	s24 =	sld [smem:$0x3FFE];
	[sflag:s23] =	ssyncadd.s32 $0xFFFFFFFF  }
0xa5: {  	s26 =	simm.s32 $execute0_lowered;
	[smem:$0x3FD2] =	sst s25  }
0xa6: {  	s4 =	sshll.u32 s26, $0x1;
	_ =	strace $0x80000046;
	[dreg:$0x1] =	wrdreg $0xFFFFFFFF  }
0xa7: {  	s28 =	simm.s32 $_size_execute0_lowered;
	s2 =	sadd.s32 s2, s4;
	[dreg:$0x0] =	wrdreg $0x0  }
0xa8: {  	s4 =	sshll.u32 s28, $0x1;
	[dreg:$0x2] =	wrdreg s2  }
0xa9: {  	[dreg:$0x3] =	wrdreg s4  }
0xaa: {  	[dreg:$0x4] =	wrdreg $0xC0  }
0xab: {  	_ =	task [dreg:s6], $0x5FFFF  }
0xac: {  	[dreg:$0x1] =	wrdreg $0xFFFFFFFF  }
0xad: {  	[dreg:$0x0] =	wrdreg $0x60  }
0xae: {  	[dreg:$0x2] =	wrdreg s24  }
0xaf: {  	[dreg:$0x3] =	wrdreg $0x9  }
0xb0: {  	_ =	task.clear_ibuf [dreg:s6], $0x4FFFF;
	_ =	strace $0x90000046  }
0xb1: {  	s29 =	simm.s32 $0x9;
	_ =	strace $0x80000048  }
0xb2: {  	_ =	swait.ge [sflag:s29], $0x1  }
0xb3: {  	[sflag:s29] =	ssyncadd.s32 $0xFFFFFFFF  }
0xb4: {  	_ =	strace $0x90000048  }
0xb5: {  	_ =	sfence  }
0xb6: {  	s30 =	sld [smem:$0x0];
	_ =	sdelay $0x2  }
0xb7: {  	s31 =	sshll.u32 s1, $0xD;
	s1 =	sshrl.u32 s1, $0x2  }
0xb8: {  	s3 =	sand.u32 $0x4000, s31;
	s1 =	sadd.s32 s1, s30  }
0xb9: {  	s0 =	sor.u32 s3, s0;
	s1 =	sshll.u32 s1, $0x11  }
0xba: {  	s0 =	sor.u32 s1, s0  }
0xbb: {  	s0 =	sadd.s32 $0x8F2B, s0  }
0xbc: {  	[sflag:s0] =	ssyncadd.remote.s32 $0x1  }
0xbd: {  	_ =	sfence.sel $0xFFFF  }
0xbe: {  	[dreg:$0x0] =	wrdreg $0xFFFFFFFF;
	(pc) =	sbr.abs _section_cstart, $3  }
0xbf: {  	[dreg:$0x1] =	wrdreg $0xFFFFFFFF  }
0xc0: {  	_ =	task.clear_ibuf [dreg:s6], $0x2FFFF;
	_ =	strace $0x9FFFFFFF  }
0xc1: {  	(tm) =	ssettm $0x7FFFFFFF  }
tec
execute0_lowered:
.L_overlay_start_1:
0x0: {  	(tag) =	ssettag $0x1  }
0x1: {  	s4 =	rddreg [dreg:$0x0]  }
0x2: {  	s1 =	simm.s32 $0x0;
	s6 =	srdreg.scid;
	s2 =	stileid.u32  }
0x3: {  	s15 =	simm.s32 $0x980;
	s16 =	simm.s32 $0x2;
	s17 =	simm.s32 $0xD00  }
0x4: {  	s18 =	simm.s32 $0xB00;
	s19 =	simm.s32 $0xD80;
	s20 =	simm.s32 $0xB80  }
0x5: {  	s21 =	simm.s32 $0x3;
	s22 =	simm.s32 $0x800;
	s25 =	simm.s32 $0x0  }
0x6: {  	[smem:$0x7FF] =	sst s1;
	s5 =	sadd.s32 $0xE00, s4;
	s3 =	sadd.s32 $0x2E00, s4  }
0x7: {  	s6 =	sand.u32 $0x1, s6;
	s7 =	sshll.u32 s2, $0x1;
	s8 =	sadd.s32 $0x12E00, s4  }
0x8: {  	s29 =	sshrl.u32 s2, $0x1;
	_ =	strace $0x80000047;
	s28 =	ssub.s32 $0x2, s6  }
0x9: {  	s6 =	sor.u32 s6, s7;
	s11 =	sshll.u32 s29, $0xD;
	s7 =	sshll.u32 s29, $0xC  }
0xa: {  	s9 =	sshll.u32 s6, $0x8;
	s10 =	sshllo.u32 s6, $0x1;
	s13 =	sshrl.u32 s28, $0x1  }
0xb: {  	s23 =	sshll.u32 s6, $0xE;
	s9 =	sand.u32 $0x300, s9;
	s12 =	sshll.u32 s10, $0x7  }
0xc: {  	s13 =	ssub.s32 s28, s13;
	s24 =	sshll.u32 s10, $0xD;
	s10 =	simm.s32 $0x400  }
0xd: {  	v0 =	vmov s23;
	s23 =	simm.s32 $0x4;
	s14 =	sor.u32 s11, s9;
	s12 =	sand.u32 $0x380, s12  }
0xe: {  	s9 =	sor.u32 s7, s9;
	v63 =	vmov s24;
	s24 =	simm.s32 $0xA00;
	s30 =	sshrl.u32 s14, $0x3  }
0xf: {  	s11 =	sor.u32 s11, s12;
	s7 =	sor.u32 s7, s12;
	s31 =	sshrl.u32 s9, $0x3  }
0x10: {  	s9 =	simm.s32 $0x80;
	s12 =	simm.s32 $0xC00;
	s14 =	simm.s32 $0xC80  }
0x11: {  	s4 =	sadd.s32 s5, s30;
	s11 =	sshrl.u32 s11, $0x3;
	s7 =	sshrl.u32 s7, $0x3  }
0x12: {  	[tilespmem:$0x1FFE0] =	vst v0;
	s6 =	sadd.s32 s8, s31;
	s5 =	sadd.s32 s5, s11;
	s7 =	sadd.s32 s8, s7  }
0x13: {  	[tilespmem:$0x1FFF0] =	vst v63;
	s8 =	smax.u32 s13, $0x1;
	s11 =	simm.s32 $0x1;
	s13 =	simm.s32 $0x900  }
.LBB2_1:
0x14: {  	[tilespmem:s1], [sflag:$0x1] =	stream.strided.gather [hbm4b:s4+s9], $0x400, s10, s9, $0x38;
	[tilespmem:$0xE00] =	vst v63  }
0x15: {  	_ = 	snop  }
0x16: {  	[tilespmem:s10], [sflag:$0x2] =	stream.strided.gather [hbm4b:s5+s9], $0x400, s10, s9, $0x38;
	[tilespmem:$0xE00] =	vst v63  }
0x17: {  	_ =	swait.ge [sflag:s11], $0x400  }
0x18: {  	s26 =	simm.s32 $0xFFFFFFFC;
	[sflag:s11] =	ssyncset.done $0x0  }
0x19: {  	s28 =	simm.s32 $0x3F;
	s29 =	simm.s32 $0x0;
	[sflag:s11] =	ssyncadd.s32 $0xFFFFFC00  }
.LBB2_2:
0x1a: {  	v2 =	vld [tilespmem:s29+$0x0];
	_ =	sdelay $0x4  }
0x1b: {  	(v2sf) =	vpush v2, $0x0;
	_ =	sdelay $0x9  }
0x1c: {  	(v2sf) =	vpush v2, $0x1  }
0x1d: {  	(v2sf) =	vpush v2, $0x2  }
0x1e: {  	(v2sf) =	vpush v2, $0x3;
	_ =	sdelay $0x2  }
0x1f: {  	s30 =	spop (v2sf)  }
0x20: {  	p0 =	seq.s32 s30, $0x0;
	s30 =	sadd.s32 $0xFFFFFFC1, s28  }
0x21: {  	(v2sf) =	vpush v2, $0x4;
	v0 =	vbroadcast @!p0 v2, $0x0;
	s31 =	sand.u32 $0x1C0, s30  }
0x22: {  	v3 =	vlaneseq.u32 @!p0;
	v1 =	vld [tilespmem:s31+$0x200]  }
0x23: {  	(v2sf) =	vpush v2, $0x5;
	v0 =	vshrl.u32 @!p0 v0, v3  }
0x24: {  	v0 =	vand.u32 @!p0 $0x1, v0  }
0x25: {  	(xrf0) =	vadd.scan.msk.s32 @!p0 $0xffff, v0  }
0x26: {  	(v2sf) =	vpush v2, $0x6;
	v3 =	vlaneseq.u32 @!p0  }
0x27: {  	s0 =	simm.s32 @!p0 $0x0;
	[tilespmem:$0x1F9D0] =	vst v3;
	v3 =	vbroadcast @!p0 v1, $0x0  }
0x28: {  	s0 =	simm.s32 @p0 $0x1  }
0x29: {  	[smem:$0x7C0] =	sst s0;
	s0 =	spop (v2sf)  }
0x2a: {  	p4 =	seq.s32 s0, $0x0;
	s0 =	spop (v2sf)  }
0x2b: {  	vm5 =	veq.s32 @!p0 v0, $0x1;
	v4 =	vbroadcast @!p4 v2, $0x1;
	p5 =	seq.s32 s0, $0x0;
	s0 =	spop (v2sf);
	v0 =	vsub.s32 @!p0 v3, v0;
	v3, _, _ =	vpop @!p0 (xrf0)  }
0x2c: {  	v5 =	vlaneseq.u32 @!p4;
	v0 =	vadd.s32 @!p0 v3, v0;
	p0 =	seq.s32 s0, $0x0;
	s0 =	simm.s32 @!p4 $0x0  }
0x2d: {  	v4 =	vshrl.u32 @!p4 v4, v5;
	v5 =	vlaneseq.u32 @!p4;
	s0 =	simm.s32 @p4 $0x1  }
0x2e: {  	[tilespmem:$0x1F9E0] =	vst v5;
	[smem:$0x7C1] =	sst s0;
	s0 =	simm.s32 @!p0 $0x0  }
0x2f: {  	v5 =	vbroadcast @!p5 v2, $0x2;
	[tilespmem:$0x1FA90] =	vst v0;
	v0 =	vand.u32 @!p4 $0x1, v4;
	v4 =	vlaneseq.u32 @!p5;
	s0 =	simm.s32 @p0 $0x1  }
0x30: {  	v3 =	vlaneseq.u32 @!p5;
	[tilespmem:$0x1F9F0] =	vst v4;
	v4 =	vbroadcast @!p0 v2, $0x3;
	[smem:$0x7C3] =	sst s0;
	s0 =	spop (v2sf)  }
0x31: {  	v3 =	vshrl.u32 @!p5 v5, v3;
	v5 =	vlaneseq.u32 @!p0;
	p1 =	seq.s32 s0, $0x0  }
0x32: {  	v4 =	vshrl.u32 @!p0 v4, v5;
	s0 =	spop (v2sf);
	v5 =	vbroadcast @!p1 v2, $0x4  }
0x33: {  	p2 =	seq.s32 s0, $0x0;
	v7 =	vlaneseq.u32 @!p1  }
0x34: {  	v6 =	vbroadcast @!p2 v2, $0x5;
	v5 =	vshrl.u32 @!p1 v5, v7;
	v7 =	vlaneseq.u32 @!p1  }
0x35: {  	s0 =	spop (v2sf);
	[tilespmem:$0x1FA00] =	vst v7;
	v7 =	vlaneseq.u32 @!p2  }
0x36: {  	(xrf0) =	vadd.scan.msk.s32 @!p4 $0xffff, v0;
	p3 =	seq.s32 s0, $0x0;
	v6 =	vshrl.u32 @!p2 v6, v7;
	v7 =	vlaneseq.u32 @!p2  }
0x37: {  	[tilespmem:$0x1FA10] =	vst v7;
	v7 =	vbroadcast @!p3 v2, $0x6  }
0x38: {  	v10 =	vlaneseq.u32 @!p3  }
0x39: {  	v3 =	vand.u32 @!p5 $0x1, v3;
	v7 =	vshrl.u32 @!p3 v7, v10;
	v10 =	vlaneseq.u32 @!p3  }
0x3a: {  	v8 =	vbroadcast @!p4 v1, $0x1;
	(xrf0) =	vadd.scan.msk.s32 @!p5 $0xffff, v3  }
0x3b: {  	(v2sf) =	vpush v2, $0x7  }
0x3c: {  	(v2sf) =	vpush v2, $0x8;
	vm6 =	veq.s32 @!p4 v0, $0x1;
	v0 =	vsub.s32 @!p4 v8, v0;
	[tilespmem:$0x1FA20] =	vst v10;
	v10, _, _ =	vpop @!p4 (xrf0)  }
0x3d: {  	v4 =	vand.u32 @!p0 $0x1, v4;
	v0 =	vadd.s32 @!p4 v10, v0  }
0x3e: {  	v9 =	vbroadcast @!p5 v1, $0x2;
	(xrf0) =	vadd.scan.msk.s32 @!p0 $0xffff, v4;
	v5 =	vand.u32 @!p1 $0x1, v5  }
0x3f: {  	(xrf0) =	vadd.scan.msk.s32 @!p1 $0xffff, v5  }
0x40: {  	v8 =	vbroadcast @!p0 v1, $0x3;
	vm3 =	veq.s32 @!p5 v3, $0x1;
	v3 =	vsub.s32 @!p5 v9, v3;
	[tilespmem:$0x1FAC0] =	vst v0;
	v0, _, _ =	vpop @!p5 (xrf0)  }
0x41: {  	v0 =	vadd.s32 @!p5 v0, v3  }
0x42: {  	(v2sf) =	vpush v2, $0x9;
	v6 =	vand.u32 @!p2 $0x1, v6;
	v3 =	vsub.s32 @!p0 v8, v4  }
0x43: {  	(xrf0) =	vadd.scan.msk.s32 @!p2 $0xffff, v6;
	v8 =	vbroadcast @!p1 v1, $0x4  }
0x44: {  	(v2sf) =	vpush v2, $0xA;
	s0 =	simm.s32 @!p5 $0x0;
	[tilespmem:$0x1FAF0] =	vst v0;
	v0, _, _ =	vpop @!p0 (xrf0)  }
0x45: {  	vm2 =	veq.s32 @!p0 v4, $0x1;
	s0 =	simm.s32 @p5 $0x1;
	v4 =	vsub.s32 @!p1 v8, v5;
	v0 =	vadd.s32 @!p0 v0, v3;
	v3, _, _ =	vpop @!p1 (xrf0)  }
0x46: {  	[smem:$0x7C2] =	sst s0;
	s0 =	simm.s32 @!p1 $0x0;
	v3 =	vadd.s32 @!p1 v3, v4  }
0x47: {  	(v2sf) =	vpush v2, $0xB;
	s0 =	simm.s32 @p1 $0x1;
	v7 =	vand.u32 @!p3 $0x1, v7;
	[tilespmem:$0x1FB10] =	vst v0;
	v0 =	vbroadcast @!p2 v1, $0x5  }
0x48: {  	[smem:$0x7C4] =	sst s0;
	s0 =	simm.s32 @!p2 $0x0;
	(xrf0) =	vadd.scan.msk.s32 @!p3 $0xffff, v7  }
0x49: {  	s0 =	simm.s32 @p2 $0x1;
	[tilespmem:$0x1FB20] =	vst v3;
	v0 =	vsub.s32 @!p2 v0, v6;
	v3, _, _ =	vpop @!p2 (xrf0)  }
0x4a: {  	s31 =	spop (v2sf);
	[smem:$0x7C5] =	sst s0;
	v0 =	vadd.s32 @!p2 v3, v0  }
0x4b: {  	(v2sf) =	vpush v2, $0xC;
	s0 =	spop (v2sf);
	[tilespmem:$0x1FB50] =	vst v0;
	[smem:$0x7DD] =	sst s1;
	s1 =	simm.s32 @!p3 $0x0  }
0x4c: {  	vm7 =	veq.s32 @!p1 v5, $0x1;
	v5 =	vbroadcast @!p3 v1, $0x6;
	s1 =	simm.s32 @p3 $0x1  }
0x4d: {  	[smem:$0x7C6] =	sst s1  }
0x4e: {  	p1 =	seq.s32 s31, $0x0;
	v3 =	vsub.s32 @!p3 v5, v7;
	s1 =	sld [smem:$0x7DD];
	v4, _, _ =	vpop @!p3 (xrf0)  }
0x4f: {  	v25 =	vlaneseq.u32 @!p0;
	v5 =	vbroadcast @!p1 v2, $0x7;
	v3 =	vadd.s32 @!p3 v4, v3  }
0x50: {  	vm8 =	veq.s32 @!p2 v6, $0x1;
	vm11 =	veq.s32 @!p3 v7, $0x1;
	p5 =	seq.s32 s0, $0x0;
	[tilespmem:$0x1FB80] =	vst v3;
	v3 =	vlaneseq.u32 @!p1  }
0x51: {  	s31 =	simm.s32 @!p1 $0x0;
	v6 =	vbroadcast @!p5 v2, $0x8;
	s0 =	spop (v2sf);
	v3 =	vshrl.u32 @!p1 v5, v3;
	v5 =	vlaneseq.u32 @!p1  }
0x52: {  	v9 =	vbroadcast @!p5 v1, $0x8;
	s31 =	simm.s32 @p1 $0x1;
	v4 =	vlaneseq.u32 @!p5;
	p3 =	seq.s32 s0, $0x0;
	[tilespmem:$0x1FA30] =	vst v5;
	v5 =	vlaneseq.u32 @!p5  }
0x53: {  	[smem:$0x7C7] =	sst s31;
	s31 =	spop (v2sf);
	v4 =	vshrl.u32 @!p5 v6, v4;
	v3 =	vand.u32 @!p1 $0x1, v3;
	[tilespmem:$0x1FA40] =	vst v5;
	v5 =	vbroadcast @!p3 v2, $0x9  }
0x54: {  	(v2sf) =	vpush v2, $0xD;
	p2 =	seq.s32 s31, $0x0;
	v7 =	vlaneseq.u32 @!p3;
	v4 =	vand.u32 @!p5 $0x1, v4;
	(xrf0) =	vadd.scan.msk.s32 @!p1 $0xffff, v3  }
0x55: {  	v6 =	vbroadcast @!p2 v2, $0xA;
	v5 =	vshrl.u32 @!p3 v5, v7;
	v7 =	vlaneseq.u32 @!p3  }
0x56: {  	v0 =	vld [tilespmem:s29+$0x10];
	(v2sf) =	vpush v2, $0xE;
	s31 =	spop (v2sf);
	(xrf0) =	vadd.scan.msk.s32 @!p5 $0xffff, v4;
	[tilespmem:$0x1FA50] =	vst v7;
	v7 =	vlaneseq.u32 @!p2  }
0x57: {  	v8 =	vbroadcast @!p1 v1, $0x7;
	p0 =	seq.s32 s31, $0x0;
	v6 =	vshrl.u32 @!p2 v6, v7;
	v7 =	vlaneseq.u32 @!p2  }
0x58: {  	(v2sf) =	vpush v2, $0xF;
	v10 =	vlaneseq.u32 @!p0;
	[tilespmem:$0x1FA60] =	vst v7;
	v7 =	vbroadcast @!p0 v2, $0xB  }
0x59: {  	vm4 =	veq.s32 @!p1 v3, $0x1;
	v3 =	vsub.s32 @!p1 v8, v3;
	v5 =	vand.u32 @!p3 $0x1, v5  }
0x5a: {  	s31 =	spop (v2sf);
	(xrf0) =	vadd.scan.msk.s32 @!p3 $0xffff, v5;
	v6 =	vand.u32 @!p2 $0x1, v6;
	v11, _, _ =	vpop @!p1 (xrf0);
	v7 =	vshrl.u32 @!p0 v7, v10;
	v10 =	vlaneseq.u32 @!p0  }
0x5b: {  	p4 =	seq.s32 s31, $0x0;
	(v2sf) =	vpush v0, $0x0;
	(xrf0) =	vadd.scan.msk.s32 @!p2 $0xffff, v6;
	v3 =	vadd.s32 @!p1 v11, v3;
	[tilespmem:$0x1FA70] =	vst v10  }
0x5c: {  	s0 =	simm.s32 @!p4 $0x0;
	v10 =	vbroadcast @!p4 v2, $0xC;
	[tilespmem:$0x1FBA0] =	vst v3;
	v3 =	vsub.s32 @!p5 v9, v4;
	v9, _, _ =	vpop @!p5 (xrf0)  }
0x5d: {  	v8 =	vlaneseq.u32 @!p4;
	(v2sf) =	vpush v0, $0x1;
	s0 =	simm.s32 @p4 $0x1;
	v3 =	vadd.s32 @!p5 v9, v3  }
0x5e: {  	[smem:$0x7CC] =	sst s0;
	s0 =	simm.s32 @!p5 $0x0;
	v7 =	vand.u32 @!p0 $0x1, v7;
	v8 =	vshrl.u32 @!p4 v10, v8;
	v10 =	vbroadcast @!p3 v1, $0x9  }
0x5f: {  	s0 =	simm.s32 @p5 $0x1;
	v11 =	vbroadcast @!p2 v1, $0xA;
	(xrf0) =	vadd.scan.msk.s32 @!p0 $0xffff, v7  }
0x60: {  	vm12 =	veq.s32 @!p5 v4, $0x1;
	[smem:$0x7C8] =	sst s0;
	s0 =	simm.s32 @!p3 $0x0;
	vm9 =	veq.s32 @!p3 v5, $0x1;
	[tilespmem:$0x1FBB0] =	vst v3;
	v3, _, _ =	vpop @!p3 (xrf0);
	v4 =	vsub.s32 @!p3 v10, v5  }
0x61: {  	s0 =	simm.s32 @p3 $0x1;
	v9 =	vsub.s32 @!p2 v11, v6;
	v8 =	vand.u32 @!p4 $0x1, v8;
	v5, _, _ =	vpop @!p2 (xrf0);
	v3 =	vadd.s32 @!p3 v3, v4  }
0x62: {  	[smem:$0x7C9] =	sst s0;
	s0 =	simm.s32 @!p2 $0x0;
	(xrf0) =	vadd.scan.msk.s32 @!p4 $0xffff, v8;
	[tilespmem:$0x1FBE0] =	vst v3;
	v3 =	vadd.s32 @!p2 v5, v9  }
0x63: {  	s31 =	simm.s32 @!p0 $0x0;
	s0 =	simm.s32 @p2 $0x1;
	v10 =	vbroadcast @!p0 v1, $0xB  }
0x64: {  	s31 =	simm.s32 @p0 $0x1;
	[smem:$0x7CA] =	sst s0;
	s0 =	spop (v2sf);
	v5 =	vbroadcast @!p4 v1, $0xC  }
0x65: {  	[smem:$0x7CB] =	sst s31;
	(v2sf) =	vpush v0, $0x2;
	s31 =	spop (v2sf);
	v4 =	vsub.s32 @!p0 v10, v7;
	[tilespmem:$0x1FC00] =	vst v3;
	v3, _, _ =	vpop @!p0 (xrf0)  }
0x66: {  	v63 =	vimm.s32 $0x0;
	vm14 =	veq.s32 @!p0 v7, $0x1;
	p5 =	seq.s32 s0, $0x0;
	v3 =	vadd.s32 @!p0 v3, v4;
	p0 =	seq.s32 s31, $0x0  }
0x67: {  	(v2sf) =	vpush v0, $0x3;
	vm10 =	veq.s32 @!p2 v6, $0x1;
	[tilespmem:$0x1FC10] =	vst v3;
	v3 =	vbroadcast @!p5 v2, $0xD;
	s0 =	simm.s32 @!p0 $0x0  }
0x68: {  	(v2sf) =	vpush v0, $0x4;
	v6 =	vlaneseq.u32 @!p5;
	v4 =	vsub.s32 @!p4 v5, v8;
	v5, _, _ =	vpop @!p4 (xrf0);
	s31 =	simm.s32 @!p5 $0x0;
	s0 =	simm.s32 @p0 $0x1  }
0x69: {  	v4 =	vadd.s32 @!p4 v5, v4;
	s31 =	simm.s32 @p5 $0x1;
	[smem:$0x7CE] =	sst s0;
	v3 =	vshrl.u32 @!p5 v3, v6;
	v6 =	vbroadcast @!p0 v2, $0xE;
	s0 =	spop (v2sf)  }
0x6a: {  	vm13 =	veq.s32 @!p4 v8, $0x1;
	[tilespmem:$0x1FC30] =	vst v4;
	[smem:$0x7CD] =	sst s31;
	v4 =	vlaneseq.u32 @!p0;
	v3 =	vand.u32 @!p5 $0x1, v3;
	s31 =	spop (v2sf);
	p2 =	seq.s32 s0, $0x0  }
0x6b: {  	v8 =	vbroadcast @!p5 v1, $0xD;
	v4 =	vshrl.u32 @!p0 v6, v4;
	v2 =	vbroadcast @!p2 v2, $0xF;
	p1 =	seq.s32 s31, $0x0;
	(xrf0) =	vadd.scan.msk.s32 @!p5 $0xffff, v3  }
0x6c: {  	v6 =	vlaneseq.u32 @!p2;
	s31 =	spop (v2sf);
	vm0 =	veq.s32 @!p5 v3, $0x1;
	v5 =	vbroadcast @!p1 v0, $0x0  }
0x6d: {  	v4 =	vand.u32 @!p0 $0x1, v4;
	p3 =	seq.s32 s31, $0x0;
	v2 =	vshrl.u32 @!p2 v2, v6;
	v6 =	vlaneseq.u32 @!p1  }
0x6e: {  	v9 =	vsel vm0, $0xFFFFFFFF, v63;
	v5 =	vshrl.u32 @!p1 v5, v6;
	v6 =	vbroadcast @!p3 v0, $0x1  }
0x6f: {  	(xrf0) =	vadd.scan.msk.s32 @!p0 $0xffff, v4;
	v7 =	vand.u32 @!p2 $0x1, v2;
	v43 =	vand.u32 @!p1 $0x1, v5;
	v5 =	vlaneseq.u32 @!p3  }
0x70: {  	(v2sf) =	vpush v0, $0x5;
	(xrf0) =	vadd.scan.msk.s32 @!p2 $0xffff, v7;
	v5 =	vshrl.u32 @!p3 v6, v5  }
0x71: {  	v3 =	vsub.s32 @!p5 v8, v3;
	[tilespmem:$0x1FC60] =	vst v9;
	v10 =	vand.u32 @!p3 $0x1, v5;
	v5 =	vbroadcast @!p0 v1, $0xE;
	v9, _, _ =	vpop @!p5 (xrf0)  }
0x72: {  	vm0 =	veq.s32 @!p2 v7, $0x1;
	v3 =	vadd.s32 @!p5 v9, v3;
	v9 =	vimm.s32 $0x0  }
0x73: {  	vm15 =	veq.s32 @!p0 v4, $0x1;
	v2 =	vld [tilespmem:s29+$0x210];
	v5 =	vsub.s32 @!p0 v5, v4;
	v4 =	vsel vm0, $0xFFFFFFFF, v9  }
0x74: {  	(v2sf) =	vpush v0, $0x6;
	s31 =	spop (v2sf);
	(xrf0) =	vadd.scan.msk.s32 @!p1 $0xffff, v43;
	v1 =	vbroadcast @!p2 v1, $0xF  }
0x75: {  	v12 =	vlaneseq.u32 @!p4;
	(v2sf) =	vpush v0, $0x7;
	p4 =	seq.s32 s31, $0x0;
	[tilespmem:$0x1FC70] =	vst v3;
	v3, _, _ =	vpop @!p0 (xrf0)  }
0x76: {  	(v2sf) =	vpush v0, $0x8;
	v6 =	vbroadcast @!p4 v0, $0x2;
	v1 =	vsub.s32 @!p2 v1, v7;
	[tilespmem:$0x1FC90] =	vst v4;
	v4, _, _ =	vpop @!p2 (xrf0)  }
0x77: {  	v11 =	vlaneseq.u32 @!p4;
	v3 =	vadd.s32 @!p0 v3, v5;
	v1 =	vadd.s32 @!p2 v4, v1  }
0x78: {  	(xrf0) =	vadd.scan.msk.s32 @!p3 $0xffff, v10;
	v6 =	vshrl.u32 @!p4 v6, v11;
	[tilespmem:$0x1FC80] =	vst v3;
	v3 =	vbroadcast @!p1 v2, $0x0  }
0x79: {  	v45 =	vand.u32 @!p4 $0x1, v6  }
0x7a: {  	(xrf0) =	vadd.scan.msk.s32 @!p4 $0xffff, v45;
	[tilespmem:$0x1FCA0] =	vst v1;
	v3 =	vsub.s32 @!p1 v3, v43;
	v1, _, _ =	vpop @!p1 (xrf0)  }
0x7b: {  	s0 =	simm.s32 @!p4 $0x0;
	v5 =	vbroadcast @!p3 v2, $0x1;
	v1 =	vadd.s32 @!p1 v1, v3  }
0x7c: {  	s0 =	simm.s32 @p4 $0x1  }
0x7d: {  	s31 =	spop (v2sf);
	[smem:$0x7D2] =	sst s0;
	s0 =	simm.s32 @!p1 $0x0;
	v3 =	vsub.s32 @!p3 v5, v10  }
0x7e: {  	v13 =	vlaneseq.u32 @!p5;
	s0 =	simm.s32 @p1 $0x1;
	p5 =	seq.s32 s31, $0x0;
	v4 =	vbroadcast @!p4 v2, $0x2;
	[tilespmem:$0x1FCD0] =	vst v1;
	v1, _, _ =	vpop @!p3 (xrf0)  }
0x7f: {  	(v2sf) =	vpush v0, $0x9;
	[smem:$0x7D0] =	sst s0;
	s0 =	simm.s32 @!p2 $0x0;
	s31 =	spop (v2sf);
	v5 =	vbroadcast @!p5 v0, $0x3;
	v1 =	vadd.s32 @!p3 v1, v3  }
0x80: {  	v16 =	vlaneseq.u32 @!p1;
	s0 =	simm.s32 @p2 $0x1;
	p1 =	seq.s32 s31, $0x0;
	v3, _, _ =	vpop @!p4 (xrf0);
	[tilespmem:$0x1FCF0] =	vst v1;
	v1 =	vsub.s32 @!p4 v4, v45;
	v4 =	vlaneseq.u32 @!p5  }
0x81: {  	[smem:$0x7CF] =	sst s0;
	s0 =	simm.s32 @!p3 $0x0;
	v4 =	vshrl.u32 @!p5 v5, v4;
	v5 =	vbroadcast @!p1 v0, $0x4;
	v1 =	vadd.s32 @!p4 v3, v1  }
0x82: {  	v14 =	vlaneseq.u32 @!p0;
	v15 =	vlaneseq.u32 @!p2;
	s0 =	simm.s32 @p3 $0x1;
	s31 =	spop (v2sf);
	[tilespmem:$0x1FD00] =	vst v1;
	v1 =	vlaneseq.u32 @!p1  }
0x83: {  	v18 =	vlaneseq.u32 @!p4;
	[smem:$0x7D1] =	sst s0;
	p6 =	seq.s32 s31, $0x0;
	v21 =	vlaneseq.u32 @!p1;
	s0 =	spop (v2sf);
	v1 =	vshrl.u32 @!p1 v5, v1  }
0x84: {  	s31 =	spop (v2sf);
	p4 =	por p1, p1;
	v53 =	vand.u32 @!p5 $0x1, v4;
	v4 =	vbroadcast @!p6 v0, $0x5;
	v54 =	vand.u32 @!p1 $0x1, v1;
	p1 =	seq.s32 s0, $0x0  }
0x85: {  	(v2sf) =	vpush v0, $0xA;
	p0 =	seq.s32 s31, $0x0;
	v1 =	vlaneseq.u32 @!p6;
	v5 =	vbroadcast @!p1 v0, $0x6  }
0x86: {  	s31 =	spop (v2sf);
	v6 =	vbroadcast @!p0 v0, $0x7;
	v4 =	vshrl.u32 @!p6 v4, v1;
	v8 =	vlaneseq.u32 @!p1  }
0x87: {  	p2 =	seq.s32 s31, $0x0;
	(xrf0) =	vadd.scan.msk.s32 @!p5 $0xffff, v53;
	v7 =	vand.u32 @!p6 $0x1, v4;
	v4 =	vshrl.u32 @!p1 v5, v8;
	v5 =	vlaneseq.u32 @!p0  }
0x88: {  	v5 =	vshrl.u32 @!p0 v6, v5;
	v6 =	vbroadcast @!p2 v0, $0x8  }
0x89: {  	v59 =	vand.u32 @!p1 $0x1, v4;
	v4 =	vlaneseq.u32 @!p2  }
0x8a: {  	v4 =	vshrl.u32 @!p2 v6, v4  }
0x8b: {  	v3 =	vbroadcast @!p5 v2, $0x3;
	(xrf0) =	vadd.scan.msk.s32 @!p4 $0xffff, v54  }
0x8c: {  	(v2sf) =	vpush v0, $0xB  }
0x8d: {  	(v2sf) =	vpush v0, $0xC;
	v3 =	vsub.s32 @!p5 v3, v53;
	v63 =	vand.u32 @!p2 $0x1, v4;
	v4, _, _ =	vpop @!p5 (xrf0)  }
0x8e: {  	(v2sf) =	vpush v0, $0xD;
	s31 =	spop (v2sf);
	s0 =	simm.s32 @!p5 $0x0;
	v3 =	vadd.s32 @!p5 v4, v3  }
0x8f: {  	v17 =	vlaneseq.u32 @!p3;
	p3 =	seq.s32 s31, $0x0;
	s0 =	simm.s32 @p5 $0x1;
	(xrf0) =	vadd.scan.msk.s32 @!p6 $0xffff, v7;
	v6 =	vbroadcast @!p4 v2, $0x4  }
0x90: {  	v1 =	vld [tilespmem:s29+$0x20];
	[smem:$0x7D3] =	sst s0;
	s0 =	simm.s32 @!p4 $0x0;
	[tilespmem:$0x1FB40] =	vst v7;
	v9 =	vand.u32 @!p0 $0x1, v5;
	(xrf0) =	vadd.scan.msk.s32 @!p1 $0xffff, v59;
	v5 =	vbroadcast @!p3 v0, $0x9  }
0x91: {  	s0 =	simm.s32 @p4 $0x1;
	v8 =	vmov v7;
	v7 =	vlaneseq.u32 @!p3;
	v4 =	vsub.s32 @!p4 v6, v54;
	[tilespmem:$0x1FD20] =	vst v3;
	v3, _, _ =	vpop @!p4 (xrf0)  }
0x92: {  	(v2sf) =	vpush v0, $0xE;
	[smem:$0x7D4] =	sst s0;
	s0 =	simm.s32 @!p6 $0x0;
	(xrf0) =	vadd.scan.msk.s32 @!p0 $0xffff, v9;
	v5 =	vshrl.u32 @!p3 v5, v7;
	v3 =	vadd.s32 @!p4 v3, v4  }
0x93: {  	s0 =	simm.s32 @p6 $0x1;
	v62 =	vand.u32 @!p3 $0x1, v5;
	v5 =	vbroadcast @!p6 v2, $0x5;
	(xrf0) =	vadd.scan.msk.s32 @!p2 $0xffff, v63  }
0x94: {  	(v2sf) =	vpush v0, $0xF;
	[smem:$0x7D5] =	sst s0;
	s0 =	simm.s32 @!p1 $0x0;
	v6 =	vbroadcast @!p1 v2, $0x6;
	v4 =	vbroadcast @!p0 v2, $0x7  }
0x95: {  	(v2sf) =	vpush v1, $0x0;
	s0 =	simm.s32 @p1 $0x1;
	v5 =	vsub.s32 @!p6 v5, v8;
	(xrf0) =	vadd.scan.msk.s32 @!p3 $0xffff, v62;
	[tilespmem:$0x1FD50] =	vst v3;
	v3, _, _ =	vpop @!p6 (xrf0)  }
0x96: {  	[smem:$0x7D6] =	sst s0;
	s0 =	spop (v2sf);
	v8 =	vbroadcast @!p2 v2, $0x8;
	v6 =	vsub.s32 @!p1 v6, v59;
	v7, _, _ =	vpop @!p1 (xrf0);
	v3 =	vadd.s32 @!p6 v3, v5  }
0x97: {  	v20 =	vlaneseq.u32 @!p5;
	p5 =	seq.s32 s0, $0x0;
	s0 =	simm.s32 @!p2 $0x0;
	[tilespmem:$0x1FD60] =	vst v3;
	v3 =	vadd.s32 @!p1 v7, v6  }
0x98: {  	(v2sf) =	vpush v1, $0x1;
	s0 =	simm.s32 @p2 $0x1;
	v5 =	vsub.s32 @!p2 v8, v63;
	[tilespmem:$0x1FD70] =	vst v3;
	v3 =	vsub.s32 @!p0 v4, v9;
	v4, _, _ =	vpop @!p0 (xrf0)  }
0x99: {  	(v2sf) =	vpush v1, $0x2;
	[smem:$0x7D8] =	sst s0;
	s0 =	simm.s32 @!p3 $0x0;
	v7 =	vbroadcast @!p3 v2, $0x9;
	v6, _, _ =	vpop @!p2 (xrf0);
	v3 =	vadd.s32 @!p0 v4, v3  }
0x9a: {  	s31 =	simm.s32 @!p0 $0x0;
	s0 =	simm.s32 @p3 $0x1;
	v8 =	vbroadcast @!p5 v0, $0xA;
	[tilespmem:$0x1FDA0] =	vst v3;
	v3 =	vadd.s32 @!p2 v6, v5  }
0x9b: {  	v27 =	vlaneseq.u32 @!p2;
	s31 =	simm.s32 @p0 $0x1;
	[smem:$0x7D9] =	sst s0;
	s0 =	spop (v2sf);
	v4 =	vlaneseq.u32 @!p5;
	v5, _, _ =	vpop @!p3 (xrf0);
	[tilespmem:$0x1FDB0] =	vst v3;
	v3 =	vsub.s32 @!p3 v7, v62  }
0x9c: {  	[smem:$0x7D7] =	sst s31;
	s31 =	spop (v2sf);
	p4 =	seq.s32 s0, $0x0;
	v4 =	vshrl.u32 @!p5 v8, v4;
	v6 =	vbroadcast @!p5 v2, $0xA;
	v3 =	vadd.s32 @!p3 v5, v3  }
0x9d: {  	v36 =	vlaneseq.u32 @!p3;
	s0 =	spop (v2sf);
	p2 =	seq.s32 s31, $0x0;
	v61 =	vand.u32 @!p5 $0x1, v4;
	[tilespmem:$0x1FDC0] =	vst v3;
	v3 =	vbroadcast @!p4 v0, $0xB  }
0x9e: {  	v4 =	vsub.s32 @!p5 v6, v61;
	v6 =	vlaneseq.u32 @!p4;
	v5 =	vbroadcast @!p2 v0, $0xC;
	p3 =	seq.s32 s0, $0x0  }
0x9f: {  	s31 =	simm.s32 @!p5 $0x0;
	v7 =	vlaneseq.u32 @!p2;
	v3 =	vshrl.u32 @!p4 v3, v6;
	v6 =	vbroadcast @!p3 v0, $0xD  }
0xa0: {  	s31 =	simm.s32 @p5 $0x1;
	v56 =	vand.u32 @!p4 $0x1, v3;
	v3 =	vshrl.u32 @!p2 v5, v7;
	v5 =	vlaneseq.u32 @!p2  }
0xa1: {  	v22 =	vlaneseq.u32 @!p6;
	[smem:$0x7DA] =	sst s31;
	s31 =	spop (v2sf);
	[tilespmem:$0x1FA80] =	vst v5;
	v5 =	vlaneseq.u32 @!p3  }
0xa2: {  	v23 =	vlaneseq.u32 @!p1;
	p1 =	seq.s32 s31, $0x0;
	s31 =	simm.s32 @!p3 $0x0;
	v5 =	vshrl.u32 @!p3 v6, v5;
	v6 =	vlaneseq.u32 @!p3  }
0xa3: {  	v24 =	vlaneseq.u32 @!p0;
	v37 =	vlaneseq.u32 @!p5;
	s0 =	spop (v2sf);
	s31 =	simm.s32 @p3 $0x1;
	[tilespmem:$0x1FAA0] =	vst v6;
	v6 =	vbroadcast @!p1 v0, $0xE  }
0xa4: {  	(xrf0) =	vadd.scan.msk.s32 @!p5 $0xffff, v61;
	p6 =	seq.s32 s0, $0x0;
	[smem:$0x7DE] =	sst s31;
	s31 =	spop (v2sf);
	v55 =	vand.u32 @!p2 $0x1, v3;
	v3 =	vlaneseq.u32 @!p1;
	v57 =	vand.u32 @!p3 $0x1, v5  }
0xa5: {  	p0 =	seq.s32 s31, $0x0;
	s31 =	simm.s32 @!p1 $0x0;
	(xrf0) =	vadd.scan.msk.s32 @!p4 $0xffff, v56;
	v5 =	vlaneseq.u32 @!p1;
	v0 =	vbroadcast @!p6 v0, $0xF;
	v3 =	vshrl.u32 @!p1 v6, v3  }
0xa6: {  	p5 =	por p1, p1;
	s31 =	simm.s32 @p1 $0x1;
	[tilespmem:$0x1FAD0] =	vst v5;
	v5 =	vbroadcast @!p0 v1, $0x0;
	v52 =	vand.u32 @!p1 $0x1, v3;
	v3 =	vlaneseq.u32 @!p6  }
0xa7: {  	s0 =	spop (v2sf);
	[smem:$0x7DF] =	sst s31;
	(xrf0) =	vadd.scan.msk.s32 @!p2 $0xffff, v55;
	s31 =	simm.s32 @!p0 $0x0;
	v6 =	vlaneseq.u32 @!p6;
	[tilespmem:$0x1FAE0] =	vst v3;
	v3 =	vlaneseq.u32 @!p0  }
0xa8: {  	s31 =	simm.s32 @p0 $0x1;
	(xrf0) =	vadd.scan.msk.s32 @!p3 $0xffff, v57;
	v0 =	vshrl.u32 @!p6 v0, v6;
	p1 =	seq.s32 s0, $0x0;
	s0 =	spop (v2sf);
	v3 =	vshrl.u32 @!p0 v5, v3;
	v5 =	vlaneseq.u32 @!p0  }
0xa9: {  	p3 =	por p0, p0;
	[smem:$0x7E1] =	sst s31;
	[tilespmem:$0x1FB00] =	vst v5;
	v5 =	vbroadcast @!p1 v1, $0x1;
	v60 =	vand.u32 @!p0 $0x1, v3;
	p0 =	seq.s32 s0, $0x0;
	v3 =	vlaneseq.u32 @!p1  }
0xaa: {  	s31 =	sld [smem:$0x7DA];
	v51 =	vand.u32 @!p6 $0x1, v0;
	v0 =	vlaneseq.u32 @!p1;
	[tilespmem:$0x1FB30] =	vst v3;
	v3 =	vbroadcast @!p0 v1, $0x2  }
0xab: {  	(xrf0) =	vadd.scan.msk.s32 @!p5 $0xffff, v52;
	p5 =	por p1, p1;
	v7 =	vlaneseq.u32 @!p0;
	v0 =	vshrl.u32 @!p1 v5, v0  }
0xac: {  	s0 =	simm.s32 @!p4 $0x0;
	v49 =	vand.u32 @!p5 $0x1, v0;
	v0 =	vshrl.u32 @!p0 v3, v7  }
0xad: {  	(v2sf) =	vpush v1, $0x3;
	v6 =	vbroadcast @!p4 v2, $0xB;
	s0 =	simm.s32 @p4 $0x1;
	p1 =	seq.s32 s31, $0x1  }
0xae: {  	(v2sf) =	vpush v1, $0x4;
	[smem:$0x7DB] =	sst s0;
	v3 =	vlaneseq.u32 @!p0;
	v5, _, _ =	vpop @!p1 (xrf0)  }
0xaf: {  	(v2sf) =	vpush v1, $0x5;
	s0 =	simm.s32 @!p5 $0x0;
	s31 =	sld [smem:$0x7DE];
	[tilespmem:$0x1FB60] =	vst v3;
	v3 =	vsub.s32 @!p4 v6, v56;
	v58 =	vand.u32 @!p0 $0x1, v0;
	v0, _, _ =	vpop @!p4 (xrf0)  }
0xb0: {  	[tilespmem:$0x1FAB0] =	vst v10;
	(v2sf) =	vpush v1, $0x6;
	(xrf0) =	vadd.scan.msk.s32 @!p6 $0xffff, v51;
	s0 =	simm.s32 @p5 $0x1;
	v0 =	vadd.s32 @!p4 v0, v3  }
0xb1: {  	[tilespmem:$0x1FB90] =	vst v9;
	(v2sf) =	vpush v1, $0x7;
	(xrf0) =	vadd.scan.msk.s32 @!p3 $0xffff, v60;
	[smem:$0x7E2] =	sst s0;
	s0 =	simm.s32 @!p2 $0x0;
	v4 =	vadd.s32 @!p1 v5, v4  }
0xb2: {  	(v2sf) =	vpush v1, $0x8;
	(xrf0) =	vadd.scan.msk.s32 @!p5 $0xffff, v49;
	s0 =	simm.s32 @p2 $0x1;
	p1 =	seq.s32 s31, $0x1;
	s31 =	sld [smem:$0x7DF];
	[tilespmem:$0x1FDD0] =	vst v4  }
0xb3: {  	(v2sf) =	vpush v1, $0x9;
	v4 =	vbroadcast @!p2 v2, $0xC;
	(xrf0) =	vadd.scan.msk.s32 @!p0 $0xffff, v58;
	[smem:$0x7DC] =	sst s0;
	[tilespmem:$0x1FDF0] =	vst v0;
	v0, _, _ =	vpop @!p2 (xrf0)  }
0xb4: {  	v50 =	vld [tilespmem:s29+$0x220];
	v6, _, _ =	vpop @!p1 (xrf0)  }
0xb5: {  	v3 =	vbroadcast @!p1 v2, $0xD;
	v4 =	vsub.s32 @!p2 v4, v55;
	p3 =	seq.s32 s31, $0x1;
	s31 =	sld [smem:$0x7E1]  }
0xb6: {  	v5 =	vbroadcast @!p3 v2, $0xE;
	v0 =	vadd.s32 @!p2 v0, v4  }
0xb7: {  	[tilespmem:$0x1FE00] =	vst v0;
	v0 =	vsub.s32 @!p1 v3, v57  }
0xb8: {  	v2 =	vbroadcast @!p6 v2, $0xF;
	v0 =	vadd.s32 @!p1 v6, v0;
	p5 =	seq.s32 s31, $0x1  }
0xb9: {  	v3, _, _ =	vpop @!p3 (xrf0);
	[tilespmem:$0x1FE10] =	vst v0;
	v0 =	vsub.s32 @!p3 v5, v52;
	s31 =	sld [smem:$0x7E2];
	v4 =	vbroadcast @!p5 v50, $0x0  }
0xba: {  	v2 =	vsub.s32 @!p6 v2, v51;
	v5, _, _ =	vpop @!p6 (xrf0);
	v0 =	vadd.s32 @!p3 v3, v0  }
0xbb: {  	s0 =	simm.s32 @!p6 $0x0;
	v6, _, _ =	vpop @!p5 (xrf0);
	[tilespmem:$0x1FE30] =	vst v0;
	v0 =	vadd.s32 @!p6 v5, v2;
	v4 =	vsub.s32 @!p5 v4, v60  }
0xbc: {  	s0 =	simm.s32 @p6 $0x1;
	[tilespmem:$0x1FE40] =	vst v0;
	p1 =	seq.s32 s31, $0x1;
	v0 =	vadd.s32 @!p5 v6, v4  }
0xbd: {  	[smem:$0x7E0] =	sst s0;
	s0 =	spop (v2sf);
	v7 =	vbroadcast @!p1 v50, $0x1  }
0xbe: {  	p6 =	seq.s32 s0, $0x0;
	s0 =	simm.s32 @!p0 $0x0  }
0xbf: {  	v8 =	vbroadcast @!p0 v50, $0x2;
	s0 =	simm.s32 @p0 $0x1;
	[tilespmem:$0x1FE50] =	vst v0;
	v2 =	vsub.s32 @!p1 v7, v49;
	v0, _, _ =	vpop @!p1 (xrf0)  }
0xc0: {  	[smem:$0x7E3] =	sst s0;
	s0 =	spop (v2sf);
	v0 =	vadd.s32 @!p1 v0, v2  }
0xc1: {  	v3 =	vsub.s32 @!p0 v8, v58;
	p5 =	seq.s32 s0, $0x0;
	v4, _, _ =	vpop @!p0 (xrf0);
	v2 =	vlaneseq.u32 @!p6;
	[tilespmem:$0x1FE70] =	vst v0  }
0xc2: {  	v5 =	vbroadcast @!p6 v1, $0x3;
	v0 =	vadd.s32 @!p0 v4, v3;
	[tilespmem:$0x1FB70] =	vst v2;
	v2 =	vbroadcast @!p5 v1, $0x4  }
0xc3: {  	s31 =	spop (v2sf);
	v3 =	vlaneseq.u32 @!p5;
	[tilespmem:$0x1FE80] =	vst v0;
	v0 =	vlaneseq.u32 @!p6  }
0xc4: {  	v38 =	vlaneseq.u32 @!p4;
	p1 =	seq.s32 s31, $0x0;
	v0 =	vshrl.u32 @!p6 v5, v0;
	v2 =	vshrl.u32 @!p5 v2, v3  }
0xc5: {  	s31 =	spop (v2sf);
	v3 =	vlaneseq.u32 @!p5;
	v47 =	vand.u32 @!p6 $0x1, v0;
	v0 =	vbroadcast @!p1 v1, $0x5  }
0xc6: {  	p4 =	seq.s32 s31, $0x0;
	[tilespmem:$0x1FBC0] =	vst v3;
	v3 =	vlaneseq.u32 @!p1;
	v46 =	vand.u32 @!p5 $0x1, v2;
	v2 =	vlaneseq.u32 @!p1  }
0xc7: {  	[tilespmem:$0x1FBD0] =	vst v2;
	v2 =	vbroadcast @!p4 v1, $0x6;
	v0 =	vshrl.u32 @!p1 v0, v3  }
0xc8: {  	s0 =	spop (v2sf);
	v48 =	vand.u32 @!p1 $0x1, v0;
	v0 =	vlaneseq.u32 @!p4  }
0xc9: {  	s31 =	spop (v2sf);
	p2 =	seq.s32 s0, $0x0;
	v0 =	vshrl.u32 @!p4 v2, v0;
	v2 =	vlaneseq.u32 @!p4  }
0xca: {  	p0 =	seq.s32 s31, $0x0;
	[tilespmem:$0x1FBF0] =	vst v2;
	v2 =	vbroadcast @!p2 v1, $0x7  }
0xcb: {  	v4 =	vlaneseq.u32 @!p2;
	v3 =	vbroadcast @!p0 v1, $0x8  }
0xcc: {  	v42 =	vand.u32 @!p4 $0x1, v0;
	v0 =	vshrl.u32 @!p2 v2, v4;
	v2 =	vlaneseq.u32 @!p2  }
0xcd: {  	(v2sf) =	vpush v1, $0xA;
	s31 =	spop (v2sf);
	[tilespmem:$0x1FC20] =	vst v2;
	v2 =	vlaneseq.u32 @!p0  }
0xce: {  	p3 =	seq.s32 s31, $0x0;
	(xrf0) =	vadd.scan.msk.s32 @!p6 $0xffff, v47;
	v44 =	vand.u32 @!p2 $0x1, v0;
	v0 =	vshrl.u32 @!p0 v3, v2;
	v2 =	vlaneseq.u32 @!p0  }
0xcf: {  	v3 =	vbroadcast @!p3 v1, $0x9;
	[tilespmem:$0x1FC40] =	vst v2;
	v2 =	vbroadcast @!p6 v50, $0x3  }
0xd0: {  	(v2sf) =	vpush v1, $0xB;
	(xrf0) =	vadd.scan.msk.s32 @!p5 $0xffff, v46;
	v4 =	vlaneseq.u32 @!p3  }
0xd1: {  	v40 =	vand.u32 @!p0 $0x1, v0;
	v0 =	vsub.s32 @!p6 v2, v47;
	v2 =	vshrl.u32 @!p3 v3, v4  }
0xd2: {  	(v2sf) =	vpush v1, $0xC;
	(xrf0) =	vadd.scan.msk.s32 @!p1 $0xffff, v48  }
0xd3: {  	(v2sf) =	vpush v1, $0xD;
	v3 =	vlaneseq.u32 @!p3  }
0xd4: {  	(xrf0) =	vadd.scan.msk.s32 @!p4 $0xffff, v42;
	[tilespmem:$0x1FC50] =	vst v3;
	v3 =	vbroadcast @!p5 v50, $0x4;
	v41 =	vand.u32 @!p3 $0x1, v2;
	v2, _, _ =	vpop @!p6 (xrf0)  }
0xd5: {  	(v2sf) =	vpush v1, $0xE;
	v0 =	vadd.s32 @!p6 v2, v0  }
0xd6: {  	v19 =	vld [tilespmem:s29+$0x30];
	s0 =	simm.s32 @!p5 $0x0;
	(xrf0) =	vadd.scan.msk.s32 @!p2 $0xffff, v44;
	v4 =	vbroadcast @!p1 v50, $0x5;
	v2, _, _ =	vpop @!p5 (xrf0);
	[tilespmem:$0x1FE90] =	vst v0;
	v0 =	vsub.s32 @!p5 v3, v46  }
0xd7: {  	(v2sf) =	vpush v1, $0xF;
	s0 =	simm.s32 @p5 $0x1;
	v0 =	vadd.s32 @!p5 v2, v0  }
0xd8: {  	[smem:$0x7E5] =	sst s0;
	s0 =	simm.s32 @!p6 $0x0;
	(xrf0) =	vadd.scan.msk.s32 @!p0 $0xffff, v40;
	v3 =	vbroadcast @!p4 v50, $0x6;
	v2, _, _ =	vpop @!p1 (xrf0);
	[tilespmem:$0x1FEB0] =	vst v0;
	v0 =	vsub.s32 @!p1 v4, v48  }
0xd9: {  	s0 =	simm.s32 @p6 $0x1;
	v0 =	vadd.s32 @!p1 v2, v0  }
0xda: {  	[smem:$0x7E4] =	sst s0;
	s0 =	simm.s32 @!p1 $0x0;
	v4 =	vbroadcast @!p2 v50, $0x7;
	v2, _, _ =	vpop @!p4 (xrf0);
	[tilespmem:$0x1FEC0] =	vst v0;
	v0 =	vsub.s32 @!p4 v3, v42  }
0xdb: {  	(v2sf) =	vpush v19, $0x0;
	s31 =	simm.s32 @!p4 $0x0;
	s0 =	simm.s32 @p1 $0x1;
	v0 =	vadd.s32 @!p4 v2, v0  }
0xdc: {  	(v2sf) =	vpush v19, $0x1;
	s31 =	simm.s32 @p4 $0x1;
	[smem:$0x7E6] =	sst s0;
	s0 =	spop (v2sf);
	v3 =	vbroadcast @!p0 v50, $0x8;
	v2, _, _ =	vpop @!p2 (xrf0);
	[tilespmem:$0x1FED0] =	vst v0;
	v0 =	vsub.s32 @!p2 v4, v44  }
0xdd: {  	[smem:$0x7E7] =	sst s31;
	s31 =	simm.s32 @!p2 $0x0;
	(xrf0) =	vadd.scan.msk.s32 @!p3 $0xffff, v41;
	p1 =	seq.s32 s0, $0x0;
	v0 =	vadd.s32 @!p2 v2, v0  }
0xde: {  	s31 =	simm.s32 @p2 $0x1;
	v2, _, _ =	vpop @!p0 (xrf0);
	[tilespmem:$0x1FEE0] =	vst v0;
	v0 =	vsub.s32 @!p0 v3, v40;
	v3 =	vbroadcast @!p1 v1, $0xA  }
0xdf: {  	(v2sf) =	vpush v19, $0x2;
	[smem:$0x7E8] =	sst s31;
	s31 =	simm.s32 @!p0 $0x0;
	v0 =	vadd.s32 @!p0 v2, v0;
	v2 =	vlaneseq.u32 @!p1  }
0xe0: {  	s31 =	simm.s32 @p0 $0x1;
	s0 =	spop (v2sf);
	v4 =	vbroadcast @!p3 v50, $0x9;
	v2 =	vshrl.u32 @!p1 v3, v2;
	v3 =	vlaneseq.u32 @!p1  }
0xe1: {  	[smem:$0x7E9] =	sst s31;
	s31 =	simm.s32 @!p3 $0x0;
	p6 =	seq.s32 s0, $0x0  }
0xe2: {  	s31 =	simm.s32 @p3 $0x1;
	s0 =	spop (v2sf);
	v5 =	vbroadcast @!p6 v1, $0xB;
	[tilespmem:$0x1FEF0] =	vst v0;
	v0 =	vsub.s32 @!p3 v4, v41  }
0xe3: {  	[smem:$0x7EA] =	sst s31;
	s31 =	spop (v2sf);
	v4 =	vbroadcast @!p1 v50, $0xA;
	[tilespmem:$0x1FCB0] =	vst v3;
	v29 =	vand.u32 @!p1 $0x1, v2;
	v2 =	vlaneseq.u32 @!p6;
	v3, _, _ =	vpop @!p3 (xrf0)  }
0xe4: {  	p5 =	seq.s32 s31, $0x0;
	p0 =	seq.s32 s0, $0x0;
	s0 =	simm.s32 @!p1 $0x0;
	v2 =	vshrl.u32 @!p6 v5, v2;
	v0 =	vadd.s32 @!p3 v3, v0;
	v3 =	vlaneseq.u32 @!p6  }
0xe5: {  	s0 =	simm.s32 @p1 $0x1;
	v30 =	vand.u32 @!p6 $0x1, v2;
	v2 =	vbroadcast @!p5 v1, $0xD;
	[tilespmem:$0x1FCC0] =	vst v3;
	v3 =	vbroadcast @!p0 v1, $0xC  }
0xe6: {  	[smem:$0x7EB] =	sst s0;
	s0 =	spop (v2sf);
	v5 =	vlaneseq.u32 @!p5;
	[tilespmem:$0x1FF10] =	vst v0;
	v0 =	vsub.s32 @!p1 v4, v29;
	v4 =	vlaneseq.u32 @!p0  }
0xe7: {  	p4 =	seq.s32 s0, $0x0;
	s0 =	spop (v2sf);
	v2 =	vshrl.u32 @!p5 v2, v5;
	v3 =	vshrl.u32 @!p0 v3, v4;
	v4 =	vlaneseq.u32 @!p0  }
0xe8: {  	s31 =	simm.s32 @!p0 $0x0;
	p2 =	seq.s32 s0, $0x0;
	[tilespmem:$0x1FCE0] =	vst v4;
	v4 =	vbroadcast @!p4 v1, $0xE;
	v28 =	vand.u32 @!p0 $0x1, v3;
	v3 =	vlaneseq.u32 @!p5  }
0xe9: {  	s31 =	simm.s32 @p0 $0x1;
	s0 =	simm.s32 @!p2 $0x0;
	v31 =	vand.u32 @!p5 $0x1, v2;
	[tilespmem:$0x1FD10] =	vst v3;
	v3 =	vlaneseq.u32 @!p4  }
0xea: {  	[smem:$0x7ED] =	sst s31;
	s31 =	spop (v2sf);
	s0 =	simm.s32 @p2 $0x1;
	v1 =	vbroadcast @!p2 v1, $0xF;
	v2 =	vshrl.u32 @!p4 v4, v3;
	v3 =	vlaneseq.u32 @!p4  }
0xeb: {  	p3 =	seq.s32 s31, $0x0;
	[smem:$0x7F0] =	sst s0;
	s0 =	spop (v2sf);
	[tilespmem:$0x1FD30] =	vst v3;
	v32 =	vand.u32 @!p4 $0x1, v2;
	v3 =	vlaneseq.u32 @!p2  }
0xec: {  	(xrf0) =	vadd.scan.msk.s32 @!p1 $0xffff, v29;
	p1 =	seq.s32 s0, $0x0;
	v2 =	vbroadcast @!p3 v19, $0x0;
	v1 =	vshrl.u32 @!p2 v1, v3;
	v3 =	vlaneseq.u32 @!p2  }
0xed: {  	v4 =	vlaneseq.u32 @!p3;
	[tilespmem:$0x1FD40] =	vst v3;
	v3 =	vbroadcast @!p1 v19, $0x1  }
0xee: {  	(xrf0) =	vadd.scan.msk.s32 @!p6 $0xffff, v30;
	s31 =	spop (v2sf);
	v26 =	vand.u32 @!p2 $0x1, v1;
	v1 =	vshrl.u32 @!p3 v2, v4;
	v2 =	vlaneseq.u32 @!p3  }
0xef: {  	(xrf0) =	vadd.scan.msk.s32 @!p0 $0xffff, v28;
	p0 =	seq.s32 s31, $0x0;
	s31 =	sld [smem:$0x7EB];
	[tilespmem:$0x1FD80] =	vst v2;
	v2 =	vlaneseq.u32 @!p1  }
0xf0: {  	(xrf0) =	vadd.scan.msk.s32 @!p5 $0xffff, v31;
	v33 =	vand.u32 @!p3 $0x1, v1;
	v1 =	vshrl.u32 @!p1 v3, v2  }
0xf1: {  	(xrf0) =	vadd.scan.msk.s32 @!p4 $0xffff, v32  }
0xf2: {  	(xrf0) =	vadd.scan.msk.s32 @!p2 $0xffff, v26;
	p2 =	seq.s32 s31, $0x1  }
0xf3: {  	s31 =	sld [smem:$0x7ED];
	v2 =	vlaneseq.u32 @!p1;
	v39 =	vand.u32 @!p1 $0x1, v1;
	v1, _, _ =	vpop @!p2 (xrf0)  }
0xf4: {  	s0 =	simm.s32 @!p0 $0x0;
	[tilespmem:$0x1FD90] =	vst v2;
	v2 =	vbroadcast @!p0 v19, $0x2;
	v0 =	vadd.s32 @!p2 v1, v0;
	v1 =	vlaneseq.u32 @!p0  }
0xf5: {  	s0 =	simm.s32 @p0 $0x1;
	v4 =	vlaneseq.u32 @!p0;
	(xrf0) =	vadd.scan.msk.s32 @!p3 $0xffff, v33;
	v3 =	vbroadcast @!p6 v50, $0xB  }
0xf6: {  	[smem:$0x7F4] =	sst s0;
	(xrf0) =	vadd.scan.msk.s32 @!p1 $0xffff, v39;
	p2 =	por p1, p1;
	p1 =	seq.s32 s31, $0x1;
	[tilespmem:$0x1FF30] =	vst v0;
	v0 =	vshrl.u32 @!p0 v2, v4  }
0xf7: {  	s0 =	simm.s32 @!p6 $0x0;
	v3 =	vsub.s32 @!p6 v3, v30;
	s31 =	sld [smem:$0x7F0];
	[tilespmem:$0x1FDE0] =	vst v1;
	v2 =	vbroadcast @!p1 v50, $0xC;
	v1, _, _ =	vpop @!p6 (xrf0)  }
0xf8: {  	v34 =	vld [tilespmem:s29+$0x230];
	s0 =	simm.s32 @p6 $0x1;
	v4 =	vbroadcast @!p5 v50, $0xD;
	v1 =	vadd.s32 @!p6 v1, v3  }
0xf9: {  	[smem:$0x7EC] =	sst s0;
	s0 =	simm.s32 @!p5 $0x0;
	v35 =	vand.u32 @!p0 $0x1, v0;
	v0, _, _ =	vpop @!p1 (xrf0);
	[tilespmem:$0x1FF40] =	vst v1;
	v1 =	vsub.s32 @!p1 v2, v28  }
0xfa: {  	s0 =	simm.s32 @p5 $0x1;
	v3 =	vbroadcast @!p4 v50, $0xE;
	v0 =	vadd.s32 @!p1 v0, v1;
	p1 =	seq.s32 s31, $0x1  }
0xfb: {  	[smem:$0x7EE] =	sst s0;
	v2, _, _ =	vpop @!p5 (xrf0);
	v1 =	vbroadcast @!p1 v50, $0xF  }
0xfc: {  	s0 =	simm.s32 @!p4 $0x0;
	v3 =	vsub.s32 @!p4 v3, v32;
	s31 =	sld [smem:$0x7C0];
	[tilespmem:$0x1FF50] =	vst v0;
	v0 =	vsub.s32 @!p5 v4, v31;
	v4, _, _ =	vpop @!p4 (xrf0)  }
0xfd: {  	v6 =	vbroadcast @!p3 v34, $0x0;
	s0 =	simm.s32 @p4 $0x1;
	v50 =	vadd.s32 @!p5 v2, v0;
	v0 =	vadd.s32 @!p4 v4, v3  }
0xfe: {  	[smem:$0x7EF] =	sst s0;
	v7 =	vbroadcast @!p2 v34, $0x1;
	v5, _, _ =	vpop @!p1 (xrf0);
	[tilespmem:$0x1FF80] =	vst v0;
	v0 =	vsub.s32 @!p1 v1, v26  }
0xff: {  	s0 =	simm.s32 @!p3 $0x0;
	v2 =	vsub.s32 @!p3 v6, v33;
	v0 =	vadd.s32 @!p1 v5, v0;
	p1 =	seq.s32 s31, $0x1;
	s31 =	sld [smem:$0x7C1];
	v1, _, _ =	vpop @!p3 (xrf0)  }
0x100: {  	s0 =	simm.s32 @p3 $0x1;
	v3 =	vsub.s32 @!p2 v7, v39;
	[tilespmem:$0x1FF90] =	vst v0;
	v4, _, _ =	vpop @!p2 (xrf0);
	v0 =	vadd.s32 @!p3 v1, v2  }
0x101: {  	[smem:$0x7F1] =	sst s0;
	s0 =	simm.s32 @!p2 $0x0;
	(xrf0) =	vadd.scan.msk.s32 @!p0 $0xffff, v35;
	[tilespmem:$0x1FFA0] =	vst v0;
	v0 =	vadd.s32 @!p2 v4, v3  }
0x102: {  	s0 =	simm.s32 @p2 $0x1;
	p2 =	seq.s32 s31, $0x1;
	s31 =	sld [smem:$0x7C2];
	[tilespmem:$0x1FFB0] =	vst v0;
	v0 =	vld [tilespmem:$0x1F9D0]  }
0x103: {  	_ =	sdelay $0x1  }
0x104: {  	v6 =	vbroadcast @!p0 v34, $0x2;
	p3 =	seq.s32 s31, $0x1;
	s31 =	sld [smem:$0x7C3];
	_ =	sdelay $0x1  }
0x105: {  	v2 =	vsub.s32 @!p0 v6, v35;
	v3, _, _ =	vpop @!p0 (xrf0);
	v0 =	vmul.u32 @!p1 $0x200, v0  }
0x106: {  	v2 =	vadd.s32 @!p0 v3, v2;
	p0 =	seq.s32 s31, $0x1  }
0x107: {  	v3 =	vmul.u32 @!p0 $0x200, v25;
	v25 =	vor.u32 @!p1 s30, v0;
	v0 =	vld [tilespmem:$0x1FA00]  }
0x108: {  	s31 =	sld [smem:$0x7C4];
	_ =	sdelay $0x2  }
0x109: {  	v1 =	vld [tilespmem:$0x1F9E0];
	p1 =	seq.s32 s31, $0x1  }
0x10a: {  	v4 =	vmul.u32 @!p1 $0x200, v0;
	v0 =	vld [tilespmem:$0x1FA10]  }
0x10b: {  	[tilespmem:$0x1FFD0] =	vst v2;
	v2 =	vld [tilespmem:$0x1F9F0];
	s31 =	sld [smem:$0x7C5];
	_ =	sdelay $0x1  }
0x10c: {  	s30 =	sadd.s32 @!p0 $0xFFFFFFC4, s28  }
0x10d: {  	v3 =	vor.u32 @!p0 s30, v3;
	p0 =	seq.s32 s31, $0x1  }
0x10e: {  	[smem:$0x7F2] =	sst s0;
	v1 =	vmul.u32 @!p2 $0x200, v1;
	v5 =	vmul.u32 @!p0 $0x200, v0;
	v0 =	vld [tilespmem:$0x1FA20]  }
0x10f: {  	s0 =	sadd.s32 @!p2 $0xFFFFFFC2, s28;
	v2 =	vmul.u32 @!p3 $0x200, v2;
	s31 =	sld [smem:$0x7C6]  }
0x110: {  	v1 =	vor.u32 @!p2 s0, v1;
	s0 =	sadd.s32 @!p3 $0xFFFFFFC3, s28  }
0x111: {  	v2 =	vor.u32 @!p3 s0, v2;
	s0 =	sadd.s32 @!p1 $0xFFFFFFC5, s28  }
0x112: {  	v4 =	vor.u32 @!p1 s0, v4;
	p1 =	seq.s32 s31, $0x1  }
0x113: {  	v6 =	vmul.u32 @!p1 $0x200, v0;
	v0 =	vld [tilespmem:$0x1FA30]  }
0x114: {  	s31 =	sld [smem:$0x7C7];
	_ =	sdelay $0x2  }
0x115: {  	p2 =	seq.s32 s31, $0x1  }
0x116: {  	v7 =	vmul.u32 @!p2 $0x200, v0;
	v0 =	vld [tilespmem:$0x1FA40]  }
0x117: {  	s31 =	sld [smem:$0x7C8];
	_ =	sdelay $0x1  }
0x118: {  	s0 =	sadd.s32 @!p0 $0xFFFFFFC6, s28  }
0x119: {  	v5 =	vor.u32 @!p0 s0, v5;
	s0 =	sadd.s32 @!p1 $0xFFFFFFC7, s28;
	p0 =	por p1, p1;
	p1 =	seq.s32 s31, $0x1  }
0x11a: {  	s31 =	sld [smem:$0x7C9];
	v8 =	vmul.u32 @!p1 $0x200, v0;
	v0 =	vld [tilespmem:$0x1FA50];
	_ =	sdelay $0x2  }
0x11b: {  	p4 =	seq.s32 s31, $0x1;
	s31 =	sld [smem:$0x7CA];
	_ =	sdelay $0x1  }
0x11c: {  	v9 =	vmul.u32 @!p4 $0x200, v0;
	v0 =	vld [tilespmem:$0x1FA60]  }
0x11d: {  	v6 =	vor.u32 @!p0 s0, v6;
	p0 =	seq.s32 s31, $0x1;
	s31 =	sld [smem:$0x7CB];
	_ =	sdelay $0x1  }
0x11e: {  	s0 =	sadd.s32 @!p1 $0xFFFFFFC9, s28  }
0x11f: {  	v8 =	vor.u32 @!p1 s0, v8;
	p1 =	seq.s32 s31, $0x1;
	s31 =	sld [smem:$0x7CC]  }
0x120: {  	v10 =	vmul.u32 @!p0 $0x200, v0  }
0x121: {  	s0 =	sadd.s32 @!p0 $0xFFFFFFCB, s28;
	v0 =	vld [tilespmem:$0x1FA70]  }
0x122: {  	v10 =	vor.u32 @!p0 s0, v10;
	p0 =	seq.s32 s31, $0x1;
	s31 =	sld [smem:$0x7CD];
	_ =	sdelay $0x1  }
0x123: {  	s30 =	sadd.s32 @!p2 $0xFFFFFFC8, s28  }
0x124: {  	v7 =	vor.u32 @!p2 s30, v7;
	p2 =	seq.s32 s31, $0x1;
	s31 =	sld [smem:$0x7CE]  }
0x125: {  	s30 =	sadd.s32 @!p4 $0xFFFFFFCA, s28;
	v11 =	vmul.u32 @!p1 $0x200, v0  }
0x126: {  	v9 =	vor.u32 @!p4 s30, v9;
	s0 =	sadd.s32 @!p1 $0xFFFFFFCC, s28;
	s30 =	sadd.s32 @!p2 $0xFFFFFFCE, s28  }
0x127: {  	v13 =	vmul.u32 @!p2 $0x200, v13;
	v11 =	vor.u32 @!p1 s0, v11;
	p1 =	por p2, p2;
	p2 =	seq.s32 s31, $0x1;
	s31 =	sld [smem:$0x7CF]  }
0x128: {  	_ =	sdelay $0x1  }
0x129: {  	p5 =	seq.s32 s31, $0x1;
	s31 =	sld [smem:$0x7D0];
	_ =	sdelay $0x2  }
0x12a: {  	p3 =	seq.s32 s31, $0x1;
	s31 =	sld [smem:$0x7D1];
	_ =	sdelay $0x2  }
0x12b: {  	p4 =	seq.s32 s31, $0x1;
	s31 =	sld [smem:$0x7D2];
	_ =	sdelay $0x2  }
0x12c: {  	p6 =	seq.s32 s31, $0x1;
	s31 =	sld [smem:$0x7D3]  }
0x12d: {  	v15 =	vmul.u32 @!p5 $0x200, v15  }
0x12e: {  	v13 =	vor.u32 @!p1 s30, v13;
	s30 =	sadd.s32 @!p5 $0xFFFFFFD0, s28  }
0x12f: {  	v12 =	vmul.u32 @!p0 $0x200, v12;
	v15 =	vor.u32 @!p5 s30, v15;
	p5 =	seq.s32 s31, $0x1;
	s31 =	sld [smem:$0x7D4]  }
0x130: {  	s0 =	sadd.s32 @!p0 $0xFFFFFFCD, s28;
	v14 =	vmul.u32 @!p2 $0x200, v14  }
0x131: {  	v12 =	vor.u32 @!p0 s0, v12;
	s0 =	sadd.s32 @!p2 $0xFFFFFFCF, s28  }
0x132: {  	v14 =	vor.u32 @!p2 s0, v14;
	p2 =	seq.s32 s31, $0x1;
	s31 =	sld [smem:$0x7D5];
	_ =	sdelay $0x2  }
0x133: {  	p0 =	seq.s32 s31, $0x1;
	s31 =	sld [smem:$0x7D6];
	_ =	sdelay $0x1  }
0x134: {  	v16 =	vmul.u32 @!p3 $0x200, v16  }
0x135: {  	s0 =	sadd.s32 $0xFFFFFFD1, s28;
	v17 =	vmul.u32 @!p4 $0x200, v17;
	v20 =	vmul.u32 @!p5 $0x200, v20;
	p1 =	seq.s32 s31, $0x1;
	s31 =	sld [smem:$0x7D7]  }
0x136: {  	v16 =	vor.u32 @!p3 s0, v16;
	s0 =	sadd.s32 @!p4 $0xFFFFFFD2, s28;
	v18 =	vmul.u32 @!p6 $0x200, v18;
	s30 =	sadd.s32 @!p5 $0xFFFFFFD4, s28;
	v22 =	vmul.u32 @!p0 $0x200, v22  }
0x137: {  	v17 =	vor.u32 @!p4 s0, v17;
	s0 =	sadd.s32 @!p6 $0xFFFFFFD3, s28;
	v20 =	vor.u32 @!p5 s30, v20;
	v21 =	vmul.u32 @!p2 $0x200, v21;
	s30 =	sadd.s32 @!p0 $0xFFFFFFD6, s28  }
0x138: {  	v18 =	vor.u32 @!p6 s0, v18;
	s0 =	sadd.s32 @!p2 $0xFFFFFFD5, s28;
	v22 =	vor.u32 @!p0 s30, v22;
	v23 =	vmul.u32 @!p1 $0x200, v23;
	p0 =	seq.s32 s31, $0x1;
	s31 =	sld [smem:$0x7D8]  }
0x139: {  	v21 =	vor.u32 @!p2 s0, v21;
	s0 =	sadd.s32 @!p1 $0xFFFFFFD7, s28  }
0x13a: {  	v23 =	vor.u32 @!p1 s0, v23;
	s0 =	sadd.s32 @!p0 $0xFFFFFFD8, s28  }
0x13b: {  	v24 =	vmul.u32 @!p0 $0x200, v24;
	p1 =	por p0, p0;
	p0 =	seq.s32 s31, $0x1;
	s31 =	sld [smem:$0x7D9]  }
0x13c: {  	_ =	sdelay $0x1  }
0x13d: {  	p5 =	seq.s32 s31, $0x1;
	s31 =	sld [smem:$0x7DA];
	_ =	sdelay $0x2  }
0x13e: {  	v24 =	vor.u32 @!p1 s0, v24;
	p1 =	seq.s32 s31, $0x1;
	s31 =	sld [smem:$0x7DB];
	_ =	sdelay $0x2  }
0x13f: {  	vm0 =	veq.s32 @!p3 v43, $0x1;
	v43 =	vld [tilespmem:$0x1FA90];
	v27 =	vmul.u32 @!p0 $0x200, v27;
	p2 =	seq.s32 s31, $0x1;
	s31 =	sld [smem:$0x7DC]  }
0x140: {  	s0 =	sadd.s32 @!p0 $0xFFFFFFD9, s28;
	v36 =	vmul.u32 @!p5 $0x200, v36  }
0x141: {  	v27 =	vor.u32 @!p0 s0, v27;
	s30 =	sadd.s32 @!p5 $0xFFFFFFDA, s28;
	p0 =	por p2, p2  }
0x142: {  	v36 =	vor.u32 @!p5 s30, v36;
	v38 =	vmul.u32 @!p2 $0x200, v38;
	s30 =	sadd.s32 @!p2 $0xFFFFFFDC, s28;
	p2 =	seq.s32 s31, $0x1;
	s31 =	sld [smem:$0x7C0]  }
0x143: {  	_ =	sdelay $0x1  }
0x144: {  	p5 =	seq.s32 s31, $0x1  }
0x145: {  	s31 =	simm.s32 @!p5 $0x800  }
0x146: {  	[tilespmem:v43+s31+$0x0] =	vst.idx.msk @!p5 vm5, v25;
	v25 =	vld [tilespmem:$0x1FAB0];
	_ =	sdelay $0x4  }
0x147: {  	vm5 =	veq.s32 @!p4 v25, $0x1;
	v25 =	vld [tilespmem:$0x1FAC0];
	_ =	sdelay $0x1  }
0x148: {  	v0 =	vld [tilespmem:$0x1FA80]  }
0x149: {  	s31 =	sld [smem:$0x7C1]  }
0x14a: {  	v37 =	vmul.u32 @!p1 $0x200, v37  }
0x14b: {  	s0 =	sadd.s32 @!p1 $0xFFFFFFDB, s28  }
0x14c: {  	v37 =	vor.u32 @!p1 s0, v37;
	p1 =	seq.s32 s31, $0x1;
	s31 =	sld [smem:$0x7DE]  }
0x14d: {  	v38 =	vor.u32 @!p0 s30, v38;
	v0 =	vmul.u32 @!p2 $0x200, v0;
	s30 =	simm.s32 @!p1 $0x800  }
0x14e: {  	s0 =	sadd.s32 @!p2 $0xFFFFFFDD, s28;
	[tilespmem:v25+s30+$0x0] =	vst.idx.msk @!p1 vm6, v1;
	vm6 =	veq.s32 @!p6 v45, $0x1;
	v45 =	vld [tilespmem:$0x1FAF0]  }
0x14f: {  	v43 =	vor.u32 @!p2 s0, v0;
	p2 =	seq.s32 s31, $0x1;
	s31 =	sld [smem:$0x7DF];
	_ =	sdelay $0x1  }
0x150: {  	s30 =	sld [smem:$0x7C2]  }
0x151: {  	p0 =	seq.s32 s31, $0x1;
	s31 =	sld [smem:$0x7E0]  }
0x152: {  	v0 =	vld [tilespmem:$0x1FAA0]  }
0x153: {  	p3 =	seq.s32 s30, $0x1  }
0x154: {  	p1 =	seq.s32 s31, $0x1;
	v25 =	vld [tilespmem:$0x1FAE0];
	s31 =	sld [smem:$0x7C3];
	s0 =	simm.s32 @!p3 $0x800  }
0x155: {  	v1 =	vld [tilespmem:$0x1FAD0];
	[tilespmem:v45+s0+$0x0] =	vst.idx.msk @!p3 vm3, v2;
	[smem:$0x7DD] =	sst s1  }
0x156: {  	s1 =	sld [smem:$0x7E1]  }
0x157: {  	v0 =	vmul.u32 @!p2 $0x200, v0  }
0x158: {  	s30 =	sadd.s32 @!p2 $0xFFFFFFDE, s28;
	p4 =	seq.s32 s31, $0x1;
	s31 =	sadd.s32 @!p1 $0xFFFFFFE0, s28  }
0x159: {  	v25 =	vmul.u32 @!p1 $0x200, v25;
	v45 =	vor.u32 @!p2 s30, v0;
	p2 =	por p1, p1;
	p1 =	seq.s32 s1, $0x1;
	s1 =	sld [smem:$0x7DD]  }
0x15a: {  	_ =	sdelay $0x1  }
0x15b: {  	v0 =	vld [tilespmem:$0x1FB00];
	[smem:$0x7DD] =	sst s1  }
0x15c: {  	s1 =	sld [smem:$0x7D3];
	_ =	sdelay $0x2  }
0x15d: {  	p3 =	seq.s32 s1, $0x1;
	s1 =	sld [smem:$0x7DD];
	v2 =	vld [tilespmem:$0x1FB10];
	_ =	sdelay $0x4  }
0x15e: {  	v1 =	vmul.u32 @!p0 $0x200, v1  }
0x15f: {  	s30 =	sadd.s32 @!p0 $0xFFFFFFDF, s28  }
0x160: {  	s0 =	simm.s32 @!p4 $0x800;
	vm1 =	veq.s32 @!p3 v53, $0x1;
	v53 =	vor.u32 @!p0 s30, v1;
	v1 =	vor.u32 @!p2 s31, v25;
	s31 =	sld [smem:$0x7D4]  }
0x161: {  	[tilespmem:v2+s0+$0x0] =	vst.idx.msk @!p4 vm2, v3;
	v2 =	vld [tilespmem:$0x1FB20];
	_ =	sdelay $0x1  }
0x162: {  	p0 =	seq.s32 s31, $0x1;
	s31 =	sld [smem:$0x7C5]  }
0x163: {  	s0 =	sld [smem:$0x7C4];
	_ =	sdelay $0x2  }
0x164: {  	p2 =	seq.s32 s31, $0x1;
	s31 =	sld [smem:$0x7E2];
	p3 =	seq.s32 s0, $0x1  }
0x165: {  	s0 =	simm.s32 @!p3 $0x800  }
0x166: {  	[tilespmem:v2+s0+$0x0] =	vst.idx.msk @!p3 vm7, v4;
	v2 =	vld [tilespmem:$0x1FB40]  }
0x167: {  	vm2 =	veq.s32 @!p0 v54, $0x1;
	p0 =	seq.s32 s31, $0x1;
	s31 =	sld [smem:$0x7D5]  }
0x168: {  	v0 =	vmul.u32 @!p1 $0x200, v0  }
0x169: {  	s30 =	sadd.s32 $0xFFFFFFE1, s28  }
0x16a: {  	v54 =	vor.u32 @!p1 s30, v0;
	p1 =	seq.s32 s31, $0x1  }
0x16b: {  	vm7 =	veq.s32 @!p1 v2, $0x1;
	v2 =	vld [tilespmem:$0x1FB50];
	_ =	sdelay $0x1  }
0x16c: {  	s31 =	sld [smem:$0x7E3]  }
0x16d: {  	v0 =	vld [tilespmem:$0x1FB30]  }
0x16e: {  	s30 =	sld [smem:$0x7C6];
	v4 =	vld [tilespmem:$0x1FB80]  }
0x16f: {  	p1 =	seq.s32 s31, $0x1;
	s31 =	sld [smem:$0x7E4];
	_ =	sdelay $0x1  }
0x170: {  	p4 =	seq.s32 s30, $0x1;
	s30 =	sadd.s32 @!p0 $0xFFFFFFE2, s28;
	s0 =	simm.s32 @!p2 $0x800  }
0x171: {  	v0 =	vmul.u32 @!p0 $0x200, v0;
	[tilespmem:v2+s0+$0x0] =	vst.idx.msk @!p2 vm8, v5;
	p2 =	por p0, p0;
	p0 =	seq.s32 s31, $0x1;
	s31 =	sld [smem:$0x7D6]  }
0x172: {  	_ = 	snop  }
0x173: {  	v3 =	vld [tilespmem:$0x1FB70]  }
0x174: {  	s0 =	simm.s32 @!p4 $0x800;
	v2 =	vld [tilespmem:$0x1FB60];
	p3 =	seq.s32 s31, $0x1;
	s31 =	sld [smem:$0x7C7]  }
0x175: {  	(v2sf) =	vpush v19, $0x3;
	[tilespmem:v4+s0+$0x0] =	vst.idx.msk @!p4 vm11, v6;
	v5 =	vor.u32 @!p2 s30, v0;
	v0 =	vld [tilespmem:$0x1FB90];
	[smem:$0x7DD] =	sst s1  }
0x176: {  	s1 =	sld [smem:$0x7D7];
	_ =	sdelay $0x2  }
0x177: {  	p2 =	seq.s32 s1, $0x1  }
0x178: {  	s1 =	sld [smem:$0x7DD];
	vm3 =	veq.s32 @!p2 v0, $0x1;
	v0 =	vld [tilespmem:$0x1FBA0];
	_ =	sdelay $0x5  }
0x179: {  	v3 =	vmul.u32 @!p0 $0x200, v3;
	vm8 =	veq.s32 @!p3 v59, $0x1;
	p3 =	seq.s32 s31, $0x1  }
0x17a: {  	s31 =	sadd.s32 @!p0 $0xFFFFFFE4, s28;
	s0 =	simm.s32 @!p3 $0x800  }
0x17b: {  	[tilespmem:v0+s0+$0x0] =	vst.idx.msk @!p3 vm4, v7;
	v7 =	vor.u32 @!p0 s31, v3;
	s31 =	sld [smem:$0x7D8];
	v0 =	vld [tilespmem:$0x1FBB0];
	_ =	sdelay $0x1  }
0x17c: {  	s0 =	sld [smem:$0x7C8];
	v3 =	vld [tilespmem:$0x1FBE0]  }
0x17d: {  	v2 =	vmul.u32 @!p1 $0x200, v2;
	p0 =	seq.s32 s31, $0x1;
	s31 =	sld [smem:$0x7E5]  }
0x17e: {  	s30 =	sadd.s32 @!p1 $0xFFFFFFE3, s28  }
0x17f: {  	v59 =	vor.u32 @!p1 s30, v2;
	s30 =	sld [smem:$0x7C9]  }
0x180: {  	p2 =	seq.s32 s0, $0x1;
	p5 =	seq.s32 s31, $0x1;
	s31 =	sld [smem:$0x7E6]  }
0x181: {  	s0 =	simm.s32 @!p2 $0x800  }
0x182: {  	[tilespmem:v0+s0+$0x0] =	vst.idx.msk @!p2 vm12, v8;
	p2 =	seq.s32 s30, $0x1;
	s30 =	sld [smem:$0x7CA]  }
0x183: {  	v2 =	vld [tilespmem:$0x1FBD0];
	s0 =	simm.s32 @!p2 $0x800;
	p6 =	seq.s32 s31, $0x1;
	s31 =	sld [smem:$0x7D9]  }
0x184: {  	v0 =	vld [tilespmem:$0x1FBC0];
	[tilespmem:v3+s0+$0x0] =	vst.idx.msk @!p2 vm9, v9;
	[smem:$0x7DD] =	sst s1  }
0x185: {  	s1 =	sld [smem:$0x7E7];
	_ =	sdelay $0x1  }
0x186: {  	p1 =	seq.s32 s31, $0x1  }
0x187: {  	vm12 =	veq.s32 @!p1 v62, $0x1;
	p1 =	seq.s32 s1, $0x1;
	s1 =	sld [smem:$0x7DD];
	_ =	sdelay $0x2  }
0x188: {  	v3 =	vld [tilespmem:$0x1FBF0];
	(v2sf) =	vpush v19, $0x4;
	[smem:$0x7DD] =	sst s1  }
0x189: {  	s1 =	sld [smem:$0x7DA];
	_ =	sdelay $0x2  }
0x18a: {  	p2 =	seq.s32 s1, $0x1;
	s1 =	sld [smem:$0x7DD];
	v4 =	vld [tilespmem:$0x1FC00];
	_ =	sdelay $0x2  }
0x18b: {  	v0 =	vmul.u32 @!p5 $0x200, v0  }
0x18c: {  	p3 =	seq.s32 s30, $0x1;
	s30 =	sadd.s32 @!p5 $0xFFFFFFE5, s28  }
0x18d: {  	v2 =	vmul.u32 @!p6 $0x200, v2;
	v8 =	vor.u32 @!p5 s30, v0;
	v0 =	vld [tilespmem:$0x1FC10]  }
0x18e: {  	s31 =	sadd.s32 @!p6 $0xFFFFFFE6, s28  }
0x18f: {  	s0 =	simm.s32 @!p3 $0x800;
	v9 =	vor.u32 @!p6 s31, v2;
	s31 =	sld [smem:$0x7DB]  }
0x190: {  	[tilespmem:v4+s0+$0x0] =	vst.idx.msk @!p3 vm10, v10;
	s0 =	sld [smem:$0x7CB];
	_ =	sdelay $0x1  }
0x191: {  	vm4 =	veq.s32 @!p0 v63, $0x1;
	p0 =	seq.s32 s31, $0x1;
	s31 =	sld [smem:$0x7CC]  }
0x192: {  	vm9 =	veq.s32 @!p2 v61, $0x1;
	p2 =	seq.s32 s0, $0x1  }
0x193: {  	s0 =	simm.s32 @!p2 $0x800  }
0x194: {  	[tilespmem:v0+s0+$0x0] =	vst.idx.msk @!p2 vm14, v11;
	p2 =	seq.s32 s31, $0x1;
	s31 =	sld [smem:$0x7E8]  }
0x195: {  	v3 =	vmul.u32 @!p1 $0x200, v3;
	v2 =	vld [tilespmem:$0x1FC30]  }
0x196: {  	s30 =	sadd.s32 @!p1 $0xFFFFFFE7, s28  }
0x197: {  	vm10 =	veq.s32 @!p0 v56, $0x1;
	v56 =	vor.u32 @!p1 s30, v3;
	p1 =	seq.s32 s31, $0x1;
	s31 =	sld [smem:$0x7DC];
	_ =	sdelay $0x2  }
0x198: {  	p0 =	seq.s32 s31, $0x1;
	s31 =	sld [smem:$0x7E9];
	_ =	sdelay $0x1  }
0x199: {  	s0 =	simm.s32 @!p2 $0x800  }
0x19a: {  	[tilespmem:v2+s0+$0x0] =	vst.idx.msk @!p2 vm13, v12;
	p2 =	seq.s32 s31, $0x1;
	s31 =	sld [smem:$0x7EA];
	_ =	sdelay $0x2  }
0x19b: {  	vm11 =	veq.s32 @!p0 v55, $0x1;
	p0 =	seq.s32 s31, $0x1;
	s31 =	sld [smem:$0x7DE];
	_ =	sdelay $0x2  }
0x19c: {  	v12 =	vld [tilespmem:$0x1FC60];
	p3 =	seq.s32 s31, $0x1  }
0x19d: {  	v11 =	vimm.s32 $0x0;
	vm13 =	veq.s32 @!p3 v57, $0x1  }
0x19e: {  	v4 =	vsel vm13, $0xFFFFFFFF, v11  }
0x19f: {  	[tilespmem:$0x1FE20] =	vst v4;
	v4 =	vld [tilespmem:$0x1FC70];
	_ =	sdelay $0x1  }
0x1a0: {  	vm13 =	vnez.u8 v12  }
0x1a1: {  	s30 =	sld [smem:$0x7CD];
	_ =	sdelay $0x1  }
0x1a2: {  	v0 =	vld [tilespmem:$0x1FC20]  }
0x1a3: {  	p4 =	seq.s32 s30, $0x1  }
0x1a4: {  	v3 =	vld [tilespmem:$0x1FC50];
	s0 =	simm.s32 @!p4 $0x800;
	s31 =	sld [smem:$0x7CE]  }
0x1a5: {  	(v2sf) =	vpush v19, $0x5;
	v2 =	vld [tilespmem:$0x1FC40];
	[tilespmem:v4+s0+$0x0] =	vst.idx.msk @!p4 vm13, v13;
	[smem:$0x7DD] =	sst s1  }
0x1a6: {  	s1 =	sld [smem:$0x7DF]  }
0x1a7: {  	v0 =	vmul.u32 @!p1 $0x200, v0  }
0x1a8: {  	s30 =	sadd.s32 @!p1 $0xFFFFFFE8, s28  }
0x1a9: {  	v55 =	vor.u32 @!p1 s30, v0;
	p1 =	seq.s32 s1, $0x1;
	s1 =	sld [smem:$0x7DD];
	v0 =	vld [tilespmem:$0x1FC80];
	_ =	sdelay $0x5  }
0x1aa: {  	p3 =	seq.s32 s31, $0x1  }
0x1ab: {  	s0 =	simm.s32 @!p3 $0x800  }
0x1ac: {  	v3 =	vmul.u32 @!p0 $0x200, v3;
	[tilespmem:v0+s0+$0x0] =	vst.idx.msk @!p3 vm15, v14;
	v14 =	vld [tilespmem:$0x1FC90]  }
0x1ad: {  	s31 =	sadd.s32 @!p0 $0xFFFFFFEA, s28  }
0x1ae: {  	vm13 =	veq.s32 @!p1 v52, $0x1;
	v52 =	vor.u32 @!p0 s31, v3;
	s31 =	sld [smem:$0x7E0]  }
0x1af: {  	v0 =	vld [tilespmem:$0x1FCA0];
	_ =	sdelay $0x1  }
0x1b0: {  	p0 =	seq.s32 s31, $0x1;
	s31 =	sld [smem:$0x7EB];
	vm14 =	vnez.u8 v14  }
0x1b1: {  	s0 =	sld [smem:$0x7CF];
	_ =	sdelay $0x1  }
0x1b2: {  	p3 =	seq.s32 s31, $0x1;
	s31 =	sld [smem:$0x7EC]  }
0x1b3: {  	p1 =	seq.s32 s0, $0x1  }
0x1b4: {  	s0 =	simm.s32 @!p1 $0x800  }
0x1b5: {  	[tilespmem:v0+s0+$0x0] =	vst.idx.msk @!p1 vm14, v15;
	p1 =	seq.s32 s31, $0x1;
	s31 =	sld [smem:$0x7E1];
	_ =	sdelay $0x2  }
0x1b6: {  	vm15 =	veq.s32 @!p0 v51, $0x1;
	p0 =	seq.s32 s31, $0x1  }
0x1b7: {  	v15 =	vimm.s32 $0x0;
	vm14 =	veq.s32 @!p0 v60, $0x1  }
0x1b8: {  	v3 =	vsel vm14, $0xFFFFFFFF, v15  }
0x1b9: {  	[tilespmem:$0x1FE60] =	vst v3;
	v3 =	vld [tilespmem:$0x1FCD0]  }
0x1ba: {  	v2 =	vmul.u32 @!p2 $0x200, v2  }
0x1bb: {  	s30 =	sadd.s32 @!p2 $0xFFFFFFE9, s28  }
0x1bc: {  	v57 =	vor.u32 @!p2 s30, v2;
	s30 =	sld [smem:$0x7D0];
	_ =	sdelay $0x2  }
0x1bd: {  	p2 =	seq.s32 s30, $0x1  }
0x1be: {  	v2 =	vld [tilespmem:$0x1FCC0];
	s30 =	sld [smem:$0x7D1];
	s0 =	simm.s32 @!p2 $0x800  }
0x1bf: {  	v0 =	vld [tilespmem:$0x1FCB0];
	[tilespmem:v3+s0+$0x0] =	vst.idx.msk @!p2 vm0, v16;
	[smem:$0x7DD] =	sst s1  }
0x1c0: {  	s1 =	sld [smem:$0x7ED];
	_ =	sdelay $0x2  }
0x1c1: {  	p0 =	seq.s32 s1, $0x1;
	s1 =	sld [smem:$0x7DD];
	_ =	sdelay $0x2  }
0x1c2: {  	v3 =	vld [tilespmem:$0x1FCE0];
	(v2sf) =	vpush v19, $0x6;
	[smem:$0x7DD] =	sst s1  }
0x1c3: {  	s1 =	sld [smem:$0x7E2];
	_ =	sdelay $0x2  }
0x1c4: {  	p4 =	seq.s32 s1, $0x1;
	s1 =	sld [smem:$0x7DD];
	v4 =	vld [tilespmem:$0x1FCF0];
	_ =	sdelay $0x2  }
0x1c5: {  	v0 =	vmul.u32 @!p3 $0x200, v0  }
0x1c6: {  	p2 =	seq.s32 s30, $0x1;
	s30 =	sadd.s32 @!p3 $0xFFFFFFEB, s28  }
0x1c7: {  	v2 =	vmul.u32 @!p1 $0x200, v2;
	v51 =	vor.u32 @!p3 s30, v0;
	v0 =	vld [tilespmem:$0x1FD00]  }
0x1c8: {  	s31 =	sadd.s32 @!p1 $0xFFFFFFEC, s28  }
0x1c9: {  	v60 =	vor.u32 @!p1 s31, v2;
	s0 =	simm.s32 @!p2 $0x800;
	s31 =	sld [smem:$0x7E3]  }
0x1ca: {  	[tilespmem:v4+s0+$0x0] =	vst.idx.msk @!p2 vm5, v17;
	s0 =	sld [smem:$0x7D2];
	_ =	sdelay $0x1  }
0x1cb: {  	p1 =	seq.s32 s31, $0x1;
	s31 =	sld [smem:$0x7D3]  }
0x1cc: {  	p2 =	seq.s32 s0, $0x1  }
0x1cd: {  	s0 =	simm.s32 @!p2 $0x800  }
0x1ce: {  	[tilespmem:v0+s0+$0x0] =	vst.idx.msk @!p2 vm6, v18;
	p2 =	seq.s32 s31, $0x1;
	s31 =	sld [smem:$0x7EE]  }
0x1cf: {  	v3 =	vmul.u32 @!p0 $0x200, v3  }
0x1d0: {  	s30 =	sadd.s32 @!p0 $0xFFFFFFED, s28  }
0x1d1: {  	vm0 =	veq.s32 @!p4 v49, $0x1;
	v49 =	vor.u32 @!p0 s30, v3;
	p0 =	seq.s32 s31, $0x1;
	s31 =	sld [smem:$0x7E4];
	_ =	sdelay $0x2  }
0x1d2: {  	vm5 =	veq.s32 @!p1 v58, $0x1;
	p1 =	seq.s32 s31, $0x1  }
0x1d3: {  	v25 =	vimm.s32 $0x0;
	vm6 =	veq.s32 @!p1 v47, $0x1  }
0x1d4: {  	v2 =	vsel vm6, $0xFFFFFFFF, v25  }
0x1d5: {  	[tilespmem:$0x1FEA0] =	vst v2;
	v2 =	vld [tilespmem:$0x1FD20];
	_ =	sdelay $0x1  }
0x1d6: {  	v0 =	vld [tilespmem:$0x1FD10];
	_ =	sdelay $0x2  }
0x1d7: {  	s30 =	sld [smem:$0x7D4]  }
0x1d8: {  	s31 =	sld [smem:$0x7EF]  }
0x1d9: {  	v4 =	vld [tilespmem:$0x1FD50];
	s0 =	simm.s32 @!p2 $0x800;
	v0 =	vmul.u32 @!p0 $0x200, v0  }
0x1da: {  	[tilespmem:v2+s0+$0x0] =	vst.idx.msk @!p2 vm1, v20;
	p2 =	seq.s32 s30, $0x1;
	s30 =	sadd.s32 @!p0 $0xFFFFFFEE, s28  }
0x1db: {  	p4 =	por p3, p3;
	p3 =	seq.s32 s31, $0x1;
	s31 =	sld [smem:$0x7F0];
	v16 =	vor.u32 @!p0 s30, v0;
	v0 =	vld [tilespmem:$0x1FD60]  }
0x1dc: {  	_ =	sdelay $0x1  }
0x1dd: {  	v3 =	vld [tilespmem:$0x1FD40];
	p1 =	seq.s32 s31, $0x1;
	s31 =	sld [smem:$0x7D5];
	_ =	sdelay $0x1  }
0x1de: {  	s0 =	simm.s32 @!p2 $0x800  }
0x1df: {  	[tilespmem:v4+s0+$0x0] =	vst.idx.msk @!p2 vm2, v21;
	p2 =	seq.s32 s31, $0x1  }
0x1e0: {  	s0 =	simm.s32 @!p2 $0x800  }
0x1e1: {  	v3 =	vmul.u32 @!p1 $0x200, v3;
	[tilespmem:v0+s0+$0x0] =	vst.idx.msk @!p2 vm7, v22;
	v0 =	vld [tilespmem:$0x1FD70]  }
0x1e2: {  	s31 =	sadd.s32 @!p1 $0xFFFFFFF0, s28  }
0x1e3: {  	v13 =	vor.u32 @!p1 s31, v3;
	s31 =	sld [smem:$0x7E7]  }
0x1e4: {  	s0 =	sld [smem:$0x7D6]  }
0x1e5: {  	v2 =	vld [tilespmem:$0x1FD30]  }
0x1e6: {  	p1 =	seq.s32 s31, $0x1;
	s31 =	sld [smem:$0x7D7]  }
0x1e7: {  	p0 =	seq.s32 s0, $0x1  }
0x1e8: {  	s0 =	simm.s32 @!p0 $0x800  }
0x1e9: {  	[tilespmem:v0+s0+$0x0] =	vst.idx.msk @!p0 vm8, v23;
	p0 =	seq.s32 s31, $0x1;
	s31 =	sld [smem:$0x7F1]  }
0x1ea: {  	v2 =	vmul.u32 @!p3 $0x200, v2  }
0x1eb: {  	s30 =	sadd.s32 @!p3 $0xFFFFFFEF, s28  }
0x1ec: {  	v15 =	vor.u32 @!p3 s30, v2;
	p3 =	seq.s32 s31, $0x1;
	s31 =	sld [smem:$0x7F2]  }
0x1ed: {  	v3 =	vld [tilespmem:$0x1FDA0];
	_ =	sdelay $0x1  }
0x1ee: {  	p2 =	seq.s32 s31, $0x1;
	s31 =	sld [smem:$0x7E8];
	_ =	sdelay $0x2  }
0x1ef: {  	vm1 =	veq.s32 @!p1 v42, $0x1;
	p1 =	seq.s32 s31, $0x1;
	s31 =	sld [smem:$0x7E9];
	_ =	sdelay $0x1  }
0x1f0: {  	s0 =	simm.s32 @!p0 $0x800  }
0x1f1: {  	[tilespmem:v3+s0+$0x0] =	vst.idx.msk @!p0 vm3, v24;
	p0 =	seq.s32 s31, $0x1  }
0x1f2: {  	vm3 =	veq.s32 @!p0 v40, $0x1;
	v40 =	vimm.s32 $0x0  }
0x1f3: {  	v4 =	vsel vm3, $0xFFFFFFFF, v40  }
0x1f4: {  	[tilespmem:$0x1FF00] =	vst v4;
	v4 =	vld [tilespmem:$0x1FDB0];
	_ =	sdelay $0x1  }
0x1f5: {  	s30 =	spop (v2sf)  }
0x1f6: {  	vm6 =	veq.s32 @!p5 v46, $0x1;
	p5 =	seq.s32 s30, $0x0;
	s30 =	sld [smem:$0x7D8];
	_ =	sdelay $0x1  }
0x1f7: {  	v0 =	vld [tilespmem:$0x1FD80];
	s31 =	sld [smem:$0x7D9]  }
0x1f8: {  	vm2 =	veq.s32 @!p1 v44, $0x1;
	p1 =	seq.s32 s30, $0x1  }
0x1f9: {  	(v2sf) =	vpush v19, $0x7;
	s0 =	simm.s32 @!p1 $0x800  }
0x1fa: {  	(v2sf) =	vpush v19, $0x8;
	v2 =	vld [tilespmem:$0x1FD90];
	[tilespmem:v4+s0+$0x0] =	vst.idx.msk @!p1 vm4, v27;
	p1 =	seq.s32 s31, $0x1;
	s31 =	spop (v2sf);
	[smem:$0x7DD] =	sst s1  }
0x1fb: {  	s1 =	sld [smem:$0x7EA]  }
0x1fc: {  	v0 =	vmul.u32 @!p3 $0x200, v0  }
0x1fd: {  	s30 =	sadd.s32 $0xFFFFFFF1, s28  }
0x1fe: {  	v11 =	vor.u32 @!p3 s30, v0;
	p3 =	seq.s32 s1, $0x1  }
0x1ff: {  	v42 =	vimm.s32 $0x0;
	vm3 =	veq.s32 @!p3 v41, $0x1  }
0x200: {  	v0 =	vsel vm3, $0xFFFFFFFF, v42  }
0x201: {  	s1 =	sld [smem:$0x7DD];
	[tilespmem:$0x1FF20] =	vst v0;
	v0 =	vld [tilespmem:$0x1FDC0];
	_ =	sdelay $0x2  }
0x202: {  	v2 =	vmul.u32 @!p2 $0x200, v2  }
0x203: {  	s30 =	sadd.s32 @!p2 $0xFFFFFFF2, s28  }
0x204: {  	v14 =	vor.u32 @!p2 s30, v2;
	v2 =	vld [tilespmem:$0x1FDD0]  }
0x205: {  	p3 =	seq.s32 s31, $0x0;
	s31 =	sld [smem:$0x7F4]  }
0x206: {  	s0 =	simm.s32 @!p1 $0x800;
	v4 =	vld [tilespmem:$0x1FDF0]  }
0x207: {  	[tilespmem:v0+s0+$0x0] =	vst.idx.msk @!p1 vm12, v36;
	s0 =	sld [smem:$0x7DA]  }
0x208: {  	p0 =	seq.s32 s31, $0x1;
	s31 =	sld [smem:$0x7EC]  }
0x209: {  	s30 =	sld [smem:$0x7DB]  }
0x20a: {  	v3 =	vbroadcast @!p5 v19, $0x3;
	p1 =	seq.s32 s0, $0x1  }
0x20b: {  	v12 =	vlaneseq.u32 @!p5;
	vm12 =	veq.s32 @!p4 v29, $0x1;
	p4 =	seq.s32 s31, $0x1;
	s31 =	sld [smem:$0x7DC];
	s0 =	simm.s32 @!p1 $0x800  }
0x20c: {  	v0 =	vshrl.u32 @!p5 v3, v12;
	[tilespmem:v2+s0+$0x0] =	vst.idx.msk @!p1 vm9, v37;
	p1 =	seq.s32 s30, $0x1  }
0x20d: {  	(v2sf) =	vpush v19, $0x9;
	v10 =	vand.u32 @!p5 $0x1, v0;
	s0 =	simm.s32 @!p1 $0x800  }
0x20e: {  	(v2sf) =	vpush v19, $0xA;
	(xrf0) =	vadd.scan.msk.s32 @!p5 $0xffff, v10;
	v2 =	vld [tilespmem:$0x1FDE0];
	[tilespmem:v4+s0+$0x0] =	vst.idx.msk @!p1 vm10, v38;
	p1 =	seq.s32 s31, $0x1;
	s31 =	spop (v2sf);
	[smem:$0x7DD] =	sst s1  }
0x20f: {  	s1 =	sld [smem:$0x7ED];
	_ =	sdelay $0x2  }
0x210: {  	v44 =	vimm.s32 $0x0;
	v0 =	vbroadcast @!p3 v19, $0x4;
	vm9 =	veq.s32 @!p4 v30, $0x1;
	p4 =	seq.s32 s1, $0x1  }
0x211: {  	v3 =	vmul.u32 @!p0 $0x200, v2;
	v2 =	vlaneseq.u32 @!p3;
	vm3 =	veq.s32 @!p4 v28, $0x1  }
0x212: {  	v4 =	vshrl.u32 @!p3 v0, v2;
	s1 =	sld [smem:$0x7DD];
	v0 =	vsel vm3, $0xFFFFFFFF, v44  }
0x213: {  	vm14 =	veq.s32 @!p6 v48, $0x1;
	p6 =	seq.s32 s31, $0x0;
	s31 =	sld [smem:$0x7EE];
	[tilespmem:$0x1FF60] =	vst v0;
	v0 =	vld [tilespmem:$0x1FE00];
	_ =	sdelay $0x2  }
0x214: {  	v47 =	vld [tilespmem:$0x1FE20];
	p4 =	seq.s32 s31, $0x1  }
0x215: {  	v46 =	vimm.s32 $0x0;
	vm3 =	veq.s32 @!p4 v31, $0x1  }
0x216: {  	v6 =	vsel vm3, $0xFFFFFFFF, v46  }
0x217: {  	[tilespmem:$0x1FF70] =	vst v6;
	v6 =	vld [tilespmem:$0x1FE10]  }
0x218: {  	s30 =	sadd.s32 @!p0 $0xFFFFFFF3, s28;
	s0 =	simm.s32 @!p1 $0x800;
	s31 =	sld [smem:$0x7EF]  }
0x219: {  	v18 =	vld [tilespmem:$0x1FE30];
	vm3 =	vnez.u8 v47;
	[tilespmem:v0+s0+$0x0] =	vst.idx.msk @!p1 vm11, v43;
	v0 =	vor.u32 @!p0 s30, v3;
	s30 =	sld [smem:$0x7DE]  }
0x21a: {  	v20 =	vld [tilespmem:$0x1FE40]  }
0x21b: {  	p0 =	seq.s32 s31, $0x1;
	s31 =	sld [smem:$0x7E0]  }
0x21c: {  	p1 =	seq.s32 s30, $0x1;
	s30 =	sld [smem:$0x7DF];
	_ =	sdelay $0x1  }
0x21d: {  	vm4 =	veq.s32 @!p0 v32, $0x1;
	p0 =	seq.s32 s31, $0x1;
	s31 =	sld [smem:$0x7F0];
	s0 =	simm.s32 @!p1 $0x800  }
0x21e: {  	v3 =	vbroadcast @!p5 v34, $0x3;
	[tilespmem:v6+s0+$0x0] =	vst.idx.msk @!p1 vm3, v45;
	p1 =	seq.s32 s30, $0x1  }
0x21f: {  	v48 =	vld [tilespmem:$0x1FE60];
	v17 =	vand.u32 @!p3 $0x1, v4;
	v4 =	vbroadcast @!p6 v19, $0x5;
	s0 =	simm.s32 @!p1 $0x800  }
0x220: {  	v6 =	vsub.s32 @!p5 v3, v10;
	v3 =	vlaneseq.u32 @!p6;
	p4 =	seq.s32 s31, $0x1;
	s31 =	sld [smem:$0x7F1];
	[tilespmem:v18+s0+$0x0] =	vst.idx.msk @!p1 vm13, v53;
	s0 =	simm.s32 @!p0 $0x800  }
0x221: {  	s30 =	spop (v2sf);
	v4 =	vshrl.u32 @!p6 v4, v3;
	[tilespmem:v20+s0+$0x0] =	vst.idx.msk @!p0 vm15, v1;
	v1, _, _ =	vpop @!p5 (xrf0)  }
0x222: {  	p1 =	seq.s32 s30, $0x0;
	v20 =	vand.u32 @!p6 $0x1, v4;
	v4 =	vadd.s32 @!p5 v1, v6;
	v6 =	vld [tilespmem:$0x1FE50]  }
0x223: {  	v21 =	vbroadcast @!p1 v19, $0x6;
	p0 =	por p1, p1;
	v1 =	vlaneseq.u32 @!p1;
	p1 =	seq.s32 s31, $0x1;
	s31 =	sld [smem:$0x7E2]  }
0x224: {  	vm3 =	vnez.u8 v48  }
0x225: {  	s30 =	sld [smem:$0x7E1]  }
0x226: {  	vm15 =	veq.s32 @!p1 v33, $0x1;
	p1 =	seq.s32 s31, $0x1;
	s31 =	sld [smem:$0x7F2];
	_ =	sdelay $0x1  }
0x227: {  	vm13 =	veq.s32 @!p4 v26, $0x1;
	p4 =	seq.s32 s30, $0x1  }
0x228: {  	v18 =	vbroadcast @!p3 v34, $0x4;
	s0 =	simm.s32 @!p4 $0x800;
	p2 =	seq.s32 s31, $0x1  }
0x229: {  	v53 =	vimm.s32 $0x0;
	[tilespmem:v6+s0+$0x0] =	vst.idx.msk @!p4 vm3, v54;
	vm3 =	veq.s32 @!p2 v39, $0x1  }
0x22a: {  	v6 =	vsub.s32 @!p3 v18, v17;
	v18 =	vshrl.u32 @!p0 v21, v1;
	v21 =	vsel vm3, $0xFFFFFFFF, v53  }
0x22b: {  	[tilespmem:$0x1FFC0] =	vst v21;
	v21 =	vld [tilespmem:$0x1FE70];
	_ =	sdelay $0x2  }
0x22c: {  	(xrf0) =	vadd.scan.msk.s32 @!p3 $0xffff, v17;
	s30 =	simm.s32 @!p5 $0x0  }
0x22d: {  	s30 =	simm.s32 @p5 $0x1  }
0x22e: {  	[smem:$0x7F5] =	sst s30;
	s30 =	simm.s32 @!p6 $0x0  }
0x22f: {  	s30 =	simm.s32 @p6 $0x1  }
0x230: {  	[smem:$0x7F6] =	sst s30;
	s30 =	spop (v2sf);
	s0 =	simm.s32 @!p1 $0x800  }
0x231: {  	v54 =	vld [tilespmem:$0x1FEA0];
	[tilespmem:v21+s0+$0x0] =	vst.idx.msk @!p1 vm0, v5;
	p1 =	seq.s32 s30, $0x0;
	s30 =	sld [smem:$0x7E3]  }
0x232: {  	v5, _, _ =	vpop @!p3 (xrf0)  }
0x233: {  	v5 =	vadd.s32 @!p3 v5, v6;
	v6 =	vld [tilespmem:$0x1FE80]  }
0x234: {  	vm3 =	veq.s32 @!p5 v10, $0x1;
	v10 =	vld [tilespmem:$0x1FE90];
	p2 =	seq.s32 s30, $0x1;
	s30 =	simm.s32 @!p3 $0x0  }
0x235: {  	s31 =	sld [smem:$0x7F4];
	s30 =	simm.s32 @p3 $0x1  }
0x236: {  	p4 =	por p3, p3;
	vm0 =	vnez.u8 v54;
	[smem:$0x7F3] =	sst s30  }
0x237: {  	vm11 =	veq.s32 @!p4 v17, $0x1;
	v17 =	vld [tilespmem:$0x1FEB0];
	v21 =	vbroadcast @!p6 v34, $0x5;
	s30 =	sld [smem:$0x7E4]  }
0x238: {  	(xrf0) =	vadd.scan.msk.s32 @!p6 $0xffff, v20;
	v18 =	vand.u32 @!p0 $0x1, v18  }
0x239: {  	vm7 =	veq.s32 @!p6 v20, $0x1;
	(xrf0) =	vadd.scan.msk.s32 @!p0 $0xffff, v18;
	v21 =	vsub.s32 @!p6 v21, v20;
	v20 =	vld [tilespmem:$0x1FEC0];
	p3 =	por p0, p0;
	p0 =	seq.s32 s31, $0x1;
	s31 =	sld [smem:$0x7E5]  }
0x23a: {  	s0 =	simm.s32 @!p2 $0x800;
	vm10 =	veq.s32 @!p0 v35, $0x1;
	p0 =	seq.s32 s30, $0x1  }
0x23b: {  	[tilespmem:v6+s0+$0x0] =	vst.idx.msk @!p2 vm5, v59;
	s0 =	simm.s32 @!p0 $0x800  }
0x23c: {  	[tilespmem:v10+s0+$0x0] =	vst.idx.msk @!p0 vm0, v7;
	p0 =	seq.s32 s31, $0x1;
	s31 =	sld [smem:$0x7E6];
	_ =	sdelay $0x1  }
0x23d: {  	s0 =	simm.s32 @!p0 $0x800  }
0x23e: {  	s30 =	spop (v2sf);
	v10 =	vbroadcast @!p3 v34, $0x6;
	[tilespmem:v17+s0+$0x0] =	vst.idx.msk @!p0 vm6, v8;
	p0 =	seq.s32 s31, $0x1  }
0x23f: {  	p2 =	seq.s32 s30, $0x0;
	s31 =	sld [smem:$0x7E7];
	s30 =	simm.s32 @!p0 $0x800  }
0x240: {  	vm8 =	veq.s32 @!p3 v18, $0x1;
	[tilespmem:v20+s30+$0x0] =	vst.idx.msk @!p0 vm14, v9;
	v9 =	vsub.s32 @!p3 v10, v18;
	v18 =	vld [tilespmem:$0x1FED0];
	_ =	sdelay $0x1  }
0x241: {  	v22 =	vbroadcast @!p1 v19, $0x7;
	p0 =	seq.s32 s31, $0x1;
	s31 =	simm.s32 @!p3 $0x0  }
0x242: {  	(v2sf) =	vpush v19, $0xB;
	v6 =	vlaneseq.u32 @!p1;
	s31 =	simm.s32 @p3 $0x1  }
0x243: {  	v7 =	vshrl.u32 @!p1 v22, v6;
	v22 =	vbroadcast @!p2 v19, $0x8;
	[smem:$0x7F7] =	sst s31  }
0x244: {  	v58 =	vld [tilespmem:$0x1FF00];
	v17 =	vand.u32 @!p1 $0x1, v7;
	v7 =	vlaneseq.u32 @!p2;
	s31 =	sld [smem:$0x7E8]  }
0x245: {  	v10 =	vshrl.u32 @!p2 v22, v7;
	v22 =	vld [tilespmem:$0x1FEE0]  }
0x246: {  	p5 =	por p1, p1;
	s30 =	simm.s32 @!p0 $0x800  }
0x247: {  	v23 =	vld [tilespmem:$0x1FEF0];
	[tilespmem:v18+s30+$0x0] =	vst.idx.msk @!p0 vm1, v56;
	p0 =	seq.s32 s31, $0x1;
	s31 =	simm.s32 @!p5 $0x0  }
0x248: {  	s31 =	simm.s32 @p5 $0x1  }
0x249: {  	vm0 =	vnez.u8 v58;
	[smem:$0x7FB] =	sst s31  }
0x24a: {  	v59 =	vld [tilespmem:$0x1FF20];
	s31 =	sld [smem:$0x7E9];
	_ =	sdelay $0x1  }
0x24b: {  	(v2sf) =	vpush v19, $0xC;
	s30 =	simm.s32 @!p0 $0x800  }
0x24c: {  	v26 =	vld [tilespmem:$0x1FF10];
	v8, _, _ =	vpop @!p6 (xrf0);
	(xrf0) =	vadd.scan.msk.s32 @!p1 $0xffff, v17;
	[tilespmem:v22+s30+$0x0] =	vst.idx.msk @!p0 vm2, v55;
	p0 =	seq.s32 s31, $0x1  }
0x24d: {  	s30 =	simm.s32 @!p0 $0x800  }
0x24e: {  	s0 =	spop (v2sf);
	[tilespmem:v23+s30+$0x0] =	vst.idx.msk @!p0 vm0, v57;
	vm0 =	vnez.u8 v59  }
0x24f: {  	p1 =	seq.s32 s0, $0x0;
	s0 =	spop (v2sf);
	v18, _, _ =	vpop @!p3 (xrf0);
	s30 =	sld [smem:$0x7EA]  }
0x250: {  	p4 =	seq.s32 s0, $0x0;
	s0 =	spop (v2sf);
	v20 =	vand.u32 @!p2 $0x1, v10;
	v10 =	vadd.s32 @!p3 v18, v9;
	v18 =	vbroadcast @!p5 v34, $0x7  }
0x251: {  	v24 =	vbroadcast @!p2 v34, $0x8;
	p0 =	seq.s32 s0, $0x0  }
0x252: {  	vm14 =	veq.s32 @!p5 v17, $0x1;
	v17 =	vsub.s32 @!p5 v18, v17;
	v23, _, _ =	vpop @!p5 (xrf0);
	v25 =	vbroadcast @!p0 v19, $0xB;
	p3 =	seq.s32 s30, $0x1  }
0x253: {  	v24 =	vsub.s32 @!p2 v24, v20;
	v17 =	vadd.s32 @!p5 v23, v17;
	v23 =	vlaneseq.u32 @!p0;
	s0 =	simm.s32 @!p3 $0x800  }
0x254: {  	(xrf0) =	vadd.scan.msk.s32 @!p2 $0xffff, v20;
	[tilespmem:v26+s0+$0x0] =	vst.idx.msk @!p3 vm0, v52;
	vm0 =	veq.s32 @!p2 v20, $0x1;
	v20 =	vshrl.u32 @!p0 v25, v23;
	v25 =	vld [tilespmem:$0x1FF30];
	_ =	sdelay $0x2  }
0x255: {  	s31 =	sld [smem:$0x7EB];
	_ =	sdelay $0x1  }
0x256: {  	(v2sf) =	vpush v19, $0xD  }
0x257: {  	v8 =	vadd.s32 @!p6 v8, v21;
	v21 =	vbroadcast @!p1 v19, $0x9;
	s0 =	spop (v2sf);
	p3 =	seq.s32 s31, $0x1  }
0x258: {  	v61 =	vld [tilespmem:$0x1FF60];
	v9 =	vlaneseq.u32 @!p1;
	s31 =	sld [smem:$0x7EC];
	s30 =	simm.s32 @!p3 $0x800;
	p6 =	seq.s32 s0, $0x0  }
0x259: {  	v21 =	vshrl.u32 @!p1 v21, v9;
	v26 =	vbroadcast @!p1 v34, $0x9;
	s0 =	simm.s32 @!p2 $0x0;
	v27 =	vbroadcast @!p6 v19, $0xC;
	[tilespmem:v25+s30+$0x0] =	vst.idx.msk @!p3 vm12, v51;
	v25, _, _ =	vpop @!p2 (xrf0);
	p3 =	por p2, p2  }
0x25a: {  	v28 =	vld [tilespmem:$0x1FF40];
	v18 =	vand.u32 @!p1 $0x1, v21;
	s0 =	simm.s32 @p2 $0x1;
	p2 =	por p1, p1;
	v24 =	vadd.s32 @!p3 v25, v24;
	v25 =	vlaneseq.u32 @!p6  }
0x25b: {  	(xrf0) =	vadd.scan.msk.s32 @!p1 $0xffff, v18;
	p5 =	seq.s32 s31, $0x1;
	s31 =	sld [smem:$0x7F5];
	vm5 =	veq.s32 @!p2 v18, $0x1;
	v18 =	vsub.s32 @!p2 v26, v18;
	v26 =	vshrl.u32 @!p6 v27, v25;
	v27 =	vld [tilespmem:$0x1FF50];
	_ =	sdelay $0x1  }
0x25c: {  	vm1 =	vnez.u8 v61;
	[smem:$0x7F8] =	sst s0;
	s0 =	simm.s32 @!p1 $0x0  }
0x25d: {  	v62 =	vld [tilespmem:$0x1FF70];
	s0 =	simm.s32 @p1 $0x1;
	p1 =	seq.s32 s31, $0x1;
	s31 =	sld [smem:$0x7ED]  }
0x25e: {  	v22 =	vbroadcast @!p4 v19, $0xA  }
0x25f: {  	v21 =	vlaneseq.u32 @!p4  }
0x260: {  	(v2sf) =	vpush v19, $0xE;
	v22 =	vshrl.u32 @!p4 v22, v21;
	s30 =	simm.s32 @!p5 $0x800;
	p3 =	seq.s32 s31, $0x1  }
0x261: {  	v30 =	vld [tilespmem:$0x1FF80];
	v22 =	vand.u32 @!p4 $0x1, v22;
	[tilespmem:v28+s30+$0x0] =	vst.idx.msk @!p5 vm9, v60;
	s30 =	simm.s32 @!p3 $0x800  }
0x262: {  	(xrf0) =	vadd.scan.msk.s32 @!p4 $0xffff, v22;
	[smem:$0x7F9] =	sst s0;
	[tilespmem:v27+s30+$0x0] =	vst.idx.msk @!p3 vm1, v49;
	vm1 =	vnez.u8 v62  }
0x263: {  	s30 =	sld [smem:$0x7EE]  }
0x264: {  	s0 =	spop (v2sf);
	s31 =	sld [smem:$0x7EF]  }
0x265: {  	p5 =	seq.s32 s0, $0x0;
	s0 =	simm.s32 @!p4 $0x0  }
0x266: {  	v28 =	vbroadcast @!p4 v34, $0xA;
	s0 =	simm.s32 @p4 $0x1;
	v29 =	vbroadcast @!p5 v19, $0xD;
	v27, _, _ =	vpop @!p2 (xrf0);
	p3 =	seq.s32 s30, $0x1  }
0x267: {  	[smem:$0x7FA] =	sst s0;
	v18 =	vadd.s32 @!p2 v27, v18;
	v27 =	vlaneseq.u32 @!p5;
	p2 =	seq.s32 s31, $0x1;
	s0 =	simm.s32 @!p3 $0x800  }
0x268: {  	vm9 =	veq.s32 @!p4 v22, $0x1;
	v22 =	vsub.s32 @!p4 v28, v22;
	v29 =	vshrl.u32 @!p5 v29, v27;
	s30 =	simm.s32 @!p2 $0x800;
	[tilespmem:v50+s0+$0x0] =	vst.idx.msk @!p3 vm1, v16;
	v16, _, _ =	vpop @!p4 (xrf0)  }
0x269: {  	[tilespmem:v30+s30+$0x0] =	vst.idx.msk @!p2 vm4, v15;
	v15 =	vadd.s32 @!p4 v16, v22;
	v16 =	vand.u32 @!p5 $0x1, v29;
	v29 =	vld [tilespmem:$0x1FF90]  }
0x26a: {  	v12 =	vmul.u32 @!p1 $0x200, v12  }
0x26b: {  	s31 =	sadd.s32 @!p1 $0xFFFFFFF4, s28  }
0x26c: {  	v12 =	vor.u32 @!p1 s31, v12;
	s31 =	sld [smem:$0x7F0];
	_ =	sdelay $0x2  }
0x26d: {  	p1 =	seq.s32 s31, $0x1;
	s0 =	spop (v2sf)  }
0x26e: {  	v20 =	vand.u32 @!p0 $0x1, v20;
	p3 =	seq.s32 s0, $0x0;
	s0 =	simm.s32 @!p1 $0x800  }
0x26f: {  	(xrf0) =	vadd.scan.msk.s32 @!p0 $0xffff, v20;
	s30 =	simm.s32 @!p0 $0x0;
	[tilespmem:v29+s0+$0x0] =	vst.idx.msk @!p1 vm13, v13;
	v29 =	vld [tilespmem:$0x1FFA0]  }
0x270: {  	s30 =	simm.s32 @p0 $0x1  }
0x271: {  	[smem:$0x7FC] =	sst s30  }
0x272: {  	(v2sf) =	vpush v19, $0xF;
	s30 =	sld [smem:$0x7F1]  }
0x273: {  	v28 =	vbroadcast @!p0 v34, $0xB  }
0x274: {  	v63 =	vld [tilespmem:$0x1FFC0]  }
0x275: {  	vm1 =	veq.s32 @!p0 v20, $0x1;
	v20 =	vsub.s32 @!p0 v28, v20;
	p2 =	por p0, p0;
	v22, _, _ =	vpop @!p0 (xrf0);
	v28 =	vbroadcast @!p3 v19, $0xE;
	p0 =	seq.s32 s30, $0x1  }
0x276: {  	s0 =	simm.s32 @!p0 $0x800;
	v13 =	vadd.s32 @!p2 v22, v20;
	v22 =	vlaneseq.u32 @!p3  }
0x277: {  	[tilespmem:v29+s0+$0x0] =	vst.idx.msk @!p0 vm15, v11;
	v11 =	vshrl.u32 @!p3 v28, v22;
	v28 =	vld [tilespmem:$0x1FFB0];
	_ =	sdelay $0x1  }
0x278: {  	vm4 =	vnez.u8 v63  }
0x279: {  	s31 =	sld [smem:$0x7F2];
	_ =	sdelay $0x2  }
0x27a: {  	p4 =	seq.s32 s31, $0x1  }
0x27b: {  	s31 =	sld [smem:$0x7F3];
	s30 =	simm.s32 @!p6 $0x0;
	s0 =	simm.s32 @!p4 $0x800  }
0x27c: {  	s30 =	simm.s32 @p6 $0x1;
	[tilespmem:v28+s0+$0x0] =	vst.idx.msk @!p4 vm4, v14;
	v28 =	vld [tilespmem:$0x1FFD0]  }
0x27d: {  	[smem:$0x7FD] =	sst s30  }
0x27e: {  	s30 =	spop (v2sf);
	p0 =	seq.s32 s31, $0x1;
	s31 =	sld [smem:$0x7F5]  }
0x27f: {  	p2 =	seq.s32 s30, $0x0;
	s30 =	sld [smem:$0x7F4];
	_ =	sdelay $0x1  }
0x280: {  	p1 =	seq.s32 s31, $0x1;
	s31 =	sld [smem:$0x7F6]  }
0x281: {  	p4 =	seq.s32 s30, $0x1  }
0x282: {  	s0 =	simm.s32 @!p4 $0x800  }
0x283: {  	[tilespmem:v28+s0+$0x0] =	vst.idx.msk @!p4 vm10, v0;
	p4 =	seq.s32 s31, $0x1;
	s31 =	sld [smem:$0x7F7]  }
0x284: {  	v2 =	vmul.u32 @!p0 $0x200, v2;
	s0 =	simm.s32 @!p1 $0x800  }
0x285: {  	s30 =	sadd.s32 @!p0 $0xFFFFFFF5, s28;
	[tilespmem:v4+s0+$0x0] =	vst.idx.msk @!p1 vm3, v12;
	s0 =	simm.s32 @!p0 $0x800  }
0x286: {  	v0 =	vor.u32 @!p0 s30, v2;
	p1 =	por p0, p0;
	p0 =	seq.s32 s31, $0x1;
	s31 =	sld [smem:$0x7FB]  }
0x287: {  	v2 =	vmul.u32 @!p4 $0x200, v3  }
0x288: {  	v26 =	vand.u32 @!p6 $0x1, v26;
	s30 =	sadd.s32 @!p4 $0xFFFFFFF6, s28;
	[tilespmem:v5+s0+$0x0] =	vst.idx.msk @!p1 vm11, v0;
	s0 =	simm.s32 @!p4 $0x800  }
0x289: {  	(xrf0) =	vadd.scan.msk.s32 @!p6 $0xffff, v26;
	p1 =	por p4, p4;
	v0 =	vor.u32 @!p4 s30, v2;
	v1 =	vmul.u32 @!p0 $0x200, v1;
	p4 =	seq.s32 s31, $0x1;
	s31 =	sld [smem:$0x7F8]  }
0x28a: {  	s30 =	sadd.s32 @!p0 $0xFFFFFFF7, s28  }
0x28b: {  	[tilespmem:v8+s0+$0x0] =	vst.idx.msk @!p1 vm7, v0;
	s0 =	simm.s32 @!p0 $0x800;
	p1 =	por p0, p0;
	v1 =	vor.u32 @!p0 s30, v1;
	p0 =	por p4, p4  }
0x28c: {  	(xrf0) =	vadd.scan.msk.s32 @!p5 $0xffff, v16;
	v2 =	vmul.u32 @!p4 $0x200, v6;
	s30 =	sadd.s32 @!p4 $0xFFFFFFF8, s28;
	p4 =	seq.s32 s31, $0x1;
	s31 =	sld [smem:$0x7F9]  }
0x28d: {  	v20 =	vbroadcast @!p6 v34, $0xC  }
0x28e: {  	v11 =	vand.u32 @!p3 $0x1, v11  }
0x28f: {  	v20 =	vsub.s32 @!p6 v20, v26;
	(xrf0) =	vadd.scan.msk.s32 @!p3 $0xffff, v11;
	v14, _, _ =	vpop @!p6 (xrf0);
	[tilespmem:v10+s0+$0x0] =	vst.idx.msk @!p1 vm8, v1;
	s0 =	simm.s32 @!p0 $0x800;
	v2 =	vor.u32 @!p0 s30, v2;
	p0 =	seq.s32 s31, $0x1;
	s31 =	sld [smem:$0x7FA]  }
0x290: {  	v14 =	vadd.s32 @!p6 v14, v20;
	v20 =	vbroadcast @!p5 v34, $0xD;
	_ =	sdelay $0x1  }
0x291: {  	vm2 =	veq.s32 @!p6 v26, $0x1;
	v19 =	vbroadcast @!p2 v19, $0xF;
	v4 =	vsub.s32 @!p5 v20, v16;
	v12, _, _ =	vpop @!p5 (xrf0);
	p1 =	seq.s32 s31, $0x1;
	s31 =	sld [smem:$0x7FB]  }
0x292: {  	v26 =	vlaneseq.u32 @!p2;
	v4 =	vadd.s32 @!p5 v12, v4;
	v12 =	vbroadcast @!p3 v34, $0xE  }
0x293: {  	v3 =	vshrl.u32 @!p2 v19, v26;
	v5 =	vmul.u32 @!p4 $0x200, v7;
	v7 =	vmul.u32 @!p1 $0x200, v21  }
0x294: {  	v3 =	vand.u32 @!p2 $0x1, v3;
	v0 =	vsub.s32 @!p3 v12, v11;
	v1, _, _ =	vpop @!p3 (xrf0);
	s30 =	sadd.s32 @!p4 $0xFFFFFFF9, s28;
	p6 =	seq.s32 s31, $0x1;
	s31 =	sadd.s32 @!p1 $0xFFFFFFFB, s28  }
0x295: {  	v0 =	vadd.s32 @!p3 v1, v0;
	v1 =	vor.u32 @!p4 s30, v5;
	v5 =	vor.u32 @!p1 s31, v7;
	s31 =	sld [smem:$0x7FC]  }
0x296: {  	(xrf0) =	vadd.scan.msk.s32 @!p2 $0xffff, v3  }
0x297: {  	[tilespmem:v17+s0+$0x0] =	vst.idx.msk @!p6 vm14, v2;
	s0 =	simm.s32 @!p4 $0x800  }
0x298: {  	v6 =	vmul.u32 @!p0 $0x200, v9;
	[tilespmem:v24+s0+$0x0] =	vst.idx.msk @!p4 vm0, v1;
	p4 =	seq.s32 s31, $0x1;
	s31 =	sld [smem:$0x7FD]  }
0x299: {  	s30 =	sadd.s32 @!p0 $0xFFFFFFFA, s28  }
0x29a: {  	v2 =	vbroadcast @!p2 v34, $0xF;
	v1 =	vor.u32 @!p0 s30, v6;
	s0 =	simm.s32 @!p0 $0x800  }
0x29b: {  	vm3 =	veq.s32 @!p5 v16, $0x1;
	[tilespmem:v18+s0+$0x0] =	vst.idx.msk @!p0 vm5, v1;
	v6 =	vmul.u32 @!p4 $0x200, v23;
	p0 =	seq.s32 s31, $0x1  }
0x29c: {  	vm0 =	veq.s32 @!p2 v3, $0x1;
	s0 =	simm.s32 @!p1 $0x800;
	v2 =	vsub.s32 @!p2 v2, v3;
	v3, _, _ =	vpop @!p2 (xrf0);
	s30 =	sadd.s32 @!p4 $0xFFFFFFFC, s28;
	v1 =	vmul.u32 @!p0 $0x200, v25  }
0x29d: {  	vm4 =	veq.s32 @!p3 v11, $0x1;
	[tilespmem:v15+s0+$0x0] =	vst.idx.msk @!p1 vm9, v5;
	v2 =	vadd.s32 @!p2 v3, v2;
	s0 =	simm.s32 @!p4 $0x800;
	v3 =	vor.u32 @!p4 s30, v6;
	s30 =	sadd.s32 @!p0 $0xFFFFFFFD, s28  }
0x29e: {  	s26 =	sadd.s32 $0x4, s26;
	[tilespmem:v13+s0+$0x0] =	vst.idx.msk @!p4 vm1, v3;
	s0 =	simm.s32 @!p0 $0x800;
	v1 =	vor.u32 @!p0 s30, v1  }
0x29f: {  	v5 =	vmul.u32 @!p5 $0x200, v27;
	[tilespmem:v14+s0+$0x0] =	vst.idx.msk @!p0 vm2, v1;
	p0 =	slt.u32 s26, $0x1C  }
.Ltmp0:
0x2a0: {  	v3 =	vmul.u32 @!p3 $0x200, v22;
	s30 =	sadd.s32 @!p5 $0xFFFFFFFE, s28;
	(pc) =	sbr.rel @p0 .LBB2_2-.Ltmp0, $4  }
0x2a1: {  	v1 =	vor.u32 @!p5 s30, v5;
	s0 =	simm.s32 @!p5 $0x800;
	s30 =	sadd.s32 @!p3 $0xFFFFFFFF, s28;
	v5 =	vmul.u32 @!p2 $0x200, v26  }
0x2a2: {  	[tilespmem:v4+s0+$0x0] =	vst.idx.msk @!p5 vm3, v1;
	v1 =	vor.u32 @!p3 s30, v3;
	s0 =	simm.s32 @!p3 $0x800  }
0x2a3: {  	[tilespmem:v0+s0+$0x0] =	vst.idx.msk @!p3 vm4, v1;
	v0 =	vor.u32 @!p2 s28, v5;
	s0 =	simm.s32 @!p2 $0x800  }
0x2a4: {  	s29 =	sadd.s32 $0x40, s29;
	s28 =	sadd.s32 $0x40, s28;
	[tilespmem:v2+s0+$0x0] =	vst.idx.msk @!p2 vm0, v0  }
0x2a5: {  	v0 =	vld [tilespmem:$0x800]  }
0x2a6: {  	v6 =	vld [tilespmem:$0x1FFE0]  }
0x2a7: {  	v1 =	vld [tilespmem:$0x810]  }
0x2a8: {  	v2 =	vld [tilespmem:$0x820]  }
0x2a9: {  	v3 =	vld [tilespmem:$0x830]  }
0x2aa: {  	v4 =	vld [tilespmem:$0x840]  }
0x2ab: {  	v5 =	vld [tilespmem:$0x850];
	v0 =	vadd.s32 v6, v0  }
0x2ac: {  	v40 =	vld [tilespmem:$0x860];
	v39 =	vadd.s32 v6, v1;
	[tilespmem:$0xC00] =	vst v0  }
0x2ad: {  	v42 =	vld [tilespmem:$0x870];
	v41 =	vadd.s32 v6, v2;
	[tilespmem:$0xC10] =	vst v39  }
0x2ae: {  	v44 =	vld [tilespmem:$0x880];
	v43 =	vadd.s32 v6, v3;
	[tilespmem:$0xC20] =	vst v41  }
0x2af: {  	v46 =	vld [tilespmem:$0x890];
	v45 =	vadd.s32 v6, v4;
	[tilespmem:$0xC30] =	vst v43  }
0x2b0: {  	v48 =	vld [tilespmem:$0x8A0];
	v47 =	vadd.s32 v6, v5;
	[tilespmem:$0xC40] =	vst v45  }
0x2b1: {  	v50 =	vld [tilespmem:$0x8B0];
	v49 =	vadd.s32 v6, v40;
	[tilespmem:$0xC50] =	vst v47  }
0x2b2: {  	v52 =	vld [tilespmem:$0x8C0];
	v51 =	vadd.s32 v6, v42;
	[tilespmem:$0xC60] =	vst v49  }
0x2b3: {  	v54 =	vld [tilespmem:$0x8D0];
	v53 =	vadd.s32 v6, v44;
	[tilespmem:$0xC70] =	vst v51  }
0x2b4: {  	v56 =	vld [tilespmem:$0x8E0];
	v55 =	vadd.s32 v6, v46;
	[tilespmem:$0xC80] =	vst v53  }
0x2b5: {  	v58 =	vld [tilespmem:$0x8F0];
	v57 =	vadd.s32 v6, v48;
	[tilespmem:$0xC90] =	vst v55  }
0x2b6: {  	v59 =	vadd.s32 v6, v50;
	[tilespmem:$0xCA0] =	vst v57  }
0x2b7: {  	v60 =	vadd.s32 v6, v52;
	[tilespmem:$0xCB0] =	vst v59  }
0x2b8: {  	v61 =	vadd.s32 v6, v54;
	[tilespmem:$0xCC0] =	vst v60  }
0x2b9: {  	v62 =	vadd.s32 v6, v56;
	[tilespmem:$0xCD0] =	vst v61  }
0x2ba: {  	v63 =	vadd.s32 v6, v58;
	[tilespmem:$0xCE0] =	vst v62  }
0x2bb: {  	[tilespmem:$0xCF0] =	vst v63  }
0x2bc: {  	[tilespmem:s13], [sflag:$0x3] =	stream.indirect.gather [hbm4b:s3+s9], $0x1, s12, s9, $0xb8;
	[tilespmem:$0xE00] =	vst v63  }
0x2bd: {  	_ = 	snop  }
0x2be: {  	[tilespmem:s15], [sflag:$0x3] =	stream.indirect.gather [hbm4b:s3+s9], $0x1, s14, s9, $0xb8;
	[tilespmem:$0xE00] =	vst v63  }
0x2bf: {  	_ =	swait.ge [sflag:s16], $0x400  }
0x2c0: {  	s26 =	simm.s32 $0xFFFFFFFC;
	[sflag:s16] =	ssyncset.done $0x0  }
0x2c1: {  	s28 =	simm.s32 $0x400;
	s29 =	simm.s32 $0x3F;
	[sflag:s16] =	ssyncadd.s32 $0xFFFFFC00  }
.LBB2_4:
0x2c2: {  	v2 =	vld [tilespmem:s28+$0x0];
	_ =	sdelay $0x4  }
0x2c3: {  	(v2sf) =	vpush v2, $0x0;
	_ =	sdelay $0x6  }
0x2c4: {  	(v2sf) =	vpush v2, $0x1;
	_ =	sdelay $0x4  }
0x2c5: {  	(v2sf) =	vpush v2, $0x2  }
0x2c6: {  	(v2sf) =	vpush v2, $0x3;
	_ =	sdelay $0x1  }
0x2c7: {  	(v2sf) =	vpush v2, $0x4;
	s0 =	spop (v2sf)  }
0x2c8: {  	s30 =	sadd.s32 $0xFFFFFFC1, s29;
	p0 =	seq.s32 s0, $0x0  }
0x2c9: {  	s31 =	sand.u32 $0x1C0, s30;
	(v2sf) =	vpush v2, $0x5;
	v0 =	vbroadcast @!p0 v2, $0x0  }
0x2ca: {  	v1 =	vld [tilespmem:s31+$0x600];
	v3 =	vlaneseq.u32 @!p0  }
0x2cb: {  	v0 =	vshrl.u32 @!p0 v0, v3  }
0x2cc: {  	(v2sf) =	vpush v2, $0x6;
	v0 =	vand.u32 @!p0 $0x1, v0  }
0x2cd: {  	(xrf0) =	vadd.scan.msk.s32 @!p0 $0xffff, v0  }
0x2ce: {  	s31 =	spop (v2sf);
	v3 =	vlaneseq.u32 @!p0  }
0x2cf: {  	p4 =	seq.s32 s31, $0x0;
	[tilespmem:$0x1F3C0] =	vst v3;
	v3 =	vbroadcast @!p0 v1, $0x0  }
0x2d0: {  	v4 =	vbroadcast @!p4 v2, $0x1  }
0x2d1: {  	v5 =	vlaneseq.u32 @!p4  }
0x2d2: {  	v4 =	vshrl.u32 @!p4 v4, v5  }
0x2d3: {  	s31 =	spop (v2sf);
	v5 =	vlaneseq.u32 @!p4;
	vm5 =	veq.s32 @!p0 v0, $0x1;
	v0 =	vsub.s32 @!p0 v3, v0;
	v3, _, _ =	vpop @!p0 (xrf0)  }
0x2d4: {  	s0 =	simm.s32 @!p0 $0x0;
	p5 =	seq.s32 s31, $0x0;
	s31 =	spop (v2sf);
	[tilespmem:$0x1F3D0] =	vst v5;
	v0 =	vadd.s32 @!p0 v3, v0  }
0x2d5: {  	s0 =	simm.s32 @p0 $0x1;
	v5 =	vbroadcast @!p5 v2, $0x2;
	p0 =	seq.s32 s31, $0x0;
	[tilespmem:$0x1F480] =	vst v0;
	v0 =	vand.u32 @!p4 $0x1, v4;
	v4 =	vlaneseq.u32 @!p5  }
0x2d6: {  	v3 =	vlaneseq.u32 @!p5;
	s31 =	spop (v2sf);
	[tilespmem:$0x1F3E0] =	vst v4;
	v4 =	vbroadcast @!p0 v2, $0x3  }
0x2d7: {  	v3 =	vshrl.u32 @!p5 v5, v3;
	v5 =	vlaneseq.u32 @!p0;
	p1 =	seq.s32 s31, $0x0  }
0x2d8: {  	s31 =	spop (v2sf);
	v4 =	vshrl.u32 @!p0 v4, v5;
	v5 =	vbroadcast @!p1 v2, $0x4  }
0x2d9: {  	p2 =	seq.s32 s31, $0x0;
	v7 =	vlaneseq.u32 @!p1  }
0x2da: {  	v6 =	vbroadcast @!p2 v2, $0x5;
	v5 =	vshrl.u32 @!p1 v5, v7;
	v7 =	vlaneseq.u32 @!p1  }
0x2db: {  	s31 =	spop (v2sf);
	[tilespmem:$0x1F3F0] =	vst v7;
	v7 =	vlaneseq.u32 @!p2  }
0x2dc: {  	(xrf0) =	vadd.scan.msk.s32 @!p4 $0xffff, v0;
	p3 =	seq.s32 s31, $0x0;
	v6 =	vshrl.u32 @!p2 v6, v7;
	v7 =	vlaneseq.u32 @!p2  }
0x2dd: {  	[tilespmem:$0x1F400] =	vst v7;
	v7 =	vbroadcast @!p3 v2, $0x6  }
0x2de: {  	v10 =	vlaneseq.u32 @!p3  }
0x2df: {  	v3 =	vand.u32 @!p5 $0x1, v3;
	v7 =	vshrl.u32 @!p3 v7, v10;
	v10 =	vlaneseq.u32 @!p3  }
0x2e0: {  	v8 =	vbroadcast @!p4 v1, $0x1;
	(xrf0) =	vadd.scan.msk.s32 @!p5 $0xffff, v3  }
0x2e1: {  	(v2sf) =	vpush v2, $0x7  }
0x2e2: {  	(v2sf) =	vpush v2, $0x8;
	vm6 =	veq.s32 @!p4 v0, $0x1;
	v0 =	vsub.s32 @!p4 v8, v0;
	[tilespmem:$0x1F410] =	vst v10;
	v10, _, _ =	vpop @!p4 (xrf0)  }
0x2e3: {  	v4 =	vand.u32 @!p0 $0x1, v4;
	v0 =	vadd.s32 @!p4 v10, v0  }
0x2e4: {  	v9 =	vbroadcast @!p5 v1, $0x2;
	(xrf0) =	vadd.scan.msk.s32 @!p0 $0xffff, v4;
	v5 =	vand.u32 @!p1 $0x1, v5  }
0x2e5: {  	(xrf0) =	vadd.scan.msk.s32 @!p1 $0xffff, v5  }
0x2e6: {  	v8 =	vbroadcast @!p0 v1, $0x3;
	vm3 =	veq.s32 @!p5 v3, $0x1;
	v3 =	vsub.s32 @!p5 v9, v3;
	[tilespmem:$0x1F4B0] =	vst v0;
	v0, _, _ =	vpop @!p5 (xrf0)  }
0x2e7: {  	v0 =	vadd.s32 @!p5 v0, v3  }
0x2e8: {  	[smem:$0x783] =	sst s0;
	s0 =	simm.s32 @!p4 $0x0;
	(v2sf) =	vpush v2, $0x9;
	v6 =	vand.u32 @!p2 $0x1, v6;
	v3 =	vsub.s32 @!p0 v8, v4  }
0x2e9: {  	s0 =	simm.s32 @p4 $0x1;
	(xrf0) =	vadd.scan.msk.s32 @!p2 $0xffff, v6;
	v8 =	vbroadcast @!p1 v1, $0x4  }
0x2ea: {  	[smem:$0x784] =	sst s0;
	s0 =	simm.s32 @!p0 $0x0;
	(v2sf) =	vpush v2, $0xA;
	[tilespmem:$0x1F4E0] =	vst v0;
	v0, _, _ =	vpop @!p0 (xrf0)  }
0x2eb: {  	s0 =	simm.s32 @p0 $0x1;
	vm2 =	veq.s32 @!p0 v4, $0x1;
	v4 =	vsub.s32 @!p1 v8, v5;
	v0 =	vadd.s32 @!p0 v0, v3;
	v3, _, _ =	vpop @!p1 (xrf0)  }
0x2ec: {  	[smem:$0x786] =	sst s0;
	s0 =	simm.s32 @!p5 $0x0;
	v3 =	vadd.s32 @!p1 v3, v4  }
0x2ed: {  	(v2sf) =	vpush v2, $0xB;
	s31 =	simm.s32 @!p2 $0x0;
	s0 =	simm.s32 @p5 $0x1;
	v7 =	vand.u32 @!p3 $0x1, v7;
	[tilespmem:$0x1F500] =	vst v0;
	v0 =	vbroadcast @!p2 v1, $0x5  }
0x2ee: {  	s31 =	simm.s32 @p2 $0x1;
	[smem:$0x785] =	sst s0;
	s0 =	simm.s32 @!p1 $0x0;
	(xrf0) =	vadd.scan.msk.s32 @!p3 $0xffff, v7  }
0x2ef: {  	[smem:$0x788] =	sst s31;
	s0 =	simm.s32 @p1 $0x1;
	[tilespmem:$0x1F510] =	vst v3;
	v0 =	vsub.s32 @!p2 v0, v6;
	v3, _, _ =	vpop @!p2 (xrf0)  }
0x2f0: {  	[smem:$0x787] =	sst s0;
	s0 =	spop (v2sf);
	v0 =	vadd.s32 @!p2 v3, v0  }
0x2f1: {  	(v2sf) =	vpush v2, $0xC;
	s31 =	spop (v2sf);
	[tilespmem:$0x1F540] =	vst v0;
	[smem:$0x7DD] =	sst s1;
	s1 =	simm.s32 @!p3 $0x0  }
0x2f2: {  	vm7 =	veq.s32 @!p1 v5, $0x1;
	v5 =	vbroadcast @!p3 v1, $0x6;
	s1 =	simm.s32 @p3 $0x1  }
0x2f3: {  	[smem:$0x789] =	sst s1  }
0x2f4: {  	p1 =	seq.s32 s0, $0x0;
	v3 =	vsub.s32 @!p3 v5, v7;
	s1 =	sld [smem:$0x7DD];
	v4, _, _ =	vpop @!p3 (xrf0)  }
0x2f5: {  	v25 =	vlaneseq.u32 @!p0;
	s0 =	simm.s32 @!p1 $0x0;
	v5 =	vbroadcast @!p1 v2, $0x7;
	v3 =	vadd.s32 @!p3 v4, v3  }
0x2f6: {  	vm8 =	veq.s32 @!p2 v6, $0x1;
	vm11 =	veq.s32 @!p3 v7, $0x1;
	p5 =	seq.s32 s31, $0x0;
	s0 =	simm.s32 @p1 $0x1;
	[tilespmem:$0x1F570] =	vst v3;
	v3 =	vlaneseq.u32 @!p1  }
0x2f7: {  	v6 =	vbroadcast @!p5 v2, $0x8;
	[smem:$0x78A] =	sst s0;
	s0 =	spop (v2sf);
	v3 =	vshrl.u32 @!p1 v5, v3;
	v5 =	vlaneseq.u32 @!p1  }
0x2f8: {  	v9 =	vbroadcast @!p5 v1, $0x8;
	v4 =	vlaneseq.u32 @!p5;
	p3 =	seq.s32 s0, $0x0;
	[tilespmem:$0x1F420] =	vst v5;
	v5 =	vlaneseq.u32 @!p5  }
0x2f9: {  	s31 =	spop (v2sf);
	v4 =	vshrl.u32 @!p5 v6, v4;
	v3 =	vand.u32 @!p1 $0x1, v3;
	[tilespmem:$0x1F430] =	vst v5;
	v5 =	vbroadcast @!p3 v2, $0x9  }
0x2fa: {  	(v2sf) =	vpush v2, $0xD;
	p2 =	seq.s32 s31, $0x0;
	v7 =	vlaneseq.u32 @!p3;
	v4 =	vand.u32 @!p5 $0x1, v4;
	(xrf0) =	vadd.scan.msk.s32 @!p1 $0xffff, v3  }
0x2fb: {  	v6 =	vbroadcast @!p2 v2, $0xA;
	v5 =	vshrl.u32 @!p3 v5, v7;
	v7 =	vlaneseq.u32 @!p3  }
0x2fc: {  	v0 =	vld [tilespmem:s28+$0x10];
	(v2sf) =	vpush v2, $0xE;
	s31 =	spop (v2sf);
	(xrf0) =	vadd.scan.msk.s32 @!p5 $0xffff, v4;
	[tilespmem:$0x1F440] =	vst v7;
	v7 =	vlaneseq.u32 @!p2  }
0x2fd: {  	v8 =	vbroadcast @!p1 v1, $0x7;
	p0 =	seq.s32 s31, $0x0;
	v6 =	vshrl.u32 @!p2 v6, v7;
	v7 =	vlaneseq.u32 @!p2  }
0x2fe: {  	(v2sf) =	vpush v2, $0xF;
	v10 =	vlaneseq.u32 @!p0;
	[tilespmem:$0x1F450] =	vst v7;
	v7 =	vbroadcast @!p0 v2, $0xB  }
0x2ff: {  	vm4 =	veq.s32 @!p1 v3, $0x1;
	v3 =	vsub.s32 @!p1 v8, v3;
	v5 =	vand.u32 @!p3 $0x1, v5  }
0x300: {  	s31 =	spop (v2sf);
	(xrf0) =	vadd.scan.msk.s32 @!p3 $0xffff, v5;
	v6 =	vand.u32 @!p2 $0x1, v6;
	v11, _, _ =	vpop @!p1 (xrf0);
	v7 =	vshrl.u32 @!p0 v7, v10;
	v10 =	vlaneseq.u32 @!p0  }
0x301: {  	p4 =	seq.s32 s31, $0x0;
	(v2sf) =	vpush v0, $0x0;
	(xrf0) =	vadd.scan.msk.s32 @!p2 $0xffff, v6;
	v3 =	vadd.s32 @!p1 v11, v3;
	[tilespmem:$0x1F460] =	vst v10  }
0x302: {  	s0 =	simm.s32 @!p4 $0x0;
	v10 =	vbroadcast @!p4 v2, $0xC;
	[tilespmem:$0x1F590] =	vst v3;
	v3 =	vsub.s32 @!p5 v9, v4;
	v9, _, _ =	vpop @!p5 (xrf0)  }
0x303: {  	v8 =	vlaneseq.u32 @!p4;
	(v2sf) =	vpush v0, $0x1;
	s0 =	simm.s32 @p4 $0x1;
	v3 =	vadd.s32 @!p5 v9, v3  }
0x304: {  	[smem:$0x78F] =	sst s0;
	s0 =	simm.s32 @!p5 $0x0;
	v7 =	vand.u32 @!p0 $0x1, v7;
	v8 =	vshrl.u32 @!p4 v10, v8;
	v10 =	vbroadcast @!p3 v1, $0x9  }
0x305: {  	s0 =	simm.s32 @p5 $0x1;
	v11 =	vbroadcast @!p2 v1, $0xA;
	(xrf0) =	vadd.scan.msk.s32 @!p0 $0xffff, v7  }
0x306: {  	vm12 =	veq.s32 @!p5 v4, $0x1;
	[smem:$0x78B] =	sst s0;
	s0 =	simm.s32 @!p3 $0x0;
	vm9 =	veq.s32 @!p3 v5, $0x1;
	[tilespmem:$0x1F5A0] =	vst v3;
	v3, _, _ =	vpop @!p3 (xrf0);
	v4 =	vsub.s32 @!p3 v10, v5  }
0x307: {  	s0 =	simm.s32 @p3 $0x1;
	v9 =	vsub.s32 @!p2 v11, v6;
	v8 =	vand.u32 @!p4 $0x1, v8;
	v5, _, _ =	vpop @!p2 (xrf0);
	v3 =	vadd.s32 @!p3 v3, v4  }
0x308: {  	[smem:$0x78C] =	sst s0;
	s0 =	simm.s32 @!p2 $0x0;
	(xrf0) =	vadd.scan.msk.s32 @!p4 $0xffff, v8;
	[tilespmem:$0x1F5D0] =	vst v3;
	v3 =	vadd.s32 @!p2 v5, v9  }
0x309: {  	s31 =	simm.s32 @!p0 $0x0;
	s0 =	simm.s32 @p2 $0x1;
	v10 =	vbroadcast @!p0 v1, $0xB  }
0x30a: {  	s31 =	simm.s32 @p0 $0x1;
	[smem:$0x78D] =	sst s0;
	s0 =	spop (v2sf);
	v5 =	vbroadcast @!p4 v1, $0xC  }
0x30b: {  	[smem:$0x78E] =	sst s31;
	(v2sf) =	vpush v0, $0x2;
	s31 =	spop (v2sf);
	v4 =	vsub.s32 @!p0 v10, v7;
	[tilespmem:$0x1F5F0] =	vst v3;
	v3, _, _ =	vpop @!p0 (xrf0)  }
0x30c: {  	v63 =	vimm.s32 $0x0;
	vm14 =	veq.s32 @!p0 v7, $0x1;
	p5 =	seq.s32 s0, $0x0;
	v3 =	vadd.s32 @!p0 v3, v4;
	p0 =	seq.s32 s31, $0x0  }
0x30d: {  	(v2sf) =	vpush v0, $0x3;
	vm10 =	veq.s32 @!p2 v6, $0x1;
	[tilespmem:$0x1F600] =	vst v3;
	v3 =	vbroadcast @!p5 v2, $0xD;
	s0 =	simm.s32 @!p0 $0x0  }
0x30e: {  	(v2sf) =	vpush v0, $0x4;
	v6 =	vlaneseq.u32 @!p5;
	v4 =	vsub.s32 @!p4 v5, v8;
	v5, _, _ =	vpop @!p4 (xrf0);
	s31 =	simm.s32 @!p5 $0x0;
	s0 =	simm.s32 @p0 $0x1  }
0x30f: {  	v4 =	vadd.s32 @!p4 v5, v4;
	s31 =	simm.s32 @p5 $0x1;
	[smem:$0x791] =	sst s0;
	v3 =	vshrl.u32 @!p5 v3, v6;
	v6 =	vbroadcast @!p0 v2, $0xE;
	s0 =	spop (v2sf)  }
0x310: {  	vm13 =	veq.s32 @!p4 v8, $0x1;
	[tilespmem:$0x1F620] =	vst v4;
	[smem:$0x790] =	sst s31;
	v4 =	vlaneseq.u32 @!p0;
	v3 =	vand.u32 @!p5 $0x1, v3;
	s31 =	spop (v2sf);
	p2 =	seq.s32 s0, $0x0  }
0x311: {  	v8 =	vbroadcast @!p5 v1, $0xD;
	v4 =	vshrl.u32 @!p0 v6, v4;
	v2 =	vbroadcast @!p2 v2, $0xF;
	p1 =	seq.s32 s31, $0x0;
	(xrf0) =	vadd.scan.msk.s32 @!p5 $0xffff, v3  }
0x312: {  	v6 =	vlaneseq.u32 @!p2;
	s31 =	spop (v2sf);
	vm0 =	veq.s32 @!p5 v3, $0x1;
	v5 =	vbroadcast @!p1 v0, $0x0  }
0x313: {  	v4 =	vand.u32 @!p0 $0x1, v4;
	p3 =	seq.s32 s31, $0x0;
	v2 =	vshrl.u32 @!p2 v2, v6;
	v6 =	vlaneseq.u32 @!p1  }
0x314: {  	v9 =	vsel vm0, $0xFFFFFFFF, v63;
	v5 =	vshrl.u32 @!p1 v5, v6;
	v6 =	vbroadcast @!p3 v0, $0x1  }
0x315: {  	(xrf0) =	vadd.scan.msk.s32 @!p0 $0xffff, v4;
	v7 =	vand.u32 @!p2 $0x1, v2;
	v43 =	vand.u32 @!p1 $0x1, v5;
	v5 =	vlaneseq.u32 @!p3  }
0x316: {  	(v2sf) =	vpush v0, $0x5;
	(xrf0) =	vadd.scan.msk.s32 @!p2 $0xffff, v7;
	v5 =	vshrl.u32 @!p3 v6, v5  }
0x317: {  	v3 =	vsub.s32 @!p5 v8, v3;
	[tilespmem:$0x1F650] =	vst v9;
	v10 =	vand.u32 @!p3 $0x1, v5;
	v5 =	vbroadcast @!p0 v1, $0xE;
	v9, _, _ =	vpop @!p5 (xrf0)  }
0x318: {  	vm0 =	veq.s32 @!p2 v7, $0x1;
	v3 =	vadd.s32 @!p5 v9, v3;
	v9 =	vimm.s32 $0x0  }
0x319: {  	vm15 =	veq.s32 @!p0 v4, $0x1;
	v2 =	vld [tilespmem:s28+$0x210];
	v5 =	vsub.s32 @!p0 v5, v4;
	v4 =	vsel vm0, $0xFFFFFFFF, v9  }
0x31a: {  	(v2sf) =	vpush v0, $0x6;
	s31 =	spop (v2sf);
	(xrf0) =	vadd.scan.msk.s32 @!p1 $0xffff, v43;
	v1 =	vbroadcast @!p2 v1, $0xF  }
0x31b: {  	v12 =	vlaneseq.u32 @!p4;
	(v2sf) =	vpush v0, $0x7;
	p4 =	seq.s32 s31, $0x0;
	[tilespmem:$0x1F660] =	vst v3;
	v3, _, _ =	vpop @!p0 (xrf0)  }
0x31c: {  	(v2sf) =	vpush v0, $0x8;
	v6 =	vbroadcast @!p4 v0, $0x2;
	v1 =	vsub.s32 @!p2 v1, v7;
	[tilespmem:$0x1F680] =	vst v4;
	v4, _, _ =	vpop @!p2 (xrf0)  }
0x31d: {  	v11 =	vlaneseq.u32 @!p4;
	v3 =	vadd.s32 @!p0 v3, v5;
	v1 =	vadd.s32 @!p2 v4, v1  }
0x31e: {  	(xrf0) =	vadd.scan.msk.s32 @!p3 $0xffff, v10;
	v6 =	vshrl.u32 @!p4 v6, v11;
	[tilespmem:$0x1F670] =	vst v3;
	v3 =	vbroadcast @!p1 v2, $0x0  }
0x31f: {  	v45 =	vand.u32 @!p4 $0x1, v6  }
0x320: {  	(xrf0) =	vadd.scan.msk.s32 @!p4 $0xffff, v45;
	[tilespmem:$0x1F690] =	vst v1;
	v3 =	vsub.s32 @!p1 v3, v43;
	v1, _, _ =	vpop @!p1 (xrf0)  }
0x321: {  	s0 =	simm.s32 @!p4 $0x0;
	v5 =	vbroadcast @!p3 v2, $0x1;
	v1 =	vadd.s32 @!p1 v1, v3  }
0x322: {  	s0 =	simm.s32 @p4 $0x1  }
0x323: {  	s31 =	spop (v2sf);
	[smem:$0x795] =	sst s0;
	s0 =	simm.s32 @!p1 $0x0;
	v3 =	vsub.s32 @!p3 v5, v10  }
0x324: {  	v13 =	vlaneseq.u32 @!p5;
	s0 =	simm.s32 @p1 $0x1;
	p5 =	seq.s32 s31, $0x0;
	v4 =	vbroadcast @!p4 v2, $0x2;
	[tilespmem:$0x1F6C0] =	vst v1;
	v1, _, _ =	vpop @!p3 (xrf0)  }
0x325: {  	(v2sf) =	vpush v0, $0x9;
	[smem:$0x793] =	sst s0;
	s0 =	simm.s32 @!p2 $0x0;
	s31 =	spop (v2sf);
	v5 =	vbroadcast @!p5 v0, $0x3;
	v1 =	vadd.s32 @!p3 v1, v3  }
0x326: {  	v16 =	vlaneseq.u32 @!p1;
	s0 =	simm.s32 @p2 $0x1;
	p1 =	seq.s32 s31, $0x0;
	v3, _, _ =	vpop @!p4 (xrf0);
	[tilespmem:$0x1F6E0] =	vst v1;
	v1 =	vsub.s32 @!p4 v4, v45;
	v4 =	vlaneseq.u32 @!p5  }
0x327: {  	[smem:$0x792] =	sst s0;
	s0 =	simm.s32 @!p3 $0x0;
	v4 =	vshrl.u32 @!p5 v5, v4;
	v5 =	vbroadcast @!p1 v0, $0x4;
	v1 =	vadd.s32 @!p4 v3, v1  }
0x328: {  	v14 =	vlaneseq.u32 @!p0;
	v15 =	vlaneseq.u32 @!p2;
	s0 =	simm.s32 @p3 $0x1;
	s31 =	spop (v2sf);
	[tilespmem:$0x1F6F0] =	vst v1;
	v1 =	vlaneseq.u32 @!p1  }
0x329: {  	v18 =	vlaneseq.u32 @!p4;
	[smem:$0x794] =	sst s0;
	p6 =	seq.s32 s31, $0x0;
	v21 =	vlaneseq.u32 @!p1;
	s0 =	spop (v2sf);
	v1 =	vshrl.u32 @!p1 v5, v1  }
0x32a: {  	s31 =	spop (v2sf);
	p4 =	por p1, p1;
	v53 =	vand.u32 @!p5 $0x1, v4;
	v4 =	vbroadcast @!p6 v0, $0x5;
	v54 =	vand.u32 @!p1 $0x1, v1;
	p1 =	seq.s32 s0, $0x0  }
0x32b: {  	(v2sf) =	vpush v0, $0xA;
	p0 =	seq.s32 s31, $0x0;
	v1 =	vlaneseq.u32 @!p6;
	v5 =	vbroadcast @!p1 v0, $0x6  }
0x32c: {  	s31 =	spop (v2sf);
	v6 =	vbroadcast @!p0 v0, $0x7;
	v4 =	vshrl.u32 @!p6 v4, v1;
	v8 =	vlaneseq.u32 @!p1  }
0x32d: {  	p2 =	seq.s32 s31, $0x0;
	(xrf0) =	vadd.scan.msk.s32 @!p5 $0xffff, v53;
	v7 =	vand.u32 @!p6 $0x1, v4;
	v4 =	vshrl.u32 @!p1 v5, v8;
	v5 =	vlaneseq.u32 @!p0  }
0x32e: {  	v5 =	vshrl.u32 @!p0 v6, v5;
	v6 =	vbroadcast @!p2 v0, $0x8  }
0x32f: {  	v59 =	vand.u32 @!p1 $0x1, v4;
	v4 =	vlaneseq.u32 @!p2  }
0x330: {  	v4 =	vshrl.u32 @!p2 v6, v4  }
0x331: {  	v3 =	vbroadcast @!p5 v2, $0x3;
	(xrf0) =	vadd.scan.msk.s32 @!p4 $0xffff, v54  }
0x332: {  	(v2sf) =	vpush v0, $0xB  }
0x333: {  	(v2sf) =	vpush v0, $0xC;
	v3 =	vsub.s32 @!p5 v3, v53;
	v63 =	vand.u32 @!p2 $0x1, v4;
	v4, _, _ =	vpop @!p5 (xrf0)  }
0x334: {  	(v2sf) =	vpush v0, $0xD;
	s31 =	spop (v2sf);
	s0 =	simm.s32 @!p5 $0x0;
	v3 =	vadd.s32 @!p5 v4, v3  }
0x335: {  	v17 =	vlaneseq.u32 @!p3;
	p3 =	seq.s32 s31, $0x0;
	s0 =	simm.s32 @p5 $0x1;
	(xrf0) =	vadd.scan.msk.s32 @!p6 $0xffff, v7;
	v6 =	vbroadcast @!p4 v2, $0x4  }
0x336: {  	v1 =	vld [tilespmem:s28+$0x20];
	[smem:$0x796] =	sst s0;
	s0 =	simm.s32 @!p4 $0x0;
	[tilespmem:$0x1F530] =	vst v7;
	v9 =	vand.u32 @!p0 $0x1, v5;
	(xrf0) =	vadd.scan.msk.s32 @!p1 $0xffff, v59;
	v5 =	vbroadcast @!p3 v0, $0x9  }
0x337: {  	s0 =	simm.s32 @p4 $0x1;
	v8 =	vmov v7;
	v7 =	vlaneseq.u32 @!p3;
	v4 =	vsub.s32 @!p4 v6, v54;
	[tilespmem:$0x1F710] =	vst v3;
	v3, _, _ =	vpop @!p4 (xrf0)  }
0x338: {  	(v2sf) =	vpush v0, $0xE;
	[smem:$0x797] =	sst s0;
	s0 =	simm.s32 @!p6 $0x0;
	(xrf0) =	vadd.scan.msk.s32 @!p0 $0xffff, v9;
	v5 =	vshrl.u32 @!p3 v5, v7;
	v3 =	vadd.s32 @!p4 v3, v4  }
0x339: {  	s0 =	simm.s32 @p6 $0x1;
	v62 =	vand.u32 @!p3 $0x1, v5;
	v5 =	vbroadcast @!p6 v2, $0x5;
	(xrf0) =	vadd.scan.msk.s32 @!p2 $0xffff, v63  }
0x33a: {  	(v2sf) =	vpush v0, $0xF;
	[smem:$0x798] =	sst s0;
	s0 =	simm.s32 @!p1 $0x0;
	v6 =	vbroadcast @!p1 v2, $0x6;
	v4 =	vbroadcast @!p0 v2, $0x7  }
0x33b: {  	(v2sf) =	vpush v1, $0x0;
	s0 =	simm.s32 @p1 $0x1;
	v5 =	vsub.s32 @!p6 v5, v8;
	(xrf0) =	vadd.scan.msk.s32 @!p3 $0xffff, v62;
	[tilespmem:$0x1F740] =	vst v3;
	v3, _, _ =	vpop @!p6 (xrf0)  }
0x33c: {  	[smem:$0x799] =	sst s0;
	s0 =	spop (v2sf);
	v8 =	vbroadcast @!p2 v2, $0x8;
	v6 =	vsub.s32 @!p1 v6, v59;
	v7, _, _ =	vpop @!p1 (xrf0);
	v3 =	vadd.s32 @!p6 v3, v5  }
0x33d: {  	v20 =	vlaneseq.u32 @!p5;
	p5 =	seq.s32 s0, $0x0;
	s0 =	simm.s32 @!p2 $0x0;
	[tilespmem:$0x1F750] =	vst v3;
	v3 =	vadd.s32 @!p1 v7, v6  }
0x33e: {  	(v2sf) =	vpush v1, $0x1;
	s0 =	simm.s32 @p2 $0x1;
	v5 =	vsub.s32 @!p2 v8, v63;
	[tilespmem:$0x1F760] =	vst v3;
	v3 =	vsub.s32 @!p0 v4, v9;
	v4, _, _ =	vpop @!p0 (xrf0)  }
0x33f: {  	(v2sf) =	vpush v1, $0x2;
	[smem:$0x79B] =	sst s0;
	s0 =	simm.s32 @!p3 $0x0;
	v7 =	vbroadcast @!p3 v2, $0x9;
	v6, _, _ =	vpop @!p2 (xrf0);
	v3 =	vadd.s32 @!p0 v4, v3  }
0x340: {  	s31 =	simm.s32 @!p0 $0x0;
	s0 =	simm.s32 @p3 $0x1;
	v8 =	vbroadcast @!p5 v0, $0xA;
	[tilespmem:$0x1F790] =	vst v3;
	v3 =	vadd.s32 @!p2 v6, v5  }
0x341: {  	v27 =	vlaneseq.u32 @!p2;
	s31 =	simm.s32 @p0 $0x1;
	[smem:$0x79C] =	sst s0;
	s0 =	spop (v2sf);
	v4 =	vlaneseq.u32 @!p5;
	v5, _, _ =	vpop @!p3 (xrf0);
	[tilespmem:$0x1F7A0] =	vst v3;
	v3 =	vsub.s32 @!p3 v7, v62  }
0x342: {  	[smem:$0x79A] =	sst s31;
	s31 =	spop (v2sf);
	p4 =	seq.s32 s0, $0x0;
	v4 =	vshrl.u32 @!p5 v8, v4;
	v6 =	vbroadcast @!p5 v2, $0xA;
	v3 =	vadd.s32 @!p3 v5, v3  }
0x343: {  	v36 =	vlaneseq.u32 @!p3;
	s0 =	spop (v2sf);
	p2 =	seq.s32 s31, $0x0;
	v61 =	vand.u32 @!p5 $0x1, v4;
	[tilespmem:$0x1F7B0] =	vst v3;
	v3 =	vbroadcast @!p4 v0, $0xB  }
0x344: {  	v4 =	vsub.s32 @!p5 v6, v61;
	v6 =	vlaneseq.u32 @!p4;
	v5 =	vbroadcast @!p2 v0, $0xC;
	p3 =	seq.s32 s0, $0x0  }
0x345: {  	s31 =	simm.s32 @!p5 $0x0;
	v7 =	vlaneseq.u32 @!p2;
	v3 =	vshrl.u32 @!p4 v3, v6;
	v6 =	vbroadcast @!p3 v0, $0xD  }
0x346: {  	s31 =	simm.s32 @p5 $0x1;
	v56 =	vand.u32 @!p4 $0x1, v3;
	v3 =	vshrl.u32 @!p2 v5, v7;
	v5 =	vlaneseq.u32 @!p2  }
0x347: {  	v22 =	vlaneseq.u32 @!p6;
	[smem:$0x79D] =	sst s31;
	s31 =	spop (v2sf);
	[tilespmem:$0x1F470] =	vst v5;
	v5 =	vlaneseq.u32 @!p3  }
0x348: {  	v23 =	vlaneseq.u32 @!p1;
	p1 =	seq.s32 s31, $0x0;
	s31 =	simm.s32 @!p3 $0x0;
	v5 =	vshrl.u32 @!p3 v6, v5;
	v6 =	vlaneseq.u32 @!p3  }
0x349: {  	v24 =	vlaneseq.u32 @!p0;
	v37 =	vlaneseq.u32 @!p5;
	s0 =	spop (v2sf);
	s31 =	simm.s32 @p3 $0x1;
	[tilespmem:$0x1F490] =	vst v6;
	v6 =	vbroadcast @!p1 v0, $0xE  }
0x34a: {  	(xrf0) =	vadd.scan.msk.s32 @!p5 $0xffff, v61;
	p6 =	seq.s32 s0, $0x0;
	[smem:$0x7A0] =	sst s31;
	s31 =	spop (v2sf);
	v55 =	vand.u32 @!p2 $0x1, v3;
	v3 =	vlaneseq.u32 @!p1;
	v57 =	vand.u32 @!p3 $0x1, v5  }
0x34b: {  	p0 =	seq.s32 s31, $0x0;
	s31 =	simm.s32 @!p1 $0x0;
	(xrf0) =	vadd.scan.msk.s32 @!p4 $0xffff, v56;
	v5 =	vlaneseq.u32 @!p1;
	v0 =	vbroadcast @!p6 v0, $0xF;
	v3 =	vshrl.u32 @!p1 v6, v3  }
0x34c: {  	p5 =	por p1, p1;
	s31 =	simm.s32 @p1 $0x1;
	[tilespmem:$0x1F4C0] =	vst v5;
	v5 =	vbroadcast @!p0 v1, $0x0;
	v52 =	vand.u32 @!p1 $0x1, v3;
	v3 =	vlaneseq.u32 @!p6  }
0x34d: {  	s0 =	spop (v2sf);
	[smem:$0x7A1] =	sst s31;
	(xrf0) =	vadd.scan.msk.s32 @!p2 $0xffff, v55;
	s31 =	simm.s32 @!p0 $0x0;
	v6 =	vlaneseq.u32 @!p6;
	[tilespmem:$0x1F4D0] =	vst v3;
	v3 =	vlaneseq.u32 @!p0  }
0x34e: {  	s31 =	simm.s32 @p0 $0x1;
	(xrf0) =	vadd.scan.msk.s32 @!p3 $0xffff, v57;
	v0 =	vshrl.u32 @!p6 v0, v6;
	p1 =	seq.s32 s0, $0x0;
	s0 =	spop (v2sf);
	v3 =	vshrl.u32 @!p0 v5, v3;
	v5 =	vlaneseq.u32 @!p0  }
0x34f: {  	p3 =	por p0, p0;
	[smem:$0x7A3] =	sst s31;
	[tilespmem:$0x1F4F0] =	vst v5;
	v5 =	vbroadcast @!p1 v1, $0x1;
	v60 =	vand.u32 @!p0 $0x1, v3;
	p0 =	seq.s32 s0, $0x0;
	v3 =	vlaneseq.u32 @!p1  }
0x350: {  	s31 =	sld [smem:$0x79D];
	v51 =	vand.u32 @!p6 $0x1, v0;
	v0 =	vlaneseq.u32 @!p1;
	[tilespmem:$0x1F520] =	vst v3;
	v3 =	vbroadcast @!p0 v1, $0x2  }
0x351: {  	(xrf0) =	vadd.scan.msk.s32 @!p5 $0xffff, v52;
	p5 =	por p1, p1;
	v7 =	vlaneseq.u32 @!p0;
	v0 =	vshrl.u32 @!p1 v5, v0  }
0x352: {  	s0 =	simm.s32 @!p4 $0x0;
	v49 =	vand.u32 @!p5 $0x1, v0;
	v0 =	vshrl.u32 @!p0 v3, v7  }
0x353: {  	(v2sf) =	vpush v1, $0x3;
	v6 =	vbroadcast @!p4 v2, $0xB;
	s0 =	simm.s32 @p4 $0x1;
	p1 =	seq.s32 s31, $0x1  }
0x354: {  	(v2sf) =	vpush v1, $0x4;
	[smem:$0x79E] =	sst s0;
	v3 =	vlaneseq.u32 @!p0;
	v5, _, _ =	vpop @!p1 (xrf0)  }
0x355: {  	(v2sf) =	vpush v1, $0x5;
	s0 =	simm.s32 @!p5 $0x0;
	s31 =	sld [smem:$0x7A0];
	[tilespmem:$0x1F550] =	vst v3;
	v3 =	vsub.s32 @!p4 v6, v56;
	v58 =	vand.u32 @!p0 $0x1, v0;
	v0, _, _ =	vpop @!p4 (xrf0)  }
0x356: {  	[tilespmem:$0x1F4A0] =	vst v10;
	(v2sf) =	vpush v1, $0x6;
	(xrf0) =	vadd.scan.msk.s32 @!p6 $0xffff, v51;
	s0 =	simm.s32 @p5 $0x1;
	v0 =	vadd.s32 @!p4 v0, v3  }
0x357: {  	[tilespmem:$0x1F580] =	vst v9;
	(v2sf) =	vpush v1, $0x7;
	(xrf0) =	vadd.scan.msk.s32 @!p3 $0xffff, v60;
	[smem:$0x7A4] =	sst s0;
	s0 =	simm.s32 @!p2 $0x0;
	v4 =	vadd.s32 @!p1 v5, v4  }
0x358: {  	(v2sf) =	vpush v1, $0x8;
	(xrf0) =	vadd.scan.msk.s32 @!p5 $0xffff, v49;
	s0 =	simm.s32 @p2 $0x1;
	p1 =	seq.s32 s31, $0x1;
	s31 =	sld [smem:$0x7A1];
	[tilespmem:$0x1F7C0] =	vst v4  }
0x359: {  	(v2sf) =	vpush v1, $0x9;
	v4 =	vbroadcast @!p2 v2, $0xC;
	(xrf0) =	vadd.scan.msk.s32 @!p0 $0xffff, v58;
	[smem:$0x79F] =	sst s0;
	[tilespmem:$0x1F7E0] =	vst v0;
	v0, _, _ =	vpop @!p2 (xrf0)  }
0x35a: {  	v50 =	vld [tilespmem:s28+$0x220];
	v6, _, _ =	vpop @!p1 (xrf0)  }
0x35b: {  	v3 =	vbroadcast @!p1 v2, $0xD;
	v4 =	vsub.s32 @!p2 v4, v55;
	p3 =	seq.s32 s31, $0x1;
	s31 =	sld [smem:$0x7A3]  }
0x35c: {  	v5 =	vbroadcast @!p3 v2, $0xE;
	v0 =	vadd.s32 @!p2 v0, v4  }
0x35d: {  	[tilespmem:$0x1F7F0] =	vst v0;
	v0 =	vsub.s32 @!p1 v3, v57  }
0x35e: {  	v2 =	vbroadcast @!p6 v2, $0xF;
	v0 =	vadd.s32 @!p1 v6, v0;
	p5 =	seq.s32 s31, $0x1  }
0x35f: {  	v3, _, _ =	vpop @!p3 (xrf0);
	[tilespmem:$0x1F800] =	vst v0;
	v0 =	vsub.s32 @!p3 v5, v52;
	s31 =	sld [smem:$0x7A4];
	v4 =	vbroadcast @!p5 v50, $0x0  }
0x360: {  	v2 =	vsub.s32 @!p6 v2, v51;
	v5, _, _ =	vpop @!p6 (xrf0);
	v0 =	vadd.s32 @!p3 v3, v0  }
0x361: {  	s0 =	simm.s32 @!p6 $0x0;
	v6, _, _ =	vpop @!p5 (xrf0);
	[tilespmem:$0x1F820] =	vst v0;
	v0 =	vadd.s32 @!p6 v5, v2;
	v4 =	vsub.s32 @!p5 v4, v60  }
0x362: {  	s0 =	simm.s32 @p6 $0x1;
	[tilespmem:$0x1F830] =	vst v0;
	p1 =	seq.s32 s31, $0x1;
	v0 =	vadd.s32 @!p5 v6, v4  }
0x363: {  	[smem:$0x7A2] =	sst s0;
	s0 =	spop (v2sf);
	v7 =	vbroadcast @!p1 v50, $0x1  }
0x364: {  	p6 =	seq.s32 s0, $0x0;
	s0 =	simm.s32 @!p0 $0x0  }
0x365: {  	v8 =	vbroadcast @!p0 v50, $0x2;
	s0 =	simm.s32 @p0 $0x1;
	[tilespmem:$0x1F840] =	vst v0;
	v2 =	vsub.s32 @!p1 v7, v49;
	v0, _, _ =	vpop @!p1 (xrf0)  }
0x366: {  	[smem:$0x7A5] =	sst s0;
	s0 =	spop (v2sf);
	v0 =	vadd.s32 @!p1 v0, v2  }
0x367: {  	v3 =	vsub.s32 @!p0 v8, v58;
	p5 =	seq.s32 s0, $0x0;
	v4, _, _ =	vpop @!p0 (xrf0);
	v2 =	vlaneseq.u32 @!p6;
	[tilespmem:$0x1F860] =	vst v0  }
0x368: {  	v5 =	vbroadcast @!p6 v1, $0x3;
	v0 =	vadd.s32 @!p0 v4, v3;
	[tilespmem:$0x1F560] =	vst v2;
	v2 =	vbroadcast @!p5 v1, $0x4  }
0x369: {  	s31 =	spop (v2sf);
	v3 =	vlaneseq.u32 @!p5;
	[tilespmem:$0x1F870] =	vst v0;
	v0 =	vlaneseq.u32 @!p6  }
0x36a: {  	v38 =	vlaneseq.u32 @!p4;
	p1 =	seq.s32 s31, $0x0;
	v0 =	vshrl.u32 @!p6 v5, v0;
	v2 =	vshrl.u32 @!p5 v2, v3  }
0x36b: {  	s31 =	spop (v2sf);
	v3 =	vlaneseq.u32 @!p5;
	v47 =	vand.u32 @!p6 $0x1, v0;
	v0 =	vbroadcast @!p1 v1, $0x5  }
0x36c: {  	p4 =	seq.s32 s31, $0x0;
	[tilespmem:$0x1F5B0] =	vst v3;
	v3 =	vlaneseq.u32 @!p1;
	v46 =	vand.u32 @!p5 $0x1, v2;
	v2 =	vlaneseq.u32 @!p1  }
0x36d: {  	[tilespmem:$0x1F5C0] =	vst v2;
	v2 =	vbroadcast @!p4 v1, $0x6;
	v0 =	vshrl.u32 @!p1 v0, v3  }
0x36e: {  	s0 =	spop (v2sf);
	v48 =	vand.u32 @!p1 $0x1, v0;
	v0 =	vlaneseq.u32 @!p4  }
0x36f: {  	s31 =	spop (v2sf);
	p2 =	seq.s32 s0, $0x0;
	v0 =	vshrl.u32 @!p4 v2, v0;
	v2 =	vlaneseq.u32 @!p4  }
0x370: {  	p0 =	seq.s32 s31, $0x0;
	[tilespmem:$0x1F5E0] =	vst v2;
	v2 =	vbroadcast @!p2 v1, $0x7  }
0x371: {  	v4 =	vlaneseq.u32 @!p2;
	v3 =	vbroadcast @!p0 v1, $0x8  }
0x372: {  	v42 =	vand.u32 @!p4 $0x1, v0;
	v0 =	vshrl.u32 @!p2 v2, v4;
	v2 =	vlaneseq.u32 @!p2  }
0x373: {  	(v2sf) =	vpush v1, $0xA;
	s31 =	spop (v2sf);
	[tilespmem:$0x1F610] =	vst v2;
	v2 =	vlaneseq.u32 @!p0  }
0x374: {  	p3 =	seq.s32 s31, $0x0;
	(xrf0) =	vadd.scan.msk.s32 @!p6 $0xffff, v47;
	v44 =	vand.u32 @!p2 $0x1, v0;
	v0 =	vshrl.u32 @!p0 v3, v2;
	v2 =	vlaneseq.u32 @!p0  }
0x375: {  	v3 =	vbroadcast @!p3 v1, $0x9;
	[tilespmem:$0x1F630] =	vst v2;
	v2 =	vbroadcast @!p6 v50, $0x3  }
0x376: {  	(v2sf) =	vpush v1, $0xB;
	(xrf0) =	vadd.scan.msk.s32 @!p5 $0xffff, v46;
	v4 =	vlaneseq.u32 @!p3  }
0x377: {  	v40 =	vand.u32 @!p0 $0x1, v0;
	v0 =	vsub.s32 @!p6 v2, v47;
	v2 =	vshrl.u32 @!p3 v3, v4  }
0x378: {  	(v2sf) =	vpush v1, $0xC;
	(xrf0) =	vadd.scan.msk.s32 @!p1 $0xffff, v48  }
0x379: {  	(v2sf) =	vpush v1, $0xD;
	v3 =	vlaneseq.u32 @!p3  }
0x37a: {  	(xrf0) =	vadd.scan.msk.s32 @!p4 $0xffff, v42;
	[tilespmem:$0x1F640] =	vst v3;
	v3 =	vbroadcast @!p5 v50, $0x4;
	v41 =	vand.u32 @!p3 $0x1, v2;
	v2, _, _ =	vpop @!p6 (xrf0)  }
0x37b: {  	(v2sf) =	vpush v1, $0xE;
	v0 =	vadd.s32 @!p6 v2, v0  }
0x37c: {  	v19 =	vld [tilespmem:s28+$0x30];
	s0 =	simm.s32 @!p5 $0x0;
	(xrf0) =	vadd.scan.msk.s32 @!p2 $0xffff, v44;
	v4 =	vbroadcast @!p1 v50, $0x5;
	v2, _, _ =	vpop @!p5 (xrf0);
	[tilespmem:$0x1F880] =	vst v0;
	v0 =	vsub.s32 @!p5 v3, v46  }
0x37d: {  	(v2sf) =	vpush v1, $0xF;
	s0 =	simm.s32 @p5 $0x1;
	v0 =	vadd.s32 @!p5 v2, v0  }
0x37e: {  	[smem:$0x7A7] =	sst s0;
	s0 =	simm.s32 @!p6 $0x0;
	(xrf0) =	vadd.scan.msk.s32 @!p0 $0xffff, v40;
	v3 =	vbroadcast @!p4 v50, $0x6;
	v2, _, _ =	vpop @!p1 (xrf0);
	[tilespmem:$0x1F8A0] =	vst v0;
	v0 =	vsub.s32 @!p1 v4, v48  }
0x37f: {  	s0 =	simm.s32 @p6 $0x1;
	v0 =	vadd.s32 @!p1 v2, v0  }
0x380: {  	[smem:$0x7A6] =	sst s0;
	s0 =	simm.s32 @!p1 $0x0;
	v4 =	vbroadcast @!p2 v50, $0x7;
	v2, _, _ =	vpop @!p4 (xrf0);
	[tilespmem:$0x1F8B0] =	vst v0;
	v0 =	vsub.s32 @!p4 v3, v42  }
0x381: {  	(v2sf) =	vpush v19, $0x0;
	s31 =	simm.s32 @!p4 $0x0;
	s0 =	simm.s32 @p1 $0x1;
	v0 =	vadd.s32 @!p4 v2, v0  }
0x382: {  	(v2sf) =	vpush v19, $0x1;
	s31 =	simm.s32 @p4 $0x1;
	[smem:$0x7A8] =	sst s0;
	s0 =	spop (v2sf);
	v3 =	vbroadcast @!p0 v50, $0x8;
	v2, _, _ =	vpop @!p2 (xrf0);
	[tilespmem:$0x1F8C0] =	vst v0;
	v0 =	vsub.s32 @!p2 v4, v44  }
0x383: {  	[smem:$0x7A9] =	sst s31;
	s31 =	simm.s32 @!p2 $0x0;
	(xrf0) =	vadd.scan.msk.s32 @!p3 $0xffff, v41;
	p1 =	seq.s32 s0, $0x0;
	v0 =	vadd.s32 @!p2 v2, v0  }
0x384: {  	s31 =	simm.s32 @p2 $0x1;
	v2, _, _ =	vpop @!p0 (xrf0);
	[tilespmem:$0x1F8D0] =	vst v0;
	v0 =	vsub.s32 @!p0 v3, v40;
	v3 =	vbroadcast @!p1 v1, $0xA  }
0x385: {  	(v2sf) =	vpush v19, $0x2;
	[smem:$0x7AA] =	sst s31;
	s31 =	simm.s32 @!p0 $0x0;
	v0 =	vadd.s32 @!p0 v2, v0;
	v2 =	vlaneseq.u32 @!p1  }
0x386: {  	s31 =	simm.s32 @p0 $0x1;
	s0 =	spop (v2sf);
	v4 =	vbroadcast @!p3 v50, $0x9;
	v2 =	vshrl.u32 @!p1 v3, v2;
	v3 =	vlaneseq.u32 @!p1  }
0x387: {  	[smem:$0x7AB] =	sst s31;
	s31 =	simm.s32 @!p3 $0x0;
	p6 =	seq.s32 s0, $0x0  }
0x388: {  	s31 =	simm.s32 @p3 $0x1;
	s0 =	spop (v2sf);
	v5 =	vbroadcast @!p6 v1, $0xB;
	[tilespmem:$0x1F8E0] =	vst v0;
	v0 =	vsub.s32 @!p3 v4, v41  }
0x389: {  	[smem:$0x7AC] =	sst s31;
	s31 =	spop (v2sf);
	v4 =	vbroadcast @!p1 v50, $0xA;
	[tilespmem:$0x1F6A0] =	vst v3;
	v29 =	vand.u32 @!p1 $0x1, v2;
	v2 =	vlaneseq.u32 @!p6;
	v3, _, _ =	vpop @!p3 (xrf0)  }
0x38a: {  	p5 =	seq.s32 s31, $0x0;
	p0 =	seq.s32 s0, $0x0;
	s0 =	simm.s32 @!p1 $0x0;
	v2 =	vshrl.u32 @!p6 v5, v2;
	v0 =	vadd.s32 @!p3 v3, v0;
	v3 =	vlaneseq.u32 @!p6  }
0x38b: {  	s0 =	simm.s32 @p1 $0x1;
	v30 =	vand.u32 @!p6 $0x1, v2;
	v2 =	vbroadcast @!p5 v1, $0xD;
	[tilespmem:$0x1F6B0] =	vst v3;
	v3 =	vbroadcast @!p0 v1, $0xC  }
0x38c: {  	[smem:$0x7AD] =	sst s0;
	s0 =	spop (v2sf);
	v5 =	vlaneseq.u32 @!p5;
	[tilespmem:$0x1F900] =	vst v0;
	v0 =	vsub.s32 @!p1 v4, v29;
	v4 =	vlaneseq.u32 @!p0  }
0x38d: {  	p4 =	seq.s32 s0, $0x0;
	s0 =	spop (v2sf);
	v2 =	vshrl.u32 @!p5 v2, v5;
	v3 =	vshrl.u32 @!p0 v3, v4;
	v4 =	vlaneseq.u32 @!p0  }
0x38e: {  	s31 =	simm.s32 @!p0 $0x0;
	p2 =	seq.s32 s0, $0x0;
	[tilespmem:$0x1F6D0] =	vst v4;
	v4 =	vbroadcast @!p4 v1, $0xE;
	v28 =	vand.u32 @!p0 $0x1, v3;
	v3 =	vlaneseq.u32 @!p5  }
0x38f: {  	s31 =	simm.s32 @p0 $0x1;
	s0 =	simm.s32 @!p2 $0x0;
	v31 =	vand.u32 @!p5 $0x1, v2;
	[tilespmem:$0x1F700] =	vst v3;
	v3 =	vlaneseq.u32 @!p4  }
0x390: {  	[smem:$0x7AF] =	sst s31;
	s31 =	spop (v2sf);
	s0 =	simm.s32 @p2 $0x1;
	v1 =	vbroadcast @!p2 v1, $0xF;
	v2 =	vshrl.u32 @!p4 v4, v3;
	v3 =	vlaneseq.u32 @!p4  }
0x391: {  	p3 =	seq.s32 s31, $0x0;
	[smem:$0x7B2] =	sst s0;
	s0 =	spop (v2sf);
	[tilespmem:$0x1F720] =	vst v3;
	v32 =	vand.u32 @!p4 $0x1, v2;
	v3 =	vlaneseq.u32 @!p2  }
0x392: {  	(xrf0) =	vadd.scan.msk.s32 @!p1 $0xffff, v29;
	p1 =	seq.s32 s0, $0x0;
	v2 =	vbroadcast @!p3 v19, $0x0;
	v1 =	vshrl.u32 @!p2 v1, v3;
	v3 =	vlaneseq.u32 @!p2  }
0x393: {  	v4 =	vlaneseq.u32 @!p3;
	[tilespmem:$0x1F730] =	vst v3;
	v3 =	vbroadcast @!p1 v19, $0x1  }
0x394: {  	(xrf0) =	vadd.scan.msk.s32 @!p6 $0xffff, v30;
	s31 =	spop (v2sf);
	v26 =	vand.u32 @!p2 $0x1, v1;
	v1 =	vshrl.u32 @!p3 v2, v4;
	v2 =	vlaneseq.u32 @!p3  }
0x395: {  	(xrf0) =	vadd.scan.msk.s32 @!p0 $0xffff, v28;
	p0 =	seq.s32 s31, $0x0;
	s31 =	sld [smem:$0x7AD];
	[tilespmem:$0x1F770] =	vst v2;
	v2 =	vlaneseq.u32 @!p1  }
0x396: {  	(xrf0) =	vadd.scan.msk.s32 @!p5 $0xffff, v31;
	v33 =	vand.u32 @!p3 $0x1, v1;
	v1 =	vshrl.u32 @!p1 v3, v2  }
0x397: {  	(xrf0) =	vadd.scan.msk.s32 @!p4 $0xffff, v32  }
0x398: {  	(xrf0) =	vadd.scan.msk.s32 @!p2 $0xffff, v26;
	p2 =	seq.s32 s31, $0x1  }
0x399: {  	s31 =	sld [smem:$0x7AF];
	v2 =	vlaneseq.u32 @!p1;
	v39 =	vand.u32 @!p1 $0x1, v1;
	v1, _, _ =	vpop @!p2 (xrf0)  }
0x39a: {  	s0 =	simm.s32 @!p0 $0x0;
	[tilespmem:$0x1F780] =	vst v2;
	v2 =	vbroadcast @!p0 v19, $0x2;
	v0 =	vadd.s32 @!p2 v1, v0;
	v1 =	vlaneseq.u32 @!p0  }
0x39b: {  	s0 =	simm.s32 @p0 $0x1;
	v4 =	vlaneseq.u32 @!p0;
	(xrf0) =	vadd.scan.msk.s32 @!p3 $0xffff, v33;
	v3 =	vbroadcast @!p6 v50, $0xB  }
0x39c: {  	[smem:$0x7B6] =	sst s0;
	(xrf0) =	vadd.scan.msk.s32 @!p1 $0xffff, v39;
	p2 =	por p1, p1;
	p1 =	seq.s32 s31, $0x1;
	[tilespmem:$0x1F920] =	vst v0;
	v0 =	vshrl.u32 @!p0 v2, v4  }
0x39d: {  	s0 =	simm.s32 @!p6 $0x0;
	v3 =	vsub.s32 @!p6 v3, v30;
	s31 =	sld [smem:$0x7B2];
	[tilespmem:$0x1F7D0] =	vst v1;
	v2 =	vbroadcast @!p1 v50, $0xC;
	v1, _, _ =	vpop @!p6 (xrf0)  }
0x39e: {  	v34 =	vld [tilespmem:s28+$0x230];
	s0 =	simm.s32 @p6 $0x1;
	v4 =	vbroadcast @!p5 v50, $0xD;
	v1 =	vadd.s32 @!p6 v1, v3  }
0x39f: {  	[smem:$0x7AE] =	sst s0;
	s0 =	simm.s32 @!p5 $0x0;
	v35 =	vand.u32 @!p0 $0x1, v0;
	v0, _, _ =	vpop @!p1 (xrf0);
	[tilespmem:$0x1F930] =	vst v1;
	v1 =	vsub.s32 @!p1 v2, v28  }
0x3a0: {  	s0 =	simm.s32 @p5 $0x1;
	v3 =	vbroadcast @!p4 v50, $0xE;
	v0 =	vadd.s32 @!p1 v0, v1;
	p1 =	seq.s32 s31, $0x1  }
0x3a1: {  	[smem:$0x7B0] =	sst s0;
	v2, _, _ =	vpop @!p5 (xrf0);
	v1 =	vbroadcast @!p1 v50, $0xF  }
0x3a2: {  	s0 =	simm.s32 @!p4 $0x0;
	v3 =	vsub.s32 @!p4 v3, v32;
	s31 =	sld [smem:$0x783];
	[tilespmem:$0x1F940] =	vst v0;
	v0 =	vsub.s32 @!p5 v4, v31;
	v4, _, _ =	vpop @!p4 (xrf0)  }
0x3a3: {  	v6 =	vbroadcast @!p3 v34, $0x0;
	s0 =	simm.s32 @p4 $0x1;
	v50 =	vadd.s32 @!p5 v2, v0;
	v0 =	vadd.s32 @!p4 v4, v3  }
0x3a4: {  	[smem:$0x7B1] =	sst s0;
	v7 =	vbroadcast @!p2 v34, $0x1;
	v5, _, _ =	vpop @!p1 (xrf0);
	[tilespmem:$0x1F970] =	vst v0;
	v0 =	vsub.s32 @!p1 v1, v26  }
0x3a5: {  	s0 =	simm.s32 @!p3 $0x0;
	v2 =	vsub.s32 @!p3 v6, v33;
	v0 =	vadd.s32 @!p1 v5, v0;
	p1 =	seq.s32 s31, $0x1;
	s31 =	sld [smem:$0x784];
	v1, _, _ =	vpop @!p3 (xrf0)  }
0x3a6: {  	s0 =	simm.s32 @p3 $0x1;
	v3 =	vsub.s32 @!p2 v7, v39;
	[tilespmem:$0x1F980] =	vst v0;
	v4, _, _ =	vpop @!p2 (xrf0);
	v0 =	vadd.s32 @!p3 v1, v2  }
0x3a7: {  	[smem:$0x7B3] =	sst s0;
	s0 =	simm.s32 @!p2 $0x0;
	(xrf0) =	vadd.scan.msk.s32 @!p0 $0xffff, v35;
	[tilespmem:$0x1F990] =	vst v0;
	v0 =	vadd.s32 @!p2 v4, v3  }
0x3a8: {  	s0 =	simm.s32 @p2 $0x1;
	p2 =	seq.s32 s31, $0x1;
	s31 =	sld [smem:$0x785];
	[tilespmem:$0x1F9A0] =	vst v0;
	v0 =	vld [tilespmem:$0x1F3C0]  }
0x3a9: {  	_ =	sdelay $0x1  }
0x3aa: {  	v6 =	vbroadcast @!p0 v34, $0x2;
	p3 =	seq.s32 s31, $0x1;
	s31 =	sld [smem:$0x786];
	_ =	sdelay $0x1  }
0x3ab: {  	v2 =	vsub.s32 @!p0 v6, v35;
	v3, _, _ =	vpop @!p0 (xrf0);
	v0 =	vmul.u32 @!p1 $0x200, v0  }
0x3ac: {  	v2 =	vadd.s32 @!p0 v3, v2;
	p0 =	seq.s32 s31, $0x1  }
0x3ad: {  	v3 =	vmul.u32 @!p0 $0x200, v25;
	v25 =	vor.u32 @!p1 s30, v0;
	v0 =	vld [tilespmem:$0x1F3F0]  }
0x3ae: {  	s31 =	sld [smem:$0x787];
	_ =	sdelay $0x2  }
0x3af: {  	v1 =	vld [tilespmem:$0x1F3D0];
	p1 =	seq.s32 s31, $0x1  }
0x3b0: {  	v4 =	vmul.u32 @!p1 $0x200, v0;
	v0 =	vld [tilespmem:$0x1F400]  }
0x3b1: {  	[tilespmem:$0x1F9C0] =	vst v2;
	v2 =	vld [tilespmem:$0x1F3E0];
	s31 =	sld [smem:$0x788];
	_ =	sdelay $0x1  }
0x3b2: {  	s30 =	sadd.s32 @!p0 $0xFFFFFFC4, s29  }
0x3b3: {  	v3 =	vor.u32 @!p0 s30, v3;
	p0 =	seq.s32 s31, $0x1  }
0x3b4: {  	[smem:$0x7B4] =	sst s0;
	v1 =	vmul.u32 @!p2 $0x200, v1;
	v5 =	vmul.u32 @!p0 $0x200, v0;
	v0 =	vld [tilespmem:$0x1F410]  }
0x3b5: {  	s0 =	sadd.s32 @!p2 $0xFFFFFFC2, s29;
	v2 =	vmul.u32 @!p3 $0x200, v2;
	s31 =	sld [smem:$0x789]  }
0x3b6: {  	v1 =	vor.u32 @!p2 s0, v1;
	s0 =	sadd.s32 @!p3 $0xFFFFFFC3, s29  }
0x3b7: {  	v2 =	vor.u32 @!p3 s0, v2;
	s0 =	sadd.s32 @!p1 $0xFFFFFFC5, s29  }
0x3b8: {  	v4 =	vor.u32 @!p1 s0, v4;
	p1 =	seq.s32 s31, $0x1  }
0x3b9: {  	v6 =	vmul.u32 @!p1 $0x200, v0;
	v0 =	vld [tilespmem:$0x1F420]  }
0x3ba: {  	s31 =	sld [smem:$0x78A];
	_ =	sdelay $0x2  }
0x3bb: {  	p2 =	seq.s32 s31, $0x1  }
0x3bc: {  	v7 =	vmul.u32 @!p2 $0x200, v0;
	v0 =	vld [tilespmem:$0x1F430]  }
0x3bd: {  	s31 =	sld [smem:$0x78B];
	_ =	sdelay $0x1  }
0x3be: {  	s0 =	sadd.s32 @!p0 $0xFFFFFFC6, s29  }
0x3bf: {  	v5 =	vor.u32 @!p0 s0, v5;
	s0 =	sadd.s32 @!p1 $0xFFFFFFC7, s29;
	p0 =	por p1, p1;
	p1 =	seq.s32 s31, $0x1  }
0x3c0: {  	s31 =	sld [smem:$0x78C];
	v8 =	vmul.u32 @!p1 $0x200, v0;
	v0 =	vld [tilespmem:$0x1F440];
	_ =	sdelay $0x2  }
0x3c1: {  	p4 =	seq.s32 s31, $0x1;
	s31 =	sld [smem:$0x78D];
	_ =	sdelay $0x1  }
0x3c2: {  	v9 =	vmul.u32 @!p4 $0x200, v0;
	v0 =	vld [tilespmem:$0x1F450]  }
0x3c3: {  	v6 =	vor.u32 @!p0 s0, v6;
	p0 =	seq.s32 s31, $0x1;
	s31 =	sld [smem:$0x78E];
	_ =	sdelay $0x1  }
0x3c4: {  	s0 =	sadd.s32 @!p1 $0xFFFFFFC9, s29  }
0x3c5: {  	v8 =	vor.u32 @!p1 s0, v8;
	p1 =	seq.s32 s31, $0x1;
	s31 =	sld [smem:$0x78F]  }
0x3c6: {  	v10 =	vmul.u32 @!p0 $0x200, v0  }
0x3c7: {  	s0 =	sadd.s32 @!p0 $0xFFFFFFCB, s29;
	v0 =	vld [tilespmem:$0x1F460]  }
0x3c8: {  	v10 =	vor.u32 @!p0 s0, v10;
	p0 =	seq.s32 s31, $0x1;
	s31 =	sld [smem:$0x790];
	_ =	sdelay $0x1  }
0x3c9: {  	s30 =	sadd.s32 @!p2 $0xFFFFFFC8, s29  }
0x3ca: {  	v7 =	vor.u32 @!p2 s30, v7;
	p2 =	seq.s32 s31, $0x1;
	s31 =	sld [smem:$0x791]  }
0x3cb: {  	s30 =	sadd.s32 @!p4 $0xFFFFFFCA, s29;
	v11 =	vmul.u32 @!p1 $0x200, v0  }
0x3cc: {  	v9 =	vor.u32 @!p4 s30, v9;
	s0 =	sadd.s32 @!p1 $0xFFFFFFCC, s29;
	s30 =	sadd.s32 @!p2 $0xFFFFFFCE, s29  }
0x3cd: {  	v13 =	vmul.u32 @!p2 $0x200, v13;
	v11 =	vor.u32 @!p1 s0, v11;
	p1 =	por p2, p2;
	p2 =	seq.s32 s31, $0x1;
	s31 =	sld [smem:$0x792]  }
0x3ce: {  	_ =	sdelay $0x1  }
0x3cf: {  	p5 =	seq.s32 s31, $0x1;
	s31 =	sld [smem:$0x793];
	_ =	sdelay $0x2  }
0x3d0: {  	p3 =	seq.s32 s31, $0x1;
	s31 =	sld [smem:$0x794];
	_ =	sdelay $0x2  }
0x3d1: {  	p4 =	seq.s32 s31, $0x1;
	s31 =	sld [smem:$0x795];
	_ =	sdelay $0x2  }
0x3d2: {  	p6 =	seq.s32 s31, $0x1;
	s31 =	sld [smem:$0x796]  }
0x3d3: {  	v15 =	vmul.u32 @!p5 $0x200, v15  }
0x3d4: {  	v13 =	vor.u32 @!p1 s30, v13;
	s30 =	sadd.s32 @!p5 $0xFFFFFFD0, s29  }
0x3d5: {  	v12 =	vmul.u32 @!p0 $0x200, v12;
	v15 =	vor.u32 @!p5 s30, v15;
	p5 =	seq.s32 s31, $0x1;
	s31 =	sld [smem:$0x797]  }
0x3d6: {  	s0 =	sadd.s32 @!p0 $0xFFFFFFCD, s29;
	v14 =	vmul.u32 @!p2 $0x200, v14  }
0x3d7: {  	v12 =	vor.u32 @!p0 s0, v12;
	s0 =	sadd.s32 @!p2 $0xFFFFFFCF, s29  }
0x3d8: {  	v14 =	vor.u32 @!p2 s0, v14;
	p2 =	seq.s32 s31, $0x1;
	s31 =	sld [smem:$0x798];
	_ =	sdelay $0x2  }
0x3d9: {  	p0 =	seq.s32 s31, $0x1;
	s31 =	sld [smem:$0x799];
	_ =	sdelay $0x1  }
0x3da: {  	v16 =	vmul.u32 @!p3 $0x200, v16  }
0x3db: {  	s0 =	sadd.s32 $0xFFFFFFD1, s29;
	v17 =	vmul.u32 @!p4 $0x200, v17;
	v20 =	vmul.u32 @!p5 $0x200, v20;
	p1 =	seq.s32 s31, $0x1;
	s31 =	sld [smem:$0x79A]  }
0x3dc: {  	v16 =	vor.u32 @!p3 s0, v16;
	s0 =	sadd.s32 @!p4 $0xFFFFFFD2, s29;
	v18 =	vmul.u32 @!p6 $0x200, v18;
	s30 =	sadd.s32 @!p5 $0xFFFFFFD4, s29;
	v22 =	vmul.u32 @!p0 $0x200, v22  }
0x3dd: {  	v17 =	vor.u32 @!p4 s0, v17;
	s0 =	sadd.s32 @!p6 $0xFFFFFFD3, s29;
	v20 =	vor.u32 @!p5 s30, v20;
	v21 =	vmul.u32 @!p2 $0x200, v21;
	s30 =	sadd.s32 @!p0 $0xFFFFFFD6, s29  }
0x3de: {  	v18 =	vor.u32 @!p6 s0, v18;
	s0 =	sadd.s32 @!p2 $0xFFFFFFD5, s29;
	v22 =	vor.u32 @!p0 s30, v22;
	v23 =	vmul.u32 @!p1 $0x200, v23;
	p0 =	seq.s32 s31, $0x1;
	s31 =	sld [smem:$0x79B]  }
0x3df: {  	v21 =	vor.u32 @!p2 s0, v21;
	s0 =	sadd.s32 @!p1 $0xFFFFFFD7, s29  }
0x3e0: {  	v23 =	vor.u32 @!p1 s0, v23;
	s0 =	sadd.s32 @!p0 $0xFFFFFFD8, s29  }
0x3e1: {  	v24 =	vmul.u32 @!p0 $0x200, v24;
	p1 =	por p0, p0;
	p0 =	seq.s32 s31, $0x1;
	s31 =	sld [smem:$0x79C]  }
0x3e2: {  	_ =	sdelay $0x1  }
0x3e3: {  	p5 =	seq.s32 s31, $0x1;
	s31 =	sld [smem:$0x79D];
	_ =	sdelay $0x2  }
0x3e4: {  	v24 =	vor.u32 @!p1 s0, v24;
	p1 =	seq.s32 s31, $0x1;
	s31 =	sld [smem:$0x79E];
	_ =	sdelay $0x2  }
0x3e5: {  	vm0 =	veq.s32 @!p3 v43, $0x1;
	v43 =	vld [tilespmem:$0x1F480];
	v27 =	vmul.u32 @!p0 $0x200, v27;
	p2 =	seq.s32 s31, $0x1;
	s31 =	sld [smem:$0x79F]  }
0x3e6: {  	s0 =	sadd.s32 @!p0 $0xFFFFFFD9, s29;
	v36 =	vmul.u32 @!p5 $0x200, v36  }
0x3e7: {  	v27 =	vor.u32 @!p0 s0, v27;
	s30 =	sadd.s32 @!p5 $0xFFFFFFDA, s29;
	p0 =	por p2, p2  }
0x3e8: {  	v36 =	vor.u32 @!p5 s30, v36;
	v38 =	vmul.u32 @!p2 $0x200, v38;
	s30 =	sadd.s32 @!p2 $0xFFFFFFDC, s29;
	p2 =	seq.s32 s31, $0x1;
	s31 =	sld [smem:$0x783]  }
0x3e9: {  	_ =	sdelay $0x1  }
0x3ea: {  	p5 =	seq.s32 s31, $0x1  }
0x3eb: {  	s31 =	simm.s32 @!p5 $0xA00  }
0x3ec: {  	[tilespmem:v43+s31+$0x0] =	vst.idx.msk @!p5 vm5, v25;
	v25 =	vld [tilespmem:$0x1F4A0];
	_ =	sdelay $0x4  }
0x3ed: {  	vm5 =	veq.s32 @!p4 v25, $0x1;
	v25 =	vld [tilespmem:$0x1F4B0];
	_ =	sdelay $0x1  }
0x3ee: {  	v0 =	vld [tilespmem:$0x1F470]  }
0x3ef: {  	s31 =	sld [smem:$0x784]  }
0x3f0: {  	v37 =	vmul.u32 @!p1 $0x200, v37  }
0x3f1: {  	s0 =	sadd.s32 @!p1 $0xFFFFFFDB, s29  }
0x3f2: {  	v37 =	vor.u32 @!p1 s0, v37;
	p1 =	seq.s32 s31, $0x1;
	s31 =	sld [smem:$0x7A0]  }
0x3f3: {  	v38 =	vor.u32 @!p0 s30, v38;
	v0 =	vmul.u32 @!p2 $0x200, v0;
	s30 =	simm.s32 @!p1 $0xA00  }
0x3f4: {  	s0 =	sadd.s32 @!p2 $0xFFFFFFDD, s29;
	[tilespmem:v25+s30+$0x0] =	vst.idx.msk @!p1 vm6, v1;
	vm6 =	veq.s32 @!p6 v45, $0x1;
	v45 =	vld [tilespmem:$0x1F4E0]  }
0x3f5: {  	v43 =	vor.u32 @!p2 s0, v0;
	p2 =	seq.s32 s31, $0x1;
	s31 =	sld [smem:$0x7A1];
	_ =	sdelay $0x1  }
0x3f6: {  	s30 =	sld [smem:$0x785]  }
0x3f7: {  	p0 =	seq.s32 s31, $0x1;
	s31 =	sld [smem:$0x7A2]  }
0x3f8: {  	v0 =	vld [tilespmem:$0x1F490]  }
0x3f9: {  	p3 =	seq.s32 s30, $0x1  }
0x3fa: {  	p1 =	seq.s32 s31, $0x1;
	v25 =	vld [tilespmem:$0x1F4D0];
	s31 =	sld [smem:$0x786];
	s0 =	simm.s32 @!p3 $0xA00  }
0x3fb: {  	v1 =	vld [tilespmem:$0x1F4C0];
	[tilespmem:v45+s0+$0x0] =	vst.idx.msk @!p3 vm3, v2;
	[smem:$0x7DD] =	sst s1  }
0x3fc: {  	s1 =	sld [smem:$0x7A3]  }
0x3fd: {  	v0 =	vmul.u32 @!p2 $0x200, v0  }
0x3fe: {  	s30 =	sadd.s32 @!p2 $0xFFFFFFDE, s29;
	p4 =	seq.s32 s31, $0x1;
	s31 =	sadd.s32 @!p1 $0xFFFFFFE0, s29  }
0x3ff: {  	v25 =	vmul.u32 @!p1 $0x200, v25;
	v45 =	vor.u32 @!p2 s30, v0;
	p2 =	por p1, p1;
	p1 =	seq.s32 s1, $0x1;
	s1 =	sld [smem:$0x7DD]  }
0x400: {  	_ =	sdelay $0x1  }
0x401: {  	v0 =	vld [tilespmem:$0x1F4F0];
	[smem:$0x7DD] =	sst s1  }
0x402: {  	s1 =	sld [smem:$0x796];
	_ =	sdelay $0x2  }
0x403: {  	p3 =	seq.s32 s1, $0x1;
	s1 =	sld [smem:$0x7DD];
	v2 =	vld [tilespmem:$0x1F500];
	_ =	sdelay $0x4  }
0x404: {  	v1 =	vmul.u32 @!p0 $0x200, v1  }
0x405: {  	s30 =	sadd.s32 @!p0 $0xFFFFFFDF, s29  }
0x406: {  	s0 =	simm.s32 @!p4 $0xA00;
	vm1 =	veq.s32 @!p3 v53, $0x1;
	v53 =	vor.u32 @!p0 s30, v1;
	v1 =	vor.u32 @!p2 s31, v25;
	s31 =	sld [smem:$0x797]  }
0x407: {  	[tilespmem:v2+s0+$0x0] =	vst.idx.msk @!p4 vm2, v3;
	v2 =	vld [tilespmem:$0x1F510];
	_ =	sdelay $0x1  }
0x408: {  	p0 =	seq.s32 s31, $0x1;
	s31 =	sld [smem:$0x788]  }
0x409: {  	s0 =	sld [smem:$0x787];
	_ =	sdelay $0x2  }
0x40a: {  	p2 =	seq.s32 s31, $0x1;
	s31 =	sld [smem:$0x7A4];
	p3 =	seq.s32 s0, $0x1  }
0x40b: {  	s0 =	simm.s32 @!p3 $0xA00  }
0x40c: {  	[tilespmem:v2+s0+$0x0] =	vst.idx.msk @!p3 vm7, v4;
	v2 =	vld [tilespmem:$0x1F530]  }
0x40d: {  	vm2 =	veq.s32 @!p0 v54, $0x1;
	p0 =	seq.s32 s31, $0x1;
	s31 =	sld [smem:$0x798]  }
0x40e: {  	v0 =	vmul.u32 @!p1 $0x200, v0  }
0x40f: {  	s30 =	sadd.s32 $0xFFFFFFE1, s29  }
0x410: {  	v54 =	vor.u32 @!p1 s30, v0;
	p1 =	seq.s32 s31, $0x1  }
0x411: {  	vm7 =	veq.s32 @!p1 v2, $0x1;
	v2 =	vld [tilespmem:$0x1F540];
	_ =	sdelay $0x1  }
0x412: {  	s31 =	sld [smem:$0x7A5]  }
0x413: {  	v0 =	vld [tilespmem:$0x1F520]  }
0x414: {  	s30 =	sld [smem:$0x789];
	v4 =	vld [tilespmem:$0x1F570]  }
0x415: {  	p1 =	seq.s32 s31, $0x1;
	s31 =	sld [smem:$0x7A6];
	_ =	sdelay $0x1  }
0x416: {  	p4 =	seq.s32 s30, $0x1;
	s30 =	sadd.s32 @!p0 $0xFFFFFFE2, s29;
	s0 =	simm.s32 @!p2 $0xA00  }
0x417: {  	v0 =	vmul.u32 @!p0 $0x200, v0;
	[tilespmem:v2+s0+$0x0] =	vst.idx.msk @!p2 vm8, v5;
	p2 =	por p0, p0;
	p0 =	seq.s32 s31, $0x1;
	s31 =	sld [smem:$0x799]  }
0x418: {  	_ = 	snop  }
0x419: {  	v3 =	vld [tilespmem:$0x1F560]  }
0x41a: {  	s0 =	simm.s32 @!p4 $0xA00;
	v2 =	vld [tilespmem:$0x1F550];
	p3 =	seq.s32 s31, $0x1;
	s31 =	sld [smem:$0x78A]  }
0x41b: {  	(v2sf) =	vpush v19, $0x3;
	[tilespmem:v4+s0+$0x0] =	vst.idx.msk @!p4 vm11, v6;
	v5 =	vor.u32 @!p2 s30, v0;
	v0 =	vld [tilespmem:$0x1F580];
	[smem:$0x7DD] =	sst s1  }
0x41c: {  	s1 =	sld [smem:$0x79A];
	_ =	sdelay $0x2  }
0x41d: {  	p2 =	seq.s32 s1, $0x1  }
0x41e: {  	s1 =	sld [smem:$0x7DD];
	vm3 =	veq.s32 @!p2 v0, $0x1;
	v0 =	vld [tilespmem:$0x1F590];
	_ =	sdelay $0x5  }
0x41f: {  	v3 =	vmul.u32 @!p0 $0x200, v3;
	vm8 =	veq.s32 @!p3 v59, $0x1;
	p3 =	seq.s32 s31, $0x1  }
0x420: {  	s31 =	sadd.s32 @!p0 $0xFFFFFFE4, s29;
	s0 =	simm.s32 @!p3 $0xA00  }
0x421: {  	[tilespmem:v0+s0+$0x0] =	vst.idx.msk @!p3 vm4, v7;
	v7 =	vor.u32 @!p0 s31, v3;
	s31 =	sld [smem:$0x79B];
	v0 =	vld [tilespmem:$0x1F5A0];
	_ =	sdelay $0x1  }
0x422: {  	s0 =	sld [smem:$0x78B];
	v3 =	vld [tilespmem:$0x1F5D0]  }
0x423: {  	v2 =	vmul.u32 @!p1 $0x200, v2;
	p0 =	seq.s32 s31, $0x1;
	s31 =	sld [smem:$0x7A7]  }
0x424: {  	s30 =	sadd.s32 @!p1 $0xFFFFFFE3, s29  }
0x425: {  	v59 =	vor.u32 @!p1 s30, v2;
	s30 =	sld [smem:$0x78C]  }
0x426: {  	p2 =	seq.s32 s0, $0x1;
	p5 =	seq.s32 s31, $0x1;
	s31 =	sld [smem:$0x7A8]  }
0x427: {  	s0 =	simm.s32 @!p2 $0xA00  }
0x428: {  	[tilespmem:v0+s0+$0x0] =	vst.idx.msk @!p2 vm12, v8;
	p2 =	seq.s32 s30, $0x1;
	s30 =	sld [smem:$0x78D]  }
0x429: {  	v2 =	vld [tilespmem:$0x1F5C0];
	s0 =	simm.s32 @!p2 $0xA00;
	p6 =	seq.s32 s31, $0x1;
	s31 =	sld [smem:$0x79C]  }
0x42a: {  	v0 =	vld [tilespmem:$0x1F5B0];
	[tilespmem:v3+s0+$0x0] =	vst.idx.msk @!p2 vm9, v9;
	[smem:$0x7DD] =	sst s1  }
0x42b: {  	s1 =	sld [smem:$0x7A9];
	_ =	sdelay $0x1  }
0x42c: {  	p1 =	seq.s32 s31, $0x1  }
0x42d: {  	vm12 =	veq.s32 @!p1 v62, $0x1;
	p1 =	seq.s32 s1, $0x1;
	s1 =	sld [smem:$0x7DD];
	_ =	sdelay $0x2  }
0x42e: {  	v3 =	vld [tilespmem:$0x1F5E0];
	(v2sf) =	vpush v19, $0x4;
	[smem:$0x7DD] =	sst s1  }
0x42f: {  	s1 =	sld [smem:$0x79D];
	_ =	sdelay $0x2  }
0x430: {  	p2 =	seq.s32 s1, $0x1;
	s1 =	sld [smem:$0x7DD];
	v4 =	vld [tilespmem:$0x1F5F0];
	_ =	sdelay $0x2  }
0x431: {  	v0 =	vmul.u32 @!p5 $0x200, v0  }
0x432: {  	p3 =	seq.s32 s30, $0x1;
	s30 =	sadd.s32 @!p5 $0xFFFFFFE5, s29  }
0x433: {  	v2 =	vmul.u32 @!p6 $0x200, v2;
	v8 =	vor.u32 @!p5 s30, v0;
	v0 =	vld [tilespmem:$0x1F600]  }
0x434: {  	s31 =	sadd.s32 @!p6 $0xFFFFFFE6, s29  }
0x435: {  	s0 =	simm.s32 @!p3 $0xA00;
	v9 =	vor.u32 @!p6 s31, v2;
	s31 =	sld [smem:$0x79E]  }
0x436: {  	[tilespmem:v4+s0+$0x0] =	vst.idx.msk @!p3 vm10, v10;
	s0 =	sld [smem:$0x78E];
	_ =	sdelay $0x1  }
0x437: {  	vm4 =	veq.s32 @!p0 v63, $0x1;
	p0 =	seq.s32 s31, $0x1;
	s31 =	sld [smem:$0x78F]  }
0x438: {  	vm9 =	veq.s32 @!p2 v61, $0x1;
	p2 =	seq.s32 s0, $0x1  }
0x439: {  	s0 =	simm.s32 @!p2 $0xA00  }
0x43a: {  	[tilespmem:v0+s0+$0x0] =	vst.idx.msk @!p2 vm14, v11;
	p2 =	seq.s32 s31, $0x1;
	s31 =	sld [smem:$0x7AA]  }
0x43b: {  	v3 =	vmul.u32 @!p1 $0x200, v3;
	v2 =	vld [tilespmem:$0x1F620]  }
0x43c: {  	s30 =	sadd.s32 @!p1 $0xFFFFFFE7, s29  }
0x43d: {  	vm10 =	veq.s32 @!p0 v56, $0x1;
	v56 =	vor.u32 @!p1 s30, v3;
	p1 =	seq.s32 s31, $0x1;
	s31 =	sld [smem:$0x79F];
	_ =	sdelay $0x2  }
0x43e: {  	p0 =	seq.s32 s31, $0x1;
	s31 =	sld [smem:$0x7AB];
	_ =	sdelay $0x1  }
0x43f: {  	s0 =	simm.s32 @!p2 $0xA00  }
0x440: {  	[tilespmem:v2+s0+$0x0] =	vst.idx.msk @!p2 vm13, v12;
	p2 =	seq.s32 s31, $0x1;
	s31 =	sld [smem:$0x7AC];
	_ =	sdelay $0x2  }
0x441: {  	vm11 =	veq.s32 @!p0 v55, $0x1;
	p0 =	seq.s32 s31, $0x1;
	s31 =	sld [smem:$0x7A0];
	_ =	sdelay $0x2  }
0x442: {  	v12 =	vld [tilespmem:$0x1F650];
	p3 =	seq.s32 s31, $0x1  }
0x443: {  	v11 =	vimm.s32 $0x0;
	vm13 =	veq.s32 @!p3 v57, $0x1  }
0x444: {  	v4 =	vsel vm13, $0xFFFFFFFF, v11  }
0x445: {  	[tilespmem:$0x1F810] =	vst v4;
	v4 =	vld [tilespmem:$0x1F660];
	_ =	sdelay $0x1  }
0x446: {  	vm13 =	vnez.u8 v12  }
0x447: {  	s30 =	sld [smem:$0x790];
	_ =	sdelay $0x1  }
0x448: {  	v0 =	vld [tilespmem:$0x1F610]  }
0x449: {  	p4 =	seq.s32 s30, $0x1  }
0x44a: {  	v3 =	vld [tilespmem:$0x1F640];
	s0 =	simm.s32 @!p4 $0xA00;
	s31 =	sld [smem:$0x791]  }
0x44b: {  	(v2sf) =	vpush v19, $0x5;
	v2 =	vld [tilespmem:$0x1F630];
	[tilespmem:v4+s0+$0x0] =	vst.idx.msk @!p4 vm13, v13;
	[smem:$0x7DD] =	sst s1  }
0x44c: {  	s1 =	sld [smem:$0x7A1]  }
0x44d: {  	v0 =	vmul.u32 @!p1 $0x200, v0  }
0x44e: {  	s30 =	sadd.s32 @!p1 $0xFFFFFFE8, s29  }
0x44f: {  	v55 =	vor.u32 @!p1 s30, v0;
	p1 =	seq.s32 s1, $0x1;
	s1 =	sld [smem:$0x7DD];
	v0 =	vld [tilespmem:$0x1F670];
	_ =	sdelay $0x5  }
0x450: {  	p3 =	seq.s32 s31, $0x1  }
0x451: {  	s0 =	simm.s32 @!p3 $0xA00  }
0x452: {  	v3 =	vmul.u32 @!p0 $0x200, v3;
	[tilespmem:v0+s0+$0x0] =	vst.idx.msk @!p3 vm15, v14;
	v14 =	vld [tilespmem:$0x1F680]  }
0x453: {  	s31 =	sadd.s32 @!p0 $0xFFFFFFEA, s29  }
0x454: {  	vm13 =	veq.s32 @!p1 v52, $0x1;
	v52 =	vor.u32 @!p0 s31, v3;
	s31 =	sld [smem:$0x7A2]  }
0x455: {  	v0 =	vld [tilespmem:$0x1F690];
	_ =	sdelay $0x1  }
0x456: {  	p0 =	seq.s32 s31, $0x1;
	s31 =	sld [smem:$0x7AD];
	vm14 =	vnez.u8 v14  }
0x457: {  	s0 =	sld [smem:$0x792];
	_ =	sdelay $0x1  }
0x458: {  	p3 =	seq.s32 s31, $0x1;
	s31 =	sld [smem:$0x7AE]  }
0x459: {  	p1 =	seq.s32 s0, $0x1  }
0x45a: {  	s0 =	simm.s32 @!p1 $0xA00  }
0x45b: {  	[tilespmem:v0+s0+$0x0] =	vst.idx.msk @!p1 vm14, v15;
	p1 =	seq.s32 s31, $0x1;
	s31 =	sld [smem:$0x7A3];
	_ =	sdelay $0x2  }
0x45c: {  	vm15 =	veq.s32 @!p0 v51, $0x1;
	p0 =	seq.s32 s31, $0x1  }
0x45d: {  	v15 =	vimm.s32 $0x0;
	vm14 =	veq.s32 @!p0 v60, $0x1  }
0x45e: {  	v3 =	vsel vm14, $0xFFFFFFFF, v15  }
0x45f: {  	[tilespmem:$0x1F850] =	vst v3;
	v3 =	vld [tilespmem:$0x1F6C0]  }
0x460: {  	v2 =	vmul.u32 @!p2 $0x200, v2  }
0x461: {  	s30 =	sadd.s32 @!p2 $0xFFFFFFE9, s29  }
0x462: {  	v57 =	vor.u32 @!p2 s30, v2;
	s30 =	sld [smem:$0x793];
	_ =	sdelay $0x2  }
0x463: {  	p2 =	seq.s32 s30, $0x1  }
0x464: {  	v2 =	vld [tilespmem:$0x1F6B0];
	s30 =	sld [smem:$0x794];
	s0 =	simm.s32 @!p2 $0xA00  }
0x465: {  	v0 =	vld [tilespmem:$0x1F6A0];
	[tilespmem:v3+s0+$0x0] =	vst.idx.msk @!p2 vm0, v16;
	[smem:$0x7DD] =	sst s1  }
0x466: {  	s1 =	sld [smem:$0x7AF];
	_ =	sdelay $0x2  }
0x467: {  	p0 =	seq.s32 s1, $0x1;
	s1 =	sld [smem:$0x7DD];
	_ =	sdelay $0x2  }
0x468: {  	v3 =	vld [tilespmem:$0x1F6D0];
	(v2sf) =	vpush v19, $0x6;
	[smem:$0x7DD] =	sst s1  }
0x469: {  	s1 =	sld [smem:$0x7A4];
	_ =	sdelay $0x2  }
0x46a: {  	p4 =	seq.s32 s1, $0x1;
	s1 =	sld [smem:$0x7DD];
	v4 =	vld [tilespmem:$0x1F6E0];
	_ =	sdelay $0x2  }
0x46b: {  	v0 =	vmul.u32 @!p3 $0x200, v0  }
0x46c: {  	p2 =	seq.s32 s30, $0x1;
	s30 =	sadd.s32 @!p3 $0xFFFFFFEB, s29  }
0x46d: {  	v2 =	vmul.u32 @!p1 $0x200, v2;
	v51 =	vor.u32 @!p3 s30, v0;
	v0 =	vld [tilespmem:$0x1F6F0]  }
0x46e: {  	s31 =	sadd.s32 @!p1 $0xFFFFFFEC, s29  }
0x46f: {  	v60 =	vor.u32 @!p1 s31, v2;
	s0 =	simm.s32 @!p2 $0xA00;
	s31 =	sld [smem:$0x7A5]  }
0x470: {  	[tilespmem:v4+s0+$0x0] =	vst.idx.msk @!p2 vm5, v17;
	s0 =	sld [smem:$0x795];
	_ =	sdelay $0x1  }
0x471: {  	p1 =	seq.s32 s31, $0x1;
	s31 =	sld [smem:$0x796]  }
0x472: {  	p2 =	seq.s32 s0, $0x1  }
0x473: {  	s0 =	simm.s32 @!p2 $0xA00  }
0x474: {  	[tilespmem:v0+s0+$0x0] =	vst.idx.msk @!p2 vm6, v18;
	p2 =	seq.s32 s31, $0x1;
	s31 =	sld [smem:$0x7B0]  }
0x475: {  	v3 =	vmul.u32 @!p0 $0x200, v3  }
0x476: {  	s30 =	sadd.s32 @!p0 $0xFFFFFFED, s29  }
0x477: {  	vm0 =	veq.s32 @!p4 v49, $0x1;
	v49 =	vor.u32 @!p0 s30, v3;
	p0 =	seq.s32 s31, $0x1;
	s31 =	sld [smem:$0x7A6];
	_ =	sdelay $0x2  }
0x478: {  	vm5 =	veq.s32 @!p1 v58, $0x1;
	p1 =	seq.s32 s31, $0x1  }
0x479: {  	v25 =	vimm.s32 $0x0;
	vm6 =	veq.s32 @!p1 v47, $0x1  }
0x47a: {  	v2 =	vsel vm6, $0xFFFFFFFF, v25  }
0x47b: {  	[tilespmem:$0x1F890] =	vst v2;
	v2 =	vld [tilespmem:$0x1F710];
	_ =	sdelay $0x1  }
0x47c: {  	v0 =	vld [tilespmem:$0x1F700];
	_ =	sdelay $0x2  }
0x47d: {  	s30 =	sld [smem:$0x797]  }
0x47e: {  	s31 =	sld [smem:$0x7B1]  }
0x47f: {  	v4 =	vld [tilespmem:$0x1F740];
	s0 =	simm.s32 @!p2 $0xA00;
	v0 =	vmul.u32 @!p0 $0x200, v0  }
0x480: {  	[tilespmem:v2+s0+$0x0] =	vst.idx.msk @!p2 vm1, v20;
	p2 =	seq.s32 s30, $0x1;
	s30 =	sadd.s32 @!p0 $0xFFFFFFEE, s29  }
0x481: {  	p4 =	por p3, p3;
	p3 =	seq.s32 s31, $0x1;
	s31 =	sld [smem:$0x7B2];
	v16 =	vor.u32 @!p0 s30, v0;
	v0 =	vld [tilespmem:$0x1F750]  }
0x482: {  	_ =	sdelay $0x1  }
0x483: {  	v3 =	vld [tilespmem:$0x1F730];
	p1 =	seq.s32 s31, $0x1;
	s31 =	sld [smem:$0x798];
	_ =	sdelay $0x1  }
0x484: {  	s0 =	simm.s32 @!p2 $0xA00  }
0x485: {  	[tilespmem:v4+s0+$0x0] =	vst.idx.msk @!p2 vm2, v21;
	p2 =	seq.s32 s31, $0x1  }
0x486: {  	s0 =	simm.s32 @!p2 $0xA00  }
0x487: {  	v3 =	vmul.u32 @!p1 $0x200, v3;
	[tilespmem:v0+s0+$0x0] =	vst.idx.msk @!p2 vm7, v22;
	v0 =	vld [tilespmem:$0x1F760]  }
0x488: {  	s31 =	sadd.s32 @!p1 $0xFFFFFFF0, s29  }
0x489: {  	v13 =	vor.u32 @!p1 s31, v3;
	s31 =	sld [smem:$0x7A9]  }
0x48a: {  	s0 =	sld [smem:$0x799]  }
0x48b: {  	v2 =	vld [tilespmem:$0x1F720]  }
0x48c: {  	p1 =	seq.s32 s31, $0x1;
	s31 =	sld [smem:$0x79A]  }
0x48d: {  	p0 =	seq.s32 s0, $0x1  }
0x48e: {  	s0 =	simm.s32 @!p0 $0xA00  }
0x48f: {  	[tilespmem:v0+s0+$0x0] =	vst.idx.msk @!p0 vm8, v23;
	p0 =	seq.s32 s31, $0x1;
	s31 =	sld [smem:$0x7B3]  }
0x490: {  	v2 =	vmul.u32 @!p3 $0x200, v2  }
0x491: {  	s30 =	sadd.s32 @!p3 $0xFFFFFFEF, s29  }
0x492: {  	v15 =	vor.u32 @!p3 s30, v2;
	p3 =	seq.s32 s31, $0x1;
	s31 =	sld [smem:$0x7B4]  }
0x493: {  	v3 =	vld [tilespmem:$0x1F790];
	_ =	sdelay $0x1  }
0x494: {  	p2 =	seq.s32 s31, $0x1;
	s31 =	sld [smem:$0x7AA];
	_ =	sdelay $0x2  }
0x495: {  	vm1 =	veq.s32 @!p1 v42, $0x1;
	p1 =	seq.s32 s31, $0x1;
	s31 =	sld [smem:$0x7AB];
	_ =	sdelay $0x1  }
0x496: {  	s0 =	simm.s32 @!p0 $0xA00  }
0x497: {  	[tilespmem:v3+s0+$0x0] =	vst.idx.msk @!p0 vm3, v24;
	p0 =	seq.s32 s31, $0x1  }
0x498: {  	vm3 =	veq.s32 @!p0 v40, $0x1;
	v40 =	vimm.s32 $0x0  }
0x499: {  	v4 =	vsel vm3, $0xFFFFFFFF, v40  }
0x49a: {  	[tilespmem:$0x1F8F0] =	vst v4;
	v4 =	vld [tilespmem:$0x1F7A0];
	_ =	sdelay $0x1  }
0x49b: {  	s30 =	spop (v2sf)  }
0x49c: {  	vm6 =	veq.s32 @!p5 v46, $0x1;
	p5 =	seq.s32 s30, $0x0;
	s30 =	sld [smem:$0x79B];
	_ =	sdelay $0x1  }
0x49d: {  	v0 =	vld [tilespmem:$0x1F770];
	s31 =	sld [smem:$0x79C]  }
0x49e: {  	vm2 =	veq.s32 @!p1 v44, $0x1;
	p1 =	seq.s32 s30, $0x1  }
0x49f: {  	(v2sf) =	vpush v19, $0x7;
	s0 =	simm.s32 @!p1 $0xA00  }
0x4a0: {  	(v2sf) =	vpush v19, $0x8;
	v2 =	vld [tilespmem:$0x1F780];
	[tilespmem:v4+s0+$0x0] =	vst.idx.msk @!p1 vm4, v27;
	p1 =	seq.s32 s31, $0x1;
	s31 =	spop (v2sf);
	[smem:$0x7DD] =	sst s1  }
0x4a1: {  	s1 =	sld [smem:$0x7AC]  }
0x4a2: {  	v0 =	vmul.u32 @!p3 $0x200, v0  }
0x4a3: {  	s30 =	sadd.s32 $0xFFFFFFF1, s29  }
0x4a4: {  	v11 =	vor.u32 @!p3 s30, v0;
	p3 =	seq.s32 s1, $0x1  }
0x4a5: {  	v42 =	vimm.s32 $0x0;
	vm3 =	veq.s32 @!p3 v41, $0x1  }
0x4a6: {  	v0 =	vsel vm3, $0xFFFFFFFF, v42  }
0x4a7: {  	s1 =	sld [smem:$0x7DD];
	[tilespmem:$0x1F910] =	vst v0;
	v0 =	vld [tilespmem:$0x1F7B0];
	_ =	sdelay $0x2  }
0x4a8: {  	v2 =	vmul.u32 @!p2 $0x200, v2  }
0x4a9: {  	s30 =	sadd.s32 @!p2 $0xFFFFFFF2, s29  }
0x4aa: {  	v14 =	vor.u32 @!p2 s30, v2;
	v2 =	vld [tilespmem:$0x1F7C0]  }
0x4ab: {  	p3 =	seq.s32 s31, $0x0;
	s31 =	sld [smem:$0x7B6]  }
0x4ac: {  	s0 =	simm.s32 @!p1 $0xA00;
	v4 =	vld [tilespmem:$0x1F7E0]  }
0x4ad: {  	[tilespmem:v0+s0+$0x0] =	vst.idx.msk @!p1 vm12, v36;
	s0 =	sld [smem:$0x79D]  }
0x4ae: {  	p0 =	seq.s32 s31, $0x1;
	s31 =	sld [smem:$0x7AE]  }
0x4af: {  	s30 =	sld [smem:$0x79E]  }
0x4b0: {  	v3 =	vbroadcast @!p5 v19, $0x3;
	p1 =	seq.s32 s0, $0x1  }
0x4b1: {  	v12 =	vlaneseq.u32 @!p5;
	vm12 =	veq.s32 @!p4 v29, $0x1;
	p4 =	seq.s32 s31, $0x1;
	s31 =	sld [smem:$0x79F];
	s0 =	simm.s32 @!p1 $0xA00  }
0x4b2: {  	v0 =	vshrl.u32 @!p5 v3, v12;
	[tilespmem:v2+s0+$0x0] =	vst.idx.msk @!p1 vm9, v37;
	p1 =	seq.s32 s30, $0x1  }
0x4b3: {  	(v2sf) =	vpush v19, $0x9;
	v10 =	vand.u32 @!p5 $0x1, v0;
	s0 =	simm.s32 @!p1 $0xA00  }
0x4b4: {  	(v2sf) =	vpush v19, $0xA;
	(xrf0) =	vadd.scan.msk.s32 @!p5 $0xffff, v10;
	v2 =	vld [tilespmem:$0x1F7D0];
	[tilespmem:v4+s0+$0x0] =	vst.idx.msk @!p1 vm10, v38;
	p1 =	seq.s32 s31, $0x1;
	s31 =	spop (v2sf);
	[smem:$0x7DD] =	sst s1  }
0x4b5: {  	s1 =	sld [smem:$0x7AF];
	_ =	sdelay $0x2  }
0x4b6: {  	v44 =	vimm.s32 $0x0;
	v0 =	vbroadcast @!p3 v19, $0x4;
	vm9 =	veq.s32 @!p4 v30, $0x1;
	p4 =	seq.s32 s1, $0x1  }
0x4b7: {  	v3 =	vmul.u32 @!p0 $0x200, v2;
	v2 =	vlaneseq.u32 @!p3;
	vm3 =	veq.s32 @!p4 v28, $0x1  }
0x4b8: {  	v4 =	vshrl.u32 @!p3 v0, v2;
	s1 =	sld [smem:$0x7DD];
	v0 =	vsel vm3, $0xFFFFFFFF, v44  }
0x4b9: {  	vm14 =	veq.s32 @!p6 v48, $0x1;
	p6 =	seq.s32 s31, $0x0;
	s31 =	sld [smem:$0x7B0];
	[tilespmem:$0x1F950] =	vst v0;
	v0 =	vld [tilespmem:$0x1F7F0];
	_ =	sdelay $0x2  }
0x4ba: {  	v47 =	vld [tilespmem:$0x1F810];
	p4 =	seq.s32 s31, $0x1  }
0x4bb: {  	v46 =	vimm.s32 $0x0;
	vm3 =	veq.s32 @!p4 v31, $0x1  }
0x4bc: {  	v6 =	vsel vm3, $0xFFFFFFFF, v46  }
0x4bd: {  	[tilespmem:$0x1F960] =	vst v6;
	v6 =	vld [tilespmem:$0x1F800]  }
0x4be: {  	s30 =	sadd.s32 @!p0 $0xFFFFFFF3, s29;
	s0 =	simm.s32 @!p1 $0xA00;
	s31 =	sld [smem:$0x7B1]  }
0x4bf: {  	v18 =	vld [tilespmem:$0x1F820];
	vm3 =	vnez.u8 v47;
	[tilespmem:v0+s0+$0x0] =	vst.idx.msk @!p1 vm11, v43;
	v0 =	vor.u32 @!p0 s30, v3;
	s30 =	sld [smem:$0x7A0]  }
0x4c0: {  	v20 =	vld [tilespmem:$0x1F830]  }
0x4c1: {  	p0 =	seq.s32 s31, $0x1;
	s31 =	sld [smem:$0x7A2]  }
0x4c2: {  	p1 =	seq.s32 s30, $0x1;
	s30 =	sld [smem:$0x7A1];
	_ =	sdelay $0x1  }
0x4c3: {  	vm4 =	veq.s32 @!p0 v32, $0x1;
	p0 =	seq.s32 s31, $0x1;
	s31 =	sld [smem:$0x7B2];
	s0 =	simm.s32 @!p1 $0xA00  }
0x4c4: {  	v3 =	vbroadcast @!p5 v34, $0x3;
	[tilespmem:v6+s0+$0x0] =	vst.idx.msk @!p1 vm3, v45;
	p1 =	seq.s32 s30, $0x1  }
0x4c5: {  	v48 =	vld [tilespmem:$0x1F850];
	v17 =	vand.u32 @!p3 $0x1, v4;
	v4 =	vbroadcast @!p6 v19, $0x5;
	s0 =	simm.s32 @!p1 $0xA00  }
0x4c6: {  	v6 =	vsub.s32 @!p5 v3, v10;
	v3 =	vlaneseq.u32 @!p6;
	p4 =	seq.s32 s31, $0x1;
	s31 =	sld [smem:$0x7B3];
	[tilespmem:v18+s0+$0x0] =	vst.idx.msk @!p1 vm13, v53;
	s0 =	simm.s32 @!p0 $0xA00  }
0x4c7: {  	s30 =	spop (v2sf);
	v4 =	vshrl.u32 @!p6 v4, v3;
	[tilespmem:v20+s0+$0x0] =	vst.idx.msk @!p0 vm15, v1;
	v1, _, _ =	vpop @!p5 (xrf0)  }
0x4c8: {  	p1 =	seq.s32 s30, $0x0;
	v20 =	vand.u32 @!p6 $0x1, v4;
	v4 =	vadd.s32 @!p5 v1, v6;
	v6 =	vld [tilespmem:$0x1F840]  }
0x4c9: {  	v21 =	vbroadcast @!p1 v19, $0x6;
	p0 =	por p1, p1;
	v1 =	vlaneseq.u32 @!p1;
	p1 =	seq.s32 s31, $0x1;
	s31 =	sld [smem:$0x7A4]  }
0x4ca: {  	vm3 =	vnez.u8 v48  }
0x4cb: {  	s30 =	sld [smem:$0x7A3]  }
0x4cc: {  	vm15 =	veq.s32 @!p1 v33, $0x1;
	p1 =	seq.s32 s31, $0x1;
	s31 =	sld [smem:$0x7B4];
	_ =	sdelay $0x1  }
0x4cd: {  	vm13 =	veq.s32 @!p4 v26, $0x1;
	p4 =	seq.s32 s30, $0x1  }
0x4ce: {  	v18 =	vbroadcast @!p3 v34, $0x4;
	s0 =	simm.s32 @!p4 $0xA00;
	p2 =	seq.s32 s31, $0x1  }
0x4cf: {  	v53 =	vimm.s32 $0x0;
	[tilespmem:v6+s0+$0x0] =	vst.idx.msk @!p4 vm3, v54;
	vm3 =	veq.s32 @!p2 v39, $0x1  }
0x4d0: {  	v6 =	vsub.s32 @!p3 v18, v17;
	v18 =	vshrl.u32 @!p0 v21, v1;
	v21 =	vsel vm3, $0xFFFFFFFF, v53  }
0x4d1: {  	[tilespmem:$0x1F9B0] =	vst v21;
	v21 =	vld [tilespmem:$0x1F860];
	_ =	sdelay $0x2  }
0x4d2: {  	(xrf0) =	vadd.scan.msk.s32 @!p3 $0xffff, v17;
	s30 =	simm.s32 @!p5 $0x0  }
0x4d3: {  	s30 =	simm.s32 @p5 $0x1  }
0x4d4: {  	[smem:$0x7B7] =	sst s30;
	s30 =	simm.s32 @!p6 $0x0  }
0x4d5: {  	s30 =	simm.s32 @p6 $0x1  }
0x4d6: {  	[smem:$0x7B8] =	sst s30;
	s30 =	spop (v2sf);
	s0 =	simm.s32 @!p1 $0xA00  }
0x4d7: {  	v54 =	vld [tilespmem:$0x1F890];
	[tilespmem:v21+s0+$0x0] =	vst.idx.msk @!p1 vm0, v5;
	p1 =	seq.s32 s30, $0x0;
	s30 =	sld [smem:$0x7A5]  }
0x4d8: {  	v5, _, _ =	vpop @!p3 (xrf0)  }
0x4d9: {  	v5 =	vadd.s32 @!p3 v5, v6;
	v6 =	vld [tilespmem:$0x1F870]  }
0x4da: {  	vm3 =	veq.s32 @!p5 v10, $0x1;
	v10 =	vld [tilespmem:$0x1F880];
	p2 =	seq.s32 s30, $0x1;
	s30 =	simm.s32 @!p3 $0x0  }
0x4db: {  	s31 =	sld [smem:$0x7B6];
	s30 =	simm.s32 @p3 $0x1  }
0x4dc: {  	p4 =	por p3, p3;
	vm0 =	vnez.u8 v54;
	[smem:$0x7B5] =	sst s30  }
0x4dd: {  	vm11 =	veq.s32 @!p4 v17, $0x1;
	v17 =	vld [tilespmem:$0x1F8A0];
	v21 =	vbroadcast @!p6 v34, $0x5;
	s30 =	sld [smem:$0x7A6]  }
0x4de: {  	(xrf0) =	vadd.scan.msk.s32 @!p6 $0xffff, v20;
	v18 =	vand.u32 @!p0 $0x1, v18  }
0x4df: {  	vm7 =	veq.s32 @!p6 v20, $0x1;
	(xrf0) =	vadd.scan.msk.s32 @!p0 $0xffff, v18;
	v21 =	vsub.s32 @!p6 v21, v20;
	v20 =	vld [tilespmem:$0x1F8B0];
	p3 =	por p0, p0;
	p0 =	seq.s32 s31, $0x1;
	s31 =	sld [smem:$0x7A7]  }
0x4e0: {  	s0 =	simm.s32 @!p2 $0xA00;
	vm10 =	veq.s32 @!p0 v35, $0x1;
	p0 =	seq.s32 s30, $0x1  }
0x4e1: {  	[tilespmem:v6+s0+$0x0] =	vst.idx.msk @!p2 vm5, v59;
	s0 =	simm.s32 @!p0 $0xA00  }
0x4e2: {  	[tilespmem:v10+s0+$0x0] =	vst.idx.msk @!p0 vm0, v7;
	p0 =	seq.s32 s31, $0x1;
	s31 =	sld [smem:$0x7A8];
	_ =	sdelay $0x1  }
0x4e3: {  	s0 =	simm.s32 @!p0 $0xA00  }
0x4e4: {  	s30 =	spop (v2sf);
	v10 =	vbroadcast @!p3 v34, $0x6;
	[tilespmem:v17+s0+$0x0] =	vst.idx.msk @!p0 vm6, v8;
	p0 =	seq.s32 s31, $0x1  }
0x4e5: {  	p2 =	seq.s32 s30, $0x0;
	s31 =	sld [smem:$0x7A9];
	s30 =	simm.s32 @!p0 $0xA00  }
0x4e6: {  	vm8 =	veq.s32 @!p3 v18, $0x1;
	[tilespmem:v20+s30+$0x0] =	vst.idx.msk @!p0 vm14, v9;
	v9 =	vsub.s32 @!p3 v10, v18;
	v18 =	vld [tilespmem:$0x1F8C0];
	_ =	sdelay $0x1  }
0x4e7: {  	v22 =	vbroadcast @!p1 v19, $0x7;
	p0 =	seq.s32 s31, $0x1;
	s31 =	simm.s32 @!p3 $0x0  }
0x4e8: {  	(v2sf) =	vpush v19, $0xB;
	v6 =	vlaneseq.u32 @!p1;
	s31 =	simm.s32 @p3 $0x1  }
0x4e9: {  	v7 =	vshrl.u32 @!p1 v22, v6;
	v22 =	vbroadcast @!p2 v19, $0x8;
	[smem:$0x7B9] =	sst s31  }
0x4ea: {  	v58 =	vld [tilespmem:$0x1F8F0];
	v17 =	vand.u32 @!p1 $0x1, v7;
	v7 =	vlaneseq.u32 @!p2;
	s31 =	sld [smem:$0x7AA]  }
0x4eb: {  	v10 =	vshrl.u32 @!p2 v22, v7;
	v22 =	vld [tilespmem:$0x1F8D0]  }
0x4ec: {  	p5 =	por p1, p1;
	s30 =	simm.s32 @!p0 $0xA00  }
0x4ed: {  	v23 =	vld [tilespmem:$0x1F8E0];
	[tilespmem:v18+s30+$0x0] =	vst.idx.msk @!p0 vm1, v56;
	p0 =	seq.s32 s31, $0x1;
	s31 =	simm.s32 @!p5 $0x0  }
0x4ee: {  	s31 =	simm.s32 @p5 $0x1  }
0x4ef: {  	vm0 =	vnez.u8 v58;
	[smem:$0x7BD] =	sst s31  }
0x4f0: {  	v59 =	vld [tilespmem:$0x1F910];
	s31 =	sld [smem:$0x7AB];
	_ =	sdelay $0x1  }
0x4f1: {  	(v2sf) =	vpush v19, $0xC;
	s30 =	simm.s32 @!p0 $0xA00  }
0x4f2: {  	v26 =	vld [tilespmem:$0x1F900];
	v8, _, _ =	vpop @!p6 (xrf0);
	(xrf0) =	vadd.scan.msk.s32 @!p1 $0xffff, v17;
	[tilespmem:v22+s30+$0x0] =	vst.idx.msk @!p0 vm2, v55;
	p0 =	seq.s32 s31, $0x1  }
0x4f3: {  	s30 =	simm.s32 @!p0 $0xA00  }
0x4f4: {  	s0 =	spop (v2sf);
	[tilespmem:v23+s30+$0x0] =	vst.idx.msk @!p0 vm0, v57;
	vm0 =	vnez.u8 v59  }
0x4f5: {  	p1 =	seq.s32 s0, $0x0;
	s0 =	spop (v2sf);
	v18, _, _ =	vpop @!p3 (xrf0);
	s30 =	sld [smem:$0x7AC]  }
0x4f6: {  	p4 =	seq.s32 s0, $0x0;
	s0 =	spop (v2sf);
	v20 =	vand.u32 @!p2 $0x1, v10;
	v10 =	vadd.s32 @!p3 v18, v9;
	v18 =	vbroadcast @!p5 v34, $0x7  }
0x4f7: {  	v24 =	vbroadcast @!p2 v34, $0x8;
	p0 =	seq.s32 s0, $0x0  }
0x4f8: {  	vm14 =	veq.s32 @!p5 v17, $0x1;
	v17 =	vsub.s32 @!p5 v18, v17;
	v23, _, _ =	vpop @!p5 (xrf0);
	v25 =	vbroadcast @!p0 v19, $0xB;
	p3 =	seq.s32 s30, $0x1  }
0x4f9: {  	v24 =	vsub.s32 @!p2 v24, v20;
	v17 =	vadd.s32 @!p5 v23, v17;
	v23 =	vlaneseq.u32 @!p0;
	s0 =	simm.s32 @!p3 $0xA00  }
0x4fa: {  	(xrf0) =	vadd.scan.msk.s32 @!p2 $0xffff, v20;
	[tilespmem:v26+s0+$0x0] =	vst.idx.msk @!p3 vm0, v52;
	vm0 =	veq.s32 @!p2 v20, $0x1;
	v20 =	vshrl.u32 @!p0 v25, v23;
	v25 =	vld [tilespmem:$0x1F920];
	_ =	sdelay $0x2  }
0x4fb: {  	s31 =	sld [smem:$0x7AD];
	_ =	sdelay $0x1  }
0x4fc: {  	(v2sf) =	vpush v19, $0xD  }
0x4fd: {  	v8 =	vadd.s32 @!p6 v8, v21;
	v21 =	vbroadcast @!p1 v19, $0x9;
	s0 =	spop (v2sf);
	p3 =	seq.s32 s31, $0x1  }
0x4fe: {  	v61 =	vld [tilespmem:$0x1F950];
	v9 =	vlaneseq.u32 @!p1;
	s31 =	sld [smem:$0x7AE];
	s30 =	simm.s32 @!p3 $0xA00;
	p6 =	seq.s32 s0, $0x0  }
0x4ff: {  	v21 =	vshrl.u32 @!p1 v21, v9;
	v26 =	vbroadcast @!p1 v34, $0x9;
	s0 =	simm.s32 @!p2 $0x0;
	v27 =	vbroadcast @!p6 v19, $0xC;
	[tilespmem:v25+s30+$0x0] =	vst.idx.msk @!p3 vm12, v51;
	v25, _, _ =	vpop @!p2 (xrf0);
	p3 =	por p2, p2  }
0x500: {  	v28 =	vld [tilespmem:$0x1F930];
	v18 =	vand.u32 @!p1 $0x1, v21;
	s0 =	simm.s32 @p2 $0x1;
	p2 =	por p1, p1;
	v24 =	vadd.s32 @!p3 v25, v24;
	v25 =	vlaneseq.u32 @!p6  }
0x501: {  	(xrf0) =	vadd.scan.msk.s32 @!p1 $0xffff, v18;
	p5 =	seq.s32 s31, $0x1;
	s31 =	sld [smem:$0x7B7];
	vm5 =	veq.s32 @!p2 v18, $0x1;
	v18 =	vsub.s32 @!p2 v26, v18;
	v26 =	vshrl.u32 @!p6 v27, v25;
	v27 =	vld [tilespmem:$0x1F940];
	_ =	sdelay $0x1  }
0x502: {  	vm1 =	vnez.u8 v61;
	[smem:$0x7BA] =	sst s0;
	s0 =	simm.s32 @!p1 $0x0  }
0x503: {  	v62 =	vld [tilespmem:$0x1F960];
	s0 =	simm.s32 @p1 $0x1;
	p1 =	seq.s32 s31, $0x1;
	s31 =	sld [smem:$0x7AF]  }
0x504: {  	v22 =	vbroadcast @!p4 v19, $0xA  }
0x505: {  	v21 =	vlaneseq.u32 @!p4  }
0x506: {  	(v2sf) =	vpush v19, $0xE;
	v22 =	vshrl.u32 @!p4 v22, v21;
	s30 =	simm.s32 @!p5 $0xA00;
	p3 =	seq.s32 s31, $0x1  }
0x507: {  	v30 =	vld [tilespmem:$0x1F970];
	v22 =	vand.u32 @!p4 $0x1, v22;
	[tilespmem:v28+s30+$0x0] =	vst.idx.msk @!p5 vm9, v60;
	s30 =	simm.s32 @!p3 $0xA00  }
0x508: {  	(xrf0) =	vadd.scan.msk.s32 @!p4 $0xffff, v22;
	[smem:$0x7BB] =	sst s0;
	[tilespmem:v27+s30+$0x0] =	vst.idx.msk @!p3 vm1, v49;
	vm1 =	vnez.u8 v62  }
0x509: {  	s30 =	sld [smem:$0x7B0]  }
0x50a: {  	s0 =	spop (v2sf);
	s31 =	sld [smem:$0x7B1]  }
0x50b: {  	p5 =	seq.s32 s0, $0x0;
	s0 =	simm.s32 @!p4 $0x0  }
0x50c: {  	v28 =	vbroadcast @!p4 v34, $0xA;
	s0 =	simm.s32 @p4 $0x1;
	v29 =	vbroadcast @!p5 v19, $0xD;
	v27, _, _ =	vpop @!p2 (xrf0);
	p3 =	seq.s32 s30, $0x1  }
0x50d: {  	[smem:$0x7BC] =	sst s0;
	v18 =	vadd.s32 @!p2 v27, v18;
	v27 =	vlaneseq.u32 @!p5;
	p2 =	seq.s32 s31, $0x1;
	s0 =	simm.s32 @!p3 $0xA00  }
0x50e: {  	vm9 =	veq.s32 @!p4 v22, $0x1;
	v22 =	vsub.s32 @!p4 v28, v22;
	v29 =	vshrl.u32 @!p5 v29, v27;
	s30 =	simm.s32 @!p2 $0xA00;
	[tilespmem:v50+s0+$0x0] =	vst.idx.msk @!p3 vm1, v16;
	v16, _, _ =	vpop @!p4 (xrf0)  }
0x50f: {  	[tilespmem:v30+s30+$0x0] =	vst.idx.msk @!p2 vm4, v15;
	v15 =	vadd.s32 @!p4 v16, v22;
	v16 =	vand.u32 @!p5 $0x1, v29;
	v29 =	vld [tilespmem:$0x1F980]  }
0x510: {  	v12 =	vmul.u32 @!p1 $0x200, v12  }
0x511: {  	s31 =	sadd.s32 @!p1 $0xFFFFFFF4, s29  }
0x512: {  	v12 =	vor.u32 @!p1 s31, v12;
	s31 =	sld [smem:$0x7B2];
	_ =	sdelay $0x2  }
0x513: {  	p1 =	seq.s32 s31, $0x1;
	s0 =	spop (v2sf)  }
0x514: {  	v20 =	vand.u32 @!p0 $0x1, v20;
	p3 =	seq.s32 s0, $0x0;
	s0 =	simm.s32 @!p1 $0xA00  }
0x515: {  	(xrf0) =	vadd.scan.msk.s32 @!p0 $0xffff, v20;
	s30 =	simm.s32 @!p0 $0x0;
	[tilespmem:v29+s0+$0x0] =	vst.idx.msk @!p1 vm13, v13;
	v29 =	vld [tilespmem:$0x1F990]  }
0x516: {  	s30 =	simm.s32 @p0 $0x1  }
0x517: {  	[smem:$0x7BE] =	sst s30  }
0x518: {  	(v2sf) =	vpush v19, $0xF;
	s30 =	sld [smem:$0x7B3]  }
0x519: {  	v28 =	vbroadcast @!p0 v34, $0xB  }
0x51a: {  	v63 =	vld [tilespmem:$0x1F9B0]  }
0x51b: {  	vm1 =	veq.s32 @!p0 v20, $0x1;
	v20 =	vsub.s32 @!p0 v28, v20;
	p2 =	por p0, p0;
	v22, _, _ =	vpop @!p0 (xrf0);
	v28 =	vbroadcast @!p3 v19, $0xE;
	p0 =	seq.s32 s30, $0x1  }
0x51c: {  	s0 =	simm.s32 @!p0 $0xA00;
	v13 =	vadd.s32 @!p2 v22, v20;
	v22 =	vlaneseq.u32 @!p3  }
0x51d: {  	[tilespmem:v29+s0+$0x0] =	vst.idx.msk @!p0 vm15, v11;
	v11 =	vshrl.u32 @!p3 v28, v22;
	v28 =	vld [tilespmem:$0x1F9A0];
	_ =	sdelay $0x1  }
0x51e: {  	vm4 =	vnez.u8 v63  }
0x51f: {  	s31 =	sld [smem:$0x7B4];
	_ =	sdelay $0x2  }
0x520: {  	p4 =	seq.s32 s31, $0x1  }
0x521: {  	s31 =	sld [smem:$0x7B5];
	s30 =	simm.s32 @!p6 $0x0;
	s0 =	simm.s32 @!p4 $0xA00  }
0x522: {  	s30 =	simm.s32 @p6 $0x1;
	[tilespmem:v28+s0+$0x0] =	vst.idx.msk @!p4 vm4, v14;
	v28 =	vld [tilespmem:$0x1F9C0]  }
0x523: {  	[smem:$0x7BF] =	sst s30  }
0x524: {  	s30 =	spop (v2sf);
	p0 =	seq.s32 s31, $0x1;
	s31 =	sld [smem:$0x7B7]  }
0x525: {  	p2 =	seq.s32 s30, $0x0;
	s30 =	sld [smem:$0x7B6];
	_ =	sdelay $0x1  }
0x526: {  	p1 =	seq.s32 s31, $0x1;
	s31 =	sld [smem:$0x7B8]  }
0x527: {  	p4 =	seq.s32 s30, $0x1  }
0x528: {  	s0 =	simm.s32 @!p4 $0xA00  }
0x529: {  	[tilespmem:v28+s0+$0x0] =	vst.idx.msk @!p4 vm10, v0;
	p4 =	seq.s32 s31, $0x1;
	s31 =	sld [smem:$0x7B9]  }
0x52a: {  	v2 =	vmul.u32 @!p0 $0x200, v2;
	s0 =	simm.s32 @!p1 $0xA00  }
0x52b: {  	s30 =	sadd.s32 @!p0 $0xFFFFFFF5, s29;
	[tilespmem:v4+s0+$0x0] =	vst.idx.msk @!p1 vm3, v12;
	s0 =	simm.s32 @!p0 $0xA00  }
0x52c: {  	v0 =	vor.u32 @!p0 s30, v2;
	p1 =	por p0, p0;
	p0 =	seq.s32 s31, $0x1;
	s31 =	sld [smem:$0x7BD]  }
0x52d: {  	v2 =	vmul.u32 @!p4 $0x200, v3  }
0x52e: {  	v26 =	vand.u32 @!p6 $0x1, v26;
	s30 =	sadd.s32 @!p4 $0xFFFFFFF6, s29;
	[tilespmem:v5+s0+$0x0] =	vst.idx.msk @!p1 vm11, v0;
	s0 =	simm.s32 @!p4 $0xA00  }
0x52f: {  	(xrf0) =	vadd.scan.msk.s32 @!p6 $0xffff, v26;
	p1 =	por p4, p4;
	v0 =	vor.u32 @!p4 s30, v2;
	v1 =	vmul.u32 @!p0 $0x200, v1;
	p4 =	seq.s32 s31, $0x1;
	s31 =	sld [smem:$0x7BA]  }
0x530: {  	s30 =	sadd.s32 @!p0 $0xFFFFFFF7, s29  }
0x531: {  	[tilespmem:v8+s0+$0x0] =	vst.idx.msk @!p1 vm7, v0;
	s0 =	simm.s32 @!p0 $0xA00;
	p1 =	por p0, p0;
	v1 =	vor.u32 @!p0 s30, v1;
	p0 =	por p4, p4  }
0x532: {  	(xrf0) =	vadd.scan.msk.s32 @!p5 $0xffff, v16;
	v2 =	vmul.u32 @!p4 $0x200, v6;
	s30 =	sadd.s32 @!p4 $0xFFFFFFF8, s29;
	p4 =	seq.s32 s31, $0x1;
	s31 =	sld [smem:$0x7BB]  }
0x533: {  	v20 =	vbroadcast @!p6 v34, $0xC  }
0x534: {  	v11 =	vand.u32 @!p3 $0x1, v11  }
0x535: {  	v20 =	vsub.s32 @!p6 v20, v26;
	(xrf0) =	vadd.scan.msk.s32 @!p3 $0xffff, v11;
	v14, _, _ =	vpop @!p6 (xrf0);
	[tilespmem:v10+s0+$0x0] =	vst.idx.msk @!p1 vm8, v1;
	s0 =	simm.s32 @!p0 $0xA00;
	v2 =	vor.u32 @!p0 s30, v2;
	p0 =	seq.s32 s31, $0x1;
	s31 =	sld [smem:$0x7BC]  }
0x536: {  	v14 =	vadd.s32 @!p6 v14, v20;
	v20 =	vbroadcast @!p5 v34, $0xD;
	_ =	sdelay $0x1  }
0x537: {  	vm2 =	veq.s32 @!p6 v26, $0x1;
	v19 =	vbroadcast @!p2 v19, $0xF;
	v4 =	vsub.s32 @!p5 v20, v16;
	v12, _, _ =	vpop @!p5 (xrf0);
	p1 =	seq.s32 s31, $0x1;
	s31 =	sld [smem:$0x7BD]  }
0x538: {  	v26 =	vlaneseq.u32 @!p2;
	v4 =	vadd.s32 @!p5 v12, v4;
	v12 =	vbroadcast @!p3 v34, $0xE  }
0x539: {  	v3 =	vshrl.u32 @!p2 v19, v26;
	v5 =	vmul.u32 @!p4 $0x200, v7;
	v7 =	vmul.u32 @!p1 $0x200, v21  }
0x53a: {  	v3 =	vand.u32 @!p2 $0x1, v3;
	v0 =	vsub.s32 @!p3 v12, v11;
	v1, _, _ =	vpop @!p3 (xrf0);
	s30 =	sadd.s32 @!p4 $0xFFFFFFF9, s29;
	p6 =	seq.s32 s31, $0x1;
	s31 =	sadd.s32 @!p1 $0xFFFFFFFB, s29  }
0x53b: {  	v0 =	vadd.s32 @!p3 v1, v0;
	v1 =	vor.u32 @!p4 s30, v5;
	v5 =	vor.u32 @!p1 s31, v7;
	s31 =	sld [smem:$0x7BE]  }
0x53c: {  	(xrf0) =	vadd.scan.msk.s32 @!p2 $0xffff, v3  }
0x53d: {  	[tilespmem:v17+s0+$0x0] =	vst.idx.msk @!p6 vm14, v2;
	s0 =	simm.s32 @!p4 $0xA00  }
0x53e: {  	v6 =	vmul.u32 @!p0 $0x200, v9;
	[tilespmem:v24+s0+$0x0] =	vst.idx.msk @!p4 vm0, v1;
	p4 =	seq.s32 s31, $0x1;
	s31 =	sld [smem:$0x7BF]  }
0x53f: {  	s30 =	sadd.s32 @!p0 $0xFFFFFFFA, s29  }
0x540: {  	v2 =	vbroadcast @!p2 v34, $0xF;
	v1 =	vor.u32 @!p0 s30, v6;
	s0 =	simm.s32 @!p0 $0xA00  }
0x541: {  	vm3 =	veq.s32 @!p5 v16, $0x1;
	[tilespmem:v18+s0+$0x0] =	vst.idx.msk @!p0 vm5, v1;
	v6 =	vmul.u32 @!p4 $0x200, v23;
	p0 =	seq.s32 s31, $0x1  }
0x542: {  	vm0 =	veq.s32 @!p2 v3, $0x1;
	s0 =	simm.s32 @!p1 $0xA00;
	v2 =	vsub.s32 @!p2 v2, v3;
	v3, _, _ =	vpop @!p2 (xrf0);
	s30 =	sadd.s32 @!p4 $0xFFFFFFFC, s29;
	v1 =	vmul.u32 @!p0 $0x200, v25  }
0x543: {  	vm4 =	veq.s32 @!p3 v11, $0x1;
	[tilespmem:v15+s0+$0x0] =	vst.idx.msk @!p1 vm9, v5;
	v2 =	vadd.s32 @!p2 v3, v2;
	s0 =	simm.s32 @!p4 $0xA00;
	v3 =	vor.u32 @!p4 s30, v6;
	s30 =	sadd.s32 @!p0 $0xFFFFFFFD, s29  }
0x544: {  	s26 =	sadd.s32 $0x4, s26;
	[tilespmem:v13+s0+$0x0] =	vst.idx.msk @!p4 vm1, v3;
	s0 =	simm.s32 @!p0 $0xA00;
	v1 =	vor.u32 @!p0 s30, v1  }
0x545: {  	v5 =	vmul.u32 @!p5 $0x200, v27;
	[tilespmem:v14+s0+$0x0] =	vst.idx.msk @!p0 vm2, v1;
	p0 =	slt.u32 s26, $0x1C  }
.Ltmp1:
0x546: {  	v3 =	vmul.u32 @!p3 $0x200, v22;
	s30 =	sadd.s32 @!p5 $0xFFFFFFFE, s29;
	(pc) =	sbr.rel @p0 .LBB2_4-.Ltmp1, $4  }
0x547: {  	v1 =	vor.u32 @!p5 s30, v5;
	s0 =	simm.s32 @!p5 $0xA00;
	s30 =	sadd.s32 @!p3 $0xFFFFFFFF, s29;
	v5 =	vmul.u32 @!p2 $0x200, v26  }
0x548: {  	[tilespmem:v4+s0+$0x0] =	vst.idx.msk @!p5 vm3, v1;
	v1 =	vor.u32 @!p3 s30, v3;
	s0 =	simm.s32 @!p3 $0xA00  }
0x549: {  	[tilespmem:v0+s0+$0x0] =	vst.idx.msk @!p3 vm4, v1;
	v0 =	vor.u32 @!p2 s29, v5;
	s0 =	simm.s32 @!p2 $0xA00  }
0x54a: {  	s28 =	sadd.s32 $0x40, s28;
	s29 =	sadd.s32 $0x40, s29;
	[tilespmem:v2+s0+$0x0] =	vst.idx.msk @!p2 vm0, v0  }
0x54b: {  	v0 =	vld [tilespmem:$0xA00]  }
0x54c: {  	v6 =	vld [tilespmem:$0x1FFF0]  }
0x54d: {  	v1 =	vld [tilespmem:$0xA10]  }
0x54e: {  	v2 =	vld [tilespmem:$0xA20]  }
0x54f: {  	v3 =	vld [tilespmem:$0xA30]  }
0x550: {  	v4 =	vld [tilespmem:$0xA40]  }
0x551: {  	v5 =	vld [tilespmem:$0xA50];
	v0 =	vadd.s32 v6, v0  }
0x552: {  	v40 =	vld [tilespmem:$0xA60];
	v39 =	vadd.s32 v6, v1;
	[tilespmem:$0xD00] =	vst v0  }
0x553: {  	v42 =	vld [tilespmem:$0xA70];
	v41 =	vadd.s32 v6, v2;
	[tilespmem:$0xD10] =	vst v39  }
0x554: {  	v44 =	vld [tilespmem:$0xA80];
	v43 =	vadd.s32 v6, v3;
	[tilespmem:$0xD20] =	vst v41  }
0x555: {  	v46 =	vld [tilespmem:$0xA90];
	v45 =	vadd.s32 v6, v4;
	[tilespmem:$0xD30] =	vst v43  }
0x556: {  	v48 =	vld [tilespmem:$0xAA0];
	v47 =	vadd.s32 v6, v5;
	[tilespmem:$0xD40] =	vst v45  }
0x557: {  	v50 =	vld [tilespmem:$0xAB0];
	v49 =	vadd.s32 v6, v40;
	[tilespmem:$0xD50] =	vst v47  }
0x558: {  	v52 =	vld [tilespmem:$0xAC0];
	v51 =	vadd.s32 v6, v42;
	[tilespmem:$0xD60] =	vst v49  }
0x559: {  	v54 =	vld [tilespmem:$0xAD0];
	v53 =	vadd.s32 v6, v44;
	[tilespmem:$0xD70] =	vst v51  }
0x55a: {  	v56 =	vld [tilespmem:$0xAE0];
	v55 =	vadd.s32 v6, v46;
	[tilespmem:$0xD80] =	vst v53  }
0x55b: {  	v58 =	vld [tilespmem:$0xAF0];
	v57 =	vadd.s32 v6, v48;
	[tilespmem:$0xD90] =	vst v55  }
0x55c: {  	v59 =	vadd.s32 v6, v50;
	[tilespmem:$0xDA0] =	vst v57  }
0x55d: {  	v60 =	vadd.s32 v6, v52;
	[tilespmem:$0xDB0] =	vst v59  }
0x55e: {  	v61 =	vadd.s32 v6, v54;
	[tilespmem:$0xDC0] =	vst v60  }
0x55f: {  	v62 =	vadd.s32 v6, v56;
	[tilespmem:$0xDD0] =	vst v61  }
0x560: {  	v63 =	vadd.s32 v6, v58;
	[tilespmem:$0xDE0] =	vst v62  }
0x561: {  	[tilespmem:$0xDF0] =	vst v63  }
0x562: {  	[tilespmem:s18], [sflag:$0x4] =	stream.indirect.gather [hbm4b:s3+s9], $0x1, s17, s9, $0xb8;
	[tilespmem:$0xE00] =	vst v63  }
0x563: {  	_ = 	snop  }
0x564: {  	[tilespmem:s20], [sflag:$0x4] =	stream.indirect.gather [hbm4b:s3+s9], $0x1, s19, s9, $0xb8;
	[tilespmem:$0xE00] =	vst v63  }
0x565: {  	_ =	swait.ge [sflag:s21], $0x80  }
0x566: {  	[sflag:s21] =	ssyncset.done $0x0  }
0x567: {  	[sflag:s21] =	ssyncadd.s32 $0xFFFFFF80  }
0x568: {  	_ =	swait.ge [sflag:s21], $0x80  }
0x569: {  	[sflag:s21] =	ssyncset.done $0x0  }
0x56a: {  	[sflag:s21] =	ssyncadd.s32 $0xFFFFFF80  }
0x56b: {  	[hbm4b:s6+s9] =	stream.strided.scatter [tilespmem:s22], [sflag:$0x1], $0x200, s10, s9, $0x38;
	[tilespmem:$0xE00] =	vst v63  }
0x56c: {  	_ =	swait.ge [sflag:s23], $0x80  }
0x56d: {  	[sflag:s23] =	ssyncset.done $0x0  }
0x56e: {  	[sflag:s23] =	ssyncadd.s32 $0xFFFFFF80  }
0x56f: {  	_ =	swait.ge [sflag:s23], $0x80  }
0x570: {  	[sflag:s23] =	ssyncset.done $0x0  }
0x571: {  	s25 =	sadd.s32 $0x1, s25;
	[sflag:s23] =	ssyncadd.s32 $0xFFFFFF80  }
0x572: {  	[hbm4b:s7+s9] =	stream.strided.scatter [tilespmem:s24], [sflag:$0x2], $0x200, s10, s9, $0x38;
	[tilespmem:$0xE00] =	vst v63  }
0x573: {  	p0 =	sne.s32 s25, s8;
	_ =	swait.ge [sflag:s11], $0x200  }
.Ltmp2:
0x574: {  	[sflag:s11] =	ssyncset.done $0x0;
	(pc) =	sbr.rel @p0 .LBB2_1-.Ltmp2, $4  }
0x575: {  	[sflag:s11] =	ssyncadd.s32 $0xFFFFFE00  }
0x576: {  	_ =	swait.ge [sflag:s16], $0x200  }
0x577: {  	[sflag:s16] =	ssyncset.done $0x0  }
0x578: {  	[sflag:s16] =	ssyncadd.s32 $0xFFFFFE00  }
0x579: {  	_ =	sfence.sel $0x180000  }
0x57a: {  	[bflag:$0x0] =	sbarrier.arrive $0xFFFF  }
0x57b: {  	_ =	strace $0x90000047  }
0x57c: {  	[bflag:$0x2] =	sbarrier.arrive $0xFFFF  }
0x57d: {  	p0 =	sne.s32 s2, $0x0;
	s0 =	rddreg [dreg:$0x1]  }
0x57e: {  	s0 =	sadd.s32 @!p0 $0x100000, s0  }
0x57f: {  	[sflag:s0] =	ssyncadd.tile.s32 @!p0 $0x1;
	_ =	shalt  }
.Lfunc_end2:
_tile_overlayer_lowered:
.L_overlay_start_2:
0x580: {  	(tag) =	ssettag $0x2  }
0x581: {  	s0 =	rddreg [dreg:$0x0];
	s2 =	stileid.u32  }
0x582: {  	s1 =	rddreg [dreg:$0x1];
	p0 =	sne.s32 s2, $0x0  }
0x583: {  	s3 =	rddreg [dreg:$0x2];
	[bflag:$0x3] =	sbarrier.arrive $0xFFFF;
	s2 =	simm.s32 @!p0 $0x1C05  }
0x584: {  	[timem:s3], [sflag:s2] =	dma.local @!p0 [hbm:s0], s1  }
0x585: {  	s0 =	simm.s32 @!p0 $0x5  }
0x586: {  	_ =	swait.ge @!p0 [sflag:s0], s1  }
0x587: {  	s1 =	ssub.s32 @!p0 $0x0, s1;
	[sflag:s0] =	ssyncset.done @!p0 $0x0  }
0x588: {  	[sflag:s0] =	ssyncadd.s32 @!p0 s1  }
0x589: {  	[bflag:$0x3] =	sbarrier.arrive $0xFFFF  }
0x58a: {  	_ =	shalt  }

</sc_bundles>
